<compile_context>
chip_gen: v7x
topology: tpu7x:2x2x1
jax: 0.10.2.dev20260603
libtpu: 0.0.44.dev20260713+nightly
codegen_flags: <defaults>
</compile_context>

<pallas_src>
import functools

import jax
import jax.numpy as jnp
from jax import lax
from jax.experimental import pallas as pl
from jax.experimental.pallas import tpu as pltpu
from jax.experimental.pallas import tpu_sc as plsc

_C = 88
_R = 4
_NS = 16

def _make_spmm_pair(nacc, chunks):
    zrows = nacc // _NS
    mesh = plsc.VectorSubcoreMesh(core_axis_name="c", subcore_axis_name="s")

    @functools.partial(
        pl.kernel,
        mesh=mesh,
        out_type=jax.ShapeDtypeStruct((2, nacc, 128), jnp.float32),
        scratch_types=[
            pltpu.VMEM((_R, _C), jnp.int32),
            pltpu.VMEM((_R, _C), jnp.int32),
            pltpu.VMEM((_R, _C, 128), jnp.float32),
            pltpu.VMEM_SHARED((nacc, 128), jnp.float32),
        ] + [pltpu.SemaphoreType.DMA] * (4 * _R),
    )
    def spmm_pair(h_hbm, src_hbm, dst_hbm, zeros_hbm, out_hbm,
                  srcv, dstv, rows, accum, *sems):
        cid = lax.axis_index("c")
        sid = lax.axis_index("s")
        semis = sems[0:_R]
        semid = sems[_R:2 * _R]
        semg = sems[2 * _R:3 * _R]
        semg2 = sems[3 * _R:4 * _R]
        pltpu.sync_copy(zeros_hbm, accum.at[pl.ds(sid * zrows, zrows)])
        plsc.subcore_barrier()

        def idx_start(i, r):
            pltpu.async_copy(src_hbm.at[cid, sid, i], srcv.at[r], semis[r])
            pltpu.async_copy(dst_hbm.at[cid, sid, i], dstv.at[r], semid[r])

        def idx_wait(r):
            pltpu.make_async_copy(
                src_hbm.at[cid, sid, 0], srcv.at[r], semis[r]).wait()

        h1c = _C - _C // 2 // 8 * 8
        h0c = _C - h1c

        def gather_start(r):
            pltpu.async_copy(h_hbm.at[srcv.at[r, pl.ds(0, h0c)]],
                             rows.at[r, pl.ds(0, h0c)], semg[r])
            pltpu.async_copy(h_hbm.at[srcv.at[r, pl.ds(h0c, h1c)]],
                             rows.at[r, pl.ds(h0c, h1c)], semg2[r])

        def gather_wait(r):
            pltpu.make_async_copy(
                h_hbm.at[srcv.at[r, pl.ds(0, h0c)]],
                rows.at[r, pl.ds(0, h0c)], semg[r]).wait()
            pltpu.make_async_copy(
                h_hbm.at[srcv.at[r, pl.ds(h0c, h1c)]],
                rows.at[r, pl.ds(h0c, h1c)], semg2[r]).wait()

        def scatter(r):
            pltpu.make_async_copy(
                src_hbm.at[cid, sid, 0], dstv.at[r], semid[r]).wait()
            pltpu.sync_copy(rows.at[r], accum.at[dstv.at[r]], add=True)

        for r0 in range(_R):
            idx_start(r0, r0)
        for r0 in range(_R - 1):
            idx_wait(r0)
            gather_start(r0)

        def step(g, carry):
            i0 = _R * g
            for r in range(_R):
                i = i0 + r
                nx = (r + _R - 1) % _R
                gather_wait(r)

                @pl.when(i + _R - 1 < chunks)
                def _(i=i, nx=nx):
                    idx_wait(nx)
                    gather_start(nx)

                scatter(r)

                @pl.when(i + _R < chunks)
                def _(i=i, r=r):
                    idx_start(i + _R, r)

            return carry

        lax.fori_loop(0, chunks // _R, step, 0)
        plsc.subcore_barrier()
        pltpu.sync_copy(accum.at[pl.ds(sid * zrows, zrows)],
                        out_hbm.at[cid, pl.ds(sid * zrows, zrows)])

    return spmm_pair


def _dot(a, b):
    return jnp.dot(a, b, preferred_element_type=jnp.float32)


def _stats_body(n, a_ref, cs_ref, csq_ref):
    for half in (0, 1):
        a = a_ref[half, :, :]
        bad = a[n:n + 1, :]
        cs = jnp.sum(a, axis=0, keepdims=True) - bad
        csq = jnp.sum(a * a, axis=0, keepdims=True) - bad * bad
        cs_ref[half, :, :] = jnp.broadcast_to(cs, (8, 128))
        csq_ref[half, :, :] = jnp.broadcast_to(csq, (8, 128))


def _pairnorm_blocks(n, a, cs, csq):
    mu = cs * (1.0 / n)
    t = csq * (1.0 / n) - mu * mu
    rn_a = jnp.sqrt(1e-6 + jnp.sum(t[:, :64]))
    rn_b = jnp.sqrt(1e-6 + jnp.sum(t[:, 64:]))
    c = a - mu
    return jnp.tanh(c[:, :64] / rn_a), jnp.tanh(c[:, 64:] / rn_b)


def _tc0_body(x_ref, w0_ref, w1_ref, out_ref):
    x = x_ref[...]
    out_ref[0, :, :] = _dot(x, w0_ref[...])
    out_ref[1, :, :] = _dot(x, w1_ref[...])


def _tc1_body(n, a_ref, cs_ref, csq_ref, x_ref,
              wx0_ref, wa0_ref, wb0_ref, wx1_ref, wa1_ref, wb1_ref,
              h_ref, b0_ref):
    x = x_ref[...]
    side = ((wx0_ref, wa0_ref, wb0_ref), (wx1_ref, wa1_ref, wb1_ref))
    for half in (0, 1):
        wx, wa, wb = side[half]
        blk_a, blk_b = _pairnorm_blocks(
            n, a_ref[half, :, :], cs_ref[half, 0:1, :], csq_ref[half, 0:1, :])
        h = _dot(x, wx[...]) + _dot(blk_a, wa[...]) + _dot(blk_b, wb[...])
        h_ref[half, :, :] = h
        b0_ref[half, :, :] = jnp.concatenate([blk_a, blk_b], axis=1)


def _tc2_body(n, a_ref, cs_ref, csq_ref, x_ref, b0_ref,
              wx0_ref, wa00_ref, wb00_ref, wa10_ref, wb10_ref,
              wx1_ref, wa01_ref, wb01_ref, wa11_ref, wb11_ref, h_ref):
    x = x_ref[...]
    side = ((wx0_ref, wa00_ref, wb00_ref, wa10_ref, wb10_ref),
            (wx1_ref, wa01_ref, wb01_ref, wa11_ref, wb11_ref))
    for half in (0, 1):
        wx, wa0, wb0, wa1, wb1 = side[half]
        blk_a, blk_b = _pairnorm_blocks(
            n, a_ref[half, :, :], cs_ref[half, 0:1, :], csq_ref[half, 0:1, :])
        b0_a = b0_ref[half, :, :64]
        b0_b = b0_ref[half, :, 64:]
        h = (_dot(x, wx[...]) + _dot(b0_a, wa0[...]) + _dot(b0_b, wb0[...])
             + _dot(blk_a, wa1[...]) + _dot(blk_b, wb1[...]))
        h_ref[half, :, :] = h


def _tc3_body(a_ref, bo1_ref, boc_ref, bo2_ref,
              aw1_ref, ab1_ref, aw2_ref, mw_ref, mb_ref,
              out_ref, beta_ref, emb1_ref, com1_ref, com2_ref, emb2_ref):
    def norm_rows(o):
        nrm = jnp.sqrt(jnp.sum(o * o, axis=1, keepdims=True))
        return o / jnp.maximum(nrm, 1e-12)

    emb1 = norm_rows(a_ref[0, :, :64] + bo1_ref[...])
    com1 = norm_rows(a_ref[0, :, 64:] + boc_ref[...])
    emb2 = norm_rows(a_ref[1, :, :64] + bo2_ref[...])
    com2 = norm_rows(a_ref[1, :, 64:] + boc_ref[...])
    xcom = (com1 + com2) * 0.5

    aw1 = aw1_ref[...]
    ab1 = ab1_ref[...]
    aw2 = aw2_ref[...]
    scores = jnp.concatenate(
        [_dot(jnp.tanh(_dot(v, aw1) + ab1), aw2) for v in (emb1, emb2, xcom)],
        axis=1)
    m = jnp.max(scores, axis=1, keepdims=True)
    ex = jnp.exp(scores - m)
    beta = ex / jnp.sum(ex, axis=1, keepdims=True)

    emb = beta[:, 0:1] * emb1 + beta[:, 1:2] * emb2 + beta[:, 2:3] * xcom
    logits = _dot(emb, mw_ref[...]) + mb_ref[...]
    lm = jnp.max(logits, axis=1, keepdims=True)
    le = jnp.exp(logits - lm)
    out_ref[...] = le / jnp.sum(le, axis=1, keepdims=True)
    beta_ref[...] = beta
    emb1_ref[...] = emb1
    com1_ref[...] = com1
    com2_ref[...] = com2
    emb2_ref[...] = emb2


def _full_spec(shape):
    nd = len(shape)
    return pl.BlockSpec(shape, lambda i, _nd=nd: (0,) * _nd)


def _rows_spec(bs, width):
    return pl.BlockSpec((bs, width), lambda i: (i, 0))


def _half_rows_spec(bs, width):
    return pl.BlockSpec((2, bs, width), lambda i: (0, i, 0))


def kernel(x, params, padj, fadj):
    n, nfeat = x.shape
    e = padj.shape[1]
    f32 = jnp.float32

    chunks = -(-e // (_NS * _C))
    chunks = _R * (-(-chunks // _R))
    t = chunks * _C
    tot = _NS * t
    nacc = _NS * 8 * (-(-(n + 1) // (_NS * 8)))
    bs = nacc // 8
    grid = (8,)

    def prep(src, dst, off):
        s = jnp.pad(src + off, (0, tot - e)).reshape(_NS, chunks, _C)
        d = jnp.pad(dst, (0, tot - e), constant_values=n).reshape(
            _NS, chunks, _C)
        return s, d

    sp, dp = prep(padj[0], padj[1], 0)
    sf, df = prep(fadj[0], fadj[1], n)
    src_all = jnp.stack([sp, sf])
    dst_all = jnp.stack([dp, df])
    zeros = jnp.zeros((nacc // _NS, 128), f32)

    spmm_pair = _make_spmm_pair(nacc, chunks)

    p1, p2, pc = params["sgcn1"], params["sgcn2"], params["cgcn"]
    nh = p1["ws"][1].shape[0] - nfeat
    z64 = jnp.zeros((nh, 64), f32)

    def comb(wa, wb):
        return jnp.concatenate([wa, wb], axis=1)

    w128 = _full_spec((nfeat, 128))
    w64 = _full_spec((nh, 128))
    stat_spec = _full_spec((2, 8, 128))
    stat_shape = jax.ShapeDtypeStruct((2, 8, 128), f32)

    def stats(a):
        return pl.pallas_call(
            functools.partial(_stats_body, n),
            out_shape=[stat_shape, stat_shape],
        )(a)

    h0 = pl.pallas_call(
        _tc0_body,
        grid=grid,
        in_specs=[_rows_spec(bs, nfeat), w128, w128],
        out_specs=_half_rows_spec(bs, 128),
        out_shape=jax.ShapeDtypeStruct((2, n, 128), f32),
    )(x, comb(p1["ws"][0], pc["ws"][0]), comb(p2["ws"][0], pc["ws"][0]))

    a0 = spmm_pair(h0.reshape(2 * n, 128), src_all, dst_all, zeros)

    cs0, csq0 = stats(a0)
    h1, b0 = pl.pallas_call(
        functools.partial(_tc1_body, n),
        grid=grid,
        in_specs=[_half_rows_spec(bs, 128), stat_spec, stat_spec,
                  _rows_spec(bs, nfeat), w128, w64, w64, w128, w64, w64],
        out_specs=[_half_rows_spec(bs, 128), _half_rows_spec(bs, 128)],
        out_shape=[jax.ShapeDtypeStruct((2, n, 128), f32),
                   jax.ShapeDtypeStruct((2, n, 128), f32)],
    )(a0, cs0, csq0, x,
      comb(p1["ws"][1][:nfeat], pc["ws"][1][:nfeat]),
      comb(p1["ws"][1][nfeat:], z64), comb(z64, pc["ws"][1][nfeat:]),
      comb(p2["ws"][1][:nfeat], pc["ws"][1][:nfeat]),
      comb(p2["ws"][1][nfeat:], z64), comb(z64, pc["ws"][1][nfeat:]))

    a1 = spmm_pair(h1.reshape(2 * n, 128), src_all, dst_all, zeros)

    cs1, csq1 = stats(a1)
    h2 = pl.pallas_call(
        functools.partial(_tc2_body, n),
        grid=grid,
        in_specs=[_half_rows_spec(bs, 128), stat_spec, stat_spec,
                  _rows_spec(bs, nfeat), _half_rows_spec(bs, 128),
                  w128, w64, w64, w64, w64, w128, w64, w64, w64, w64],
        out_specs=_half_rows_spec(bs, 128),
        out_shape=jax.ShapeDtypeStruct((2, n, 128), f32),
    )(a1, cs1, csq1, x, b0,
      comb(p1["w_out"][:nfeat], pc["w_out"][:nfeat]),
      comb(p1["w_out"][nfeat:nfeat + nh], z64),
      comb(z64, pc["w_out"][nfeat:nfeat + nh]),
      comb(p1["w_out"][nfeat + nh:], z64),
      comb(z64, pc["w_out"][nfeat + nh:]),
      comb(p2["w_out"][:nfeat], pc["w_out"][:nfeat]),
      comb(p2["w_out"][nfeat:nfeat + nh], z64),
      comb(z64, pc["w_out"][nfeat:nfeat + nh]),
      comb(p2["w_out"][nfeat + nh:], z64),
      comb(z64, pc["w_out"][nfeat + nh:]))

    a2 = spmm_pair(h2.reshape(2 * n, 128), src_all, dst_all, zeros)

    nclass = params["mlp_w"].shape[1]
    out, beta, emb1, com1, com2, emb2 = pl.pallas_call(
        _tc3_body,
        grid=grid,
        in_specs=[_half_rows_spec(bs, 128),
                  _full_spec((64,)), _full_spec((64,)), _full_spec((64,)),
                  _full_spec((64, 2)), _full_spec((2,)), _full_spec((2, 1)),
                  _full_spec((64, nclass)), _full_spec((nclass,))],
        out_specs=[_rows_spec(bs, nclass), _rows_spec(bs, 3),
                   _rows_spec(bs, 64), _rows_spec(bs, 64),
                   _rows_spec(bs, 64), _rows_spec(bs, 64)],
        out_shape=[jax.ShapeDtypeStruct((n, nclass), f32),
                   jax.ShapeDtypeStruct((n, 3), f32),
                   jax.ShapeDtypeStruct((n, 64), f32),
                   jax.ShapeDtypeStruct((n, 64), f32),
                   jax.ShapeDtypeStruct((n, 64), f32),
                   jax.ShapeDtypeStruct((n, 64), f32)],
    )(a2, p1["b_out"], pc["b_out"], p2["b_out"],
      params["att_w1"], params["att_b1"], params["att_w2"],
      params["mlp_w"], params["mlp_b"])

    shift_loss = jnp.zeros((1,), f32)
    return (out, shift_loss, beta.reshape(n, 3, 1), emb1, com1, com2, emb2)

# --- scband reference (transcript-rebuilt; emitter-appended) ---
"""Pipeline reference for scband-global-net-1202590843553 (READ-ONLY COPY).

The authoritative reference and input builder live on the scoring server;
editing this copy changes nothing except your own understanding.
"""

import jax, jax.numpy as jnp
import numpy as np

N = 10000
E = 320000
NFEAT = 128
NHID = 64
OUT = 64
NCLASS = 16
NLAYERS = 2


def _glorot(key, shape):
    limit = float(np.sqrt(6.0 / (shape[0] + shape[1])))
    return jax.random.uniform(key, shape, minval=-limit, maxval=limit, dtype=jnp.float32)


def _snowball_params(key):
    ws, bs = [], []
    for i in range(NLAYERS):
        key, k1 = jax.random.split(key)
        ws.append(_glorot(k1, (i * NHID + NFEAT, NHID)))
        bs.append(jnp.zeros((NHID,), jnp.float32))
    key, k1 = jax.random.split(key)
    return {"ws": ws, "bs": bs,
            "w_out": _glorot(k1, (NLAYERS * NHID + NFEAT, OUT)),
            "b_out": jnp.zeros((OUT,), jnp.float32)}


def setup_inputs(seed: int = 0):
    key = jax.random.key(seed)
    ks = jax.random.split(key, 10)
    x = jax.random.normal(ks[0], (N, NFEAT), dtype=jnp.float32)
    padj = jax.random.randint(ks[1], (2, E), 0, N, dtype=jnp.int32)
    fadj = jax.random.randint(ks[2], (2, E), 0, N, dtype=jnp.int32)
    params = {
        "sgcn1": _snowball_params(ks[3]),
        "sgcn2": _snowball_params(ks[4]),
        "cgcn": _snowball_params(ks[5]),
        "att_w1": _glorot(ks[6], (OUT, 2)),
        "att_b1": jnp.zeros((2,), jnp.float32),
        "att_w2": _glorot(ks[7], (2, 1)),
        "mlp_w": _glorot(ks[8], (OUT, NCLASS)),
        "mlp_b": jnp.zeros((NCLASS,), jnp.float32),
    }
    return {"x": x, "params": params, "padj": padj, "fadj": fadj}


def _spmm(edge_index, h):
    # sparse adj @ h via gather (src) + scatter-add (dst); SparseCore-friendly
    return jax.ops.segment_sum(h[edge_index[0]], edge_index[1], num_segments=N)


def _pairnorm(h, scale=1.0):
    h = h - jnp.mean(h, axis=0, keepdims=True)
    rownorm_mean = jnp.sqrt(1e-6 + jnp.mean(jnp.sum(h * h, axis=1)))
    return scale * h / rownorm_mean


def _snowball(p, x, edge_index):
    blocks = []
    for i in range(NLAYERS):
        inp = x if i == 0 else jnp.concatenate([x] + blocks, axis=1)
        h = _spmm(edge_index, inp @ p["ws"][i]) + p["bs"][i]
        blocks.append(jnp.tanh(_pairnorm(h)))
    inp = jnp.concatenate([x] + blocks, axis=1)
    o = _spmm(edge_index, inp @ p["w_out"]) + p["b_out"]
    return o / jnp.maximum(jnp.linalg.norm(o, axis=1, keepdims=True), 1e-12)


def reference(x, params, padj, fadj):
    emb1 = _snowball(params["sgcn1"], x, padj)
    emb2 = _snowball(params["sgcn2"], x, fadj)
    com1 = _snowball(params["cgcn"], x, padj)
    com2 = _snowball(params["cgcn"], x, fadj)
    xcom = (com1 + com2) / 2.0
    embs = jnp.stack([emb1, emb2, xcom], axis=1)
    w = jnp.tanh(embs @ params["att_w1"] + params["att_b1"]) @ params["att_w2"]
    beta = jax.nn.softmax(w, axis=1)
    emb = jnp.sum(beta * embs, axis=1)
    output = jax.nn.softmax(emb @ params["mlp_w"] + params["mlp_b"], axis=1)
    shift_loss = jnp.zeros((1,), jnp.float32)
    return (output, shift_loss, beta, emb1, com1, com2, emb2)

if __name__ == "__main__":
    import jax
    _d = setup_inputs()
    print(jax.jit(kernel)(*tuple(_d.values())))

</pallas_src>

<mosaic_0001>
#map = affine_map<(d0, d1) -> (0, 0)>
#map1 = affine_map<(d0, d1) -> (0, 0, 0, 0)>
#map2 = affine_map<(d0, d1) -> (0, 0, 0)>
module attributes {stable_mosaic.version = 14 : i64} {
  func.func @spmm_pair(%arg0: i32, %arg1: i32, %arg2: memref<20000x128xf32, #tpu.memory_space<hbm>>, %arg3: memref<2x16x228x88xi32, #tpu.memory_space<hbm>>, %arg4: memref<2x16x228x88xi32, #tpu.memory_space<hbm>>, %arg5: memref<632x128xf32, #tpu.memory_space<hbm>>, %arg6: memref<2x10112x128xf32, #tpu.memory_space<hbm>>, %arg7: memref<4x88xi32, #tpu.memory_space<vmem>>, %arg8: memref<4x88xi32, #tpu.memory_space<vmem>>, %arg9: memref<4x88x128xf32, #tpu.memory_space<vmem>>, %arg10: memref<10112x128xf32, #tpu.memory_space<vmem_shared>>, %arg11: memref<!tpu.dma_semaphore, #tpu.memory_space<semaphore_mem>>, %arg12: memref<!tpu.dma_semaphore, #tpu.memory_space<semaphore_mem>>, %arg13: memref<!tpu.dma_semaphore, #tpu.memory_space<semaphore_mem>>, %arg14: memref<!tpu.dma_semaphore, #tpu.memory_space<semaphore_mem>>, %arg15: memref<!tpu.dma_semaphore, #tpu.memory_space<semaphore_mem>>, %arg16: memref<!tpu.dma_semaphore, #tpu.memory_space<semaphore_mem>>, %arg17: memref<!tpu.dma_semaphore, #tpu.memory_space<semaphore_mem>>, %arg18: memref<!tpu.dma_semaphore, #tpu.memory_space<semaphore_mem>>, %arg19: memref<!tpu.dma_semaphore, #tpu.memory_space<semaphore_mem>>, %arg20: memref<!tpu.dma_semaphore, #tpu.memory_space<semaphore_mem>>, %arg21: memref<!tpu.dma_semaphore, #tpu.memory_space<semaphore_mem>>, %arg22: memref<!tpu.dma_semaphore, #tpu.memory_space<semaphore_mem>>, %arg23: memref<!tpu.dma_semaphore, #tpu.memory_space<semaphore_mem>>, %arg24: memref<!tpu.dma_semaphore, #tpu.memory_space<semaphore_mem>>, %arg25: memref<!tpu.dma_semaphore, #tpu.memory_space<semaphore_mem>>, %arg26: memref<!tpu.dma_semaphore, #tpu.memory_space<semaphore_mem>>) attributes {dimension_semantics = [#tpu.dimension_semantics<core_parallel>, #tpu.dimension_semantics<subcore_parallel>], iteration_bounds = array<i64: 2, 16>, scalar_prefetch = 0 : i64, scratch_operands = 20 : i64, tpu.core_type = #tpu.core_type<sc_vector_subcore>, window_params = [{transform_indices = #map}, {transform_indices = #map1}, {transform_indices = #map1}, {transform_indices = #map}, {transform_indices = #map2}]} {
    %mul3A = arith.constant 632 : i32
    %mul3A_0 = arith.muli %arg1, %mul3A : i32
    "tpu.region"() ({
      %run_scoped3A = tpu.sem_alloc : memref<!tpu.dma_semaphore, #tpu.memory_space<semaphore_mem>>
      %dma_start3A_235 = arith.constant 0 : i32
      %dma_start3A_236 = tpu.memref_slice %arg10[%mul3A_0, %dma_start3A_235] : memref<10112x128xf32, #tpu.memory_space<vmem_shared>> -> memref<632x128xf32, #tpu.memory_space<vmem_shared>>
      tpu.enqueue_dma source(%arg5 : memref<632x128xf32, #tpu.memory_space<hbm>>) target(%dma_start3A_236 : memref<632x128xf32, #tpu.memory_space<vmem_shared>>) target_semaphore(%run_scoped3A : memref<!tpu.dma_semaphore, #tpu.memory_space<semaphore_mem>>)
      %dma_wait3A_237 = arith.constant 0 : i32
      %dma_wait3A_238 = tpu.memref_slice %arg10[%mul3A_0, %dma_wait3A_237] : memref<10112x128xf32, #tpu.memory_space<vmem_shared>> -> memref<632x128xf32, #tpu.memory_space<vmem_shared>>
      tpu.wait_dma2 semaphore(%run_scoped3A : memref<!tpu.dma_semaphore, #tpu.memory_space<semaphore_mem>>) src(%arg5 : memref<632x128xf32, #tpu.memory_space<hbm>>) dst(%dma_wait3A_238 : memref<632x128xf32, #tpu.memory_space<vmem_shared>>)
      tpu.yield
    }) : () -> ()
    %barrier3A = arith.constant 0 : index
    tpu.barrier barrier_id(%barrier3A)
    %dma_start3A = arith.constant 0 : i32
    %dma_start3A_1 = arith.constant 0 : i32
    %dma_start3A_2 = arith.constant 0 : i32
    %dma_start3A_3 = tpu.memref_slice %arg7[%dma_start3A_1, %dma_start3A_2] : memref<4x88xi32, #tpu.memory_space<vmem>> -> memref<1x88xi32, #tpu.memory_space<vmem>>
    %dma_start3A_4 = tpu.memref_squeeze %dma_start3A_3 : memref<1x88xi32, #tpu.memory_space<vmem>> -> memref<88xi32, #tpu.memory_space<vmem>>
    %dma_start3A_5 = arith.constant 0 : i32
    %dma_start3A_6 = tpu.memref_slice %arg3[%arg0, %arg1, %dma_start3A, %dma_start3A_5] : memref<2x16x228x88xi32, #tpu.memory_space<hbm>> -> memref<1x1x1x88xi32, #tpu.memory_space<hbm>>
    %dma_start3A_7 = tpu.memref_squeeze %dma_start3A_6 : memref<1x1x1x88xi32, #tpu.memory_space<hbm>> -> memref<88xi32, #tpu.memory_space<hbm>>
    %dma_start3A_8 = arith.constant 0 : i32
    %dma_start3A_9 = tpu.memref_slice %arg7[%dma_start3A_1, %dma_start3A_8] : memref<4x88xi32, #tpu.memory_space<vmem>> -> memref<1x88xi32, #tpu.memory_space<vmem>>
    %dma_start3A_10 = tpu.memref_squeeze %dma_start3A_9 : memref<1x88xi32, #tpu.memory_space<vmem>> -> memref<88xi32, #tpu.memory_space<vmem>>
    %dma_start3A_11 = arith.constant 0 : i32
    %dma_start3A_12 = tpu.memref_slice %arg3[%arg0, %arg1, %dma_start3A, %dma_start3A_11] : memref<2x16x228x88xi32, #tpu.memory_space<hbm>> -> memref<1x1x1x88xi32, #tpu.memory_space<hbm>>
    %dma_start3A_13 = tpu.memref_squeeze %dma_start3A_12 : memref<1x1x1x88xi32, #tpu.memory_space<hbm>> -> memref<88xi32, #tpu.memory_space<hbm>>
    tpu.enqueue_dma source(%dma_start3A_13 : memref<88xi32, #tpu.memory_space<hbm>>) target(%dma_start3A_10 : memref<88xi32, #tpu.memory_space<vmem>>) target_semaphore(%arg11 : memref<!tpu.dma_semaphore, #tpu.memory_space<semaphore_mem>>)
    %dma_start3A_14 = arith.constant 0 : i32
    %dma_start3A_15 = arith.constant 0 : i32
    %dma_start3A_16 = arith.constant 0 : i32
    %dma_start3A_17 = tpu.memref_slice %arg8[%dma_start3A_15, %dma_start3A_16] : memref<4x88xi32, #tpu.memory_space<vmem>> -> memref<1x88xi32, #tpu.memory_space<vmem>>
    %dma_start3A_18 = tpu.memref_squeeze %dma_start3A_17 : memref<1x88xi32, #tpu.memory_space<vmem>> -> memref<88xi32, #tpu.memory_space<vmem>>
    %dma_start3A_19 = arith.constant 0 : i32
    %dma_start3A_20 = tpu.memref_slice %arg4[%arg0, %arg1, %dma_start3A_14, %dma_start3A_19] : memref<2x16x228x88xi32, #tpu.memory_space<hbm>> -> memref<1x1x1x88xi32, #tpu.memory_space<hbm>>
    %dma_start3A_21 = tpu.memref_squeeze %dma_start3A_20 : memref<1x1x1x88xi32, #tpu.memory_space<hbm>> -> memref<88xi32, #tpu.memory_space<hbm>>
    %dma_start3A_22 = arith.constant 0 : i32
    %dma_start3A_23 = tpu.memref_slice %arg8[%dma_start3A_15, %dma_start3A_22] : memref<4x88xi32, #tpu.memory_space<vmem>> -> memref<1x88xi32, #tpu.memory_space<vmem>>
    %dma_start3A_24 = tpu.memref_squeeze %dma_start3A_23 : memref<1x88xi32, #tpu.memory_space<vmem>> -> memref<88xi32, #tpu.memory_space<vmem>>
    %dma_start3A_25 = arith.constant 0 : i32
    %dma_start3A_26 = tpu.memref_slice %arg4[%arg0, %arg1, %dma_start3A_14, %dma_start3A_25] : memref<2x16x228x88xi32, #tpu.memory_space<hbm>> -> memref<1x1x1x88xi32, #tpu.memory_space<hbm>>
    %dma_start3A_27 = tpu.memref_squeeze %dma_start3A_26 : memref<1x1x1x88xi32, #tpu.memory_space<hbm>> -> memref<88xi32, #tpu.memory_space<hbm>>
    tpu.enqueue_dma source(%dma_start3A_27 : memref<88xi32, #tpu.memory_space<hbm>>) target(%dma_start3A_24 : memref<88xi32, #tpu.memory_space<vmem>>) target_semaphore(%arg15 : memref<!tpu.dma_semaphore, #tpu.memory_space<semaphore_mem>>)
    %dma_start3A_28 = arith.constant 1 : i32
    %dma_start3A_29 = arith.constant 1 : i32
    %dma_start3A_30 = arith.constant 0 : i32
    %dma_start3A_31 = tpu.memref_slice %arg7[%dma_start3A_29, %dma_start3A_30] : memref<4x88xi32, #tpu.memory_space<vmem>> -> memref<1x88xi32, #tpu.memory_space<vmem>>
    %dma_start3A_32 = tpu.memref_squeeze %dma_start3A_31 : memref<1x88xi32, #tpu.memory_space<vmem>> -> memref<88xi32, #tpu.memory_space<vmem>>
    %dma_start3A_33 = arith.constant 0 : i32
    %dma_start3A_34 = tpu.memref_slice %arg3[%arg0, %arg1, %dma_start3A_28, %dma_start3A_33] : memref<2x16x228x88xi32, #tpu.memory_space<hbm>> -> memref<1x1x1x88xi32, #tpu.memory_space<hbm>>
    %dma_start3A_35 = tpu.memref_squeeze %dma_start3A_34 : memref<1x1x1x88xi32, #tpu.memory_space<hbm>> -> memref<88xi32, #tpu.memory_space<hbm>>
    %dma_start3A_36 = arith.constant 0 : i32
    %dma_start3A_37 = tpu.memref_slice %arg7[%dma_start3A_29, %dma_start3A_36] : memref<4x88xi32, #tpu.memory_space<vmem>> -> memref<1x88xi32, #tpu.memory_space<vmem>>
    %dma_start3A_38 = tpu.memref_squeeze %dma_start3A_37 : memref<1x88xi32, #tpu.memory_space<vmem>> -> memref<88xi32, #tpu.memory_space<vmem>>
    %dma_start3A_39 = arith.constant 0 : i32
    %dma_start3A_40 = tpu.memref_slice %arg3[%arg0, %arg1, %dma_start3A_28, %dma_start3A_39] : memref<2x16x228x88xi32, #tpu.memory_space<hbm>> -> memref<1x1x1x88xi32, #tpu.memory_space<hbm>>
    %dma_start3A_41 = tpu.memref_squeeze %dma_start3A_40 : memref<1x1x1x88xi32, #tpu.memory_space<hbm>> -> memref<88xi32, #tpu.memory_space<hbm>>
    tpu.enqueue_dma source(%dma_start3A_41 : memref<88xi32, #tpu.memory_space<hbm>>) target(%dma_start3A_38 : memref<88xi32, #tpu.memory_space<vmem>>) target_semaphore(%arg12 : memref<!tpu.dma_semaphore, #tpu.memory_space<semaphore_mem>>)
    %dma_start3A_42 = arith.constant 1 : i32
    %dma_start3A_43 = arith.constant 1 : i32
    %dma_start3A_44 = arith.constant 0 : i32
    %dma_start3A_45 = tpu.memref_slice %arg8[%dma_start3A_43, %dma_start3A_44] : memref<4x88xi32, #tpu.memory_space<vmem>> -> memref<1x88xi32, #tpu.memory_space<vmem>>
    %dma_start3A_46 = tpu.memref_squeeze %dma_start3A_45 : memref<1x88xi32, #tpu.memory_space<vmem>> -> memref<88xi32, #tpu.memory_space<vmem>>
    %dma_start3A_47 = arith.constant 0 : i32
    %dma_start3A_48 = tpu.memref_slice %arg4[%arg0, %arg1, %dma_start3A_42, %dma_start3A_47] : memref<2x16x228x88xi32, #tpu.memory_space<hbm>> -> memref<1x1x1x88xi32, #tpu.memory_space<hbm>>
    %dma_start3A_49 = tpu.memref_squeeze %dma_start3A_48 : memref<1x1x1x88xi32, #tpu.memory_space<hbm>> -> memref<88xi32, #tpu.memory_space<hbm>>
    %dma_start3A_50 = arith.constant 0 : i32
    %dma_start3A_51 = tpu.memref_slice %arg8[%dma_start3A_43, %dma_start3A_50] : memref<4x88xi32, #tpu.memory_space<vmem>> -> memref<1x88xi32, #tpu.memory_space<vmem>>
    %dma_start3A_52 = tpu.memref_squeeze %dma_start3A_51 : memref<1x88xi32, #tpu.memory_space<vmem>> -> memref<88xi32, #tpu.memory_space<vmem>>
    %dma_start3A_53 = arith.constant 0 : i32
    %dma_start3A_54 = tpu.memref_slice %arg4[%arg0, %arg1, %dma_start3A_42, %dma_start3A_53] : memref<2x16x228x88xi32, #tpu.memory_space<hbm>> -> memref<1x1x1x88xi32, #tpu.memory_space<hbm>>
    %dma_start3A_55 = tpu.memref_squeeze %dma_start3A_54 : memref<1x1x1x88xi32, #tpu.memory_space<hbm>> -> memref<88xi32, #tpu.memory_space<hbm>>
    tpu.enqueue_dma source(%dma_start3A_55 : memref<88xi32, #tpu.memory_space<hbm>>) target(%dma_start3A_52 : memref<88xi32, #tpu.memory_space<vmem>>) target_semaphore(%arg16 : memref<!tpu.dma_semaphore, #tpu.memory_space<semaphore_mem>>)
    %dma_start3A_56 = arith.constant 2 : i32
    %dma_start3A_57 = arith.constant 2 : i32
    %dma_start3A_58 = arith.constant 0 : i32
    %dma_start3A_59 = tpu.memref_slice %arg7[%dma_start3A_57, %dma_start3A_58] : memref<4x88xi32, #tpu.memory_space<vmem>> -> memref<1x88xi32, #tpu.memory_space<vmem>>
    %dma_start3A_60 = tpu.memref_squeeze %dma_start3A_59 : memref<1x88xi32, #tpu.memory_space<vmem>> -> memref<88xi32, #tpu.memory_space<vmem>>
    %dma_start3A_61 = arith.constant 0 : i32
    %dma_start3A_62 = tpu.memref_slice %arg3[%arg0, %arg1, %dma_start3A_56, %dma_start3A_61] : memref<2x16x228x88xi32, #tpu.memory_space<hbm>> -> memref<1x1x1x88xi32, #tpu.memory_space<hbm>>
    %dma_start3A_63 = tpu.memref_squeeze %dma_start3A_62 : memref<1x1x1x88xi32, #tpu.memory_space<hbm>> -> memref<88xi32, #tpu.memory_space<hbm>>
    %dma_start3A_64 = arith.constant 0 : i32
    %dma_start3A_65 = tpu.memref_slice %arg7[%dma_start3A_57, %dma_start3A_64] : memref<4x88xi32, #tpu.memory_space<vmem>> -> memref<1x88xi32, #tpu.memory_space<vmem>>
    %dma_start3A_66 = tpu.memref_squeeze %dma_start3A_65 : memref<1x88xi32, #tpu.memory_space<vmem>> -> memref<88xi32, #tpu.memory_space<vmem>>
    %dma_start3A_67 = arith.constant 0 : i32
    %dma_start3A_68 = tpu.memref_slice %arg3[%arg0, %arg1, %dma_start3A_56, %dma_start3A_67] : memref<2x16x228x88xi32, #tpu.memory_space<hbm>> -> memref<1x1x1x88xi32, #tpu.memory_space<hbm>>
    %dma_start3A_69 = tpu.memref_squeeze %dma_start3A_68 : memref<1x1x1x88xi32, #tpu.memory_space<hbm>> -> memref<88xi32, #tpu.memory_space<hbm>>
    tpu.enqueue_dma source(%dma_start3A_69 : memref<88xi32, #tpu.memory_space<hbm>>) target(%dma_start3A_66 : memref<88xi32, #tpu.memory_space<vmem>>) target_semaphore(%arg13 : memref<!tpu.dma_semaphore, #tpu.memory_space<semaphore_mem>>)
    %dma_start3A_70 = arith.constant 2 : i32
    %dma_start3A_71 = arith.constant 2 : i32
    %dma_start3A_72 = arith.constant 0 : i32
    %dma_start3A_73 = tpu.memref_slice %arg8[%dma_start3A_71, %dma_start3A_72] : memref<4x88xi32, #tpu.memory_space<vmem>> -> memref<1x88xi32, #tpu.memory_space<vmem>>
    %dma_start3A_74 = tpu.memref_squeeze %dma_start3A_73 : memref<1x88xi32, #tpu.memory_space<vmem>> -> memref<88xi32, #tpu.memory_space<vmem>>
    %dma_start3A_75 = arith.constant 0 : i32
    %dma_start3A_76 = tpu.memref_slice %arg4[%arg0, %arg1, %dma_start3A_70, %dma_start3A_75] : memref<2x16x228x88xi32, #tpu.memory_space<hbm>> -> memref<1x1x1x88xi32, #tpu.memory_space<hbm>>
    %dma_start3A_77 = tpu.memref_squeeze %dma_start3A_76 : memref<1x1x1x88xi32, #tpu.memory_space<hbm>> -> memref<88xi32, #tpu.memory_space<hbm>>
    %dma_start3A_78 = arith.constant 0 : i32
    %dma_start3A_79 = tpu.memref_slice %arg8[%dma_start3A_71, %dma_start3A_78] : memref<4x88xi32, #tpu.memory_space<vmem>> -> memref<1x88xi32, #tpu.memory_space<vmem>>
    %dma_start3A_80 = tpu.memref_squeeze %dma_start3A_79 : memref<1x88xi32, #tpu.memory_space<vmem>> -> memref<88xi32, #tpu.memory_space<vmem>>
    %dma_start3A_81 = arith.constant 0 : i32
    %dma_start3A_82 = tpu.memref_slice %arg4[%arg0, %arg1, %dma_start3A_70, %dma_start3A_81] : memref<2x16x228x88xi32, #tpu.memory_space<hbm>> -> memref<1x1x1x88xi32, #tpu.memory_space<hbm>>
    %dma_start3A_83 = tpu.memref_squeeze %dma_start3A_82 : memref<1x1x1x88xi32, #tpu.memory_space<hbm>> -> memref<88xi32, #tpu.memory_space<hbm>>
    tpu.enqueue_dma source(%dma_start3A_83 : memref<88xi32, #tpu.memory_space<hbm>>) target(%dma_start3A_80 : memref<88xi32, #tpu.memory_space<vmem>>) target_semaphore(%arg17 : memref<!tpu.dma_semaphore, #tpu.memory_space<semaphore_mem>>)
    %dma_start3A_84 = arith.constant 3 : i32
    %dma_start3A_85 = arith.constant 3 : i32
    %dma_start3A_86 = arith.constant 0 : i32
    %dma_start3A_87 = tpu.memref_slice %arg7[%dma_start3A_85, %dma_start3A_86] : memref<4x88xi32, #tpu.memory_space<vmem>> -> memref<1x88xi32, #tpu.memory_space<vmem>>
    %dma_start3A_88 = tpu.memref_squeeze %dma_start3A_87 : memref<1x88xi32, #tpu.memory_space<vmem>> -> memref<88xi32, #tpu.memory_space<vmem>>
    %dma_start3A_89 = arith.constant 0 : i32
    %dma_start3A_90 = tpu.memref_slice %arg3[%arg0, %arg1, %dma_start3A_84, %dma_start3A_89] : memref<2x16x228x88xi32, #tpu.memory_space<hbm>> -> memref<1x1x1x88xi32, #tpu.memory_space<hbm>>
    %dma_start3A_91 = tpu.memref_squeeze %dma_start3A_90 : memref<1x1x1x88xi32, #tpu.memory_space<hbm>> -> memref<88xi32, #tpu.memory_space<hbm>>
    %dma_start3A_92 = arith.constant 0 : i32
    %dma_start3A_93 = tpu.memref_slice %arg7[%dma_start3A_85, %dma_start3A_92] : memref<4x88xi32, #tpu.memory_space<vmem>> -> memref<1x88xi32, #tpu.memory_space<vmem>>
    %dma_start3A_94 = tpu.memref_squeeze %dma_start3A_93 : memref<1x88xi32, #tpu.memory_space<vmem>> -> memref<88xi32, #tpu.memory_space<vmem>>
    %dma_start3A_95 = arith.constant 0 : i32
    %dma_start3A_96 = tpu.memref_slice %arg3[%arg0, %arg1, %dma_start3A_84, %dma_start3A_95] : memref<2x16x228x88xi32, #tpu.memory_space<hbm>> -> memref<1x1x1x88xi32, #tpu.memory_space<hbm>>
    %dma_start3A_97 = tpu.memref_squeeze %dma_start3A_96 : memref<1x1x1x88xi32, #tpu.memory_space<hbm>> -> memref<88xi32, #tpu.memory_space<hbm>>
    tpu.enqueue_dma source(%dma_start3A_97 : memref<88xi32, #tpu.memory_space<hbm>>) target(%dma_start3A_94 : memref<88xi32, #tpu.memory_space<vmem>>) target_semaphore(%arg14 : memref<!tpu.dma_semaphore, #tpu.memory_space<semaphore_mem>>)
    %dma_start3A_98 = arith.constant 3 : i32
    %dma_start3A_99 = arith.constant 3 : i32
    %dma_start3A_100 = arith.constant 0 : i32
    %dma_start3A_101 = tpu.memref_slice %arg8[%dma_start3A_99, %dma_start3A_100] : memref<4x88xi32, #tpu.memory_space<vmem>> -> memref<1x88xi32, #tpu.memory_space<vmem>>
    %dma_start3A_102 = tpu.memref_squeeze %dma_start3A_101 : memref<1x88xi32, #tpu.memory_space<vmem>> -> memref<88xi32, #tpu.memory_space<vmem>>
    %dma_start3A_103 = arith.constant 0 : i32
    %dma_start3A_104 = tpu.memref_slice %arg4[%arg0, %arg1, %dma_start3A_98, %dma_start3A_103] : memref<2x16x228x88xi32, #tpu.memory_space<hbm>> -> memref<1x1x1x88xi32, #tpu.memory_space<hbm>>
    %dma_start3A_105 = tpu.memref_squeeze %dma_start3A_104 : memref<1x1x1x88xi32, #tpu.memory_space<hbm>> -> memref<88xi32, #tpu.memory_space<hbm>>
    %dma_start3A_106 = arith.constant 0 : i32
    %dma_start3A_107 = tpu.memref_slice %arg8[%dma_start3A_99, %dma_start3A_106] : memref<4x88xi32, #tpu.memory_space<vmem>> -> memref<1x88xi32, #tpu.memory_space<vmem>>
    %dma_start3A_108 = tpu.memref_squeeze %dma_start3A_107 : memref<1x88xi32, #tpu.memory_space<vmem>> -> memref<88xi32, #tpu.memory_space<vmem>>
    %dma_start3A_109 = arith.constant 0 : i32
    %dma_start3A_110 = tpu.memref_slice %arg4[%arg0, %arg1, %dma_start3A_98, %dma_start3A_109] : memref<2x16x228x88xi32, #tpu.memory_space<hbm>> -> memref<1x1x1x88xi32, #tpu.memory_space<hbm>>
    %dma_start3A_111 = tpu.memref_squeeze %dma_start3A_110 : memref<1x1x1x88xi32, #tpu.memory_space<hbm>> -> memref<88xi32, #tpu.memory_space<hbm>>
    tpu.enqueue_dma source(%dma_start3A_111 : memref<88xi32, #tpu.memory_space<hbm>>) target(%dma_start3A_108 : memref<88xi32, #tpu.memory_space<vmem>>) target_semaphore(%arg18 : memref<!tpu.dma_semaphore, #tpu.memory_space<semaphore_mem>>)
    %dma_wait3A = arith.constant 0 : i32
    %dma_wait3A_112 = arith.constant 0 : i32
    %dma_wait3A_113 = arith.constant 0 : i32
    %dma_wait3A_114 = tpu.memref_slice %arg7[%dma_wait3A_112, %dma_wait3A_113] : memref<4x88xi32, #tpu.memory_space<vmem>> -> memref<1x88xi32, #tpu.memory_space<vmem>>
    %dma_wait3A_115 = tpu.memref_squeeze %dma_wait3A_114 : memref<1x88xi32, #tpu.memory_space<vmem>> -> memref<88xi32, #tpu.memory_space<vmem>>
    %dma_wait3A_116 = arith.constant 0 : i32
    %dma_wait3A_117 = tpu.memref_slice %arg3[%arg0, %arg1, %dma_wait3A, %dma_wait3A_116] : memref<2x16x228x88xi32, #tpu.memory_space<hbm>> -> memref<1x1x1x88xi32, #tpu.memory_space<hbm>>
    %dma_wait3A_118 = tpu.memref_squeeze %dma_wait3A_117 : memref<1x1x1x88xi32, #tpu.memory_space<hbm>> -> memref<88xi32, #tpu.memory_space<hbm>>
    %dma_wait3A_119 = arith.constant 0 : i32
    %dma_wait3A_120 = tpu.memref_slice %arg7[%dma_wait3A_112, %dma_wait3A_119] : memref<4x88xi32, #tpu.memory_space<vmem>> -> memref<1x88xi32, #tpu.memory_space<vmem>>
    %dma_wait3A_121 = tpu.memref_squeeze %dma_wait3A_120 : memref<1x88xi32, #tpu.memory_space<vmem>> -> memref<88xi32, #tpu.memory_space<vmem>>
    %dma_wait3A_122 = arith.constant 0 : i32
    %dma_wait3A_123 = tpu.memref_slice %arg3[%arg0, %arg1, %dma_wait3A, %dma_wait3A_122] : memref<2x16x228x88xi32, #tpu.memory_space<hbm>> -> memref<1x1x1x88xi32, #tpu.memory_space<hbm>>
    %dma_wait3A_124 = tpu.memref_squeeze %dma_wait3A_123 : memref<1x1x1x88xi32, #tpu.memory_space<hbm>> -> memref<88xi32, #tpu.memory_space<hbm>>
    tpu.wait_dma2 semaphore(%arg11 : memref<!tpu.dma_semaphore, #tpu.memory_space<semaphore_mem>>) src(%dma_wait3A_124 : memref<88xi32, #tpu.memory_space<hbm>>) dst(%dma_wait3A_121 : memref<88xi32, #tpu.memory_space<vmem>>)
    %dma_start3A_125 = arith.constant 0 : i32
    %dma_start3A_126 = arith.constant 0 : i32
    %dma_start3A_127 = arith.constant 0 : i32
    %dma_start3A_128 = arith.constant 0 : i32
    %dma_start3A_129 = tpu.memref_slice %arg9[%dma_start3A_126, %dma_start3A_127, %dma_start3A_128] : memref<4x88x128xf32, #tpu.memory_space<vmem>> -> memref<1x40x128xf32, #tpu.memory_space<vmem>>
    %dma_start3A_130 = tpu.memref_squeeze %dma_start3A_129 : memref<1x40x128xf32, #tpu.memory_space<vmem>> -> memref<40x128xf32, #tpu.memory_space<vmem>>
    %dma_start3A_131 = arith.constant 0 : i32
    %dma_start3A_132 = tpu.memref_slice %arg7[%dma_start3A_125, %dma_start3A_131] : memref<4x88xi32, #tpu.memory_space<vmem>> -> memref<1x40xi32, #tpu.memory_space<vmem>>
    %dma_start3A_133 = tpu.memref_squeeze %dma_start3A_132 : memref<1x40xi32, #tpu.memory_space<vmem>> -> memref<40xi32, #tpu.memory_space<vmem>>
    %dma_start3A_134 = arith.constant 0 : i32
    %dma_start3A_135 = arith.constant 0 : i32
    %dma_start3A_136 = tpu.memref_slice %arg2[%dma_start3A_134, %dma_start3A_135] : memref<20000x128xf32, #tpu.memory_space<hbm>> -> memref<20000x128xf32, #tpu.memory_space<hbm>>
    tpu.enqueue_indirect_dma source(%dma_start3A_136 : memref<20000x128xf32, #tpu.memory_space<hbm>>) target(%dma_start3A_130 : memref<40x128xf32, #tpu.memory_space<vmem>>) offsets(%dma_start3A_133 : memref<40xi32, #tpu.memory_space<vmem>>) semaphore(%arg19 : memref<!tpu.dma_semaphore, #tpu.memory_space<semaphore_mem>>)
    %dma_start3A_137 = arith.constant 0 : i32
    %dma_start3A_138 = arith.constant 0 : i32
    %dma_start3A_139 = arith.constant 40 : i32
    %dma_start3A_140 = arith.constant 0 : i32
    %dma_start3A_141 = tpu.memref_slice %arg9[%dma_start3A_138, %dma_start3A_139, %dma_start3A_140] : memref<4x88x128xf32, #tpu.memory_space<vmem>> -> memref<1x48x128xf32, #tpu.memory_space<vmem>>
    %dma_start3A_142 = tpu.memref_squeeze %dma_start3A_141 : memref<1x48x128xf32, #tpu.memory_space<vmem>> -> memref<48x128xf32, #tpu.memory_space<vmem>>
    %dma_start3A_143 = arith.constant 40 : i32
    %dma_start3A_144 = tpu.memref_slice %arg7[%dma_start3A_137, %dma_start3A_143] : memref<4x88xi32, #tpu.memory_space<vmem>> -> memref<1x48xi32, #tpu.memory_space<vmem>>
    %dma_start3A_145 = tpu.memref_squeeze %dma_start3A_144 : memref<1x48xi32, #tpu.memory_space<vmem>> -> memref<48xi32, #tpu.memory_space<vmem>>
    %dma_start3A_146 = arith.constant 0 : i32
    %dma_start3A_147 = arith.constant 0 : i32
    %dma_start3A_148 = tpu.memref_slice %arg2[%dma_start3A_146, %dma_start3A_147] : memref<20000x128xf32, #tpu.memory_space<hbm>> -> memref<20000x128xf32, #tpu.memory_space<hbm>>
    tpu.enqueue_indirect_dma source(%dma_start3A_148 : memref<20000x128xf32, #tpu.memory_space<hbm>>) target(%dma_start3A_142 : memref<48x128xf32, #tpu.memory_space<vmem>>) offsets(%dma_start3A_145 : memref<48xi32, #tpu.memory_space<vmem>>) semaphore(%arg23 : memref<!tpu.dma_semaphore, #tpu.memory_space<semaphore_mem>>)
    %dma_wait3A_149 = arith.constant 0 : i32
    %dma_wait3A_150 = arith.constant 1 : i32
    %dma_wait3A_151 = arith.constant 0 : i32
    %dma_wait3A_152 = tpu.memref_slice %arg7[%dma_wait3A_150, %dma_wait3A_151] : memref<4x88xi32, #tpu.memory_space<vmem>> -> memref<1x88xi32, #tpu.memory_space<vmem>>
    %dma_wait3A_153 = tpu.memref_squeeze %dma_wait3A_152 : memref<1x88xi32, #tpu.memory_space<vmem>> -> memref<88xi32, #tpu.memory_space<vmem>>
    %dma_wait3A_154 = arith.constant 0 : i32
    %dma_wait3A_155 = tpu.memref_slice %arg3[%arg0, %arg1, %dma_wait3A_149, %dma_wait3A_154] : memref<2x16x228x88xi32, #tpu.memory_space<hbm>> -> memref<1x1x1x88xi32, #tpu.memory_space<hbm>>
    %dma_wait3A_156 = tpu.memref_squeeze %dma_wait3A_155 : memref<1x1x1x88xi32, #tpu.memory_space<hbm>> -> memref<88xi32, #tpu.memory_space<hbm>>
    %dma_wait3A_157 = arith.constant 0 : i32
    %dma_wait3A_158 = tpu.memref_slice %arg7[%dma_wait3A_150, %dma_wait3A_157] : memref<4x88xi32, #tpu.memory_space<vmem>> -> memref<1x88xi32, #tpu.memory_space<vmem>>
    %dma_wait3A_159 = tpu.memref_squeeze %dma_wait3A_158 : memref<1x88xi32, #tpu.memory_space<vmem>> -> memref<88xi32, #tpu.memory_space<vmem>>
    %dma_wait3A_160 = arith.constant 0 : i32
    %dma_wait3A_161 = tpu.memref_slice %arg3[%arg0, %arg1, %dma_wait3A_149, %dma_wait3A_160] : memref<2x16x228x88xi32, #tpu.memory_space<hbm>> -> memref<1x1x1x88xi32, #tpu.memory_space<hbm>>
    %dma_wait3A_162 = tpu.memref_squeeze %dma_wait3A_161 : memref<1x1x1x88xi32, #tpu.memory_space<hbm>> -> memref<88xi32, #tpu.memory_space<hbm>>
    tpu.wait_dma2 semaphore(%arg12 : memref<!tpu.dma_semaphore, #tpu.memory_space<semaphore_mem>>) src(%dma_wait3A_162 : memref<88xi32, #tpu.memory_space<hbm>>) dst(%dma_wait3A_159 : memref<88xi32, #tpu.memory_space<vmem>>)
    %dma_start3A_163 = arith.constant 1 : i32
    %dma_start3A_164 = arith.constant 1 : i32
    %dma_start3A_165 = arith.constant 0 : i32
    %dma_start3A_166 = arith.constant 0 : i32
    %dma_start3A_167 = tpu.memref_slice %arg9[%dma_start3A_164, %dma_start3A_165, %dma_start3A_166] : memref<4x88x128xf32, #tpu.memory_space<vmem>> -> memref<1x40x128xf32, #tpu.memory_space<vmem>>
    %dma_start3A_168 = tpu.memref_squeeze %dma_start3A_167 : memref<1x40x128xf32, #tpu.memory_space<vmem>> -> memref<40x128xf32, #tpu.memory_space<vmem>>
    %dma_start3A_169 = arith.constant 0 : i32
    %dma_start3A_170 = tpu.memref_slice %arg7[%dma_start3A_163, %dma_start3A_169] : memref<4x88xi32, #tpu.memory_space<vmem>> -> memref<1x40xi32, #tpu.memory_space<vmem>>
    %dma_start3A_171 = tpu.memref_squeeze %dma_start3A_170 : memref<1x40xi32, #tpu.memory_space<vmem>> -> memref<40xi32, #tpu.memory_space<vmem>>
    %dma_start3A_172 = arith.constant 0 : i32
    %dma_start3A_173 = arith.constant 0 : i32
    %dma_start3A_174 = tpu.memref_slice %arg2[%dma_start3A_172, %dma_start3A_173] : memref<20000x128xf32, #tpu.memory_space<hbm>> -> memref<20000x128xf32, #tpu.memory_space<hbm>>
    tpu.enqueue_indirect_dma source(%dma_start3A_174 : memref<20000x128xf32, #tpu.memory_space<hbm>>) target(%dma_start3A_168 : memref<40x128xf32, #tpu.memory_space<vmem>>) offsets(%dma_start3A_171 : memref<40xi32, #tpu.memory_space<vmem>>) semaphore(%arg20 : memref<!tpu.dma_semaphore, #tpu.memory_space<semaphore_mem>>)
    %dma_start3A_175 = arith.constant 1 : i32
    %dma_start3A_176 = arith.constant 1 : i32
    %dma_start3A_177 = arith.constant 40 : i32
    %dma_start3A_178 = arith.constant 0 : i32
    %dma_start3A_179 = tpu.memref_slice %arg9[%dma_start3A_176, %dma_start3A_177, %dma_start3A_178] : memref<4x88x128xf32, #tpu.memory_space<vmem>> -> memref<1x48x128xf32, #tpu.memory_space<vmem>>
    %dma_start3A_180 = tpu.memref_squeeze %dma_start3A_179 : memref<1x48x128xf32, #tpu.memory_space<vmem>> -> memref<48x128xf32, #tpu.memory_space<vmem>>
    %dma_start3A_181 = arith.constant 40 : i32
    %dma_start3A_182 = tpu.memref_slice %arg7[%dma_start3A_175, %dma_start3A_181] : memref<4x88xi32, #tpu.memory_space<vmem>> -> memref<1x48xi32, #tpu.memory_space<vmem>>
    %dma_start3A_183 = tpu.memref_squeeze %dma_start3A_182 : memref<1x48xi32, #tpu.memory_space<vmem>> -> memref<48xi32, #tpu.memory_space<vmem>>
    %dma_start3A_184 = arith.constant 0 : i32
    %dma_start3A_185 = arith.constant 0 : i32
    %dma_start3A_186 = tpu.memref_slice %arg2[%dma_start3A_184, %dma_start3A_185] : memref<20000x128xf32, #tpu.memory_space<hbm>> -> memref<20000x128xf32, #tpu.memory_space<hbm>>
    tpu.enqueue_indirect_dma source(%dma_start3A_186 : memref<20000x128xf32, #tpu.memory_space<hbm>>) target(%dma_start3A_180 : memref<48x128xf32, #tpu.memory_space<vmem>>) offsets(%dma_start3A_183 : memref<48xi32, #tpu.memory_space<vmem>>) semaphore(%arg24 : memref<!tpu.dma_semaphore, #tpu.memory_space<semaphore_mem>>)
    %dma_wait3A_187 = arith.constant 0 : i32
    %dma_wait3A_188 = arith.constant 2 : i32
    %dma_wait3A_189 = arith.constant 0 : i32
    %dma_wait3A_190 = tpu.memref_slice %arg7[%dma_wait3A_188, %dma_wait3A_189] : memref<4x88xi32, #tpu.memory_space<vmem>> -> memref<1x88xi32, #tpu.memory_space<vmem>>
    %dma_wait3A_191 = tpu.memref_squeeze %dma_wait3A_190 : memref<1x88xi32, #tpu.memory_space<vmem>> -> memref<88xi32, #tpu.memory_space<vmem>>
    %dma_wait3A_192 = arith.constant 0 : i32
    %dma_wait3A_193 = tpu.memref_slice %arg3[%arg0, %arg1, %dma_wait3A_187, %dma_wait3A_192] : memref<2x16x228x88xi32, #tpu.memory_space<hbm>> -> memref<1x1x1x88xi32, #tpu.memory_space<hbm>>
    %dma_wait3A_194 = tpu.memref_squeeze %dma_wait3A_193 : memref<1x1x1x88xi32, #tpu.memory_space<hbm>> -> memref<88xi32, #tpu.memory_space<hbm>>
    %dma_wait3A_195 = arith.constant 0 : i32
    %dma_wait3A_196 = tpu.memref_slice %arg7[%dma_wait3A_188, %dma_wait3A_195] : memref<4x88xi32, #tpu.memory_space<vmem>> -> memref<1x88xi32, #tpu.memory_space<vmem>>
    %dma_wait3A_197 = tpu.memref_squeeze %dma_wait3A_196 : memref<1x88xi32, #tpu.memory_space<vmem>> -> memref<88xi32, #tpu.memory_space<vmem>>
    %dma_wait3A_198 = arith.constant 0 : i32
    %dma_wait3A_199 = tpu.memref_slice %arg3[%arg0, %arg1, %dma_wait3A_187, %dma_wait3A_198] : memref<2x16x228x88xi32, #tpu.memory_space<hbm>> -> memref<1x1x1x88xi32, #tpu.memory_space<hbm>>
    %dma_wait3A_200 = tpu.memref_squeeze %dma_wait3A_199 : memref<1x1x1x88xi32, #tpu.memory_space<hbm>> -> memref<88xi32, #tpu.memory_space<hbm>>
    tpu.wait_dma2 semaphore(%arg13 : memref<!tpu.dma_semaphore, #tpu.memory_space<semaphore_mem>>) src(%dma_wait3A_200 : memref<88xi32, #tpu.memory_space<hbm>>) dst(%dma_wait3A_197 : memref<88xi32, #tpu.memory_space<vmem>>)
    %dma_start3A_201 = arith.constant 2 : i32
    %dma_start3A_202 = arith.constant 2 : i32
    %dma_start3A_203 = arith.constant 0 : i32
    %dma_start3A_204 = arith.constant 0 : i32
    %dma_start3A_205 = tpu.memref_slice %arg9[%dma_start3A_202, %dma_start3A_203, %dma_start3A_204] : memref<4x88x128xf32, #tpu.memory_space<vmem>> -> memref<1x40x128xf32, #tpu.memory_space<vmem>>
    %dma_start3A_206 = tpu.memref_squeeze %dma_start3A_205 : memref<1x40x128xf32, #tpu.memory_space<vmem>> -> memref<40x128xf32, #tpu.memory_space<vmem>>
    %dma_start3A_207 = arith.constant 0 : i32
    %dma_start3A_208 = tpu.memref_slice %arg7[%dma_start3A_201, %dma_start3A_207] : memref<4x88xi32, #tpu.memory_space<vmem>> -> memref<1x40xi32, #tpu.memory_space<vmem>>
    %dma_start3A_209 = tpu.memref_squeeze %dma_start3A_208 : memref<1x40xi32, #tpu.memory_space<vmem>> -> memref<40xi32, #tpu.memory_space<vmem>>
    %dma_start3A_210 = arith.constant 0 : i32
    %dma_start3A_211 = arith.constant 0 : i32
    %dma_start3A_212 = tpu.memref_slice %arg2[%dma_start3A_210, %dma_start3A_211] : memref<20000x128xf32, #tpu.memory_space<hbm>> -> memref<20000x128xf32, #tpu.memory_space<hbm>>
    tpu.enqueue_indirect_dma source(%dma_start3A_212 : memref<20000x128xf32, #tpu.memory_space<hbm>>) target(%dma_start3A_206 : memref<40x128xf32, #tpu.memory_space<vmem>>) offsets(%dma_start3A_209 : memref<40xi32, #tpu.memory_space<vmem>>) semaphore(%arg21 : memref<!tpu.dma_semaphore, #tpu.memory_space<semaphore_mem>>)
    %dma_start3A_213 = arith.constant 2 : i32
    %dma_start3A_214 = arith.constant 2 : i32
    %dma_start3A_215 = arith.constant 40 : i32
    %dma_start3A_216 = arith.constant 0 : i32
    %dma_start3A_217 = tpu.memref_slice %arg9[%dma_start3A_214, %dma_start3A_215, %dma_start3A_216] : memref<4x88x128xf32, #tpu.memory_space<vmem>> -> memref<1x48x128xf32, #tpu.memory_space<vmem>>
    %dma_start3A_218 = tpu.memref_squeeze %dma_start3A_217 : memref<1x48x128xf32, #tpu.memory_space<vmem>> -> memref<48x128xf32, #tpu.memory_space<vmem>>
    %dma_start3A_219 = arith.constant 40 : i32
    %dma_start3A_220 = tpu.memref_slice %arg7[%dma_start3A_213, %dma_start3A_219] : memref<4x88xi32, #tpu.memory_space<vmem>> -> memref<1x48xi32, #tpu.memory_space<vmem>>
    %dma_start3A_221 = tpu.memref_squeeze %dma_start3A_220 : memref<1x48xi32, #tpu.memory_space<vmem>> -> memref<48xi32, #tpu.memory_space<vmem>>
    %dma_start3A_222 = arith.constant 0 : i32
    %dma_start3A_223 = arith.constant 0 : i32
    %dma_start3A_224 = tpu.memref_slice %arg2[%dma_start3A_222, %dma_start3A_223] : memref<20000x128xf32, #tpu.memory_space<hbm>> -> memref<20000x128xf32, #tpu.memory_space<hbm>>
    tpu.enqueue_indirect_dma source(%dma_start3A_224 : memref<20000x128xf32, #tpu.memory_space<hbm>>) target(%dma_start3A_218 : memref<48x128xf32, #tpu.memory_space<vmem>>) offsets(%dma_start3A_221 : memref<48xi32, #tpu.memory_space<vmem>>) semaphore(%arg25 : memref<!tpu.dma_semaphore, #tpu.memory_space<semaphore_mem>>)
    %scan3A = arith.constant 0 : i32
    %scan3A_225 = arith.constant 0 : i32
    %scan3A_226 = arith.constant 57 : i32
    %scan3A_227 = arith.addi %scan3A_225, %scan3A_226 : i32
    %scan3A_228 = arith.constant 1 : i32
    scf.for %scan3A_235 = %scan3A_225 to %scan3A_227 step %scan3A_228  : i32 {
      %mul3A_236 = arith.constant 4 : i32
      %mul3A_237 = arith.muli %mul3A_236, %scan3A_235 : i32
      %add3A = arith.constant 0 : i32
      %add3A_238 = arith.addi %mul3A_237, %add3A : i32
      %dma_wait3A_239 = arith.constant 0 : i32
      %dma_wait3A_240 = arith.constant 0 : i32
      %dma_wait3A_241 = arith.constant 0 : i32
      %dma_wait3A_242 = arith.constant 0 : i32
      %dma_wait3A_243 = tpu.memref_slice %arg9[%dma_wait3A_240, %dma_wait3A_241, %dma_wait3A_242] : memref<4x88x128xf32, #tpu.memory_space<vmem>> -> memref<1x40x128xf32, #tpu.memory_space<vmem>>
      %dma_wait3A_244 = tpu.memref_squeeze %dma_wait3A_243 : memref<1x40x128xf32, #tpu.memory_space<vmem>> -> memref<40x128xf32, #tpu.memory_space<vmem>>
      %dma_wait3A_245 = arith.constant 0 : i32
      %dma_wait3A_246 = tpu.memref_slice %arg7[%dma_wait3A_239, %dma_wait3A_245] : memref<4x88xi32, #tpu.memory_space<vmem>> -> memref<1x40xi32, #tpu.memory_space<vmem>>
      %dma_wait3A_247 = tpu.memref_squeeze %dma_wait3A_246 : memref<1x40xi32, #tpu.memory_space<vmem>> -> memref<40xi32, #tpu.memory_space<vmem>>
      %dma_wait3A_248 = arith.constant 0 : i32
      %dma_wait3A_249 = arith.constant 0 : i32
      %dma_wait3A_250 = tpu.memref_slice %arg2[%dma_wait3A_248, %dma_wait3A_249] : memref<20000x128xf32, #tpu.memory_space<hbm>> -> memref<20000x128xf32, #tpu.memory_space<hbm>>
      tpu.wait_indirect_dma semaphore(%arg19 : memref<!tpu.dma_semaphore, #tpu.memory_space<semaphore_mem>>) src(%dma_wait3A_250 : memref<20000x128xf32, #tpu.memory_space<hbm>>) dst(%dma_wait3A_244 : memref<40x128xf32, #tpu.memory_space<vmem>>)
      %dma_wait3A_251 = arith.constant 0 : i32
      %dma_wait3A_252 = arith.constant 0 : i32
      %dma_wait3A_253 = arith.constant 40 : i32
      %dma_wait3A_254 = arith.constant 0 : i32
      %dma_wait3A_255 = tpu.memref_slice %arg9[%dma_wait3A_252, %dma_wait3A_253, %dma_wait3A_254] : memref<4x88x128xf32, #tpu.memory_space<vmem>> -> memref<1x48x128xf32, #tpu.memory_space<vmem>>
      %dma_wait3A_256 = tpu.memref_squeeze %dma_wait3A_255 : memref<1x48x128xf32, #tpu.memory_space<vmem>> -> memref<48x128xf32, #tpu.memory_space<vmem>>
      %dma_wait3A_257 = arith.constant 40 : i32
      %dma_wait3A_258 = tpu.memref_slice %arg7[%dma_wait3A_251, %dma_wait3A_257] : memref<4x88xi32, #tpu.memory_space<vmem>> -> memref<1x48xi32, #tpu.memory_space<vmem>>
      %dma_wait3A_259 = tpu.memref_squeeze %dma_wait3A_258 : memref<1x48xi32, #tpu.memory_space<vmem>> -> memref<48xi32, #tpu.memory_space<vmem>>
      %dma_wait3A_260 = arith.constant 0 : i32
      %dma_wait3A_261 = arith.constant 0 : i32
      %dma_wait3A_262 = tpu.memref_slice %arg2[%dma_wait3A_260, %dma_wait3A_261] : memref<20000x128xf32, #tpu.memory_space<hbm>> -> memref<20000x128xf32, #tpu.memory_space<hbm>>
      tpu.wait_indirect_dma semaphore(%arg23 : memref<!tpu.dma_semaphore, #tpu.memory_space<semaphore_mem>>) src(%dma_wait3A_262 : memref<20000x128xf32, #tpu.memory_space<hbm>>) dst(%dma_wait3A_256 : memref<48x128xf32, #tpu.memory_space<vmem>>)
      %add3A_263 = arith.constant 4 : i32
      %add3A_264 = arith.addi %add3A_238, %add3A_263 : i32
      %sub3A = arith.constant 1 : i32
      %sub3A_265 = arith.subi %add3A_264, %sub3A : i32
      %lt3A = arith.constant 228 : i32
      %lt3A_266 = arith.cmpi slt, %sub3A_265, %lt3A : i32
      %convert_element_type3A = arith.extui %lt3A_266 : i1 to i32
      %cond3A = arith.constant 0 : i32
      %cond3A_267 = arith.cmpi ne, %convert_element_type3A, %cond3A : i32
      scf.if %cond3A_267 {
        %dma_wait3A_464 = arith.constant 0 : i32
        %dma_wait3A_465 = arith.constant 3 : i32
        %dma_wait3A_466 = arith.constant 0 : i32
        %dma_wait3A_467 = tpu.memref_slice %arg7[%dma_wait3A_465, %dma_wait3A_466] : memref<4x88xi32, #tpu.memory_space<vmem>> -> memref<1x88xi32, #tpu.memory_space<vmem>>
        %dma_wait3A_468 = tpu.memref_squeeze %dma_wait3A_467 : memref<1x88xi32, #tpu.memory_space<vmem>> -> memref<88xi32, #tpu.memory_space<vmem>>
        %dma_wait3A_469 = arith.constant 0 : i32
        %dma_wait3A_470 = tpu.memref_slice %arg3[%arg0, %arg1, %dma_wait3A_464, %dma_wait3A_469] : memref<2x16x228x88xi32, #tpu.memory_space<hbm>> -> memref<1x1x1x88xi32, #tpu.memory_space<hbm>>
        %dma_wait3A_471 = tpu.memref_squeeze %dma_wait3A_470 : memref<1x1x1x88xi32, #tpu.memory_space<hbm>> -> memref<88xi32, #tpu.memory_space<hbm>>
        %dma_wait3A_472 = arith.constant 0 : i32
        %dma_wait3A_473 = tpu.memref_slice %arg7[%dma_wait3A_465, %dma_wait3A_472] : memref<4x88xi32, #tpu.memory_space<vmem>> -> memref<1x88xi32, #tpu.memory_space<vmem>>
        %dma_wait3A_474 = tpu.memref_squeeze %dma_wait3A_473 : memref<1x88xi32, #tpu.memory_space<vmem>> -> memref<88xi32, #tpu.memory_space<vmem>>
        %dma_wait3A_475 = arith.constant 0 : i32
        %dma_wait3A_476 = tpu.memref_slice %arg3[%arg0, %arg1, %dma_wait3A_464, %dma_wait3A_475] : memref<2x16x228x88xi32, #tpu.memory_space<hbm>> -> memref<1x1x1x88xi32, #tpu.memory_space<hbm>>
        %dma_wait3A_477 = tpu.memref_squeeze %dma_wait3A_476 : memref<1x1x1x88xi32, #tpu.memory_space<hbm>> -> memref<88xi32, #tpu.memory_space<hbm>>
        tpu.wait_dma2 semaphore(%arg14 : memref<!tpu.dma_semaphore, #tpu.memory_space<semaphore_mem>>) src(%dma_wait3A_477 : memref<88xi32, #tpu.memory_space<hbm>>) dst(%dma_wait3A_474 : memref<88xi32, #tpu.memory_space<vmem>>)
        %dma_start3A_478 = arith.constant 3 : i32
        %dma_start3A_479 = arith.constant 3 : i32
        %dma_start3A_480 = arith.constant 0 : i32
        %dma_start3A_481 = arith.constant 0 : i32
        %dma_start3A_482 = tpu.memref_slice %arg9[%dma_start3A_479, %dma_start3A_480, %dma_start3A_481] : memref<4x88x128xf32, #tpu.memory_space<vmem>> -> memref<1x40x128xf32, #tpu.memory_space<vmem>>
        %dma_start3A_483 = tpu.memref_squeeze %dma_start3A_482 : memref<1x40x128xf32, #tpu.memory_space<vmem>> -> memref<40x128xf32, #tpu.memory_space<vmem>>
        %dma_start3A_484 = arith.constant 0 : i32
        %dma_start3A_485 = tpu.memref_slice %arg7[%dma_start3A_478, %dma_start3A_484] : memref<4x88xi32, #tpu.memory_space<vmem>> -> memref<1x40xi32, #tpu.memory_space<vmem>>
        %dma_start3A_486 = tpu.memref_squeeze %dma_start3A_485 : memref<1x40xi32, #tpu.memory_space<vmem>> -> memref<40xi32, #tpu.memory_space<vmem>>
        %dma_start3A_487 = arith.constant 0 : i32
        %dma_start3A_488 = arith.constant 0 : i32
        %dma_start3A_489 = tpu.memref_slice %arg2[%dma_start3A_487, %dma_start3A_488] : memref<20000x128xf32, #tpu.memory_space<hbm>> -> memref<20000x128xf32, #tpu.memory_space<hbm>>
        tpu.enqueue_indirect_dma source(%dma_start3A_489 : memref<20000x128xf32, #tpu.memory_space<hbm>>) target(%dma_start3A_483 : memref<40x128xf32, #tpu.memory_space<vmem>>) offsets(%dma_start3A_486 : memref<40xi32, #tpu.memory_space<vmem>>) semaphore(%arg22 : memref<!tpu.dma_semaphore, #tpu.memory_space<semaphore_mem>>)
        %dma_start3A_490 = arith.constant 3 : i32
        %dma_start3A_491 = arith.constant 3 : i32
        %dma_start3A_492 = arith.constant 40 : i32
        %dma_start3A_493 = arith.constant 0 : i32
        %dma_start3A_494 = tpu.memref_slice %arg9[%dma_start3A_491, %dma_start3A_492, %dma_start3A_493] : memref<4x88x128xf32, #tpu.memory_space<vmem>> -> memref<1x48x128xf32, #tpu.memory_space<vmem>>
        %dma_start3A_495 = tpu.memref_squeeze %dma_start3A_494 : memref<1x48x128xf32, #tpu.memory_space<vmem>> -> memref<48x128xf32, #tpu.memory_space<vmem>>
        %dma_start3A_496 = arith.constant 40 : i32
        %dma_start3A_497 = tpu.memref_slice %arg7[%dma_start3A_490, %dma_start3A_496] : memref<4x88xi32, #tpu.memory_space<vmem>> -> memref<1x48xi32, #tpu.memory_space<vmem>>
        %dma_start3A_498 = tpu.memref_squeeze %dma_start3A_497 : memref<1x48xi32, #tpu.memory_space<vmem>> -> memref<48xi32, #tpu.memory_space<vmem>>
        %dma_start3A_499 = arith.constant 0 : i32
        %dma_start3A_500 = arith.constant 0 : i32
        %dma_start3A_501 = tpu.memref_slice %arg2[%dma_start3A_499, %dma_start3A_500] : memref<20000x128xf32, #tpu.memory_space<hbm>> -> memref<20000x128xf32, #tpu.memory_space<hbm>>
        tpu.enqueue_indirect_dma source(%dma_start3A_501 : memref<20000x128xf32, #tpu.memory_space<hbm>>) target(%dma_start3A_495 : memref<48x128xf32, #tpu.memory_space<vmem>>) offsets(%dma_start3A_498 : memref<48xi32, #tpu.memory_space<vmem>>) semaphore(%arg26 : memref<!tpu.dma_semaphore, #tpu.memory_space<semaphore_mem>>)
      } else {
      }
      %dma_wait3A_268 = arith.constant 0 : i32
      %dma_wait3A_269 = arith.constant 0 : i32
      %dma_wait3A_270 = arith.constant 0 : i32
      %dma_wait3A_271 = tpu.memref_slice %arg8[%dma_wait3A_269, %dma_wait3A_270] : memref<4x88xi32, #tpu.memory_space<vmem>> -> memref<1x88xi32, #tpu.memory_space<vmem>>
      %dma_wait3A_272 = tpu.memref_squeeze %dma_wait3A_271 : memref<1x88xi32, #tpu.memory_space<vmem>> -> memref<88xi32, #tpu.memory_space<vmem>>
      %dma_wait3A_273 = arith.constant 0 : i32
      %dma_wait3A_274 = tpu.memref_slice %arg3[%arg0, %arg1, %dma_wait3A_268, %dma_wait3A_273] : memref<2x16x228x88xi32, #tpu.memory_space<hbm>> -> memref<1x1x1x88xi32, #tpu.memory_space<hbm>>
      %dma_wait3A_275 = tpu.memref_squeeze %dma_wait3A_274 : memref<1x1x1x88xi32, #tpu.memory_space<hbm>> -> memref<88xi32, #tpu.memory_space<hbm>>
      %dma_wait3A_276 = arith.constant 0 : i32
      %dma_wait3A_277 = tpu.memref_slice %arg8[%dma_wait3A_269, %dma_wait3A_276] : memref<4x88xi32, #tpu.memory_space<vmem>> -> memref<1x88xi32, #tpu.memory_space<vmem>>
      %dma_wait3A_278 = tpu.memref_squeeze %dma_wait3A_277 : memref<1x88xi32, #tpu.memory_space<vmem>> -> memref<88xi32, #tpu.memory_space<vmem>>
      %dma_wait3A_279 = arith.constant 0 : i32
      %dma_wait3A_280 = tpu.memref_slice %arg3[%arg0, %arg1, %dma_wait3A_268, %dma_wait3A_279] : memref<2x16x228x88xi32, #tpu.memory_space<hbm>> -> memref<1x1x1x88xi32, #tpu.memory_space<hbm>>
      %dma_wait3A_281 = tpu.memref_squeeze %dma_wait3A_280 : memref<1x1x1x88xi32, #tpu.memory_space<hbm>> -> memref<88xi32, #tpu.memory_space<hbm>>
      tpu.wait_dma2 semaphore(%arg15 : memref<!tpu.dma_semaphore, #tpu.memory_space<semaphore_mem>>) src(%dma_wait3A_281 : memref<88xi32, #tpu.memory_space<hbm>>) dst(%dma_wait3A_278 : memref<88xi32, #tpu.memory_space<vmem>>)
      %run_scoped3A = arith.constant 0 : i32
      %run_scoped3A_282 = arith.constant 0 : i32
      "tpu.region"() ({
        %run_scoped3A_464 = tpu.sem_alloc : memref<!tpu.dma_semaphore, #tpu.memory_space<semaphore_mem>>
        %dma_start3A_465 = arith.constant 0 : i32
        %dma_start3A_466 = arith.constant 0 : i32
        %dma_start3A_467 = tpu.memref_slice %arg9[%run_scoped3A, %dma_start3A_465, %dma_start3A_466] : memref<4x88x128xf32, #tpu.memory_space<vmem>> -> memref<1x88x128xf32, #tpu.memory_space<vmem>>
        %dma_start3A_468 = tpu.memref_squeeze %dma_start3A_467 : memref<1x88x128xf32, #tpu.memory_space<vmem>> -> memref<88x128xf32, #tpu.memory_space<vmem>>
        %dma_start3A_469 = arith.constant 0 : i32
        %dma_start3A_470 = tpu.memref_slice %arg8[%run_scoped3A_282, %dma_start3A_469] : memref<4x88xi32, #tpu.memory_space<vmem>> -> memref<1x88xi32, #tpu.memory_space<vmem>>
        %dma_start3A_471 = tpu.memref_squeeze %dma_start3A_470 : memref<1x88xi32, #tpu.memory_space<vmem>> -> memref<88xi32, #tpu.memory_space<vmem>>
        %dma_start3A_472 = arith.constant 0 : i32
        %dma_start3A_473 = arith.constant 0 : i32
        %dma_start3A_474 = tpu.memref_slice %arg10[%dma_start3A_472, %dma_start3A_473] : memref<10112x128xf32, #tpu.memory_space<vmem_shared>> -> memref<10112x128xf32, #tpu.memory_space<vmem_shared>>
        tpu.enqueue_indirect_dma source(%dma_start3A_468 : memref<88x128xf32, #tpu.memory_space<vmem>>) target(%dma_start3A_474 : memref<10112x128xf32, #tpu.memory_space<vmem_shared>>) offsets(%dma_start3A_471 : memref<88xi32, #tpu.memory_space<vmem>>) semaphore(%run_scoped3A_464 : memref<!tpu.dma_semaphore, #tpu.memory_space<semaphore_mem>>) {add = true}
        %dma_wait3A_475 = arith.constant 0 : i32
        %dma_wait3A_476 = arith.constant 0 : i32
        %dma_wait3A_477 = tpu.memref_slice %arg9[%run_scoped3A, %dma_wait3A_475, %dma_wait3A_476] : memref<4x88x128xf32, #tpu.memory_space<vmem>> -> memref<1x88x128xf32, #tpu.memory_space<vmem>>
        %dma_wait3A_478 = tpu.memref_squeeze %dma_wait3A_477 : memref<1x88x128xf32, #tpu.memory_space<vmem>> -> memref<88x128xf32, #tpu.memory_space<vmem>>
        %dma_wait3A_479 = arith.constant 0 : i32
        %dma_wait3A_480 = tpu.memref_slice %arg8[%run_scoped3A_282, %dma_wait3A_479] : memref<4x88xi32, #tpu.memory_space<vmem>> -> memref<1x88xi32, #tpu.memory_space<vmem>>
        %dma_wait3A_481 = tpu.memref_squeeze %dma_wait3A_480 : memref<1x88xi32, #tpu.memory_space<vmem>> -> memref<88xi32, #tpu.memory_space<vmem>>
        %dma_wait3A_482 = arith.constant 0 : i32
        %dma_wait3A_483 = arith.constant 0 : i32
        %dma_wait3A_484 = tpu.memref_slice %arg10[%dma_wait3A_482, %dma_wait3A_483] : memref<10112x128xf32, #tpu.memory_space<vmem_shared>> -> memref<10112x128xf32, #tpu.memory_space<vmem_shared>>
        tpu.wait_indirect_dma semaphore(%run_scoped3A_464 : memref<!tpu.dma_semaphore, #tpu.memory_space<semaphore_mem>>) src(%dma_wait3A_478 : memref<88x128xf32, #tpu.memory_space<vmem>>) dst(%dma_wait3A_484 : memref<10112x128xf32, #tpu.memory_space<vmem_shared>>)
        tpu.yield
      }) : () -> ()
      %add3A_283 = arith.constant 4 : i32
      %add3A_284 = arith.addi %add3A_238, %add3A_283 : i32
      %lt3A_285 = arith.constant 228 : i32
      %lt3A_286 = arith.cmpi slt, %add3A_284, %lt3A_285 : i32
      %convert_element_type3A_287 = arith.extui %lt3A_286 : i1 to i32
      %cond3A_288 = arith.constant 0 : i32
      %cond3A_289 = arith.cmpi ne, %convert_element_type3A_287, %cond3A_288 : i32
      scf.if %cond3A_289 {
        %add3A_464 = arith.constant 4 : i32
        %add3A_465 = arith.addi %add3A_238, %add3A_464 : i32
        %dma_start3A_466 = arith.constant 0 : i32
        %dma_start3A_467 = arith.constant 0 : i32
        %dma_start3A_468 = tpu.memref_slice %arg7[%dma_start3A_466, %dma_start3A_467] : memref<4x88xi32, #tpu.memory_space<vmem>> -> memref<1x88xi32, #tpu.memory_space<vmem>>
        %dma_start3A_469 = tpu.memref_squeeze %dma_start3A_468 : memref<1x88xi32, #tpu.memory_space<vmem>> -> memref<88xi32, #tpu.memory_space<vmem>>
        %dma_start3A_470 = arith.constant 0 : i32
        %dma_start3A_471 = tpu.memref_slice %arg3[%arg0, %arg1, %add3A_465, %dma_start3A_470] : memref<2x16x228x88xi32, #tpu.memory_space<hbm>> -> memref<1x1x1x88xi32, #tpu.memory_space<hbm>>
        %dma_start3A_472 = tpu.memref_squeeze %dma_start3A_471 : memref<1x1x1x88xi32, #tpu.memory_space<hbm>> -> memref<88xi32, #tpu.memory_space<hbm>>
        %dma_start3A_473 = arith.constant 0 : i32
        %dma_start3A_474 = tpu.memref_slice %arg7[%dma_start3A_466, %dma_start3A_473] : memref<4x88xi32, #tpu.memory_space<vmem>> -> memref<1x88xi32, #tpu.memory_space<vmem>>
        %dma_start3A_475 = tpu.memref_squeeze %dma_start3A_474 : memref<1x88xi32, #tpu.memory_space<vmem>> -> memref<88xi32, #tpu.memory_space<vmem>>
        %dma_start3A_476 = arith.constant 0 : i32
        %dma_start3A_477 = tpu.memref_slice %arg3[%arg0, %arg1, %add3A_465, %dma_start3A_476] : memref<2x16x228x88xi32, #tpu.memory_space<hbm>> -> memref<1x1x1x88xi32, #tpu.memory_space<hbm>>
        %dma_start3A_478 = tpu.memref_squeeze %dma_start3A_477 : memref<1x1x1x88xi32, #tpu.memory_space<hbm>> -> memref<88xi32, #tpu.memory_space<hbm>>
        tpu.enqueue_dma source(%dma_start3A_478 : memref<88xi32, #tpu.memory_space<hbm>>) target(%dma_start3A_475 : memref<88xi32, #tpu.memory_space<vmem>>) target_semaphore(%arg11 : memref<!tpu.dma_semaphore, #tpu.memory_space<semaphore_mem>>)
        %dma_start3A_479 = arith.constant 0 : i32
        %dma_start3A_480 = arith.constant 0 : i32
        %dma_start3A_481 = tpu.memref_slice %arg8[%dma_start3A_479, %dma_start3A_480] : memref<4x88xi32, #tpu.memory_space<vmem>> -> memref<1x88xi32, #tpu.memory_space<vmem>>
        %dma_start3A_482 = tpu.memref_squeeze %dma_start3A_481 : memref<1x88xi32, #tpu.memory_space<vmem>> -> memref<88xi32, #tpu.memory_space<vmem>>
        %dma_start3A_483 = arith.constant 0 : i32
        %dma_start3A_484 = tpu.memref_slice %arg4[%arg0, %arg1, %add3A_465, %dma_start3A_483] : memref<2x16x228x88xi32, #tpu.memory_space<hbm>> -> memref<1x1x1x88xi32, #tpu.memory_space<hbm>>
        %dma_start3A_485 = tpu.memref_squeeze %dma_start3A_484 : memref<1x1x1x88xi32, #tpu.memory_space<hbm>> -> memref<88xi32, #tpu.memory_space<hbm>>
        %dma_start3A_486 = arith.constant 0 : i32
        %dma_start3A_487 = tpu.memref_slice %arg8[%dma_start3A_479, %dma_start3A_486] : memref<4x88xi32, #tpu.memory_space<vmem>> -> memref<1x88xi32, #tpu.memory_space<vmem>>
        %dma_start3A_488 = tpu.memref_squeeze %dma_start3A_487 : memref<1x88xi32, #tpu.memory_space<vmem>> -> memref<88xi32, #tpu.memory_space<vmem>>
        %dma_start3A_489 = arith.constant 0 : i32
        %dma_start3A_490 = tpu.memref_slice %arg4[%arg0, %arg1, %add3A_465, %dma_start3A_489] : memref<2x16x228x88xi32, #tpu.memory_space<hbm>> -> memref<1x1x1x88xi32, #tpu.memory_space<hbm>>
        %dma_start3A_491 = tpu.memref_squeeze %dma_start3A_490 : memref<1x1x1x88xi32, #tpu.memory_space<hbm>> -> memref<88xi32, #tpu.memory_space<hbm>>
        tpu.enqueue_dma source(%dma_start3A_491 : memref<88xi32, #tpu.memory_space<hbm>>) target(%dma_start3A_488 : memref<88xi32, #tpu.memory_space<vmem>>) target_semaphore(%arg15 : memref<!tpu.dma_semaphore, #tpu.memory_space<semaphore_mem>>)
      } else {
      }
      %add3A_290 = arith.constant 1 : i32
      %add3A_291 = arith.addi %mul3A_237, %add3A_290 : i32
      %dma_wait3A_292 = arith.constant 1 : i32
      %dma_wait3A_293 = arith.constant 1 : i32
      %dma_wait3A_294 = arith.constant 0 : i32
      %dma_wait3A_295 = arith.constant 0 : i32
      %dma_wait3A_296 = tpu.memref_slice %arg9[%dma_wait3A_293, %dma_wait3A_294, %dma_wait3A_295] : memref<4x88x128xf32, #tpu.memory_space<vmem>> -> memref<1x40x128xf32, #tpu.memory_space<vmem>>
      %dma_wait3A_297 = tpu.memref_squeeze %dma_wait3A_296 : memref<1x40x128xf32, #tpu.memory_space<vmem>> -> memref<40x128xf32, #tpu.memory_space<vmem>>
      %dma_wait3A_298 = arith.constant 0 : i32
      %dma_wait3A_299 = tpu.memref_slice %arg7[%dma_wait3A_292, %dma_wait3A_298] : memref<4x88xi32, #tpu.memory_space<vmem>> -> memref<1x40xi32, #tpu.memory_space<vmem>>
      %dma_wait3A_300 = tpu.memref_squeeze %dma_wait3A_299 : memref<1x40xi32, #tpu.memory_space<vmem>> -> memref<40xi32, #tpu.memory_space<vmem>>
      %dma_wait3A_301 = arith.constant 0 : i32
      %dma_wait3A_302 = arith.constant 0 : i32
      %dma_wait3A_303 = tpu.memref_slice %arg2[%dma_wait3A_301, %dma_wait3A_302] : memref<20000x128xf32, #tpu.memory_space<hbm>> -> memref<20000x128xf32, #tpu.memory_space<hbm>>
      tpu.wait_indirect_dma semaphore(%arg20 : memref<!tpu.dma_semaphore, #tpu.memory_space<semaphore_mem>>) src(%dma_wait3A_303 : memref<20000x128xf32, #tpu.memory_space<hbm>>) dst(%dma_wait3A_297 : memref<40x128xf32, #tpu.memory_space<vmem>>)
      %dma_wait3A_304 = arith.constant 1 : i32
      %dma_wait3A_305 = arith.constant 1 : i32
      %dma_wait3A_306 = arith.constant 40 : i32
      %dma_wait3A_307 = arith.constant 0 : i32
      %dma_wait3A_308 = tpu.memref_slice %arg9[%dma_wait3A_305, %dma_wait3A_306, %dma_wait3A_307] : memref<4x88x128xf32, #tpu.memory_space<vmem>> -> memref<1x48x128xf32, #tpu.memory_space<vmem>>
      %dma_wait3A_309 = tpu.memref_squeeze %dma_wait3A_308 : memref<1x48x128xf32, #tpu.memory_space<vmem>> -> memref<48x128xf32, #tpu.memory_space<vmem>>
      %dma_wait3A_310 = arith.constant 40 : i32
      %dma_wait3A_311 = tpu.memref_slice %arg7[%dma_wait3A_304, %dma_wait3A_310] : memref<4x88xi32, #tpu.memory_space<vmem>> -> memref<1x48xi32, #tpu.memory_space<vmem>>
      %dma_wait3A_312 = tpu.memref_squeeze %dma_wait3A_311 : memref<1x48xi32, #tpu.memory_space<vmem>> -> memref<48xi32, #tpu.memory_space<vmem>>
      %dma_wait3A_313 = arith.constant 0 : i32
      %dma_wait3A_314 = arith.constant 0 : i32
      %dma_wait3A_315 = tpu.memref_slice %arg2[%dma_wait3A_313, %dma_wait3A_314] : memref<20000x128xf32, #tpu.memory_space<hbm>> -> memref<20000x128xf32, #tpu.memory_space<hbm>>
      tpu.wait_indirect_dma semaphore(%arg24 : memref<!tpu.dma_semaphore, #tpu.memory_space<semaphore_mem>>) src(%dma_wait3A_315 : memref<20000x128xf32, #tpu.memory_space<hbm>>) dst(%dma_wait3A_309 : memref<48x128xf32, #tpu.memory_space<vmem>>)
      %add3A_316 = arith.constant 4 : i32
      %add3A_317 = arith.addi %add3A_291, %add3A_316 : i32
      %sub3A_318 = arith.constant 1 : i32
      %sub3A_319 = arith.subi %add3A_317, %sub3A_318 : i32
      %lt3A_320 = arith.constant 228 : i32
      %lt3A_321 = arith.cmpi slt, %sub3A_319, %lt3A_320 : i32
      %convert_element_type3A_322 = arith.extui %lt3A_321 : i1 to i32
      %cond3A_323 = arith.constant 0 : i32
      %cond3A_324 = arith.cmpi ne, %convert_element_type3A_322, %cond3A_323 : i32
      scf.if %cond3A_324 {
        %dma_wait3A_464 = arith.constant 0 : i32
        %dma_wait3A_465 = arith.constant 0 : i32
        %dma_wait3A_466 = arith.constant 0 : i32
        %dma_wait3A_467 = tpu.memref_slice %arg7[%dma_wait3A_465, %dma_wait3A_466] : memref<4x88xi32, #tpu.memory_space<vmem>> -> memref<1x88xi32, #tpu.memory_space<vmem>>
        %dma_wait3A_468 = tpu.memref_squeeze %dma_wait3A_467 : memref<1x88xi32, #tpu.memory_space<vmem>> -> memref<88xi32, #tpu.memory_space<vmem>>
        %dma_wait3A_469 = arith.constant 0 : i32
        %dma_wait3A_470 = tpu.memref_slice %arg3[%arg0, %arg1, %dma_wait3A_464, %dma_wait3A_469] : memref<2x16x228x88xi32, #tpu.memory_space<hbm>> -> memref<1x1x1x88xi32, #tpu.memory_space<hbm>>
        %dma_wait3A_471 = tpu.memref_squeeze %dma_wait3A_470 : memref<1x1x1x88xi32, #tpu.memory_space<hbm>> -> memref<88xi32, #tpu.memory_space<hbm>>
        %dma_wait3A_472 = arith.constant 0 : i32
        %dma_wait3A_473 = tpu.memref_slice %arg7[%dma_wait3A_465, %dma_wait3A_472] : memref<4x88xi32, #tpu.memory_space<vmem>> -> memref<1x88xi32, #tpu.memory_space<vmem>>
        %dma_wait3A_474 = tpu.memref_squeeze %dma_wait3A_473 : memref<1x88xi32, #tpu.memory_space<vmem>> -> memref<88xi32, #tpu.memory_space<vmem>>
        %dma_wait3A_475 = arith.constant 0 : i32
        %dma_wait3A_476 = tpu.memref_slice %arg3[%arg0, %arg1, %dma_wait3A_464, %dma_wait3A_475] : memref<2x16x228x88xi32, #tpu.memory_space<hbm>> -> memref<1x1x1x88xi32, #tpu.memory_space<hbm>>
        %dma_wait3A_477 = tpu.memref_squeeze %dma_wait3A_476 : memref<1x1x1x88xi32, #tpu.memory_space<hbm>> -> memref<88xi32, #tpu.memory_space<hbm>>
        tpu.wait_dma2 semaphore(%arg11 : memref<!tpu.dma_semaphore, #tpu.memory_space<semaphore_mem>>) src(%dma_wait3A_477 : memref<88xi32, #tpu.memory_space<hbm>>) dst(%dma_wait3A_474 : memref<88xi32, #tpu.memory_space<vmem>>)
        %dma_start3A_478 = arith.constant 0 : i32
        %dma_start3A_479 = arith.constant 0 : i32
        %dma_start3A_480 = arith.constant 0 : i32
        %dma_start3A_481 = arith.constant 0 : i32
        %dma_start3A_482 = tpu.memref_slice %arg9[%dma_start3A_479, %dma_start3A_480, %dma_start3A_481] : memref<4x88x128xf32, #tpu.memory_space<vmem>> -> memref<1x40x128xf32, #tpu.memory_space<vmem>>
        %dma_start3A_483 = tpu.memref_squeeze %dma_start3A_482 : memref<1x40x128xf32, #tpu.memory_space<vmem>> -> memref<40x128xf32, #tpu.memory_space<vmem>>
        %dma_start3A_484 = arith.constant 0 : i32
        %dma_start3A_485 = tpu.memref_slice %arg7[%dma_start3A_478, %dma_start3A_484] : memref<4x88xi32, #tpu.memory_space<vmem>> -> memref<1x40xi32, #tpu.memory_space<vmem>>
        %dma_start3A_486 = tpu.memref_squeeze %dma_start3A_485 : memref<1x40xi32, #tpu.memory_space<vmem>> -> memref<40xi32, #tpu.memory_space<vmem>>
        %dma_start3A_487 = arith.constant 0 : i32
        %dma_start3A_488 = arith.constant 0 : i32
        %dma_start3A_489 = tpu.memref_slice %arg2[%dma_start3A_487, %dma_start3A_488] : memref<20000x128xf32, #tpu.memory_space<hbm>> -> memref<20000x128xf32, #tpu.memory_space<hbm>>
        tpu.enqueue_indirect_dma source(%dma_start3A_489 : memref<20000x128xf32, #tpu.memory_space<hbm>>) target(%dma_start3A_483 : memref<40x128xf32, #tpu.memory_space<vmem>>) offsets(%dma_start3A_486 : memref<40xi32, #tpu.memory_space<vmem>>) semaphore(%arg19 : memref<!tpu.dma_semaphore, #tpu.memory_space<semaphore_mem>>)
        %dma_start3A_490 = arith.constant 0 : i32
        %dma_start3A_491 = arith.constant 0 : i32
        %dma_start3A_492 = arith.constant 40 : i32
        %dma_start3A_493 = arith.constant 0 : i32
        %dma_start3A_494 = tpu.memref_slice %arg9[%dma_start3A_491, %dma_start3A_492, %dma_start3A_493] : memref<4x88x128xf32, #tpu.memory_space<vmem>> -> memref<1x48x128xf32, #tpu.memory_space<vmem>>
        %dma_start3A_495 = tpu.memref_squeeze %dma_start3A_494 : memref<1x48x128xf32, #tpu.memory_space<vmem>> -> memref<48x128xf32, #tpu.memory_space<vmem>>
        %dma_start3A_496 = arith.constant 40 : i32
        %dma_start3A_497 = tpu.memref_slice %arg7[%dma_start3A_490, %dma_start3A_496] : memref<4x88xi32, #tpu.memory_space<vmem>> -> memref<1x48xi32, #tpu.memory_space<vmem>>
        %dma_start3A_498 = tpu.memref_squeeze %dma_start3A_497 : memref<1x48xi32, #tpu.memory_space<vmem>> -> memref<48xi32, #tpu.memory_space<vmem>>
        %dma_start3A_499 = arith.constant 0 : i32
        %dma_start3A_500 = arith.constant 0 : i32
        %dma_start3A_501 = tpu.memref_slice %arg2[%dma_start3A_499, %dma_start3A_500] : memref<20000x128xf32, #tpu.memory_space<hbm>> -> memref<20000x128xf32, #tpu.memory_space<hbm>>
        tpu.enqueue_indirect_dma source(%dma_start3A_501 : memref<20000x128xf32, #tpu.memory_space<hbm>>) target(%dma_start3A_495 : memref<48x128xf32, #tpu.memory_space<vmem>>) offsets(%dma_start3A_498 : memref<48xi32, #tpu.memory_space<vmem>>) semaphore(%arg23 : memref<!tpu.dma_semaphore, #tpu.memory_space<semaphore_mem>>)
      } else {
      }
      %dma_wait3A_325 = arith.constant 0 : i32
      %dma_wait3A_326 = arith.constant 1 : i32
      %dma_wait3A_327 = arith.constant 0 : i32
      %dma_wait3A_328 = tpu.memref_slice %arg8[%dma_wait3A_326, %dma_wait3A_327] : memref<4x88xi32, #tpu.memory_space<vmem>> -> memref<1x88xi32, #tpu.memory_space<vmem>>
      %dma_wait3A_329 = tpu.memref_squeeze %dma_wait3A_328 : memref<1x88xi32, #tpu.memory_space<vmem>> -> memref<88xi32, #tpu.memory_space<vmem>>
      %dma_wait3A_330 = arith.constant 0 : i32
      %dma_wait3A_331 = tpu.memref_slice %arg3[%arg0, %arg1, %dma_wait3A_325, %dma_wait3A_330] : memref<2x16x228x88xi32, #tpu.memory_space<hbm>> -> memref<1x1x1x88xi32, #tpu.memory_space<hbm>>
      %dma_wait3A_332 = tpu.memref_squeeze %dma_wait3A_331 : memref<1x1x1x88xi32, #tpu.memory_space<hbm>> -> memref<88xi32, #tpu.memory_space<hbm>>
      %dma_wait3A_333 = arith.constant 0 : i32
      %dma_wait3A_334 = tpu.memref_slice %arg8[%dma_wait3A_326, %dma_wait3A_333] : memref<4x88xi32, #tpu.memory_space<vmem>> -> memref<1x88xi32, #tpu.memory_space<vmem>>
      %dma_wait3A_335 = tpu.memref_squeeze %dma_wait3A_334 : memref<1x88xi32, #tpu.memory_space<vmem>> -> memref<88xi32, #tpu.memory_space<vmem>>
      %dma_wait3A_336 = arith.constant 0 : i32
      %dma_wait3A_337 = tpu.memref_slice %arg3[%arg0, %arg1, %dma_wait3A_325, %dma_wait3A_336] : memref<2x16x228x88xi32, #tpu.memory_space<hbm>> -> memref<1x1x1x88xi32, #tpu.memory_space<hbm>>
      %dma_wait3A_338 = tpu.memref_squeeze %dma_wait3A_337 : memref<1x1x1x88xi32, #tpu.memory_space<hbm>> -> memref<88xi32, #tpu.memory_space<hbm>>
      tpu.wait_dma2 semaphore(%arg16 : memref<!tpu.dma_semaphore, #tpu.memory_space<semaphore_mem>>) src(%dma_wait3A_338 : memref<88xi32, #tpu.memory_space<hbm>>) dst(%dma_wait3A_335 : memref<88xi32, #tpu.memory_space<vmem>>)
      %run_scoped3A_339 = arith.constant 1 : i32
      %run_scoped3A_340 = arith.constant 1 : i32
      "tpu.region"() ({
        %run_scoped3A_464 = tpu.sem_alloc : memref<!tpu.dma_semaphore, #tpu.memory_space<semaphore_mem>>
        %dma_start3A_465 = arith.constant 0 : i32
        %dma_start3A_466 = arith.constant 0 : i32
        %dma_start3A_467 = tpu.memref_slice %arg9[%run_scoped3A_339, %dma_start3A_465, %dma_start3A_466] : memref<4x88x128xf32, #tpu.memory_space<vmem>> -> memref<1x88x128xf32, #tpu.memory_space<vmem>>
        %dma_start3A_468 = tpu.memref_squeeze %dma_start3A_467 : memref<1x88x128xf32, #tpu.memory_space<vmem>> -> memref<88x128xf32, #tpu.memory_space<vmem>>
        %dma_start3A_469 = arith.constant 0 : i32
        %dma_start3A_470 = tpu.memref_slice %arg8[%run_scoped3A_340, %dma_start3A_469] : memref<4x88xi32, #tpu.memory_space<vmem>> -> memref<1x88xi32, #tpu.memory_space<vmem>>
        %dma_start3A_471 = tpu.memref_squeeze %dma_start3A_470 : memref<1x88xi32, #tpu.memory_space<vmem>> -> memref<88xi32, #tpu.memory_space<vmem>>
        %dma_start3A_472 = arith.constant 0 : i32
        %dma_start3A_473 = arith.constant 0 : i32
        %dma_start3A_474 = tpu.memref_slice %arg10[%dma_start3A_472, %dma_start3A_473] : memref<10112x128xf32, #tpu.memory_space<vmem_shared>> -> memref<10112x128xf32, #tpu.memory_space<vmem_shared>>
        tpu.enqueue_indirect_dma source(%dma_start3A_468 : memref<88x128xf32, #tpu.memory_space<vmem>>) target(%dma_start3A_474 : memref<10112x128xf32, #tpu.memory_space<vmem_shared>>) offsets(%dma_start3A_471 : memref<88xi32, #tpu.memory_space<vmem>>) semaphore(%run_scoped3A_464 : memref<!tpu.dma_semaphore, #tpu.memory_space<semaphore_mem>>) {add = true}
        %dma_wait3A_475 = arith.constant 0 : i32
        %dma_wait3A_476 = arith.constant 0 : i32
        %dma_wait3A_477 = tpu.memref_slice %arg9[%run_scoped3A_339, %dma_wait3A_475, %dma_wait3A_476] : memref<4x88x128xf32, #tpu.memory_space<vmem>> -> memref<1x88x128xf32, #tpu.memory_space<vmem>>
        %dma_wait3A_478 = tpu.memref_squeeze %dma_wait3A_477 : memref<1x88x128xf32, #tpu.memory_space<vmem>> -> memref<88x128xf32, #tpu.memory_space<vmem>>
        %dma_wait3A_479 = arith.constant 0 : i32
        %dma_wait3A_480 = tpu.memref_slice %arg8[%run_scoped3A_340, %dma_wait3A_479] : memref<4x88xi32, #tpu.memory_space<vmem>> -> memref<1x88xi32, #tpu.memory_space<vmem>>
        %dma_wait3A_481 = tpu.memref_squeeze %dma_wait3A_480 : memref<1x88xi32, #tpu.memory_space<vmem>> -> memref<88xi32, #tpu.memory_space<vmem>>
        %dma_wait3A_482 = arith.constant 0 : i32
        %dma_wait3A_483 = arith.constant 0 : i32
        %dma_wait3A_484 = tpu.memref_slice %arg10[%dma_wait3A_482, %dma_wait3A_483] : memref<10112x128xf32, #tpu.memory_space<vmem_shared>> -> memref<10112x128xf32, #tpu.memory_space<vmem_shared>>
        tpu.wait_indirect_dma semaphore(%run_scoped3A_464 : memref<!tpu.dma_semaphore, #tpu.memory_space<semaphore_mem>>) src(%dma_wait3A_478 : memref<88x128xf32, #tpu.memory_space<vmem>>) dst(%dma_wait3A_484 : memref<10112x128xf32, #tpu.memory_space<vmem_shared>>)
        tpu.yield
      }) : () -> ()
      %add3A_341 = arith.constant 4 : i32
      %add3A_342 = arith.addi %add3A_291, %add3A_341 : i32
      %lt3A_343 = arith.constant 228 : i32
      %lt3A_344 = arith.cmpi slt, %add3A_342, %lt3A_343 : i32
      %convert_element_type3A_345 = arith.extui %lt3A_344 : i1 to i32
      %cond3A_346 = arith.constant 0 : i32
      %cond3A_347 = arith.cmpi ne, %convert_element_type3A_345, %cond3A_346 : i32
      scf.if %cond3A_347 {
        %add3A_464 = arith.constant 4 : i32
        %add3A_465 = arith.addi %add3A_291, %add3A_464 : i32
        %dma_start3A_466 = arith.constant 1 : i32
        %dma_start3A_467 = arith.constant 0 : i32
        %dma_start3A_468 = tpu.memref_slice %arg7[%dma_start3A_466, %dma_start3A_467] : memref<4x88xi32, #tpu.memory_space<vmem>> -> memref<1x88xi32, #tpu.memory_space<vmem>>
        %dma_start3A_469 = tpu.memref_squeeze %dma_start3A_468 : memref<1x88xi32, #tpu.memory_space<vmem>> -> memref<88xi32, #tpu.memory_space<vmem>>
        %dma_start3A_470 = arith.constant 0 : i32
        %dma_start3A_471 = tpu.memref_slice %arg3[%arg0, %arg1, %add3A_465, %dma_start3A_470] : memref<2x16x228x88xi32, #tpu.memory_space<hbm>> -> memref<1x1x1x88xi32, #tpu.memory_space<hbm>>
        %dma_start3A_472 = tpu.memref_squeeze %dma_start3A_471 : memref<1x1x1x88xi32, #tpu.memory_space<hbm>> -> memref<88xi32, #tpu.memory_space<hbm>>
        %dma_start3A_473 = arith.constant 0 : i32
        %dma_start3A_474 = tpu.memref_slice %arg7[%dma_start3A_466, %dma_start3A_473] : memref<4x88xi32, #tpu.memory_space<vmem>> -> memref<1x88xi32, #tpu.memory_space<vmem>>
        %dma_start3A_475 = tpu.memref_squeeze %dma_start3A_474 : memref<1x88xi32, #tpu.memory_space<vmem>> -> memref<88xi32, #tpu.memory_space<vmem>>
        %dma_start3A_476 = arith.constant 0 : i32
        %dma_start3A_477 = tpu.memref_slice %arg3[%arg0, %arg1, %add3A_465, %dma_start3A_476] : memref<2x16x228x88xi32, #tpu.memory_space<hbm>> -> memref<1x1x1x88xi32, #tpu.memory_space<hbm>>
        %dma_start3A_478 = tpu.memref_squeeze %dma_start3A_477 : memref<1x1x1x88xi32, #tpu.memory_space<hbm>> -> memref<88xi32, #tpu.memory_space<hbm>>
        tpu.enqueue_dma source(%dma_start3A_478 : memref<88xi32, #tpu.memory_space<hbm>>) target(%dma_start3A_475 : memref<88xi32, #tpu.memory_space<vmem>>) target_semaphore(%arg12 : memref<!tpu.dma_semaphore, #tpu.memory_space<semaphore_mem>>)
        %dma_start3A_479 = arith.constant 1 : i32
        %dma_start3A_480 = arith.constant 0 : i32
        %dma_start3A_481 = tpu.memref_slice %arg8[%dma_start3A_479, %dma_start3A_480] : memref<4x88xi32, #tpu.memory_space<vmem>> -> memref<1x88xi32, #tpu.memory_space<vmem>>
        %dma_start3A_482 = tpu.memref_squeeze %dma_start3A_481 : memref<1x88xi32, #tpu.memory_space<vmem>> -> memref<88xi32, #tpu.memory_space<vmem>>
        %dma_start3A_483 = arith.constant 0 : i32
        %dma_start3A_484 = tpu.memref_slice %arg4[%arg0, %arg1, %add3A_465, %dma_start3A_483] : memref<2x16x228x88xi32, #tpu.memory_space<hbm>> -> memref<1x1x1x88xi32, #tpu.memory_space<hbm>>
        %dma_start3A_485 = tpu.memref_squeeze %dma_start3A_484 : memref<1x1x1x88xi32, #tpu.memory_space<hbm>> -> memref<88xi32, #tpu.memory_space<hbm>>
        %dma_start3A_486 = arith.constant 0 : i32
        %dma_start3A_487 = tpu.memref_slice %arg8[%dma_start3A_479, %dma_start3A_486] : memref<4x88xi32, #tpu.memory_space<vmem>> -> memref<1x88xi32, #tpu.memory_space<vmem>>
        %dma_start3A_488 = tpu.memref_squeeze %dma_start3A_487 : memref<1x88xi32, #tpu.memory_space<vmem>> -> memref<88xi32, #tpu.memory_space<vmem>>
        %dma_start3A_489 = arith.constant 0 : i32
        %dma_start3A_490 = tpu.memref_slice %arg4[%arg0, %arg1, %add3A_465, %dma_start3A_489] : memref<2x16x228x88xi32, #tpu.memory_space<hbm>> -> memref<1x1x1x88xi32, #tpu.memory_space<hbm>>
        %dma_start3A_491 = tpu.memref_squeeze %dma_start3A_490 : memref<1x1x1x88xi32, #tpu.memory_space<hbm>> -> memref<88xi32, #tpu.memory_space<hbm>>
        tpu.enqueue_dma source(%dma_start3A_491 : memref<88xi32, #tpu.memory_space<hbm>>) target(%dma_start3A_488 : memref<88xi32, #tpu.memory_space<vmem>>) target_semaphore(%arg16 : memref<!tpu.dma_semaphore, #tpu.memory_space<semaphore_mem>>)
      } else {
      }
      %add3A_348 = arith.constant 2 : i32
      %add3A_349 = arith.addi %mul3A_237, %add3A_348 : i32
      %dma_wait3A_350 = arith.constant 2 : i32
      %dma_wait3A_351 = arith.constant 2 : i32
      %dma_wait3A_352 = arith.constant 0 : i32
      %dma_wait3A_353 = arith.constant 0 : i32
      %dma_wait3A_354 = tpu.memref_slice %arg9[%dma_wait3A_351, %dma_wait3A_352, %dma_wait3A_353] : memref<4x88x128xf32, #tpu.memory_space<vmem>> -> memref<1x40x128xf32, #tpu.memory_space<vmem>>
      %dma_wait3A_355 = tpu.memref_squeeze %dma_wait3A_354 : memref<1x40x128xf32, #tpu.memory_space<vmem>> -> memref<40x128xf32, #tpu.memory_space<vmem>>
      %dma_wait3A_356 = arith.constant 0 : i32
      %dma_wait3A_357 = tpu.memref_slice %arg7[%dma_wait3A_350, %dma_wait3A_356] : memref<4x88xi32, #tpu.memory_space<vmem>> -> memref<1x40xi32, #tpu.memory_space<vmem>>
      %dma_wait3A_358 = tpu.memref_squeeze %dma_wait3A_357 : memref<1x40xi32, #tpu.memory_space<vmem>> -> memref<40xi32, #tpu.memory_space<vmem>>
      %dma_wait3A_359 = arith.constant 0 : i32
      %dma_wait3A_360 = arith.constant 0 : i32
      %dma_wait3A_361 = tpu.memref_slice %arg2[%dma_wait3A_359, %dma_wait3A_360] : memref<20000x128xf32, #tpu.memory_space<hbm>> -> memref<20000x128xf32, #tpu.memory_space<hbm>>
      tpu.wait_indirect_dma semaphore(%arg21 : memref<!tpu.dma_semaphore, #tpu.memory_space<semaphore_mem>>) src(%dma_wait3A_361 : memref<20000x128xf32, #tpu.memory_space<hbm>>) dst(%dma_wait3A_355 : memref<40x128xf32, #tpu.memory_space<vmem>>)
      %dma_wait3A_362 = arith.constant 2 : i32
      %dma_wait3A_363 = arith.constant 2 : i32
      %dma_wait3A_364 = arith.constant 40 : i32
      %dma_wait3A_365 = arith.constant 0 : i32
      %dma_wait3A_366 = tpu.memref_slice %arg9[%dma_wait3A_363, %dma_wait3A_364, %dma_wait3A_365] : memref<4x88x128xf32, #tpu.memory_space<vmem>> -> memref<1x48x128xf32, #tpu.memory_space<vmem>>
      %dma_wait3A_367 = tpu.memref_squeeze %dma_wait3A_366 : memref<1x48x128xf32, #tpu.memory_space<vmem>> -> memref<48x128xf32, #tpu.memory_space<vmem>>
      %dma_wait3A_368 = arith.constant 40 : i32
      %dma_wait3A_369 = tpu.memref_slice %arg7[%dma_wait3A_362, %dma_wait3A_368] : memref<4x88xi32, #tpu.memory_space<vmem>> -> memref<1x48xi32, #tpu.memory_space<vmem>>
      %dma_wait3A_370 = tpu.memref_squeeze %dma_wait3A_369 : memref<1x48xi32, #tpu.memory_space<vmem>> -> memref<48xi32, #tpu.memory_space<vmem>>
      %dma_wait3A_371 = arith.constant 0 : i32
      %dma_wait3A_372 = arith.constant 0 : i32
      %dma_wait3A_373 = tpu.memref_slice %arg2[%dma_wait3A_371, %dma_wait3A_372] : memref<20000x128xf32, #tpu.memory_space<hbm>> -> memref<20000x128xf32, #tpu.memory_space<hbm>>
      tpu.wait_indirect_dma semaphore(%arg25 : memref<!tpu.dma_semaphore, #tpu.memory_space<semaphore_mem>>) src(%dma_wait3A_373 : memref<20000x128xf32, #tpu.memory_space<hbm>>) dst(%dma_wait3A_367 : memref<48x128xf32, #tpu.memory_space<vmem>>)
      %add3A_374 = arith.constant 4 : i32
      %add3A_375 = arith.addi %add3A_349, %add3A_374 : i32
      %sub3A_376 = arith.constant 1 : i32
      %sub3A_377 = arith.subi %add3A_375, %sub3A_376 : i32
      %lt3A_378 = arith.constant 228 : i32
      %lt3A_379 = arith.cmpi slt, %sub3A_377, %lt3A_378 : i32
      %convert_element_type3A_380 = arith.extui %lt3A_379 : i1 to i32
      %cond3A_381 = arith.constant 0 : i32
      %cond3A_382 = arith.cmpi ne, %convert_element_type3A_380, %cond3A_381 : i32
      scf.if %cond3A_382 {
        %dma_wait3A_464 = arith.constant 0 : i32
        %dma_wait3A_465 = arith.constant 1 : i32
        %dma_wait3A_466 = arith.constant 0 : i32
        %dma_wait3A_467 = tpu.memref_slice %arg7[%dma_wait3A_465, %dma_wait3A_466] : memref<4x88xi32, #tpu.memory_space<vmem>> -> memref<1x88xi32, #tpu.memory_space<vmem>>
        %dma_wait3A_468 = tpu.memref_squeeze %dma_wait3A_467 : memref<1x88xi32, #tpu.memory_space<vmem>> -> memref<88xi32, #tpu.memory_space<vmem>>
        %dma_wait3A_469 = arith.constant 0 : i32
        %dma_wait3A_470 = tpu.memref_slice %arg3[%arg0, %arg1, %dma_wait3A_464, %dma_wait3A_469] : memref<2x16x228x88xi32, #tpu.memory_space<hbm>> -> memref<1x1x1x88xi32, #tpu.memory_space<hbm>>
        %dma_wait3A_471 = tpu.memref_squeeze %dma_wait3A_470 : memref<1x1x1x88xi32, #tpu.memory_space<hbm>> -> memref<88xi32, #tpu.memory_space<hbm>>
        %dma_wait3A_472 = arith.constant 0 : i32
        %dma_wait3A_473 = tpu.memref_slice %arg7[%dma_wait3A_465, %dma_wait3A_472] : memref<4x88xi32, #tpu.memory_space<vmem>> -> memref<1x88xi32, #tpu.memory_space<vmem>>
        %dma_wait3A_474 = tpu.memref_squeeze %dma_wait3A_473 : memref<1x88xi32, #tpu.memory_space<vmem>> -> memref<88xi32, #tpu.memory_space<vmem>>
        %dma_wait3A_475 = arith.constant 0 : i32
        %dma_wait3A_476 = tpu.memref_slice %arg3[%arg0, %arg1, %dma_wait3A_464, %dma_wait3A_475] : memref<2x16x228x88xi32, #tpu.memory_space<hbm>> -> memref<1x1x1x88xi32, #tpu.memory_space<hbm>>
        %dma_wait3A_477 = tpu.memref_squeeze %dma_wait3A_476 : memref<1x1x1x88xi32, #tpu.memory_space<hbm>> -> memref<88xi32, #tpu.memory_space<hbm>>
        tpu.wait_dma2 semaphore(%arg12 : memref<!tpu.dma_semaphore, #tpu.memory_space<semaphore_mem>>) src(%dma_wait3A_477 : memref<88xi32, #tpu.memory_space<hbm>>) dst(%dma_wait3A_474 : memref<88xi32, #tpu.memory_space<vmem>>)
        %dma_start3A_478 = arith.constant 1 : i32
        %dma_start3A_479 = arith.constant 1 : i32
        %dma_start3A_480 = arith.constant 0 : i32
        %dma_start3A_481 = arith.constant 0 : i32
        %dma_start3A_482 = tpu.memref_slice %arg9[%dma_start3A_479, %dma_start3A_480, %dma_start3A_481] : memref<4x88x128xf32, #tpu.memory_space<vmem>> -> memref<1x40x128xf32, #tpu.memory_space<vmem>>
        %dma_start3A_483 = tpu.memref_squeeze %dma_start3A_482 : memref<1x40x128xf32, #tpu.memory_space<vmem>> -> memref<40x128xf32, #tpu.memory_space<vmem>>
        %dma_start3A_484 = arith.constant 0 : i32
        %dma_start3A_485 = tpu.memref_slice %arg7[%dma_start3A_478, %dma_start3A_484] : memref<4x88xi32, #tpu.memory_space<vmem>> -> memref<1x40xi32, #tpu.memory_space<vmem>>
        %dma_start3A_486 = tpu.memref_squeeze %dma_start3A_485 : memref<1x40xi32, #tpu.memory_space<vmem>> -> memref<40xi32, #tpu.memory_space<vmem>>
        %dma_start3A_487 = arith.constant 0 : i32
        %dma_start3A_488 = arith.constant 0 : i32
        %dma_start3A_489 = tpu.memref_slice %arg2[%dma_start3A_487, %dma_start3A_488] : memref<20000x128xf32, #tpu.memory_space<hbm>> -> memref<20000x128xf32, #tpu.memory_space<hbm>>
        tpu.enqueue_indirect_dma source(%dma_start3A_489 : memref<20000x128xf32, #tpu.memory_space<hbm>>) target(%dma_start3A_483 : memref<40x128xf32, #tpu.memory_space<vmem>>) offsets(%dma_start3A_486 : memref<40xi32, #tpu.memory_space<vmem>>) semaphore(%arg20 : memref<!tpu.dma_semaphore, #tpu.memory_space<semaphore_mem>>)
        %dma_start3A_490 = arith.constant 1 : i32
        %dma_start3A_491 = arith.constant 1 : i32
        %dma_start3A_492 = arith.constant 40 : i32
        %dma_start3A_493 = arith.constant 0 : i32
        %dma_start3A_494 = tpu.memref_slice %arg9[%dma_start3A_491, %dma_start3A_492, %dma_start3A_493] : memref<4x88x128xf32, #tpu.memory_space<vmem>> -> memref<1x48x128xf32, #tpu.memory_space<vmem>>
        %dma_start3A_495 = tpu.memref_squeeze %dma_start3A_494 : memref<1x48x128xf32, #tpu.memory_space<vmem>> -> memref<48x128xf32, #tpu.memory_space<vmem>>
        %dma_start3A_496 = arith.constant 40 : i32
        %dma_start3A_497 = tpu.memref_slice %arg7[%dma_start3A_490, %dma_start3A_496] : memref<4x88xi32, #tpu.memory_space<vmem>> -> memref<1x48xi32, #tpu.memory_space<vmem>>
        %dma_start3A_498 = tpu.memref_squeeze %dma_start3A_497 : memref<1x48xi32, #tpu.memory_space<vmem>> -> memref<48xi32, #tpu.memory_space<vmem>>
        %dma_start3A_499 = arith.constant 0 : i32
        %dma_start3A_500 = arith.constant 0 : i32
        %dma_start3A_501 = tpu.memref_slice %arg2[%dma_start3A_499, %dma_start3A_500] : memref<20000x128xf32, #tpu.memory_space<hbm>> -> memref<20000x128xf32, #tpu.memory_space<hbm>>
        tpu.enqueue_indirect_dma source(%dma_start3A_501 : memref<20000x128xf32, #tpu.memory_space<hbm>>) target(%dma_start3A_495 : memref<48x128xf32, #tpu.memory_space<vmem>>) offsets(%dma_start3A_498 : memref<48xi32, #tpu.memory_space<vmem>>) semaphore(%arg24 : memref<!tpu.dma_semaphore, #tpu.memory_space<semaphore_mem>>)
      } else {
      }
      %dma_wait3A_383 = arith.constant 0 : i32
      %dma_wait3A_384 = arith.constant 2 : i32
      %dma_wait3A_385 = arith.constant 0 : i32
      %dma_wait3A_386 = tpu.memref_slice %arg8[%dma_wait3A_384, %dma_wait3A_385] : memref<4x88xi32, #tpu.memory_space<vmem>> -> memref<1x88xi32, #tpu.memory_space<vmem>>
      %dma_wait3A_387 = tpu.memref_squeeze %dma_wait3A_386 : memref<1x88xi32, #tpu.memory_space<vmem>> -> memref<88xi32, #tpu.memory_space<vmem>>
      %dma_wait3A_388 = arith.constant 0 : i32
      %dma_wait3A_389 = tpu.memref_slice %arg3[%arg0, %arg1, %dma_wait3A_383, %dma_wait3A_388] : memref<2x16x228x88xi32, #tpu.memory_space<hbm>> -> memref<1x1x1x88xi32, #tpu.memory_space<hbm>>
      %dma_wait3A_390 = tpu.memref_squeeze %dma_wait3A_389 : memref<1x1x1x88xi32, #tpu.memory_space<hbm>> -> memref<88xi32, #tpu.memory_space<hbm>>
      %dma_wait3A_391 = arith.constant 0 : i32
      %dma_wait3A_392 = tpu.memref_slice %arg8[%dma_wait3A_384, %dma_wait3A_391] : memref<4x88xi32, #tpu.memory_space<vmem>> -> memref<1x88xi32, #tpu.memory_space<vmem>>
      %dma_wait3A_393 = tpu.memref_squeeze %dma_wait3A_392 : memref<1x88xi32, #tpu.memory_space<vmem>> -> memref<88xi32, #tpu.memory_space<vmem>>
      %dma_wait3A_394 = arith.constant 0 : i32
      %dma_wait3A_395 = tpu.memref_slice %arg3[%arg0, %arg1, %dma_wait3A_383, %dma_wait3A_394] : memref<2x16x228x88xi32, #tpu.memory_space<hbm>> -> memref<1x1x1x88xi32, #tpu.memory_space<hbm>>
      %dma_wait3A_396 = tpu.memref_squeeze %dma_wait3A_395 : memref<1x1x1x88xi32, #tpu.memory_space<hbm>> -> memref<88xi32, #tpu.memory_space<hbm>>
      tpu.wait_dma2 semaphore(%arg17 : memref<!tpu.dma_semaphore, #tpu.memory_space<semaphore_mem>>) src(%dma_wait3A_396 : memref<88xi32, #tpu.memory_space<hbm>>) dst(%dma_wait3A_393 : memref<88xi32, #tpu.memory_space<vmem>>)
      %run_scoped3A_397 = arith.constant 2 : i32
      %run_scoped3A_398 = arith.constant 2 : i32
      "tpu.region"() ({
        %run_scoped3A_464 = tpu.sem_alloc : memref<!tpu.dma_semaphore, #tpu.memory_space<semaphore_mem>>
        %dma_start3A_465 = arith.constant 0 : i32
        %dma_start3A_466 = arith.constant 0 : i32
        %dma_start3A_467 = tpu.memref_slice %arg9[%run_scoped3A_397, %dma_start3A_465, %dma_start3A_466] : memref<4x88x128xf32, #tpu.memory_space<vmem>> -> memref<1x88x128xf32, #tpu.memory_space<vmem>>
        %dma_start3A_468 = tpu.memref_squeeze %dma_start3A_467 : memref<1x88x128xf32, #tpu.memory_space<vmem>> -> memref<88x128xf32, #tpu.memory_space<vmem>>
        %dma_start3A_469 = arith.constant 0 : i32
        %dma_start3A_470 = tpu.memref_slice %arg8[%run_scoped3A_398, %dma_start3A_469] : memref<4x88xi32, #tpu.memory_space<vmem>> -> memref<1x88xi32, #tpu.memory_space<vmem>>
        %dma_start3A_471 = tpu.memref_squeeze %dma_start3A_470 : memref<1x88xi32, #tpu.memory_space<vmem>> -> memref<88xi32, #tpu.memory_space<vmem>>
        %dma_start3A_472 = arith.constant 0 : i32
        %dma_start3A_473 = arith.constant 0 : i32
        %dma_start3A_474 = tpu.memref_slice %arg10[%dma_start3A_472, %dma_start3A_473] : memref<10112x128xf32, #tpu.memory_space<vmem_shared>> -> memref<10112x128xf32, #tpu.memory_space<vmem_shared>>
        tpu.enqueue_indirect_dma source(%dma_start3A_468 : memref<88x128xf32, #tpu.memory_space<vmem>>) target(%dma_start3A_474 : memref<10112x128xf32, #tpu.memory_space<vmem_shared>>) offsets(%dma_start3A_471 : memref<88xi32, #tpu.memory_space<vmem>>) semaphore(%run_scoped3A_464 : memref<!tpu.dma_semaphore, #tpu.memory_space<semaphore_mem>>) {add = true}
        %dma_wait3A_475 = arith.constant 0 : i32
        %dma_wait3A_476 = arith.constant 0 : i32
        %dma_wait3A_477 = tpu.memref_slice %arg9[%run_scoped3A_397, %dma_wait3A_475, %dma_wait3A_476] : memref<4x88x128xf32, #tpu.memory_space<vmem>> -> memref<1x88x128xf32, #tpu.memory_space<vmem>>
        %dma_wait3A_478 = tpu.memref_squeeze %dma_wait3A_477 : memref<1x88x128xf32, #tpu.memory_space<vmem>> -> memref<88x128xf32, #tpu.memory_space<vmem>>
        %dma_wait3A_479 = arith.constant 0 : i32
        %dma_wait3A_480 = tpu.memref_slice %arg8[%run_scoped3A_398, %dma_wait3A_479] : memref<4x88xi32, #tpu.memory_space<vmem>> -> memref<1x88xi32, #tpu.memory_space<vmem>>
        %dma_wait3A_481 = tpu.memref_squeeze %dma_wait3A_480 : memref<1x88xi32, #tpu.memory_space<vmem>> -> memref<88xi32, #tpu.memory_space<vmem>>
        %dma_wait3A_482 = arith.constant 0 : i32
        %dma_wait3A_483 = arith.constant 0 : i32
        %dma_wait3A_484 = tpu.memref_slice %arg10[%dma_wait3A_482, %dma_wait3A_483] : memref<10112x128xf32, #tpu.memory_space<vmem_shared>> -> memref<10112x128xf32, #tpu.memory_space<vmem_shared>>
        tpu.wait_indirect_dma semaphore(%run_scoped3A_464 : memref<!tpu.dma_semaphore, #tpu.memory_space<semaphore_mem>>) src(%dma_wait3A_478 : memref<88x128xf32, #tpu.memory_space<vmem>>) dst(%dma_wait3A_484 : memref<10112x128xf32, #tpu.memory_space<vmem_shared>>)
        tpu.yield
      }) : () -> ()
      %add3A_399 = arith.constant 4 : i32
      %add3A_400 = arith.addi %add3A_349, %add3A_399 : i32
      %lt3A_401 = arith.constant 228 : i32
      %lt3A_402 = arith.cmpi slt, %add3A_400, %lt3A_401 : i32
      %convert_element_type3A_403 = arith.extui %lt3A_402 : i1 to i32
      %cond3A_404 = arith.constant 0 : i32
      %cond3A_405 = arith.cmpi ne, %convert_element_type3A_403, %cond3A_404 : i32
      scf.if %cond3A_405 {
        %add3A_464 = arith.constant 4 : i32
        %add3A_465 = arith.addi %add3A_349, %add3A_464 : i32
        %dma_start3A_466 = arith.constant 2 : i32
        %dma_start3A_467 = arith.constant 0 : i32
        %dma_start3A_468 = tpu.memref_slice %arg7[%dma_start3A_466, %dma_start3A_467] : memref<4x88xi32, #tpu.memory_space<vmem>> -> memref<1x88xi32, #tpu.memory_space<vmem>>
        %dma_start3A_469 = tpu.memref_squeeze %dma_start3A_468 : memref<1x88xi32, #tpu.memory_space<vmem>> -> memref<88xi32, #tpu.memory_space<vmem>>
        %dma_start3A_470 = arith.constant 0 : i32
        %dma_start3A_471 = tpu.memref_slice %arg3[%arg0, %arg1, %add3A_465, %dma_start3A_470] : memref<2x16x228x88xi32, #tpu.memory_space<hbm>> -> memref<1x1x1x88xi32, #tpu.memory_space<hbm>>
        %dma_start3A_472 = tpu.memref_squeeze %dma_start3A_471 : memref<1x1x1x88xi32, #tpu.memory_space<hbm>> -> memref<88xi32, #tpu.memory_space<hbm>>
        %dma_start3A_473 = arith.constant 0 : i32
        %dma_start3A_474 = tpu.memref_slice %arg7[%dma_start3A_466, %dma_start3A_473] : memref<4x88xi32, #tpu.memory_space<vmem>> -> memref<1x88xi32, #tpu.memory_space<vmem>>
        %dma_start3A_475 = tpu.memref_squeeze %dma_start3A_474 : memref<1x88xi32, #tpu.memory_space<vmem>> -> memref<88xi32, #tpu.memory_space<vmem>>
        %dma_start3A_476 = arith.constant 0 : i32
        %dma_start3A_477 = tpu.memref_slice %arg3[%arg0, %arg1, %add3A_465, %dma_start3A_476] : memref<2x16x228x88xi32, #tpu.memory_space<hbm>> -> memref<1x1x1x88xi32, #tpu.memory_space<hbm>>
        %dma_start3A_478 = tpu.memref_squeeze %dma_start3A_477 : memref<1x1x1x88xi32, #tpu.memory_space<hbm>> -> memref<88xi32, #tpu.memory_space<hbm>>
        tpu.enqueue_dma source(%dma_start3A_478 : memref<88xi32, #tpu.memory_space<hbm>>) target(%dma_start3A_475 : memref<88xi32, #tpu.memory_space<vmem>>) target_semaphore(%arg13 : memref<!tpu.dma_semaphore, #tpu.memory_space<semaphore_mem>>)
        %dma_start3A_479 = arith.constant 2 : i32
        %dma_start3A_480 = arith.constant 0 : i32
        %dma_start3A_481 = tpu.memref_slice %arg8[%dma_start3A_479, %dma_start3A_480] : memref<4x88xi32, #tpu.memory_space<vmem>> -> memref<1x88xi32, #tpu.memory_space<vmem>>
        %dma_start3A_482 = tpu.memref_squeeze %dma_start3A_481 : memref<1x88xi32, #tpu.memory_space<vmem>> -> memref<88xi32, #tpu.memory_space<vmem>>
        %dma_start3A_483 = arith.constant 0 : i32
        %dma_start3A_484 = tpu.memref_slice %arg4[%arg0, %arg1, %add3A_465, %dma_start3A_483] : memref<2x16x228x88xi32, #tpu.memory_space<hbm>> -> memref<1x1x1x88xi32, #tpu.memory_space<hbm>>
        %dma_start3A_485 = tpu.memref_squeeze %dma_start3A_484 : memref<1x1x1x88xi32, #tpu.memory_space<hbm>> -> memref<88xi32, #tpu.memory_space<hbm>>
        %dma_start3A_486 = arith.constant 0 : i32
        %dma_start3A_487 = tpu.memref_slice %arg8[%dma_start3A_479, %dma_start3A_486] : memref<4x88xi32, #tpu.memory_space<vmem>> -> memref<1x88xi32, #tpu.memory_space<vmem>>
        %dma_start3A_488 = tpu.memref_squeeze %dma_start3A_487 : memref<1x88xi32, #tpu.memory_space<vmem>> -> memref<88xi32, #tpu.memory_space<vmem>>
        %dma_start3A_489 = arith.constant 0 : i32
        %dma_start3A_490 = tpu.memref_slice %arg4[%arg0, %arg1, %add3A_465, %dma_start3A_489] : memref<2x16x228x88xi32, #tpu.memory_space<hbm>> -> memref<1x1x1x88xi32, #tpu.memory_space<hbm>>
        %dma_start3A_491 = tpu.memref_squeeze %dma_start3A_490 : memref<1x1x1x88xi32, #tpu.memory_space<hbm>> -> memref<88xi32, #tpu.memory_space<hbm>>
        tpu.enqueue_dma source(%dma_start3A_491 : memref<88xi32, #tpu.memory_space<hbm>>) target(%dma_start3A_488 : memref<88xi32, #tpu.memory_space<vmem>>) target_semaphore(%arg17 : memref<!tpu.dma_semaphore, #tpu.memory_space<semaphore_mem>>)
      } else {
      }
      %add3A_406 = arith.constant 3 : i32
      %add3A_407 = arith.addi %mul3A_237, %add3A_406 : i32
      %dma_wait3A_408 = arith.constant 3 : i32
      %dma_wait3A_409 = arith.constant 3 : i32
      %dma_wait3A_410 = arith.constant 0 : i32
      %dma_wait3A_411 = arith.constant 0 : i32
      %dma_wait3A_412 = tpu.memref_slice %arg9[%dma_wait3A_409, %dma_wait3A_410, %dma_wait3A_411] : memref<4x88x128xf32, #tpu.memory_space<vmem>> -> memref<1x40x128xf32, #tpu.memory_space<vmem>>
      %dma_wait3A_413 = tpu.memref_squeeze %dma_wait3A_412 : memref<1x40x128xf32, #tpu.memory_space<vmem>> -> memref<40x128xf32, #tpu.memory_space<vmem>>
      %dma_wait3A_414 = arith.constant 0 : i32
      %dma_wait3A_415 = tpu.memref_slice %arg7[%dma_wait3A_408, %dma_wait3A_414] : memref<4x88xi32, #tpu.memory_space<vmem>> -> memref<1x40xi32, #tpu.memory_space<vmem>>
      %dma_wait3A_416 = tpu.memref_squeeze %dma_wait3A_415 : memref<1x40xi32, #tpu.memory_space<vmem>> -> memref<40xi32, #tpu.memory_space<vmem>>
      %dma_wait3A_417 = arith.constant 0 : i32
      %dma_wait3A_418 = arith.constant 0 : i32
      %dma_wait3A_419 = tpu.memref_slice %arg2[%dma_wait3A_417, %dma_wait3A_418] : memref<20000x128xf32, #tpu.memory_space<hbm>> -> memref<20000x128xf32, #tpu.memory_space<hbm>>
      tpu.wait_indirect_dma semaphore(%arg22 : memref<!tpu.dma_semaphore, #tpu.memory_space<semaphore_mem>>) src(%dma_wait3A_419 : memref<20000x128xf32, #tpu.memory_space<hbm>>) dst(%dma_wait3A_413 : memref<40x128xf32, #tpu.memory_space<vmem>>)
      %dma_wait3A_420 = arith.constant 3 : i32
      %dma_wait3A_421 = arith.constant 3 : i32
      %dma_wait3A_422 = arith.constant 40 : i32
      %dma_wait3A_423 = arith.constant 0 : i32
      %dma_wait3A_424 = tpu.memref_slice %arg9[%dma_wait3A_421, %dma_wait3A_422, %dma_wait3A_423] : memref<4x88x128xf32, #tpu.memory_space<vmem>> -> memref<1x48x128xf32, #tpu.memory_space<vmem>>
      %dma_wait3A_425 = tpu.memref_squeeze %dma_wait3A_424 : memref<1x48x128xf32, #tpu.memory_space<vmem>> -> memref<48x128xf32, #tpu.memory_space<vmem>>
      %dma_wait3A_426 = arith.constant 40 : i32
      %dma_wait3A_427 = tpu.memref_slice %arg7[%dma_wait3A_420, %dma_wait3A_426] : memref<4x88xi32, #tpu.memory_space<vmem>> -> memref<1x48xi32, #tpu.memory_space<vmem>>
      %dma_wait3A_428 = tpu.memref_squeeze %dma_wait3A_427 : memref<1x48xi32, #tpu.memory_space<vmem>> -> memref<48xi32, #tpu.memory_space<vmem>>
      %dma_wait3A_429 = arith.constant 0 : i32
      %dma_wait3A_430 = arith.constant 0 : i32
      %dma_wait3A_431 = tpu.memref_slice %arg2[%dma_wait3A_429, %dma_wait3A_430] : memref<20000x128xf32, #tpu.memory_space<hbm>> -> memref<20000x128xf32, #tpu.memory_space<hbm>>
      tpu.wait_indirect_dma semaphore(%arg26 : memref<!tpu.dma_semaphore, #tpu.memory_space<semaphore_mem>>) src(%dma_wait3A_431 : memref<20000x128xf32, #tpu.memory_space<hbm>>) dst(%dma_wait3A_425 : memref<48x128xf32, #tpu.memory_space<vmem>>)
      %add3A_432 = arith.constant 4 : i32
      %add3A_433 = arith.addi %add3A_407, %add3A_432 : i32
      %sub3A_434 = arith.constant 1 : i32
      %sub3A_435 = arith.subi %add3A_433, %sub3A_434 : i32
      %lt3A_436 = arith.constant 228 : i32
      %lt3A_437 = arith.cmpi slt, %sub3A_435, %lt3A_436 : i32
      %convert_element_type3A_438 = arith.extui %lt3A_437 : i1 to i32
      %cond3A_439 = arith.constant 0 : i32
      %cond3A_440 = arith.cmpi ne, %convert_element_type3A_438, %cond3A_439 : i32
      scf.if %cond3A_440 {
        %dma_wait3A_464 = arith.constant 0 : i32
        %dma_wait3A_465 = arith.constant 2 : i32
        %dma_wait3A_466 = arith.constant 0 : i32
        %dma_wait3A_467 = tpu.memref_slice %arg7[%dma_wait3A_465, %dma_wait3A_466] : memref<4x88xi32, #tpu.memory_space<vmem>> -> memref<1x88xi32, #tpu.memory_space<vmem>>
        %dma_wait3A_468 = tpu.memref_squeeze %dma_wait3A_467 : memref<1x88xi32, #tpu.memory_space<vmem>> -> memref<88xi32, #tpu.memory_space<vmem>>
        %dma_wait3A_469 = arith.constant 0 : i32
        %dma_wait3A_470 = tpu.memref_slice %arg3[%arg0, %arg1, %dma_wait3A_464, %dma_wait3A_469] : memref<2x16x228x88xi32, #tpu.memory_space<hbm>> -> memref<1x1x1x88xi32, #tpu.memory_space<hbm>>
        %dma_wait3A_471 = tpu.memref_squeeze %dma_wait3A_470 : memref<1x1x1x88xi32, #tpu.memory_space<hbm>> -> memref<88xi32, #tpu.memory_space<hbm>>
        %dma_wait3A_472 = arith.constant 0 : i32
        %dma_wait3A_473 = tpu.memref_slice %arg7[%dma_wait3A_465, %dma_wait3A_472] : memref<4x88xi32, #tpu.memory_space<vmem>> -> memref<1x88xi32, #tpu.memory_space<vmem>>
        %dma_wait3A_474 = tpu.memref_squeeze %dma_wait3A_473 : memref<1x88xi32, #tpu.memory_space<vmem>> -> memref<88xi32, #tpu.memory_space<vmem>>
        %dma_wait3A_475 = arith.constant 0 : i32
        %dma_wait3A_476 = tpu.memref_slice %arg3[%arg0, %arg1, %dma_wait3A_464, %dma_wait3A_475] : memref<2x16x228x88xi32, #tpu.memory_space<hbm>> -> memref<1x1x1x88xi32, #tpu.memory_space<hbm>>
        %dma_wait3A_477 = tpu.memref_squeeze %dma_wait3A_476 : memref<1x1x1x88xi32, #tpu.memory_space<hbm>> -> memref<88xi32, #tpu.memory_space<hbm>>
        tpu.wait_dma2 semaphore(%arg13 : memref<!tpu.dma_semaphore, #tpu.memory_space<semaphore_mem>>) src(%dma_wait3A_477 : memref<88xi32, #tpu.memory_space<hbm>>) dst(%dma_wait3A_474 : memref<88xi32, #tpu.memory_space<vmem>>)
        %dma_start3A_478 = arith.constant 2 : i32
        %dma_start3A_479 = arith.constant 2 : i32
        %dma_start3A_480 = arith.constant 0 : i32
        %dma_start3A_481 = arith.constant 0 : i32
        %dma_start3A_482 = tpu.memref_slice %arg9[%dma_start3A_479, %dma_start3A_480, %dma_start3A_481] : memref<4x88x128xf32, #tpu.memory_space<vmem>> -> memref<1x40x128xf32, #tpu.memory_space<vmem>>
        %dma_start3A_483 = tpu.memref_squeeze %dma_start3A_482 : memref<1x40x128xf32, #tpu.memory_space<vmem>> -> memref<40x128xf32, #tpu.memory_space<vmem>>
        %dma_start3A_484 = arith.constant 0 : i32
        %dma_start3A_485 = tpu.memref_slice %arg7[%dma_start3A_478, %dma_start3A_484] : memref<4x88xi32, #tpu.memory_space<vmem>> -> memref<1x40xi32, #tpu.memory_space<vmem>>
        %dma_start3A_486 = tpu.memref_squeeze %dma_start3A_485 : memref<1x40xi32, #tpu.memory_space<vmem>> -> memref<40xi32, #tpu.memory_space<vmem>>
        %dma_start3A_487 = arith.constant 0 : i32
        %dma_start3A_488 = arith.constant 0 : i32
        %dma_start3A_489 = tpu.memref_slice %arg2[%dma_start3A_487, %dma_start3A_488] : memref<20000x128xf32, #tpu.memory_space<hbm>> -> memref<20000x128xf32, #tpu.memory_space<hbm>>
        tpu.enqueue_indirect_dma source(%dma_start3A_489 : memref<20000x128xf32, #tpu.memory_space<hbm>>) target(%dma_start3A_483 : memref<40x128xf32, #tpu.memory_space<vmem>>) offsets(%dma_start3A_486 : memref<40xi32, #tpu.memory_space<vmem>>) semaphore(%arg21 : memref<!tpu.dma_semaphore, #tpu.memory_space<semaphore_mem>>)
        %dma_start3A_490 = arith.constant 2 : i32
        %dma_start3A_491 = arith.constant 2 : i32
        %dma_start3A_492 = arith.constant 40 : i32
        %dma_start3A_493 = arith.constant 0 : i32
        %dma_start3A_494 = tpu.memref_slice %arg9[%dma_start3A_491, %dma_start3A_492, %dma_start3A_493] : memref<4x88x128xf32, #tpu.memory_space<vmem>> -> memref<1x48x128xf32, #tpu.memory_space<vmem>>
        %dma_start3A_495 = tpu.memref_squeeze %dma_start3A_494 : memref<1x48x128xf32, #tpu.memory_space<vmem>> -> memref<48x128xf32, #tpu.memory_space<vmem>>
        %dma_start3A_496 = arith.constant 40 : i32
        %dma_start3A_497 = tpu.memref_slice %arg7[%dma_start3A_490, %dma_start3A_496] : memref<4x88xi32, #tpu.memory_space<vmem>> -> memref<1x48xi32, #tpu.memory_space<vmem>>
        %dma_start3A_498 = tpu.memref_squeeze %dma_start3A_497 : memref<1x48xi32, #tpu.memory_space<vmem>> -> memref<48xi32, #tpu.memory_space<vmem>>
        %dma_start3A_499 = arith.constant 0 : i32
        %dma_start3A_500 = arith.constant 0 : i32
        %dma_start3A_501 = tpu.memref_slice %arg2[%dma_start3A_499, %dma_start3A_500] : memref<20000x128xf32, #tpu.memory_space<hbm>> -> memref<20000x128xf32, #tpu.memory_space<hbm>>
        tpu.enqueue_indirect_dma source(%dma_start3A_501 : memref<20000x128xf32, #tpu.memory_space<hbm>>) target(%dma_start3A_495 : memref<48x128xf32, #tpu.memory_space<vmem>>) offsets(%dma_start3A_498 : memref<48xi32, #tpu.memory_space<vmem>>) semaphore(%arg25 : memref<!tpu.dma_semaphore, #tpu.memory_space<semaphore_mem>>)
      } else {
      }
      %dma_wait3A_441 = arith.constant 0 : i32
      %dma_wait3A_442 = arith.constant 3 : i32
      %dma_wait3A_443 = arith.constant 0 : i32
      %dma_wait3A_444 = tpu.memref_slice %arg8[%dma_wait3A_442, %dma_wait3A_443] : memref<4x88xi32, #tpu.memory_space<vmem>> -> memref<1x88xi32, #tpu.memory_space<vmem>>
      %dma_wait3A_445 = tpu.memref_squeeze %dma_wait3A_444 : memref<1x88xi32, #tpu.memory_space<vmem>> -> memref<88xi32, #tpu.memory_space<vmem>>
      %dma_wait3A_446 = arith.constant 0 : i32
      %dma_wait3A_447 = tpu.memref_slice %arg3[%arg0, %arg1, %dma_wait3A_441, %dma_wait3A_446] : memref<2x16x228x88xi32, #tpu.memory_space<hbm>> -> memref<1x1x1x88xi32, #tpu.memory_space<hbm>>
      %dma_wait3A_448 = tpu.memref_squeeze %dma_wait3A_447 : memref<1x1x1x88xi32, #tpu.memory_space<hbm>> -> memref<88xi32, #tpu.memory_space<hbm>>
      %dma_wait3A_449 = arith.constant 0 : i32
      %dma_wait3A_450 = tpu.memref_slice %arg8[%dma_wait3A_442, %dma_wait3A_449] : memref<4x88xi32, #tpu.memory_space<vmem>> -> memref<1x88xi32, #tpu.memory_space<vmem>>
      %dma_wait3A_451 = tpu.memref_squeeze %dma_wait3A_450 : memref<1x88xi32, #tpu.memory_space<vmem>> -> memref<88xi32, #tpu.memory_space<vmem>>
      %dma_wait3A_452 = arith.constant 0 : i32
      %dma_wait3A_453 = tpu.memref_slice %arg3[%arg0, %arg1, %dma_wait3A_441, %dma_wait3A_452] : memref<2x16x228x88xi32, #tpu.memory_space<hbm>> -> memref<1x1x1x88xi32, #tpu.memory_space<hbm>>
      %dma_wait3A_454 = tpu.memref_squeeze %dma_wait3A_453 : memref<1x1x1x88xi32, #tpu.memory_space<hbm>> -> memref<88xi32, #tpu.memory_space<hbm>>
      tpu.wait_dma2 semaphore(%arg18 : memref<!tpu.dma_semaphore, #tpu.memory_space<semaphore_mem>>) src(%dma_wait3A_454 : memref<88xi32, #tpu.memory_space<hbm>>) dst(%dma_wait3A_451 : memref<88xi32, #tpu.memory_space<vmem>>)
      %run_scoped3A_455 = arith.constant 3 : i32
      %run_scoped3A_456 = arith.constant 3 : i32
      "tpu.region"() ({
        %run_scoped3A_464 = tpu.sem_alloc : memref<!tpu.dma_semaphore, #tpu.memory_space<semaphore_mem>>
        %dma_start3A_465 = arith.constant 0 : i32
        %dma_start3A_466 = arith.constant 0 : i32
        %dma_start3A_467 = tpu.memref_slice %arg9[%run_scoped3A_455, %dma_start3A_465, %dma_start3A_466] : memref<4x88x128xf32, #tpu.memory_space<vmem>> -> memref<1x88x128xf32, #tpu.memory_space<vmem>>
        %dma_start3A_468 = tpu.memref_squeeze %dma_start3A_467 : memref<1x88x128xf32, #tpu.memory_space<vmem>> -> memref<88x128xf32, #tpu.memory_space<vmem>>
        %dma_start3A_469 = arith.constant 0 : i32
        %dma_start3A_470 = tpu.memref_slice %arg8[%run_scoped3A_456, %dma_start3A_469] : memref<4x88xi32, #tpu.memory_space<vmem>> -> memref<1x88xi32, #tpu.memory_space<vmem>>
        %dma_start3A_471 = tpu.memref_squeeze %dma_start3A_470 : memref<1x88xi32, #tpu.memory_space<vmem>> -> memref<88xi32, #tpu.memory_space<vmem>>
        %dma_start3A_472 = arith.constant 0 : i32
        %dma_start3A_473 = arith.constant 0 : i32
        %dma_start3A_474 = tpu.memref_slice %arg10[%dma_start3A_472, %dma_start3A_473] : memref<10112x128xf32, #tpu.memory_space<vmem_shared>> -> memref<10112x128xf32, #tpu.memory_space<vmem_shared>>
        tpu.enqueue_indirect_dma source(%dma_start3A_468 : memref<88x128xf32, #tpu.memory_space<vmem>>) target(%dma_start3A_474 : memref<10112x128xf32, #tpu.memory_space<vmem_shared>>) offsets(%dma_start3A_471 : memref<88xi32, #tpu.memory_space<vmem>>) semaphore(%run_scoped3A_464 : memref<!tpu.dma_semaphore, #tpu.memory_space<semaphore_mem>>) {add = true}
        %dma_wait3A_475 = arith.constant 0 : i32
        %dma_wait3A_476 = arith.constant 0 : i32
        %dma_wait3A_477 = tpu.memref_slice %arg9[%run_scoped3A_455, %dma_wait3A_475, %dma_wait3A_476] : memref<4x88x128xf32, #tpu.memory_space<vmem>> -> memref<1x88x128xf32, #tpu.memory_space<vmem>>
        %dma_wait3A_478 = tpu.memref_squeeze %dma_wait3A_477 : memref<1x88x128xf32, #tpu.memory_space<vmem>> -> memref<88x128xf32, #tpu.memory_space<vmem>>
        %dma_wait3A_479 = arith.constant 0 : i32
        %dma_wait3A_480 = tpu.memref_slice %arg8[%run_scoped3A_456, %dma_wait3A_479] : memref<4x88xi32, #tpu.memory_space<vmem>> -> memref<1x88xi32, #tpu.memory_space<vmem>>
        %dma_wait3A_481 = tpu.memref_squeeze %dma_wait3A_480 : memref<1x88xi32, #tpu.memory_space<vmem>> -> memref<88xi32, #tpu.memory_space<vmem>>
        %dma_wait3A_482 = arith.constant 0 : i32
        %dma_wait3A_483 = arith.constant 0 : i32
        %dma_wait3A_484 = tpu.memref_slice %arg10[%dma_wait3A_482, %dma_wait3A_483] : memref<10112x128xf32, #tpu.memory_space<vmem_shared>> -> memref<10112x128xf32, #tpu.memory_space<vmem_shared>>
        tpu.wait_indirect_dma semaphore(%run_scoped3A_464 : memref<!tpu.dma_semaphore, #tpu.memory_space<semaphore_mem>>) src(%dma_wait3A_478 : memref<88x128xf32, #tpu.memory_space<vmem>>) dst(%dma_wait3A_484 : memref<10112x128xf32, #tpu.memory_space<vmem_shared>>)
        tpu.yield
      }) : () -> ()
      %add3A_457 = arith.constant 4 : i32
      %add3A_458 = arith.addi %add3A_407, %add3A_457 : i32
      %lt3A_459 = arith.constant 228 : i32
      %lt3A_460 = arith.cmpi slt, %add3A_458, %lt3A_459 : i32
      %convert_element_type3A_461 = arith.extui %lt3A_460 : i1 to i32
      %cond3A_462 = arith.constant 0 : i32
      %cond3A_463 = arith.cmpi ne, %convert_element_type3A_461, %cond3A_462 : i32
      scf.if %cond3A_463 {
        %add3A_464 = arith.constant 4 : i32
        %add3A_465 = arith.addi %add3A_407, %add3A_464 : i32
        %dma_start3A_466 = arith.constant 3 : i32
        %dma_start3A_467 = arith.constant 0 : i32
        %dma_start3A_468 = tpu.memref_slice %arg7[%dma_start3A_466, %dma_start3A_467] : memref<4x88xi32, #tpu.memory_space<vmem>> -> memref<1x88xi32, #tpu.memory_space<vmem>>
        %dma_start3A_469 = tpu.memref_squeeze %dma_start3A_468 : memref<1x88xi32, #tpu.memory_space<vmem>> -> memref<88xi32, #tpu.memory_space<vmem>>
        %dma_start3A_470 = arith.constant 0 : i32
        %dma_start3A_471 = tpu.memref_slice %arg3[%arg0, %arg1, %add3A_465, %dma_start3A_470] : memref<2x16x228x88xi32, #tpu.memory_space<hbm>> -> memref<1x1x1x88xi32, #tpu.memory_space<hbm>>
        %dma_start3A_472 = tpu.memref_squeeze %dma_start3A_471 : memref<1x1x1x88xi32, #tpu.memory_space<hbm>> -> memref<88xi32, #tpu.memory_space<hbm>>
        %dma_start3A_473 = arith.constant 0 : i32
        %dma_start3A_474 = tpu.memref_slice %arg7[%dma_start3A_466, %dma_start3A_473] : memref<4x88xi32, #tpu.memory_space<vmem>> -> memref<1x88xi32, #tpu.memory_space<vmem>>
        %dma_start3A_475 = tpu.memref_squeeze %dma_start3A_474 : memref<1x88xi32, #tpu.memory_space<vmem>> -> memref<88xi32, #tpu.memory_space<vmem>>
        %dma_start3A_476 = arith.constant 0 : i32
        %dma_start3A_477 = tpu.memref_slice %arg3[%arg0, %arg1, %add3A_465, %dma_start3A_476] : memref<2x16x228x88xi32, #tpu.memory_space<hbm>> -> memref<1x1x1x88xi32, #tpu.memory_space<hbm>>
        %dma_start3A_478 = tpu.memref_squeeze %dma_start3A_477 : memref<1x1x1x88xi32, #tpu.memory_space<hbm>> -> memref<88xi32, #tpu.memory_space<hbm>>
        tpu.enqueue_dma source(%dma_start3A_478 : memref<88xi32, #tpu.memory_space<hbm>>) target(%dma_start3A_475 : memref<88xi32, #tpu.memory_space<vmem>>) target_semaphore(%arg14 : memref<!tpu.dma_semaphore, #tpu.memory_space<semaphore_mem>>)
        %dma_start3A_479 = arith.constant 3 : i32
        %dma_start3A_480 = arith.constant 0 : i32
        %dma_start3A_481 = tpu.memref_slice %arg8[%dma_start3A_479, %dma_start3A_480] : memref<4x88xi32, #tpu.memory_space<vmem>> -> memref<1x88xi32, #tpu.memory_space<vmem>>
        %dma_start3A_482 = tpu.memref_squeeze %dma_start3A_481 : memref<1x88xi32, #tpu.memory_space<vmem>> -> memref<88xi32, #tpu.memory_space<vmem>>
        %dma_start3A_483 = arith.constant 0 : i32
        %dma_start3A_484 = tpu.memref_slice %arg4[%arg0, %arg1, %add3A_465, %dma_start3A_483] : memref<2x16x228x88xi32, #tpu.memory_space<hbm>> -> memref<1x1x1x88xi32, #tpu.memory_space<hbm>>
        %dma_start3A_485 = tpu.memref_squeeze %dma_start3A_484 : memref<1x1x1x88xi32, #tpu.memory_space<hbm>> -> memref<88xi32, #tpu.memory_space<hbm>>
        %dma_start3A_486 = arith.constant 0 : i32
        %dma_start3A_487 = tpu.memref_slice %arg8[%dma_start3A_479, %dma_start3A_486] : memref<4x88xi32, #tpu.memory_space<vmem>> -> memref<1x88xi32, #tpu.memory_space<vmem>>
        %dma_start3A_488 = tpu.memref_squeeze %dma_start3A_487 : memref<1x88xi32, #tpu.memory_space<vmem>> -> memref<88xi32, #tpu.memory_space<vmem>>
        %dma_start3A_489 = arith.constant 0 : i32
        %dma_start3A_490 = tpu.memref_slice %arg4[%arg0, %arg1, %add3A_465, %dma_start3A_489] : memref<2x16x228x88xi32, #tpu.memory_space<hbm>> -> memref<1x1x1x88xi32, #tpu.memory_space<hbm>>
        %dma_start3A_491 = tpu.memref_squeeze %dma_start3A_490 : memref<1x1x1x88xi32, #tpu.memory_space<hbm>> -> memref<88xi32, #tpu.memory_space<hbm>>
        tpu.enqueue_dma source(%dma_start3A_491 : memref<88xi32, #tpu.memory_space<hbm>>) target(%dma_start3A_488 : memref<88xi32, #tpu.memory_space<vmem>>) target_semaphore(%arg18 : memref<!tpu.dma_semaphore, #tpu.memory_space<semaphore_mem>>)
      } else {
      }
    }
    %scan3A_229 = arith.constant 57 : i32
    %barrier3A_230 = arith.constant 0 : index
    tpu.barrier barrier_id(%barrier3A_230)
    %mul3A_231 = arith.constant 632 : i32
    %mul3A_232 = arith.muli %arg1, %mul3A_231 : i32
    %mul3A_233 = arith.constant 632 : i32
    %mul3A_234 = arith.muli %arg1, %mul3A_233 : i32
    "tpu.region"() ({
      %run_scoped3A = tpu.sem_alloc : memref<!tpu.dma_semaphore, #tpu.memory_space<semaphore_mem>>
      %dma_start3A_235 = arith.constant 0 : i32
      %dma_start3A_236 = tpu.memref_slice %arg6[%arg0, %mul3A_234, %dma_start3A_235] : memref<2x10112x128xf32, #tpu.memory_space<hbm>> -> memref<1x632x128xf32, #tpu.memory_space<hbm>>
      %dma_start3A_237 = tpu.memref_squeeze %dma_start3A_236 : memref<1x632x128xf32, #tpu.memory_space<hbm>> -> memref<632x128xf32, #tpu.memory_space<hbm>>
      %dma_start3A_238 = arith.constant 0 : i32
      %dma_start3A_239 = tpu.memref_slice %arg10[%mul3A_232, %dma_start3A_238] : memref<10112x128xf32, #tpu.memory_space<vmem_shared>> -> memref<632x128xf32, #tpu.memory_space<vmem_shared>>
      tpu.enqueue_dma source(%dma_start3A_239 : memref<632x128xf32, #tpu.memory_space<vmem_shared>>) target(%dma_start3A_237 : memref<632x128xf32, #tpu.memory_space<hbm>>) target_semaphore(%run_scoped3A : memref<!tpu.dma_semaphore, #tpu.memory_space<semaphore_mem>>)
      %dma_wait3A_240 = arith.constant 0 : i32
      %dma_wait3A_241 = tpu.memref_slice %arg6[%arg0, %mul3A_234, %dma_wait3A_240] : memref<2x10112x128xf32, #tpu.memory_space<hbm>> -> memref<1x632x128xf32, #tpu.memory_space<hbm>>
      %dma_wait3A_242 = tpu.memref_squeeze %dma_wait3A_241 : memref<1x632x128xf32, #tpu.memory_space<hbm>> -> memref<632x128xf32, #tpu.memory_space<hbm>>
      %dma_wait3A_243 = arith.constant 0 : i32
      %dma_wait3A_244 = tpu.memref_slice %arg10[%mul3A_232, %dma_wait3A_243] : memref<10112x128xf32, #tpu.memory_space<vmem_shared>> -> memref<632x128xf32, #tpu.memory_space<vmem_shared>>
      tpu.wait_dma2 semaphore(%run_scoped3A : memref<!tpu.dma_semaphore, #tpu.memory_space<semaphore_mem>>) src(%dma_wait3A_244 : memref<632x128xf32, #tpu.memory_space<vmem_shared>>) dst(%dma_wait3A_242 : memref<632x128xf32, #tpu.memory_space<hbm>>)
      tpu.yield
    }) : () -> ()
    return
  }
}

#map = affine_map<(d0, d1) -> (0, 0)>
#map1 = affine_map<(d0, d1) -> (0, 0, 0, 0)>
#map2 = affine_map<(d0, d1) -> (0, 0, 0)>
module attributes {stable_mosaic.version = 14 : i64} {
  func.func @spmm_pair(%arg0: i32, %arg1: i32, %arg2: memref<20000x128xf32, #tpu.memory_space<hbm>>, %arg3: memref<2x16x228x88xi32, #tpu.memory_space<hbm>>, %arg4: memref<2x16x228x88xi32, #tpu.memory_space<hbm>>, %arg5: memref<632x128xf32, #tpu.memory_space<hbm>>, %arg6: memref<2x10112x128xf32, #tpu.memory_space<hbm>>, %arg7: memref<4x88xi32, #tpu.memory_space<vmem>>, %arg8: memref<4x88xi32, #tpu.memory_space<vmem>>, %arg9: memref<4x88x128xf32, #tpu.memory_space<vmem>>, %arg10: memref<10112x128xf32, #tpu.memory_space<vmem_shared>>, %arg11: memref<!tpu.dma_semaphore, #tpu.memory_space<semaphore_mem>>, %arg12: memref<!tpu.dma_semaphore, #tpu.memory_space<semaphore_mem>>, %arg13: memref<!tpu.dma_semaphore, #tpu.memory_space<semaphore_mem>>, %arg14: memref<!tpu.dma_semaphore, #tpu.memory_space<semaphore_mem>>, %arg15: memref<!tpu.dma_semaphore, #tpu.memory_space<semaphore_mem>>, %arg16: memref<!tpu.dma_semaphore, #tpu.memory_space<semaphore_mem>>, %arg17: memref<!tpu.dma_semaphore, #tpu.memory_space<semaphore_mem>>, %arg18: memref<!tpu.dma_semaphore, #tpu.memory_space<semaphore_mem>>, %arg19: memref<!tpu.dma_semaphore, #tpu.memory_space<semaphore_mem>>, %arg20: memref<!tpu.dma_semaphore, #tpu.memory_space<semaphore_mem>>, %arg21: memref<!tpu.dma_semaphore, #tpu.memory_space<semaphore_mem>>, %arg22: memref<!tpu.dma_semaphore, #tpu.memory_space<semaphore_mem>>, %arg23: memref<!tpu.dma_semaphore, #tpu.memory_space<semaphore_mem>>, %arg24: memref<!tpu.dma_semaphore, #tpu.memory_space<semaphore_mem>>, %arg25: memref<!tpu.dma_semaphore, #tpu.memory_space<semaphore_mem>>, %arg26: memref<!tpu.dma_semaphore, #tpu.memory_space<semaphore_mem>>) attributes {dimension_semantics = [#tpu.dimension_semantics<core_parallel>, #tpu.dimension_semantics<subcore_parallel>], iteration_bounds = array<i64: 2, 16>, scalar_prefetch = 0 : i64, scratch_operands = 20 : i64, tpu.core_type = #tpu.core_type<sc_vector_subcore>, window_params = [{transform_indices = #map}, {transform_indices = #map1}, {transform_indices = #map1}, {transform_indices = #map}, {transform_indices = #map2}]} {
    %mul3A = arith.constant 632 : i32
    %mul3A_0 = arith.muli %arg1, %mul3A : i32
    "tpu.region"() ({
      %run_scoped3A = tpu.sem_alloc : memref<!tpu.dma_semaphore, #tpu.memory_space<semaphore_mem>>
      %dma_start3A_235 = arith.constant 0 : i32
      %dma_start3A_236 = tpu.memref_slice %arg10[%mul3A_0, %dma_start3A_235] : memref<10112x128xf32, #tpu.memory_space<vmem_shared>> -> memref<632x128xf32, #tpu.memory_space<vmem_shared>>
      tpu.enqueue_dma source(%arg5 : memref<632x128xf32, #tpu.memory_space<hbm>>) target(%dma_start3A_236 : memref<632x128xf32, #tpu.memory_space<vmem_shared>>) target_semaphore(%run_scoped3A : memref<!tpu.dma_semaphore, #tpu.memory_space<semaphore_mem>>)
      %dma_wait3A_237 = arith.constant 0 : i32
      %dma_wait3A_238 = tpu.memref_slice %arg10[%mul3A_0, %dma_wait3A_237] : memref<10112x128xf32, #tpu.memory_space<vmem_shared>> -> memref<632x128xf32, #tpu.memory_space<vmem_shared>>
      tpu.wait_dma2 semaphore(%run_scoped3A : memref<!tpu.dma_semaphore, #tpu.memory_space<semaphore_mem>>) src(%arg5 : memref<632x128xf32, #tpu.memory_space<hbm>>) dst(%dma_wait3A_238 : memref<632x128xf32, #tpu.memory_space<vmem_shared>>)
      tpu.yield
    }) : () -> ()
    %barrier3A = arith.constant 0 : index
    tpu.barrier barrier_id(%barrier3A)
    %dma_start3A = arith.constant 0 : i32
    %dma_start3A_1 = arith.constant 0 : i32
    %dma_start3A_2 = arith.constant 0 : i32
    %dma_start3A_3 = tpu.memref_slice %arg7[%dma_start3A_1, %dma_start3A_2] : memref<4x88xi32, #tpu.memory_space<vmem>> -> memref<1x88xi32, #tpu.memory_space<vmem>>
    %dma_start3A_4 = tpu.memref_squeeze %dma_start3A_3 : memref<1x88xi32, #tpu.memory_space<vmem>> -> memref<88xi32, #tpu.memory_space<vmem>>
    %dma_start3A_5 = arith.constant 0 : i32
    %dma_start3A_6 = tpu.memref_slice %arg3[%arg0, %arg1, %dma_start3A, %dma_start3A_5] : memref<2x16x228x88xi32, #tpu.memory_space<hbm>> -> memref<1x1x1x88xi32, #tpu.memory_space<hbm>>
    %dma_start3A_7 = tpu.memref_squeeze %dma_start3A_6 : memref<1x1x1x88xi32, #tpu.memory_space<hbm>> -> memref<88xi32, #tpu.memory_space<hbm>>
    %dma_start3A_8 = arith.constant 0 : i32
    %dma_start3A_9 = tpu.memref_slice %arg7[%dma_start3A_1, %dma_start3A_8] : memref<4x88xi32, #tpu.memory_space<vmem>> -> memref<1x88xi32, #tpu.memory_space<vmem>>
    %dma_start3A_10 = tpu.memref_squeeze %dma_start3A_9 : memref<1x88xi32, #tpu.memory_space<vmem>> -> memref<88xi32, #tpu.memory_space<vmem>>
    %dma_start3A_11 = arith.constant 0 : i32
    %dma_start3A_12 = tpu.memref_slice %arg3[%arg0, %arg1, %dma_start3A, %dma_start3A_11] : memref<2x16x228x88xi32, #tpu.memory_space<hbm>> -> memref<1x1x1x88xi32, #tpu.memory_space<hbm>>
    %dma_start3A_13 = tpu.memref_squeeze %dma_start3A_12 : memref<1x1x1x88xi32, #tpu.memory_space<hbm>> -> memref<88xi32, #tpu.memory_space<hbm>>
    tpu.enqueue_dma source(%dma_start3A_13 : memref<88xi32, #tpu.memory_space<hbm>>) target(%dma_start3A_10 : memref<88xi32, #tpu.memory_space<vmem>>) target_semaphore(%arg11 : memref<!tpu.dma_semaphore, #tpu.memory_space<semaphore_mem>>)
    %dma_start3A_14 = arith.constant 0 : i32
    %dma_start3A_15 = arith.constant 0 : i32
    %dma_start3A_16 = arith.constant 0 : i32
    %dma_start3A_17 = tpu.memref_slice %arg8[%dma_start3A_15, %dma_start3A_16] : memref<4x88xi32, #tpu.memory_space<vmem>> -> memref<1x88xi32, #tpu.memory_space<vmem>>
    %dma_start3A_18 = tpu.memref_squeeze %dma_start3A_17 : memref<1x88xi32, #tpu.memory_space<vmem>> -> memref<88xi32, #tpu.memory_space<vmem>>
    %dma_start3A_19 = arith.constant 0 : i32
    %dma_start3A_20 = tpu.memref_slice %arg4[%arg0, %arg1, %dma_start3A_14, %dma_start3A_19] : memref<2x16x228x88xi32, #tpu.memory_space<hbm>> -> memref<1x1x1x88xi32, #tpu.memory_space<hbm>>
    %dma_start3A_21 = tpu.memref_squeeze %dma_start3A_20 : memref<1x1x1x88xi32, #tpu.memory_space<hbm>> -> memref<88xi32, #tpu.memory_space<hbm>>
    %dma_start3A_22 = arith.constant 0 : i32
    %dma_start3A_23 = tpu.memref_slice %arg8[%dma_start3A_15, %dma_start3A_22] : memref<4x88xi32, #tpu.memory_space<vmem>> -> memref<1x88xi32, #tpu.memory_space<vmem>>
    %dma_start3A_24 = tpu.memref_squeeze %dma_start3A_23 : memref<1x88xi32, #tpu.memory_space<vmem>> -> memref<88xi32, #tpu.memory_space<vmem>>
    %dma_start3A_25 = arith.constant 0 : i32
    %dma_start3A_26 = tpu.memref_slice %arg4[%arg0, %arg1, %dma_start3A_14, %dma_start3A_25] : memref<2x16x228x88xi32, #tpu.memory_space<hbm>> -> memref<1x1x1x88xi32, #tpu.memory_space<hbm>>
    %dma_start3A_27 = tpu.memref_squeeze %dma_start3A_26 : memref<1x1x1x88xi32, #tpu.memory_space<hbm>> -> memref<88xi32, #tpu.memory_space<hbm>>
    tpu.enqueue_dma source(%dma_start3A_27 : memref<88xi32, #tpu.memory_space<hbm>>) target(%dma_start3A_24 : memref<88xi32, #tpu.memory_space<vmem>>) target_semaphore(%arg15 : memref<!tpu.dma_semaphore, #tpu.memory_space<semaphore_mem>>)
    %dma_start3A_28 = arith.constant 1 : i32
    %dma_start3A_29 = arith.constant 1 : i32
    %dma_start3A_30 = arith.constant 0 : i32
    %dma_start3A_31 = tpu.memref_slice %arg7[%dma_start3A_29, %dma_start3A_30] : memref<4x88xi32, #tpu.memory_space<vmem>> -> memref<1x88xi32, #tpu.memory_space<vmem>>
    %dma_start3A_32 = tpu.memref_squeeze %dma_start3A_31 : memref<1x88xi32, #tpu.memory_space<vmem>> -> memref<88xi32, #tpu.memory_space<vmem>>
    %dma_start3A_33 = arith.constant 0 : i32
    %dma_start3A_34 = tpu.memref_slice %arg3[%arg0, %arg1, %dma_start3A_28, %dma_start3A_33] : memref<2x16x228x88xi32, #tpu.memory_space<hbm>> -> memref<1x1x1x88xi32, #tpu.memory_space<hbm>>
    %dma_start3A_35 = tpu.memref_squeeze %dma_start3A_34 : memref<1x1x1x88xi32, #tpu.memory_space<hbm>> -> memref<88xi32, #tpu.memory_space<hbm>>
    %dma_start3A_36 = arith.constant 0 : i32
    %dma_start3A_37 = tpu.memref_slice %arg7[%dma_start3A_29, %dma_start3A_36] : memref<4x88xi32, #tpu.memory_space<vmem>> -> memref<1x88xi32, #tpu.memory_space<vmem>>
    %dma_start3A_38 = tpu.memref_squeeze %dma_start3A_37 : memref<1x88xi32, #tpu.memory_space<vmem>> -> memref<88xi32, #tpu.memory_space<vmem>>
    %dma_start3A_39 = arith.constant 0 : i32
    %dma_start3A_40 = tpu.memref_slice %arg3[%arg0, %arg1, %dma_start3A_28, %dma_start3A_39] : memref<2x16x228x88xi32, #tpu.memory_space<hbm>> -> memref<1x1x1x88xi32, #tpu.memory_space<hbm>>
    %dma_start3A_41 = tpu.memref_squeeze %dma_start3A_40 : memref<1x1x1x88xi32, #tpu.memory_space<hbm>> -> memref<88xi32, #tpu.memory_space<hbm>>
    tpu.enqueue_dma source(%dma_start3A_41 : memref<88xi32, #tpu.memory_space<hbm>>) target(%dma_start3A_38 : memref<88xi32, #tpu.memory_space<vmem>>) target_semaphore(%arg12 : memref<!tpu.dma_semaphore, #tpu.memory_space<semaphore_mem>>)
    %dma_start3A_42 = arith.constant 1 : i32
    %dma_start3A_43 = arith.constant 1 : i32
    %dma_start3A_44 = arith.constant 0 : i32
    %dma_start3A_45 = tpu.memref_slice %arg8[%dma_start3A_43, %dma_start3A_44] : memref<4x88xi32, #tpu.memory_space<vmem>> -> memref<1x88xi32, #tpu.memory_space<vmem>>
    %dma_start3A_46 = tpu.memref_squeeze %dma_start3A_45 : memref<1x88xi32, #tpu.memory_space<vmem>> -> memref<88xi32, #tpu.memory_space<vmem>>
    %dma_start3A_47 = arith.constant 0 : i32
    %dma_start3A_48 = tpu.memref_slice %arg4[%arg0, %arg1, %dma_start3A_42, %dma_start3A_47] : memref<2x16x228x88xi32, #tpu.memory_space<hbm>> -> memref<1x1x1x88xi32, #tpu.memory_space<hbm>>
    %dma_start3A_49 = tpu.memref_squeeze %dma_start3A_48 : memref<1x1x1x88xi32, #tpu.memory_space<hbm>> -> memref<88xi32, #tpu.memory_space<hbm>>
    %dma_start3A_50 = arith.constant 0 : i32
    %dma_start3A_51 = tpu.memref_slice %arg8[%dma_start3A_43, %dma_start3A_50] : memref<4x88xi32, #tpu.memory_space<vmem>> -> memref<1x88xi32, #tpu.memory_space<vmem>>
    %dma_start3A_52 = tpu.memref_squeeze %dma_start3A_51 : memref<1x88xi32, #tpu.memory_space<vmem>> -> memref<88xi32, #tpu.memory_space<vmem>>
    %dma_start3A_53 = arith.constant 0 : i32
    %dma_start3A_54 = tpu.memref_slice %arg4[%arg0, %arg1, %dma_start3A_42, %dma_start3A_53] : memref<2x16x228x88xi32, #tpu.memory_space<hbm>> -> memref<1x1x1x88xi32, #tpu.memory_space<hbm>>
    %dma_start3A_55 = tpu.memref_squeeze %dma_start3A_54 : memref<1x1x1x88xi32, #tpu.memory_space<hbm>> -> memref<88xi32, #tpu.memory_space<hbm>>
    tpu.enqueue_dma source(%dma_start3A_55 : memref<88xi32, #tpu.memory_space<hbm>>) target(%dma_start3A_52 : memref<88xi32, #tpu.memory_space<vmem>>) target_semaphore(%arg16 : memref<!tpu.dma_semaphore, #tpu.memory_space<semaphore_mem>>)
    %dma_start3A_56 = arith.constant 2 : i32
    %dma_start3A_57 = arith.constant 2 : i32
    %dma_start3A_58 = arith.constant 0 : i32
    %dma_start3A_59 = tpu.memref_slice %arg7[%dma_start3A_57, %dma_start3A_58] : memref<4x88xi32, #tpu.memory_space<vmem>> -> memref<1x88xi32, #tpu.memory_space<vmem>>
    %dma_start3A_60 = tpu.memref_squeeze %dma_start3A_59 : memref<1x88xi32, #tpu.memory_space<vmem>> -> memref<88xi32, #tpu.memory_space<vmem>>
    %dma_start3A_61 = arith.constant 0 : i32
    %dma_start3A_62 = tpu.memref_slice %arg3[%arg0, %arg1, %dma_start3A_56, %dma_start3A_61] : memref<2x16x228x88xi32, #tpu.memory_space<hbm>> -> memref<1x1x1x88xi32, #tpu.memory_space<hbm>>
    %dma_start3A_63 = tpu.memref_squeeze %dma_start3A_62 : memref<1x1x1x88xi32, #tpu.memory_space<hbm>> -> memref<88xi32, #tpu.memory_space<hbm>>
    %dma_start3A_64 = arith.constant 0 : i32
    %dma_start3A_65 = tpu.memref_slice %arg7[%dma_start3A_57, %dma_start3A_64] : memref<4x88xi32, #tpu.memory_space<vmem>> -> memref<1x88xi32, #tpu.memory_space<vmem>>
    %dma_start3A_66 = tpu.memref_squeeze %dma_start3A_65 : memref<1x88xi32, #tpu.memory_space<vmem>> -> memref<88xi32, #tpu.memory_space<vmem>>
    %dma_start3A_67 = arith.constant 0 : i32
    %dma_start3A_68 = tpu.memref_slice %arg3[%arg0, %arg1, %dma_start3A_56, %dma_start3A_67] : memref<2x16x228x88xi32, #tpu.memory_space<hbm>> -> memref<1x1x1x88xi32, #tpu.memory_space<hbm>>
    %dma_start3A_69 = tpu.memref_squeeze %dma_start3A_68 : memref<1x1x1x88xi32, #tpu.memory_space<hbm>> -> memref<88xi32, #tpu.memory_space<hbm>>
    tpu.enqueue_dma source(%dma_start3A_69 : memref<88xi32, #tpu.memory_space<hbm>>) target(%dma_start3A_66 : memref<88xi32, #tpu.memory_space<vmem>>) target_semaphore(%arg13 : memref<!tpu.dma_semaphore, #tpu.memory_space<semaphore_mem>>)
    %dma_start3A_70 = arith.constant 2 : i32
    %dma_start3A_71 = arith.constant 2 : i32
    %dma_start3A_72 = arith.constant 0 : i32
    %dma_start3A_73 = tpu.memref_slice %arg8[%dma_start3A_71, %dma_start3A_72] : memref<4x88xi32, #tpu.memory_space<vmem>> -> memref<1x88xi32, #tpu.memory_space<vmem>>
    %dma_start3A_74 = tpu.memref_squeeze %dma_start3A_73 : memref<1x88xi32, #tpu.memory_space<vmem>> -> memref<88xi32, #tpu.memory_space<vmem>>
    %dma_start3A_75 = arith.constant 0 : i32
    %dma_start3A_76 = tpu.memref_slice %arg4[%arg0, %arg1, %dma_start3A_70, %dma_start3A_75] : memref<2x16x228x88xi32, #tpu.memory_space<hbm>> -> memref<1x1x1x88xi32, #tpu.memory_space<hbm>>
    %dma_start3A_77 = tpu.memref_squeeze %dma_start3A_76 : memref<1x1x1x88xi32, #tpu.memory_space<hbm>> -> memref<88xi32, #tpu.memory_space<hbm>>
    %dma_start3A_78 = arith.constant 0 : i32
    %dma_start3A_79 = tpu.memref_slice %arg8[%dma_start3A_71, %dma_start3A_78] : memref<4x88xi32, #tpu.memory_space<vmem>> -> memref<1x88xi32, #tpu.memory_space<vmem>>
    %dma_start3A_80 = tpu.memref_squeeze %dma_start3A_79 : memref<1x88xi32, #tpu.memory_space<vmem>> -> memref<88xi32, #tpu.memory_space<vmem>>
    %dma_start3A_81 = arith.constant 0 : i32
    %dma_start3A_82 = tpu.memref_slice %arg4[%arg0, %arg1, %dma_start3A_70, %dma_start3A_81] : memref<2x16x228x88xi32, #tpu.memory_space<hbm>> -> memref<1x1x1x88xi32, #tpu.memory_space<hbm>>
    %dma_start3A_83 = tpu.memref_squeeze %dma_start3A_82 : memref<1x1x1x88xi32, #tpu.memory_space<hbm>> -> memref<88xi32, #tpu.memory_space<hbm>>
    tpu.enqueue_dma source(%dma_start3A_83 : memref<88xi32, #tpu.memory_space<hbm>>) target(%dma_start3A_80 : memref<88xi32, #tpu.memory_space<vmem>>) target_semaphore(%arg17 : memref<!tpu.dma_semaphore, #tpu.memory_space<semaphore_mem>>)
    %dma_start3A_84 = arith.constant 3 : i32
    %dma_start3A_85 = arith.constant 3 : i32
    %dma_start3A_86 = arith.constant 0 : i32
    %dma_start3A_87 = tpu.memref_slice %arg7[%dma_start3A_85, %dma_start3A_86] : memref<4x88xi32, #tpu.memory_space<vmem>> -> memref<1x88xi32, #tpu.memory_space<vmem>>
    %dma_start3A_88 = tpu.memref_squeeze %dma_start3A_87 : memref<1x88xi32, #tpu.memory_space<vmem>> -> memref<88xi32, #tpu.memory_space<vmem>>
    %dma_start3A_89 = arith.constant 0 : i32
    %dma_start3A_90 = tpu.memref_slice %arg3[%arg0, %arg1, %dma_start3A_84, %dma_start3A_89] : memref<2x16x228x88xi32, #tpu.memory_space<hbm>> -> memref<1x1x1x88xi32, #tpu.memory_space<hbm>>
    %dma_start3A_91 = tpu.memref_squeeze %dma_start3A_90 : memref<1x1x1x88xi32, #tpu.memory_space<hbm>> -> memref<88xi32, #tpu.memory_space<hbm>>
    %dma_start3A_92 = arith.constant 0 : i32
    %dma_start3A_93 = tpu.memref_slice %arg7[%dma_start3A_85, %dma_start3A_92] : memref<4x88xi32, #tpu.memory_space<vmem>> -> memref<1x88xi32, #tpu.memory_space<vmem>>
    %dma_start3A_94 = tpu.memref_squeeze %dma_start3A_93 : memref<1x88xi32, #tpu.memory_space<vmem>> -> memref<88xi32, #tpu.memory_space<vmem>>
    %dma_start3A_95 = arith.constant 0 : i32
    %dma_start3A_96 = tpu.memref_slice %arg3[%arg0, %arg1, %dma_start3A_84, %dma_start3A_95] : memref<2x16x228x88xi32, #tpu.memory_space<hbm>> -> memref<1x1x1x88xi32, #tpu.memory_space<hbm>>
    %dma_start3A_97 = tpu.memref_squeeze %dma_start3A_96 : memref<1x1x1x88xi32, #tpu.memory_space<hbm>> -> memref<88xi32, #tpu.memory_space<hbm>>
    tpu.enqueue_dma source(%dma_start3A_97 : memref<88xi32, #tpu.memory_space<hbm>>) target(%dma_start3A_94 : memref<88xi32, #tpu.memory_space<vmem>>) target_semaphore(%arg14 : memref<!tpu.dma_semaphore, #tpu.memory_space<semaphore_mem>>)
    %dma_start3A_98 = arith.constant 3 : i32
    %dma_start3A_99 = arith.constant 3 : i32
    %dma_start3A_100 = arith.constant 0 : i32
    %dma_start3A_101 = tpu.memref_slice %arg8[%dma_start3A_99, %dma_start3A_100] : memref<4x88xi32, #tpu.memory_space<vmem>> -> memref<1x88xi32, #tpu.memory_space<vmem>>
    %dma_start3A_102 = tpu.memref_squeeze %dma_start3A_101 : memref<1x88xi32, #tpu.memory_space<vmem>> -> memref<88xi32, #tpu.memory_space<vmem>>
    %dma_start3A_103 = arith.constant 0 : i32
    %dma_start3A_104 = tpu.memref_slice %arg4[%arg0, %arg1, %dma_start3A_98, %dma_start3A_103] : memref<2x16x228x88xi32, #tpu.memory_space<hbm>> -> memref<1x1x1x88xi32, #tpu.memory_space<hbm>>
    %dma_start3A_105 = tpu.memref_squeeze %dma_start3A_104 : memref<1x1x1x88xi32, #tpu.memory_space<hbm>> -> memref<88xi32, #tpu.memory_space<hbm>>
    %dma_start3A_106 = arith.constant 0 : i32
    %dma_start3A_107 = tpu.memref_slice %arg8[%dma_start3A_99, %dma_start3A_106] : memref<4x88xi32, #tpu.memory_space<vmem>> -> memref<1x88xi32, #tpu.memory_space<vmem>>
    %dma_start3A_108 = tpu.memref_squeeze %dma_start3A_107 : memref<1x88xi32, #tpu.memory_space<vmem>> -> memref<88xi32, #tpu.memory_space<vmem>>
    %dma_start3A_109 = arith.constant 0 : i32
    %dma_start3A_110 = tpu.memref_slice %arg4[%arg0, %arg1, %dma_start3A_98, %dma_start3A_109] : memref<2x16x228x88xi32, #tpu.memory_space<hbm>> -> memref<1x1x1x88xi32, #tpu.memory_space<hbm>>
    %dma_start3A_111 = tpu.memref_squeeze %dma_start3A_110 : memref<1x1x1x88xi32, #tpu.memory_space<hbm>> -> memref<88xi32, #tpu.memory_space<hbm>>
    tpu.enqueue_dma source(%dma_start3A_111 : memref<88xi32, #tpu.memory_space<hbm>>) target(%dma_start3A_108 : memref<88xi32, #tpu.memory_space<vmem>>) target_semaphore(%arg18 : memref<!tpu.dma_semaphore, #tpu.memory_space<semaphore_mem>>)
    %dma_wait3A = arith.constant 0 : i32
    %dma_wait3A_112 = arith.constant 0 : i32
    %dma_wait3A_113 = arith.constant 0 : i32
    %dma_wait3A_114 = tpu.memref_slice %arg7[%dma_wait3A_112, %dma_wait3A_113] : memref<4x88xi32, #tpu.memory_space<vmem>> -> memref<1x88xi32, #tpu.memory_space<vmem>>
    %dma_wait3A_115 = tpu.memref_squeeze %dma_wait3A_114 : memref<1x88xi32, #tpu.memory_space<vmem>> -> memref<88xi32, #tpu.memory_space<vmem>>
    %dma_wait3A_116 = arith.constant 0 : i32
    %dma_wait3A_117 = tpu.memref_slice %arg3[%arg0, %arg1, %dma_wait3A, %dma_wait3A_116] : memref<2x16x228x88xi32, #tpu.memory_space<hbm>> -> memref<1x1x1x88xi32, #tpu.memory_space<hbm>>
    %dma_wait3A_118 = tpu.memref_squeeze %dma_wait3A_117 : memref<1x1x1x88xi32, #tpu.memory_space<hbm>> -> memref<88xi32, #tpu.memory_space<hbm>>
    %dma_wait3A_119 = arith.constant 0 : i32
    %dma_wait3A_120 = tpu.memref_slice %arg7[%dma_wait3A_112, %dma_wait3A_119] : memref<4x88xi32, #tpu.memory_space<vmem>> -> memref<1x88xi32, #tpu.memory_space<vmem>>
    %dma_wait3A_121 = tpu.memref_squeeze %dma_wait3A_120 : memref<1x88xi32, #tpu.memory_space<vmem>> -> memref<88xi32, #tpu.memory_space<vmem>>
    %dma_wait3A_122 = arith.constant 0 : i32
    %dma_wait3A_123 = tpu.memref_slice %arg3[%arg0, %arg1, %dma_wait3A, %dma_wait3A_122] : memref<2x16x228x88xi32, #tpu.memory_space<hbm>> -> memref<1x1x1x88xi32, #tpu.memory_space<hbm>>
    %dma_wait3A_124 = tpu.memref_squeeze %dma_wait3A_123 : memref<1x1x1x88xi32, #tpu.memory_space<hbm>> -> memref<88xi32, #tpu.memory_space<hbm>>
    tpu.wait_dma2 semaphore(%arg11 : memref<!tpu.dma_semaphore, #tpu.memory_space<semaphore_mem>>) src(%dma_wait3A_124 : memref<88xi32, #tpu.memory_space<hbm>>) dst(%dma_wait3A_121 : memref<88xi32, #tpu.memory_space<vmem>>)
    %dma_start3A_125 = arith.constant 0 : i32
    %dma_start3A_126 = arith.constant 0 : i32
    %dma_start3A_127 = arith.constant 0 : i32
    %dma_start3A_128 = arith.constant 0 : i32
    %dma_start3A_129 = tpu.memref_slice %arg9[%dma_start3A_126, %dma_start3A_127, %dma_start3A_128] : memref<4x88x128xf32, #tpu.memory_space<vmem>> -> memref<1x40x128xf32, #tpu.memory_space<vmem>>
    %dma_start3A_130 = tpu.memref_squeeze %dma_start3A_129 : memref<1x40x128xf32, #tpu.memory_space<vmem>> -> memref<40x128xf32, #tpu.memory_space<vmem>>
    %dma_start3A_131 = arith.constant 0 : i32
    %dma_start3A_132 = tpu.memref_slice %arg7[%dma_start3A_125, %dma_start3A_131] : memref<4x88xi32, #tpu.memory_space<vmem>> -> memref<1x40xi32, #tpu.memory_space<vmem>>
    %dma_start3A_133 = tpu.memref_squeeze %dma_start3A_132 : memref<1x40xi32, #tpu.memory_space<vmem>> -> memref<40xi32, #tpu.memory_space<vmem>>
    %dma_start3A_134 = arith.constant 0 : i32
    %dma_start3A_135 = arith.constant 0 : i32
    %dma_start3A_136 = tpu.memref_slice %arg2[%dma_start3A_134, %dma_start3A_135] : memref<20000x128xf32, #tpu.memory_space<hbm>> -> memref<20000x128xf32, #tpu.memory_space<hbm>>
    tpu.enqueue_indirect_dma source(%dma_start3A_136 : memref<20000x128xf32, #tpu.memory_space<hbm>>) target(%dma_start3A_130 : memref<40x128xf32, #tpu.memory_space<vmem>>) offsets(%dma_start3A_133 : memref<40xi32, #tpu.memory_space<vmem>>) semaphore(%arg19 : memref<!tpu.dma_semaphore, #tpu.memory_space<semaphore_mem>>)
    %dma_start3A_137 = arith.constant 0 : i32
    %dma_start3A_138 = arith.constant 0 : i32
    %dma_start3A_139 = arith.constant 40 : i32
    %dma_start3A_140 = arith.constant 0 : i32
    %dma_start3A_141 = tpu.memref_slice %arg9[%dma_start3A_138, %dma_start3A_139, %dma_start3A_140] : memref<4x88x128xf32, #tpu.memory_space<vmem>> -> memref<1x48x128xf32, #tpu.memory_space<vmem>>
    %dma_start3A_142 = tpu.memref_squeeze %dma_start3A_141 : memref<1x48x128xf32, #tpu.memory_space<vmem>> -> memref<48x128xf32, #tpu.memory_space<vmem>>
    %dma_start3A_143 = arith.constant 40 : i32
    %dma_start3A_144 = tpu.memref_slice %arg7[%dma_start3A_137, %dma_start3A_143] : memref<4x88xi32, #tpu.memory_space<vmem>> -> memref<1x48xi32, #tpu.memory_space<vmem>>
    %dma_start3A_145 = tpu.memref_squeeze %dma_start3A_144 : memref<1x48xi32, #tpu.memory_space<vmem>> -> memref<48xi32, #tpu.memory_space<vmem>>
    %dma_start3A_146 = arith.constant 0 : i32
    %dma_start3A_147 = arith.constant 0 : i32
    %dma_start3A_148 = tpu.memref_slice %arg2[%dma_start3A_146, %dma_start3A_147] : memref<20000x128xf32, #tpu.memory_space<hbm>> -> memref<20000x128xf32, #tpu.memory_space<hbm>>
    tpu.enqueue_indirect_dma source(%dma_start3A_148 : memref<20000x128xf32, #tpu.memory_space<hbm>>) target(%dma_start3A_142 : memref<48x128xf32, #tpu.memory_space<vmem>>) offsets(%dma_start3A_145 : memref<48xi32, #tpu.memory_space<vmem>>) semaphore(%arg23 : memref<!tpu.dma_semaphore, #tpu.memory_space<semaphore_mem>>)
    %dma_wait3A_149 = arith.constant 0 : i32
    %dma_wait3A_150 = arith.constant 1 : i32
    %dma_wait3A_151 = arith.constant 0 : i32
    %dma_wait3A_152 = tpu.memref_slice %arg7[%dma_wait3A_150, %dma_wait3A_151] : memref<4x88xi32, #tpu.memory_space<vmem>> -> memref<1x88xi32, #tpu.memory_space<vmem>>
    %dma_wait3A_153 = tpu.memref_squeeze %dma_wait3A_152 : memref<1x88xi32, #tpu.memory_space<vmem>> -> memref<88xi32, #tpu.memory_space<vmem>>
    %dma_wait3A_154 = arith.constant 0 : i32
    %dma_wait3A_155 = tpu.memref_slice %arg3[%arg0, %arg1, %dma_wait3A_149, %dma_wait3A_154] : memref<2x16x228x88xi32, #tpu.memory_space<hbm>> -> memref<1x1x1x88xi32, #tpu.memory_space<hbm>>
    %dma_wait3A_156 = tpu.memref_squeeze %dma_wait3A_155 : memref<1x1x1x88xi32, #tpu.memory_space<hbm>> -> memref<88xi32, #tpu.memory_space<hbm>>
    %dma_wait3A_157 = arith.constant 0 : i32
    %dma_wait3A_158 = tpu.memref_slice %arg7[%dma_wait3A_150, %dma_wait3A_157] : memref<4x88xi32, #tpu.memory_space<vmem>> -> memref<1x88xi32, #tpu.memory_space<vmem>>
    %dma_wait3A_159 = tpu.memref_squeeze %dma_wait3A_158 : memref<1x88xi32, #tpu.memory_space<vmem>> -> memref<88xi32, #tpu.memory_space<vmem>>
    %dma_wait3A_160 = arith.constant 0 : i32
    %dma_wait3A_161 = tpu.memref_slice %arg3[%arg0, %arg1, %dma_wait3A_149, %dma_wait3A_160] : memref<2x16x228x88xi32, #tpu.memory_space<hbm>> -> memref<1x1x1x88xi32, #tpu.memory_space<hbm>>
    %dma_wait3A_162 = tpu.memref_squeeze %dma_wait3A_161 : memref<1x1x1x88xi32, #tpu.memory_space<hbm>> -> memref<88xi32, #tpu.memory_space<hbm>>
    tpu.wait_dma2 semaphore(%arg12 : memref<!tpu.dma_semaphore, #tpu.memory_space<semaphore_mem>>) src(%dma_wait3A_162 : memref<88xi32, #tpu.memory_space<hbm>>) dst(%dma_wait3A_159 : memref<88xi32, #tpu.memory_space<vmem>>)
    %dma_start3A_163 = arith.constant 1 : i32
    %dma_start3A_164 = arith.constant 1 : i32
    %dma_start3A_165 = arith.constant 0 : i32
    %dma_start3A_166 = arith.constant 0 : i32
    %dma_start3A_167 = tpu.memref_slice %arg9[%dma_start3A_164, %dma_start3A_165, %dma_start3A_166] : memref<4x88x128xf32, #tpu.memory_space<vmem>> -> memref<1x40x128xf32, #tpu.memory_space<vmem>>
    %dma_start3A_168 = tpu.memref_squeeze %dma_start3A_167 : memref<1x40x128xf32, #tpu.memory_space<vmem>> -> memref<40x128xf32, #tpu.memory_space<vmem>>
    %dma_start3A_169 = arith.constant 0 : i32
    %dma_start3A_170 = tpu.memref_slice %arg7[%dma_start3A_163, %dma_start3A_169] : memref<4x88xi32, #tpu.memory_space<vmem>> -> memref<1x40xi32, #tpu.memory_space<vmem>>
    %dma_start3A_171 = tpu.memref_squeeze %dma_start3A_170 : memref<1x40xi32, #tpu.memory_space<vmem>> -> memref<40xi32, #tpu.memory_space<vmem>>
    %dma_start3A_172 = arith.constant 0 : i32
    %dma_start3A_173 = arith.constant 0 : i32
    %dma_start3A_174 = tpu.memref_slice %arg2[%dma_start3A_172, %dma_start3A_173] : memref<20000x128xf32, #tpu.memory_space<hbm>> -> memref<20000x128xf32, #tpu.memory_space<hbm>>
    tpu.enqueue_indirect_dma source(%dma_start3A_174 : memref<20000x128xf32, #tpu.memory_space<hbm>>) target(%dma_start3A_168 : memref<40x128xf32, #tpu.memory_space<vmem>>) offsets(%dma_start3A_171 : memref<40xi32, #tpu.memory_space<vmem>>) semaphore(%arg20 : memref<!tpu.dma_semaphore, #tpu.memory_space<semaphore_mem>>)
    %dma_start3A_175 = arith.constant 1 : i32
    %dma_start3A_176 = arith.constant 1 : i32
    %dma_start3A_177 = arith.constant 40 : i32
    %dma_start3A_178 = arith.constant 0 : i32
    %dma_start3A_179 = tpu.memref_slice %arg9[%dma_start3A_176, %dma_start3A_177, %dma_start3A_178] : memref<4x88x128xf32, #tpu.memory_space<vmem>> -> memref<1x48x128xf32, #tpu.memory_space<vmem>>
    %dma_start3A_180 = tpu.memref_squeeze %dma_start3A_179 : memref<1x48x128xf32, #tpu.memory_space<vmem>> -> memref<48x128xf32, #tpu.memory_space<vmem>>
    %dma_start3A_181 = arith.constant 40 : i32
    %dma_start3A_182 = tpu.memref_slice %arg7[%dma_start3A_175, %dma_start3A_181] : memref<4x88xi32, #tpu.memory_space<vmem>> -> memref<1x48xi32, #tpu.memory_space<vmem>>
    %dma_start3A_183 = tpu.memref_squeeze %dma_start3A_182 : memref<1x48xi32, #tpu.memory_space<vmem>> -> memref<48xi32, #tpu.memory_space<vmem>>
    %dma_start3A_184 = arith.constant 0 : i32
    %dma_start3A_185 = arith.constant 0 : i32
    %dma_start3A_186 = tpu.memref_slice %arg2[%dma_start3A_184, %dma_start3A_185] : memref<20000x128xf32, #tpu.memory_space<hbm>> -> memref<20000x128xf32, #tpu.memory_space<hbm>>
    tpu.enqueue_indirect_dma source(%dma_start3A_186 : memref<20000x128xf32, #tpu.memory_space<hbm>>) target(%dma_start3A_180 : memref<48x128xf32, #tpu.memory_space<vmem>>) offsets(%dma_start3A_183 : memref<48xi32, #tpu.memory_space<vmem>>) semaphore(%arg24 : memref<!tpu.dma_semaphore, #tpu.memory_space<semaphore_mem>>)
    %dma_wait3A_187 = arith.constant 0 : i32
    %dma_wait3A_188 = arith.constant 2 : i32
    %dma_wait3A_189 = arith.constant 0 : i32
    %dma_wait3A_190 = tpu.memref_slice %arg7[%dma_wait3A_188, %dma_wait3A_189] : memref<4x88xi32, #tpu.memory_space<vmem>> -> memref<1x88xi32, #tpu.memory_space<vmem>>
    %dma_wait3A_191 = tpu.memref_squeeze %dma_wait3A_190 : memref<1x88xi32, #tpu.memory_space<vmem>> -> memref<88xi32, #tpu.memory_space<vmem>>
    %dma_wait3A_192 = arith.constant 0 : i32
    %dma_wait3A_193 = tpu.memref_slice %arg3[%arg0, %arg1, %dma_wait3A_187, %dma_wait3A_192] : memref<2x16x228x88xi32, #tpu.memory_space<hbm>> -> memref<1x1x1x88xi32, #tpu.memory_space<hbm>>
    %dma_wait3A_194 = tpu.memref_squeeze %dma_wait3A_193 : memref<1x1x1x88xi32, #tpu.memory_space<hbm>> -> memref<88xi32, #tpu.memory_space<hbm>>
    %dma_wait3A_195 = arith.constant 0 : i32
    %dma_wait3A_196 = tpu.memref_slice %arg7[%dma_wait3A_188, %dma_wait3A_195] : memref<4x88xi32, #tpu.memory_space<vmem>> -> memref<1x88xi32, #tpu.memory_space<vmem>>
    %dma_wait3A_197 = tpu.memref_squeeze %dma_wait3A_196 : memref<1x88xi32, #tpu.memory_space<vmem>> -> memref<88xi32, #tpu.memory_space<vmem>>
    %dma_wait3A_198 = arith.constant 0 : i32
    %dma_wait3A_199 = tpu.memref_slice %arg3[%arg0, %arg1, %dma_wait3A_187, %dma_wait3A_198] : memref<2x16x228x88xi32, #tpu.memory_space<hbm>> -> memref<1x1x1x88xi32, #tpu.memory_space<hbm>>
    %dma_wait3A_200 = tpu.memref_squeeze %dma_wait3A_199 : memref<1x1x1x88xi32, #tpu.memory_space<hbm>> -> memref<88xi32, #tpu.memory_space<hbm>>
    tpu.wait_dma2 semaphore(%arg13 : memref<!tpu.dma_semaphore, #tpu.memory_space<semaphore_mem>>) src(%dma_wait3A_200 : memref<88xi32, #tpu.memory_space<hbm>>) dst(%dma_wait3A_197 : memref<88xi32, #tpu.memory_space<vmem>>)
    %dma_start3A_201 = arith.constant 2 : i32
    %dma_start3A_202 = arith.constant 2 : i32
    %dma_start3A_203 = arith.constant 0 : i32
    %dma_start3A_204 = arith.constant 0 : i32
    %dma_start3A_205 = tpu.memref_slice %arg9[%dma_start3A_202, %dma_start3A_203, %dma_start3A_204] : memref<4x88x128xf32, #tpu.memory_space<vmem>> -> memref<1x40x128xf32, #tpu.memory_space<vmem>>
    %dma_start3A_206 = tpu.memref_squeeze %dma_start3A_205 : memref<1x40x128xf32, #tpu.memory_space<vmem>> -> memref<40x128xf32, #tpu.memory_space<vmem>>
    %dma_start3A_207 = arith.constant 0 : i32
    %dma_start3A_208 = tpu.memref_slice %arg7[%dma_start3A_201, %dma_start3A_207] : memref<4x88xi32, #tpu.memory_space<vmem>> -> memref<1x40xi32, #tpu.memory_space<vmem>>
    %dma_start3A_209 = tpu.memref_squeeze %dma_start3A_208 : memref<1x40xi32, #tpu.memory_space<vmem>> -> memref<40xi32, #tpu.memory_space<vmem>>
    %dma_start3A_210 = arith.constant 0 : i32
    %dma_start3A_211 = arith.constant 0 : i32
    %dma_start3A_212 = tpu.memref_slice %arg2[%dma_start3A_210, %dma_start3A_211] : memref<20000x128xf32, #tpu.memory_space<hbm>> -> memref<20000x128xf32, #tpu.memory_space<hbm>>
    tpu.enqueue_indirect_dma source(%dma_start3A_212 : memref<20000x128xf32, #tpu.memory_space<hbm>>) target(%dma_start3A_206 : memref<40x128xf32, #tpu.memory_space<vmem>>) offsets(%dma_start3A_209 : memref<40xi32, #tpu.memory_space<vmem>>) semaphore(%arg21 : memref<!tpu.dma_semaphore, #tpu.memory_space<semaphore_mem>>)
    %dma_start3A_213 = arith.constant 2 : i32
    %dma_start3A_214 = arith.constant 2 : i32
    %dma_start3A_215 = arith.constant 40 : i32
    %dma_start3A_216 = arith.constant 0 : i32
    %dma_start3A_217 = tpu.memref_slice %arg9[%dma_start3A_214, %dma_start3A_215, %dma_start3A_216] : memref<4x88x128xf32, #tpu.memory_space<vmem>> -> memref<1x48x128xf32, #tpu.memory_space<vmem>>
    %dma_start3A_218 = tpu.memref_squeeze %dma_start3A_217 : memref<1x48x128xf32, #tpu.memory_space<vmem>> -> memref<48x128xf32, #tpu.memory_space<vmem>>
    %dma_start3A_219 = arith.constant 40 : i32
    %dma_start3A_220 = tpu.memref_slice %arg7[%dma_start3A_213, %dma_start3A_219] : memref<4x88xi32, #tpu.memory_space<vmem>> -> memref<1x48xi32, #tpu.memory_space<vmem>>
    %dma_start3A_221 = tpu.memref_squeeze %dma_start3A_220 : memref<1x48xi32, #tpu.memory_space<vmem>> -> memref<48xi32, #tpu.memory_space<vmem>>
    %dma_start3A_222 = arith.constant 0 : i32
    %dma_start3A_223 = arith.constant 0 : i32
    %dma_start3A_224 = tpu.memref_slice %arg2[%dma_start3A_222, %dma_start3A_223] : memref<20000x128xf32, #tpu.memory_space<hbm>> -> memref<20000x128xf32, #tpu.memory_space<hbm>>
    tpu.enqueue_indirect_dma source(%dma_start3A_224 : memref<20000x128xf32, #tpu.memory_space<hbm>>) target(%dma_start3A_218 : memref<48x128xf32, #tpu.memory_space<vmem>>) offsets(%dma_start3A_221 : memref<48xi32, #tpu.memory_space<vmem>>) semaphore(%arg25 : memref<!tpu.dma_semaphore, #tpu.memory_space<semaphore_mem>>)
    %scan3A = arith.constant 0 : i32
    %scan3A_225 = arith.constant 0 : i32
    %scan3A_226 = arith.constant 57 : i32
    %scan3A_227 = arith.addi %scan3A_225, %scan3A_226 : i32
    %scan3A_228 = arith.constant 1 : i32
    scf.for %scan3A_235 = %scan3A_225 to %scan3A_227 step %scan3A_228  : i32 {
      %mul3A_236 = arith.constant 4 : i32
      %mul3A_237 = arith.muli %mul3A_236, %scan3A_235 : i32
      %add3A = arith.constant 0 : i32
      %add3A_238 = arith.addi %mul3A_237, %add3A : i32
      %dma_wait3A_239 = arith.constant 0 : i32
      %dma_wait3A_240 = arith.constant 0 : i32
      %dma_wait3A_241 = arith.constant 0 : i32
      %dma_wait3A_242 = arith.constant 0 : i32
      %dma_wait3A_243 = tpu.memref_slice %arg9[%dma_wait3A_240, %dma_wait3A_241, %dma_wait3A_242] : memref<4x88x128xf32, #tpu.memory_space<vmem>> -> memref<1x40x128xf32, #tpu.memory_space<vmem>>
      %dma_wait3A_244 = tpu.memref_squeeze %dma_wait3A_243 : memref<1x40x128xf32, #tpu.memory_space<vmem>> -> memref<40x128xf32, #tpu.memory_space<vmem>>
      %dma_wait3A_245 = arith.constant 0 : i32
      %dma_wait3A_246 = tpu.memref_slice %arg7[%dma_wait3A_239, %dma_wait3A_245] : memref<4x88xi32, #tpu.memory_space<vmem>> -> memref<1x40xi32, #tpu.memory_space<vmem>>
      %dma_wait3A_247 = tpu.memref_squeeze %dma_wait3A_246 : memref<1x40xi32, #tpu.memory_space<vmem>> -> memref<40xi32, #tpu.memory_space<vmem>>
      %dma_wait3A_248 = arith.constant 0 : i32
      %dma_wait3A_249 = arith.constant 0 : i32
      %dma_wait3A_250 = tpu.memref_slice %arg2[%dma_wait3A_248, %dma_wait3A_249] : memref<20000x128xf32, #tpu.memory_space<hbm>> -> memref<20000x128xf32, #tpu.memory_space<hbm>>
      tpu.wait_indirect_dma semaphore(%arg19 : memref<!tpu.dma_semaphore, #tpu.memory_space<semaphore_mem>>) src(%dma_wait3A_250 : memref<20000x128xf32, #tpu.memory_space<hbm>>) dst(%dma_wait3A_244 : memref<40x128xf32, #tpu.memory_space<vmem>>)
      %dma_wait3A_251 = arith.constant 0 : i32
      %dma_wait3A_252 = arith.constant 0 : i32
      %dma_wait3A_253 = arith.constant 40 : i32
      %dma_wait3A_254 = arith.constant 0 : i32
      %dma_wait3A_255 = tpu.memref_slice %arg9[%dma_wait3A_252, %dma_wait3A_253, %dma_wait3A_254] : memref<4x88x128xf32, #tpu.memory_space<vmem>> -> memref<1x48x128xf32, #tpu.memory_space<vmem>>
      %dma_wait3A_256 = tpu.memref_squeeze %dma_wait3A_255 : memref<1x48x128xf32, #tpu.memory_space<vmem>> -> memref<48x128xf32, #tpu.memory_space<vmem>>
      %dma_wait3A_257 = arith.constant 40 : i32
      %dma_wait3A_258 = tpu.memref_slice %arg7[%dma_wait3A_251, %dma_wait3A_257] : memref<4x88xi32, #tpu.memory_space<vmem>> -> memref<1x48xi32, #tpu.memory_space<vmem>>
      %dma_wait3A_259 = tpu.memref_squeeze %dma_wait3A_258 : memref<1x48xi32, #tpu.memory_space<vmem>> -> memref<48xi32, #tpu.memory_space<vmem>>
      %dma_wait3A_260 = arith.constant 0 : i32
      %dma_wait3A_261 = arith.constant 0 : i32
      %dma_wait3A_262 = tpu.memref_slice %arg2[%dma_wait3A_260, %dma_wait3A_261] : memref<20000x128xf32, #tpu.memory_space<hbm>> -> memref<20000x128xf32, #tpu.memory_space<hbm>>
      tpu.wait_indirect_dma semaphore(%arg23 : memref<!tpu.dma_semaphore, #tpu.memory_space<semaphore_mem>>) src(%dma_wait3A_262 : memref<20000x128xf32, #tpu.memory_space<hbm>>) dst(%dma_wait3A_256 : memref<48x128xf32, #tpu.memory_space<vmem>>)
      %add3A_263 = arith.constant 4 : i32
      %add3A_264 = arith.addi %add3A_238, %add3A_263 : i32
      %sub3A = arith.constant 1 : i32
      %sub3A_265 = arith.subi %add3A_264, %sub3A : i32
      %lt3A = arith.constant 228 : i32
      %lt3A_266 = arith.cmpi slt, %sub3A_265, %lt3A : i32
      %convert_element_type3A = arith.extui %lt3A_266 : i1 to i32
      %cond3A = arith.constant 0 : i32
      %cond3A_267 = arith.cmpi ne, %convert_element_type3A, %cond3A : i32
      scf.if %cond3A_267 {
        %dma_wait3A_464 = arith.constant 0 : i32
        %dma_wait3A_465 = arith.constant 3 : i32
        %dma_wait3A_466 = arith.constant 0 : i32
        %dma_wait3A_467 = tpu.memref_slice %arg7[%dma_wait3A_465, %dma_wait3A_466] : memref<4x88xi32, #tpu.memory_space<vmem>> -> memref<1x88xi32, #tpu.memory_space<vmem>>
        %dma_wait3A_468 = tpu.memref_squeeze %dma_wait3A_467 : memref<1x88xi32, #tpu.memory_space<vmem>> -> memref<88xi32, #tpu.memory_space<vmem>>
        %dma_wait3A_469 = arith.constant 0 : i32
        %dma_wait3A_470 = tpu.memref_slice %arg3[%arg0, %arg1, %dma_wait3A_464, %dma_wait3A_469] : memref<2x16x228x88xi32, #tpu.memory_space<hbm>> -> memref<1x1x1x88xi32, #tpu.memory_space<hbm>>
        %dma_wait3A_471 = tpu.memref_squeeze %dma_wait3A_470 : memref<1x1x1x88xi32, #tpu.memory_space<hbm>> -> memref<88xi32, #tpu.memory_space<hbm>>
        %dma_wait3A_472 = arith.constant 0 : i32
        %dma_wait3A_473 = tpu.memref_slice %arg7[%dma_wait3A_465, %dma_wait3A_472] : memref<4x88xi32, #tpu.memory_space<vmem>> -> memref<1x88xi32, #tpu.memory_space<vmem>>
        %dma_wait3A_474 = tpu.memref_squeeze %dma_wait3A_473 : memref<1x88xi32, #tpu.memory_space<vmem>> -> memref<88xi32, #tpu.memory_space<vmem>>
        %dma_wait3A_475 = arith.constant 0 : i32
        %dma_wait3A_476 = tpu.memref_slice %arg3[%arg0, %arg1, %dma_wait3A_464, %dma_wait3A_475] : memref<2x16x228x88xi32, #tpu.memory_space<hbm>> -> memref<1x1x1x88xi32, #tpu.memory_space<hbm>>
        %dma_wait3A_477 = tpu.memref_squeeze %dma_wait3A_476 : memref<1x1x1x88xi32, #tpu.memory_space<hbm>> -> memref<88xi32, #tpu.memory_space<hbm>>
        tpu.wait_dma2 semaphore(%arg14 : memref<!tpu.dma_semaphore, #tpu.memory_space<semaphore_mem>>) src(%dma_wait3A_477 : memref<88xi32, #tpu.memory_space<hbm>>) dst(%dma_wait3A_474 : memref<88xi32, #tpu.memory_space<vmem>>)
        %dma_start3A_478 = arith.constant 3 : i32
        %dma_start3A_479 = arith.constant 3 : i32
        %dma_start3A_480 = arith.constant 0 : i32
        %dma_start3A_481 = arith.constant 0 : i32
        %dma_start3A_482 = tpu.memref_slice %arg9[%dma_start3A_479, %dma_start3A_480, %dma_start3A_481] : memref<4x88x128xf32, #tpu.memory_space<vmem>> -> memref<1x40x128xf32, #tpu.memory_space<vmem>>
        %dma_start3A_483 = tpu.memref_squeeze %dma_start3A_482 : memref<1x40x128xf32, #tpu.memory_space<vmem>> -> memref<40x128xf32, #tpu.memory_space<vmem>>
        %dma_start3A_484 = arith.constant 0 : i32
        %dma_start3A_485 = tpu.memref_slice %arg7[%dma_start3A_478, %dma_start3A_484] : memref<4x88xi32, #tpu.memory_space<vmem>> -> memref<1x40xi32, #tpu.memory_space<vmem>>
        %dma_start3A_486 = tpu.memref_squeeze %dma_start3A_485 : memref<1x40xi32, #tpu.memory_space<vmem>> -> memref<40xi32, #tpu.memory_space<vmem>>
        %dma_start3A_487 = arith.constant 0 : i32
        %dma_start3A_488 = arith.constant 0 : i32
        %dma_start3A_489 = tpu.memref_slice %arg2[%dma_start3A_487, %dma_start3A_488] : memref<20000x128xf32, #tpu.memory_space<hbm>> -> memref<20000x128xf32, #tpu.memory_space<hbm>>
        tpu.enqueue_indirect_dma source(%dma_start3A_489 : memref<20000x128xf32, #tpu.memory_space<hbm>>) target(%dma_start3A_483 : memref<40x128xf32, #tpu.memory_space<vmem>>) offsets(%dma_start3A_486 : memref<40xi32, #tpu.memory_space<vmem>>) semaphore(%arg22 : memref<!tpu.dma_semaphore, #tpu.memory_space<semaphore_mem>>)
        %dma_start3A_490 = arith.constant 3 : i32
        %dma_start3A_491 = arith.constant 3 : i32
        %dma_start3A_492 = arith.constant 40 : i32
        %dma_start3A_493 = arith.constant 0 : i32
        %dma_start3A_494 = tpu.memref_slice %arg9[%dma_start3A_491, %dma_start3A_492, %dma_start3A_493] : memref<4x88x128xf32, #tpu.memory_space<vmem>> -> memref<1x48x128xf32, #tpu.memory_space<vmem>>
        %dma_start3A_495 = tpu.memref_squeeze %dma_start3A_494 : memref<1x48x128xf32, #tpu.memory_space<vmem>> -> memref<48x128xf32, #tpu.memory_space<vmem>>
        %dma_start3A_496 = arith.constant 40 : i32
        %dma_start3A_497 = tpu.memref_slice %arg7[%dma_start3A_490, %dma_start3A_496] : memref<4x88xi32, #tpu.memory_space<vmem>> -> memref<1x48xi32, #tpu.memory_space<vmem>>
        %dma_start3A_498 = tpu.memref_squeeze %dma_start3A_497 : memref<1x48xi32, #tpu.memory_space<vmem>> -> memref<48xi32, #tpu.memory_space<vmem>>
        %dma_start3A_499 = arith.constant 0 : i32
        %dma_start3A_500 = arith.constant 0 : i32
        %dma_start3A_501 = tpu.memref_slice %arg2[%dma_start3A_499, %dma_start3A_500] : memref<20000x128xf32, #tpu.memory_space<hbm>> -> memref<20000x128xf32, #tpu.memory_space<hbm>>
        tpu.enqueue_indirect_dma source(%dma_start3A_501 : memref<20000x128xf32, #tpu.memory_space<hbm>>) target(%dma_start3A_495 : memref<48x128xf32, #tpu.memory_space<vmem>>) offsets(%dma_start3A_498 : memref<48xi32, #tpu.memory_space<vmem>>) semaphore(%arg26 : memref<!tpu.dma_semaphore, #tpu.memory_space<semaphore_mem>>)
      } else {
      }
      %dma_wait3A_268 = arith.constant 0 : i32
      %dma_wait3A_269 = arith.constant 0 : i32
      %dma_wait3A_270 = arith.constant 0 : i32
      %dma_wait3A_271 = tpu.memref_slice %arg8[%dma_wait3A_269, %dma_wait3A_270] : memref<4x88xi32, #tpu.memory_space<vmem>> -> memref<1x88xi32, #tpu.memory_space<vmem>>
      %dma_wait3A_272 = tpu.memref_squeeze %dma_wait3A_271 : memref<1x88xi32, #tpu.memory_space<vmem>> -> memref<88xi32, #tpu.memory_space<vmem>>
      %dma_wait3A_273 = arith.constant 0 : i32
      %dma_wait3A_274 = tpu.memref_slice %arg3[%arg0, %arg1, %dma_wait3A_268, %dma_wait3A_273] : memref<2x16x228x88xi32, #tpu.memory_space<hbm>> -> memref<1x1x1x88xi32, #tpu.memory_space<hbm>>
      %dma_wait3A_275 = tpu.memref_squeeze %dma_wait3A_274 : memref<1x1x1x88xi32, #tpu.memory_space<hbm>> -> memref<88xi32, #tpu.memory_space<hbm>>
      %dma_wait3A_276 = arith.constant 0 : i32
      %dma_wait3A_277 = tpu.memref_slice %arg8[%dma_wait3A_269, %dma_wait3A_276] : memref<4x88xi32, #tpu.memory_space<vmem>> -> memref<1x88xi32, #tpu.memory_space<vmem>>
      %dma_wait3A_278 = tpu.memref_squeeze %dma_wait3A_277 : memref<1x88xi32, #tpu.memory_space<vmem>> -> memref<88xi32, #tpu.memory_space<vmem>>
      %dma_wait3A_279 = arith.constant 0 : i32
      %dma_wait3A_280 = tpu.memref_slice %arg3[%arg0, %arg1, %dma_wait3A_268, %dma_wait3A_279] : memref<2x16x228x88xi32, #tpu.memory_space<hbm>> -> memref<1x1x1x88xi32, #tpu.memory_space<hbm>>
      %dma_wait3A_281 = tpu.memref_squeeze %dma_wait3A_280 : memref<1x1x1x88xi32, #tpu.memory_space<hbm>> -> memref<88xi32, #tpu.memory_space<hbm>>
      tpu.wait_dma2 semaphore(%arg15 : memref<!tpu.dma_semaphore, #tpu.memory_space<semaphore_mem>>) src(%dma_wait3A_281 : memref<88xi32, #tpu.memory_space<hbm>>) dst(%dma_wait3A_278 : memref<88xi32, #tpu.memory_space<vmem>>)
      %run_scoped3A = arith.constant 0 : i32
      %run_scoped3A_282 = arith.constant 0 : i32
      "tpu.region"() ({
        %run_scoped3A_464 = tpu.sem_alloc : memref<!tpu.dma_semaphore, #tpu.memory_space<semaphore_mem>>
        %dma_start3A_465 = arith.constant 0 : i32
        %dma_start3A_466 = arith.constant 0 : i32
        %dma_start3A_467 = tpu.memref_slice %arg9[%run_scoped3A, %dma_start3A_465, %dma_start3A_466] : memref<4x88x128xf32, #tpu.memory_space<vmem>> -> memref<1x88x128xf32, #tpu.memory_space<vmem>>
        %dma_start3A_468 = tpu.memref_squeeze %dma_start3A_467 : memref<1x88x128xf32, #tpu.memory_space<vmem>> -> memref<88x128xf32, #tpu.memory_space<vmem>>
        %dma_start3A_469 = arith.constant 0 : i32
        %dma_start3A_470 = tpu.memref_slice %arg8[%run_scoped3A_282, %dma_start3A_469] : memref<4x88xi32, #tpu.memory_space<vmem>> -> memref<1x88xi32, #tpu.memory_space<vmem>>
        %dma_start3A_471 = tpu.memref_squeeze %dma_start3A_470 : memref<1x88xi32, #tpu.memory_space<vmem>> -> memref<88xi32, #tpu.memory_space<vmem>>
        %dma_start3A_472 = arith.constant 0 : i32
        %dma_start3A_473 = arith.constant 0 : i32
        %dma_start3A_474 = tpu.memref_slice %arg10[%dma_start3A_472, %dma_start3A_473] : memref<10112x128xf32, #tpu.memory_space<vmem_shared>> -> memref<10112x128xf32, #tpu.memory_space<vmem_shared>>
        tpu.enqueue_indirect_dma source(%dma_start3A_468 : memref<88x128xf32, #tpu.memory_space<vmem>>) target(%dma_start3A_474 : memref<10112x128xf32, #tpu.memory_space<vmem_shared>>) offsets(%dma_start3A_471 : memref<88xi32, #tpu.memory_space<vmem>>) semaphore(%run_scoped3A_464 : memref<!tpu.dma_semaphore, #tpu.memory_space<semaphore_mem>>) {add = true}
        %dma_wait3A_475 = arith.constant 0 : i32
        %dma_wait3A_476 = arith.constant 0 : i32
        %dma_wait3A_477 = tpu.memref_slice %arg9[%run_scoped3A, %dma_wait3A_475, %dma_wait3A_476] : memref<4x88x128xf32, #tpu.memory_space<vmem>> -> memref<1x88x128xf32, #tpu.memory_space<vmem>>
        %dma_wait3A_478 = tpu.memref_squeeze %dma_wait3A_477 : memref<1x88x128xf32, #tpu.memory_space<vmem>> -> memref<88x128xf32, #tpu.memory_space<vmem>>
        %dma_wait3A_479 = arith.constant 0 : i32
        %dma_wait3A_480 = tpu.memref_slice %arg8[%run_scoped3A_282, %dma_wait3A_479] : memref<4x88xi32, #tpu.memory_space<vmem>> -> memref<1x88xi32, #tpu.memory_space<vmem>>
        %dma_wait3A_481 = tpu.memref_squeeze %dma_wait3A_480 : memref<1x88xi32, #tpu.memory_space<vmem>> -> memref<88xi32, #tpu.memory_space<vmem>>
        %dma_wait3A_482 = arith.constant 0 : i32
        %dma_wait3A_483 = arith.constant 0 : i32
        %dma_wait3A_484 = tpu.memref_slice %arg10[%dma_wait3A_482, %dma_wait3A_483] : memref<10112x128xf32, #tpu.memory_space<vmem_shared>> -> memref<10112x128xf32, #tpu.memory_space<vmem_shared>>
        tpu.wait_indirect_dma semaphore(%run_scoped3A_464 : memref<!tpu.dma_semaphore, #tpu.memory_space<semaphore_mem>>) src(%dma_wait3A_478 : memref<88x128xf32, #tpu.memory_space<vmem>>) dst(%dma_wait3A_484 : memref<10112x128xf32, #tpu.memory_space<vmem_shared>>)
        tpu.yield
      }) : () -> ()
      %add3A_283 = arith.constant 4 : i32
      %add3A_284 = arith.addi %add3A_238, %add3A_283 : i32
      %lt3A_285 = arith.constant 228 : i32
      %lt3A_286 = arith.cmpi slt, %add3A_284, %lt3A_285 : i32
      %convert_element_type3A_287 = arith.extui %lt3A_286 : i1 to i32
      %cond3A_288 = arith.constant 0 : i32
      %cond3A_289 = arith.cmpi ne, %convert_element_type3A_287, %cond3A_288 : i32
      scf.if %cond3A_289 {
        %add3A_464 = arith.constant 4 : i32
        %add3A_465 = arith.addi %add3A_238, %add3A_464 : i32
        %dma_start3A_466 = arith.constant 0 : i32
        %dma_start3A_467 = arith.constant 0 : i32
        %dma_start3A_468 = tpu.memref_slice %arg7[%dma_start3A_466, %dma_start3A_467] : memref<4x88xi32, #tpu.memory_space<vmem>> -> memref<1x88xi32, #tpu.memory_space<vmem>>
        %dma_start3A_469 = tpu.memref_squeeze %dma_start3A_468 : memref<1x88xi32, #tpu.memory_space<vmem>> -> memref<88xi32, #tpu.memory_space<vmem>>
        %dma_start3A_470 = arith.constant 0 : i32
        %dma_start3A_471 = tpu.memref_slice %arg3[%arg0, %arg1, %add3A_465, %dma_start3A_470] : memref<2x16x228x88xi32, #tpu.memory_space<hbm>> -> memref<1x1x1x88xi32, #tpu.memory_space<hbm>>
        %dma_start3A_472 = tpu.memref_squeeze %dma_start3A_471 : memref<1x1x1x88xi32, #tpu.memory_space<hbm>> -> memref<88xi32, #tpu.memory_space<hbm>>
        %dma_start3A_473 = arith.constant 0 : i32
        %dma_start3A_474 = tpu.memref_slice %arg7[%dma_start3A_466, %dma_start3A_473] : memref<4x88xi32, #tpu.memory_space<vmem>> -> memref<1x88xi32, #tpu.memory_space<vmem>>
        %dma_start3A_475 = tpu.memref_squeeze %dma_start3A_474 : memref<1x88xi32, #tpu.memory_space<vmem>> -> memref<88xi32, #tpu.memory_space<vmem>>
        %dma_start3A_476 = arith.constant 0 : i32
        %dma_start3A_477 = tpu.memref_slice %arg3[%arg0, %arg1, %add3A_465, %dma_start3A_476] : memref<2x16x228x88xi32, #tpu.memory_space<hbm>> -> memref<1x1x1x88xi32, #tpu.memory_space<hbm>>
        %dma_start3A_478 = tpu.memref_squeeze %dma_start3A_477 : memref<1x1x1x88xi32, #tpu.memory_space<hbm>> -> memref<88xi32, #tpu.memory_space<hbm>>
        tpu.enqueue_dma source(%dma_start3A_478 : memref<88xi32, #tpu.memory_space<hbm>>) target(%dma_start3A_475 : memref<88xi32, #tpu.memory_space<vmem>>) target_semaphore(%arg11 : memref<!tpu.dma_semaphore, #tpu.memory_space<semaphore_mem>>)
        %dma_start3A_479 = arith.constant 0 : i32
        %dma_start3A_480 = arith.constant 0 : i32
        %dma_start3A_481 = tpu.memref_slice %arg8[%dma_start3A_479, %dma_start3A_480] : memref<4x88xi32, #tpu.memory_space<vmem>> -> memref<1x88xi32, #tpu.memory_space<vmem>>
        %dma_start3A_482 = tpu.memref_squeeze %dma_start3A_481 : memref<1x88xi32, #tpu.memory_space<vmem>> -> memref<88xi32, #tpu.memory_space<vmem>>
        %dma_start3A_483 = arith.constant 0 : i32
        %dma_start3A_484 = tpu.memref_slice %arg4[%arg0, %arg1, %add3A_465, %dma_start3A_483] : memref<2x16x228x88xi32, #tpu.memory_space<hbm>> -> memref<1x1x1x88xi32, #tpu.memory_space<hbm>>
        %dma_start3A_485 = tpu.memref_squeeze %dma_start3A_484 : memref<1x1x1x88xi32, #tpu.memory_space<hbm>> -> memref<88xi32, #tpu.memory_space<hbm>>
        %dma_start3A_486 = arith.constant 0 : i32
        %dma_start3A_487 = tpu.memref_slice %arg8[%dma_start3A_479, %dma_start3A_486] : memref<4x88xi32, #tpu.memory_space<vmem>> -> memref<1x88xi32, #tpu.memory_space<vmem>>
        %dma_start3A_488 = tpu.memref_squeeze %dma_start3A_487 : memref<1x88xi32, #tpu.memory_space<vmem>> -> memref<88xi32, #tpu.memory_space<vmem>>
        %dma_start3A_489 = arith.constant 0 : i32
        %dma_start3A_490 = tpu.memref_slice %arg4[%arg0, %arg1, %add3A_465, %dma_start3A_489] : memref<2x16x228x88xi32, #tpu.memory_space<hbm>> -> memref<1x1x1x88xi32, #tpu.memory_space<hbm>>
        %dma_start3A_491 = tpu.memref_squeeze %dma_start3A_490 : memref<1x1x1x88xi32, #tpu.memory_space<hbm>> -> memref<88xi32, #tpu.memory_space<hbm>>
        tpu.enqueue_dma source(%dma_start3A_491 : memref<88xi32, #tpu.memory_space<hbm>>) target(%dma_start3A_488 : memref<88xi32, #tpu.memory_space<vmem>>) target_semaphore(%arg15 : memref<!tpu.dma_semaphore, #tpu.memory_space<semaphore_mem>>)
      } else {
      }
      %add3A_290 = arith.constant 1 : i32
      %add3A_291 = arith.addi %mul3A_237, %add3A_290 : i32
      %dma_wait3A_292 = arith.constant 1 : i32
      %dma_wait3A_293 = arith.constant 1 : i32
      %dma_wait3A_294 = arith.constant 0 : i32
      %dma_wait3A_295 = arith.constant 0 : i32
      %dma_wait3A_296 = tpu.memref_slice %arg9[%dma_wait3A_293, %dma_wait3A_294, %dma_wait3A_295] : memref<4x88x128xf32, #tpu.memory_space<vmem>> -> memref<1x40x128xf32, #tpu.memory_space<vmem>>
      %dma_wait3A_297 = tpu.memref_squeeze %dma_wait3A_296 : memref<1x40x128xf32, #tpu.memory_space<vmem>> -> memref<40x128xf32, #tpu.memory_space<vmem>>
      %dma_wait3A_298 = arith.constant 0 : i32
      %dma_wait3A_299 = tpu.memref_slice %arg7[%dma_wait3A_292, %dma_wait3A_298] : memref<4x88xi32, #tpu.memory_space<vmem>> -> memref<1x40xi32, #tpu.memory_space<vmem>>
      %dma_wait3A_300 = tpu.memref_squeeze %dma_wait3A_299 : memref<1x40xi32, #tpu.memory_space<vmem>> -> memref<40xi32, #tpu.memory_space<vmem>>
      %dma_wait3A_301 = arith.constant 0 : i32
      %dma_wait3A_302 = arith.constant 0 : i32
      %dma_wait3A_303 = tpu.memref_slice %arg2[%dma_wait3A_301, %dma_wait3A_302] : memref<20000x128xf32, #tpu.memory_space<hbm>> -> memref<20000x128xf32, #tpu.memory_space<hbm>>
      tpu.wait_indirect_dma semaphore(%arg20 : memref<!tpu.dma_semaphore, #tpu.memory_space<semaphore_mem>>) src(%dma_wait3A_303 : memref<20000x128xf32, #tpu.memory_space<hbm>>) dst(%dma_wait3A_297 : memref<40x128xf32, #tpu.memory_space<vmem>>)
      %dma_wait3A_304 = arith.constant 1 : i32
      %dma_wait3A_305 = arith.constant 1 : i32
      %dma_wait3A_306 = arith.constant 40 : i32
      %dma_wait3A_307 = arith.constant 0 : i32
      %dma_wait3A_308 = tpu.memref_slice %arg9[%dma_wait3A_305, %dma_wait3A_306, %dma_wait3A_307] : memref<4x88x128xf32, #tpu.memory_space<vmem>> -> memref<1x48x128xf32, #tpu.memory_space<vmem>>
      %dma_wait3A_309 = tpu.memref_squeeze %dma_wait3A_308 : memref<1x48x128xf32, #tpu.memory_space<vmem>> -> memref<48x128xf32, #tpu.memory_space<vmem>>
      %dma_wait3A_310 = arith.constant 40 : i32
      %dma_wait3A_311 = tpu.memref_slice %arg7[%dma_wait3A_304, %dma_wait3A_310] : memref<4x88xi32, #tpu.memory_space<vmem>> -> memref<1x48xi32, #tpu.memory_space<vmem>>
      %dma_wait3A_312 = tpu.memref_squeeze %dma_wait3A_311 : memref<1x48xi32, #tpu.memory_space<vmem>> -> memref<48xi32, #tpu.memory_space<vmem>>
      %dma_wait3A_313 = arith.constant 0 : i32
      %dma_wait3A_314 = arith.constant 0 : i32
      %dma_wait3A_315 = tpu.memref_slice %arg2[%dma_wait3A_313, %dma_wait3A_314] : memref<20000x128xf32, #tpu.memory_space<hbm>> -> memref<20000x128xf32, #tpu.memory_space<hbm>>
      tpu.wait_indirect_dma semaphore(%arg24 : memref<!tpu.dma_semaphore, #tpu.memory_space<semaphore_mem>>) src(%dma_wait3A_315 : memref<20000x128xf32, #tpu.memory_space<hbm>>) dst(%dma_wait3A_309 : memref<48x128xf32, #tpu.memory_space<vmem>>)
      %add3A_316 = arith.constant 4 : i32
      %add3A_317 = arith.addi %add3A_291, %add3A_316 : i32
      %sub3A_318 = arith.constant 1 : i32
      %sub3A_319 = arith.subi %add3A_317, %sub3A_318 : i32
      %lt3A_320 = arith.constant 228 : i32
      %lt3A_321 = arith.cmpi slt, %sub3A_319, %lt3A_320 : i32
      %convert_element_type3A_322 = arith.extui %lt3A_321 : i1 to i32
      %cond3A_323 = arith.constant 0 : i32
      %cond3A_324 = arith.cmpi ne, %convert_element_type3A_322, %cond3A_323 : i32
      scf.if %cond3A_324 {
        %dma_wait3A_464 = arith.constant 0 : i32
        %dma_wait3A_465 = arith.constant 0 : i32
        %dma_wait3A_466 = arith.constant 0 : i32
        %dma_wait3A_467 = tpu.memref_slice %arg7[%dma_wait3A_465, %dma_wait3A_466] : memref<4x88xi32, #tpu.memory_space<vmem>> -> memref<1x88xi32, #tpu.memory_space<vmem>>
        %dma_wait3A_468 = tpu.memref_squeeze %dma_wait3A_467 : memref<1x88xi32, #tpu.memory_space<vmem>> -> memref<88xi32, #tpu.memory_space<vmem>>
        %dma_wait3A_469 = arith.constant 0 : i32
        %dma_wait3A_470 = tpu.memref_slice %arg3[%arg0, %arg1, %dma_wait3A_464, %dma_wait3A_469] : memref<2x16x228x88xi32, #tpu.memory_space<hbm>> -> memref<1x1x1x88xi32, #tpu.memory_space<hbm>>
        %dma_wait3A_471 = tpu.memref_squeeze %dma_wait3A_470 : memref<1x1x1x88xi32, #tpu.memory_space<hbm>> -> memref<88xi32, #tpu.memory_space<hbm>>
        %dma_wait3A_472 = arith.constant 0 : i32
        %dma_wait3A_473 = tpu.memref_slice %arg7[%dma_wait3A_465, %dma_wait3A_472] : memref<4x88xi32, #tpu.memory_space<vmem>> -> memref<1x88xi32, #tpu.memory_space<vmem>>
        %dma_wait3A_474 = tpu.memref_squeeze %dma_wait3A_473 : memref<1x88xi32, #tpu.memory_space<vmem>> -> memref<88xi32, #tpu.memory_space<vmem>>
        %dma_wait3A_475 = arith.constant 0 : i32
        %dma_wait3A_476 = tpu.memref_slice %arg3[%arg0, %arg1, %dma_wait3A_464, %dma_wait3A_475] : memref<2x16x228x88xi32, #tpu.memory_space<hbm>> -> memref<1x1x1x88xi32, #tpu.memory_space<hbm>>
        %dma_wait3A_477 = tpu.memref_squeeze %dma_wait3A_476 : memref<1x1x1x88xi32, #tpu.memory_space<hbm>> -> memref<88xi32, #tpu.memory_space<hbm>>
        tpu.wait_dma2 semaphore(%arg11 : memref<!tpu.dma_semaphore, #tpu.memory_space<semaphore_mem>>) src(%dma_wait3A_477 : memref<88xi32, #tpu.memory_space<hbm>>) dst(%dma_wait3A_474 : memref<88xi32, #tpu.memory_space<vmem>>)
        %dma_start3A_478 = arith.constant 0 : i32
        %dma_start3A_479 = arith.constant 0 : i32
        %dma_start3A_480 = arith.constant 0 : i32
        %dma_start3A_481 = arith.constant 0 : i32
        %dma_start3A_482 = tpu.memref_slice %arg9[%dma_start3A_479, %dma_start3A_480, %dma_start3A_481] : memref<4x88x128xf32, #tpu.memory_space<vmem>> -> memref<1x40x128xf32, #tpu.memory_space<vmem>>
        %dma_start3A_483 = tpu.memref_squeeze %dma_start3A_482 : memref<1x40x128xf32, #tpu.memory_space<vmem>> -> memref<40x128xf32, #tpu.memory_space<vmem>>
        %dma_start3A_484 = arith.constant 0 : i32
        %dma_start3A_485 = tpu.memref_slice %arg7[%dma_start3A_478, %dma_start3A_484] : memref<4x88xi32, #tpu.memory_space<vmem>> -> memref<1x40xi32, #tpu.memory_space<vmem>>
        %dma_start3A_486 = tpu.memref_squeeze %dma_start3A_485 : memref<1x40xi32, #tpu.memory_space<vmem>> -> memref<40xi32, #tpu.memory_space<vmem>>
        %dma_start3A_487 = arith.constant 0 : i32
        %dma_start3A_488 = arith.constant 0 : i32
        %dma_start3A_489 = tpu.memref_slice %arg2[%dma_start3A_487, %dma_start3A_488] : memref<20000x128xf32, #tpu.memory_space<hbm>> -> memref<20000x128xf32, #tpu.memory_space<hbm>>
        tpu.enqueue_indirect_dma source(%dma_start3A_489 : memref<20000x128xf32, #tpu.memory_space<hbm>>) target(%dma_start3A_483 : memref<40x128xf32, #tpu.memory_space<vmem>>) offsets(%dma_start3A_486 : memref<40xi32, #tpu.memory_space<vmem>>) semaphore(%arg19 : memref<!tpu.dma_semaphore, #tpu.memory_space<semaphore_mem>>)
        %dma_start3A_490 = arith.constant 0 : i32
        %dma_start3A_491 = arith.constant 0 : i32
        %dma_start3A_492 = arith.constant 40 : i32
        %dma_start3A_493 = arith.constant 0 : i32
        %dma_start3A_494 = tpu.memref_slice %arg9[%dma_start3A_491, %dma_start3A_492, %dma_start3A_493] : memref<4x88x128xf32, #tpu.memory_space<vmem>> -> memref<1x48x128xf32, #tpu.memory_space<vmem>>
        %dma_start3A_495 = tpu.memref_squeeze %dma_start3A_494 : memref<1x48x128xf32, #tpu.memory_space<vmem>> -> memref<48x128xf32, #tpu.memory_space<vmem>>
        %dma_start3A_496 = arith.constant 40 : i32
        %dma_start3A_497 = tpu.memref_slice %arg7[%dma_start3A_490, %dma_start3A_496] : memref<4x88xi32, #tpu.memory_space<vmem>> -> memref<1x48xi32, #tpu.memory_space<vmem>>
        %dma_start3A_498 = tpu.memref_squeeze %dma_start3A_497 : memref<1x48xi32, #tpu.memory_space<vmem>> -> memref<48xi32, #tpu.memory_space<vmem>>
        %dma_start3A_499 = arith.constant 0 : i32
        %dma_start3A_500 = arith.constant 0 : i32
        %dma_start3A_501 = tpu.memref_slice %arg2[%dma_start3A_499, %dma_start3A_500] : memref<20000x128xf32, #tpu.memory_space<hbm>> -> memref<20000x128xf32, #tpu.memory_space<hbm>>
        tpu.enqueue_indirect_dma source(%dma_start3A_501 : memref<20000x128xf32, #tpu.memory_space<hbm>>) target(%dma_start3A_495 : memref<48x128xf32, #tpu.memory_space<vmem>>) offsets(%dma_start3A_498 : memref<48xi32, #tpu.memory_space<vmem>>) semaphore(%arg23 : memref<!tpu.dma_semaphore, #tpu.memory_space<semaphore_mem>>)
      } else {
      }
      %dma_wait3A_325 = arith.constant 0 : i32
      %dma_wait3A_326 = arith.constant 1 : i32
      %dma_wait3A_327 = arith.constant 0 : i32
      %dma_wait3A_328 = tpu.memref_slice %arg8[%dma_wait3A_326, %dma_wait3A_327] : memref<4x88xi32, #tpu.memory_space<vmem>> -> memref<1x88xi32, #tpu.memory_space<vmem>>
      %dma_wait3A_329 = tpu.memref_squeeze %dma_wait3A_328 : memref<1x88xi32, #tpu.memory_space<vmem>> -> memref<88xi32, #tpu.memory_space<vmem>>
      %dma_wait3A_330 = arith.constant 0 : i32
      %dma_wait3A_331 = tpu.memref_slice %arg3[%arg0, %arg1, %dma_wait3A_325, %dma_wait3A_330] : memref<2x16x228x88xi32, #tpu.memory_space<hbm>> -> memref<1x1x1x88xi32, #tpu.memory_space<hbm>>
      %dma_wait3A_332 = tpu.memref_squeeze %dma_wait3A_331 : memref<1x1x1x88xi32, #tpu.memory_space<hbm>> -> memref<88xi32, #tpu.memory_space<hbm>>
      %dma_wait3A_333 = arith.constant 0 : i32
      %dma_wait3A_334 = tpu.memref_slice %arg8[%dma_wait3A_326, %dma_wait3A_333] : memref<4x88xi32, #tpu.memory_space<vmem>> -> memref<1x88xi32, #tpu.memory_space<vmem>>
      %dma_wait3A_335 = tpu.memref_squeeze %dma_wait3A_334 : memref<1x88xi32, #tpu.memory_space<vmem>> -> memref<88xi32, #tpu.memory_space<vmem>>
      %dma_wait3A_336 = arith.constant 0 : i32
      %dma_wait3A_337 = tpu.memref_slice %arg3[%arg0, %arg1, %dma_wait3A_325, %dma_wait3A_336] : memref<2x16x228x88xi32, #tpu.memory_space<hbm>> -> memref<1x1x1x88xi32, #tpu.memory_space<hbm>>
      %dma_wait3A_338 = tpu.memref_squeeze %dma_wait3A_337 : memref<1x1x1x88xi32, #tpu.memory_space<hbm>> -> memref<88xi32, #tpu.memory_space<hbm>>
      tpu.wait_dma2 semaphore(%arg16 : memref<!tpu.dma_semaphore, #tpu.memory_space<semaphore_mem>>) src(%dma_wait3A_338 : memref<88xi32, #tpu.memory_space<hbm>>) dst(%dma_wait3A_335 : memref<88xi32, #tpu.memory_space<vmem>>)
      %run_scoped3A_339 = arith.constant 1 : i32
      %run_scoped3A_340 = arith.constant 1 : i32
      "tpu.region"() ({
        %run_scoped3A_464 = tpu.sem_alloc : memref<!tpu.dma_semaphore, #tpu.memory_space<semaphore_mem>>
        %dma_start3A_465 = arith.constant 0 : i32
        %dma_start3A_466 = arith.constant 0 : i32
        %dma_start3A_467 = tpu.memref_slice %arg9[%run_scoped3A_339, %dma_start3A_465, %dma_start3A_466] : memref<4x88x128xf32, #tpu.memory_space<vmem>> -> memref<1x88x128xf32, #tpu.memory_space<vmem>>
        %dma_start3A_468 = tpu.memref_squeeze %dma_start3A_467 : memref<1x88x128xf32, #tpu.memory_space<vmem>> -> memref<88x128xf32, #tpu.memory_space<vmem>>
        %dma_start3A_469 = arith.constant 0 : i32
        %dma_start3A_470 = tpu.memref_slice %arg8[%run_scoped3A_340, %dma_start3A_469] : memref<4x88xi32, #tpu.memory_space<vmem>> -> memref<1x88xi32, #tpu.memory_space<vmem>>
        %dma_start3A_471 = tpu.memref_squeeze %dma_start3A_470 : memref<1x88xi32, #tpu.memory_space<vmem>> -> memref<88xi32, #tpu.memory_space<vmem>>
        %dma_start3A_472 = arith.constant 0 : i32
        %dma_start3A_473 = arith.constant 0 : i32
        %dma_start3A_474 = tpu.memref_slice %arg10[%dma_start3A_472, %dma_start3A_473] : memref<10112x128xf32, #tpu.memory_space<vmem_shared>> -> memref<10112x128xf32, #tpu.memory_space<vmem_shared>>
        tpu.enqueue_indirect_dma source(%dma_start3A_468 : memref<88x128xf32, #tpu.memory_space<vmem>>) target(%dma_start3A_474 : memref<10112x128xf32, #tpu.memory_space<vmem_shared>>) offsets(%dma_start3A_471 : memref<88xi32, #tpu.memory_space<vmem>>) semaphore(%run_scoped3A_464 : memref<!tpu.dma_semaphore, #tpu.memory_space<semaphore_mem>>) {add = true}
        %dma_wait3A_475 = arith.constant 0 : i32
        %dma_wait3A_476 = arith.constant 0 : i32
        %dma_wait3A_477 = tpu.memref_slice %arg9[%run_scoped3A_339, %dma_wait3A_475, %dma_wait3A_476] : memref<4x88x128xf32, #tpu.memory_space<vmem>> -> memref<1x88x128xf32, #tpu.memory_space<vmem>>
        %dma_wait3A_478 = tpu.memref_squeeze %dma_wait3A_477 : memref<1x88x128xf32, #tpu.memory_space<vmem>> -> memref<88x128xf32, #tpu.memory_space<vmem>>
        %dma_wait3A_479 = arith.constant 0 : i32
        %dma_wait3A_480 = tpu.memref_slice %arg8[%run_scoped3A_340, %dma_wait3A_479] : memref<4x88xi32, #tpu.memory_space<vmem>> -> memref<1x88xi32, #tpu.memory_space<vmem>>
        %dma_wait3A_481 = tpu.memref_squeeze %dma_wait3A_480 : memref<1x88xi32, #tpu.memory_space<vmem>> -> memref<88xi32, #tpu.memory_space<vmem>>
        %dma_wait3A_482 = arith.constant 0 : i32
        %dma_wait3A_483 = arith.constant 0 : i32
        %dma_wait3A_484 = tpu.memref_slice %arg10[%dma_wait3A_482, %dma_wait3A_483] : memref<10112x128xf32, #tpu.memory_space<vmem_shared>> -> memref<10112x128xf32, #tpu.memory_space<vmem_shared>>
        tpu.wait_indirect_dma semaphore(%run_scoped3A_464 : memref<!tpu.dma_semaphore, #tpu.memory_space<semaphore_mem>>) src(%dma_wait3A_478 : memref<88x128xf32, #tpu.memory_space<vmem>>) dst(%dma_wait3A_484 : memref<10112x128xf32, #tpu.memory_space<vmem_shared>>)
        tpu.yield
      }) : () -> ()
      %add3A_341 = arith.constant 4 : i32
      %add3A_342 = arith.addi %add3A_291, %add3A_341 : i32
      %lt3A_343 = arith.constant 228 : i32
      %lt3A_344 = arith.cmpi slt, %add3A_342, %lt3A_343 : i32
      %convert_element_type3A_345 = arith.extui %lt3A_344 : i1 to i32
      %cond3A_346 = arith.constant 0 : i32
      %cond3A_347 = arith.cmpi ne, %convert_element_type3A_345, %cond3A_346 : i32
      scf.if %cond3A_347 {
        %add3A_464 = arith.constant 4 : i32
        %add3A_465 = arith.addi %add3A_291, %add3A_464 : i32
        %dma_start3A_466 = arith.constant 1 : i32
        %dma_start3A_467 = arith.constant 0 : i32
        %dma_start3A_468 = tpu.memref_slice %arg7[%dma_start3A_466, %dma_start3A_467] : memref<4x88xi32, #tpu.memory_space<vmem>> -> memref<1x88xi32, #tpu.memory_space<vmem>>
        %dma_start3A_469 = tpu.memref_squeeze %dma_start3A_468 : memref<1x88xi32, #tpu.memory_space<vmem>> -> memref<88xi32, #tpu.memory_space<vmem>>
        %dma_start3A_470 = arith.constant 0 : i32
        %dma_start3A_471 = tpu.memref_slice %arg3[%arg0, %arg1, %add3A_465, %dma_start3A_470] : memref<2x16x228x88xi32, #tpu.memory_space<hbm>> -> memref<1x1x1x88xi32, #tpu.memory_space<hbm>>
        %dma_start3A_472 = tpu.memref_squeeze %dma_start3A_471 : memref<1x1x1x88xi32, #tpu.memory_space<hbm>> -> memref<88xi32, #tpu.memory_space<hbm>>
        %dma_start3A_473 = arith.constant 0 : i32
        %dma_start3A_474 = tpu.memref_slice %arg7[%dma_start3A_466, %dma_start3A_473] : memref<4x88xi32, #tpu.memory_space<vmem>> -> memref<1x88xi32, #tpu.memory_space<vmem>>
        %dma_start3A_475 = tpu.memref_squeeze %dma_start3A_474 : memref<1x88xi32, #tpu.memory_space<vmem>> -> memref<88xi32, #tpu.memory_space<vmem>>
        %dma_start3A_476 = arith.constant 0 : i32
        %dma_start3A_477 = tpu.memref_slice %arg3[%arg0, %arg1, %add3A_465, %dma_start3A_476] : memref<2x16x228x88xi32, #tpu.memory_space<hbm>> -> memref<1x1x1x88xi32, #tpu.memory_space<hbm>>
        %dma_start3A_478 = tpu.memref_squeeze %dma_start3A_477 : memref<1x1x1x88xi32, #tpu.memory_space<hbm>> -> memref<88xi32, #tpu.memory_space<hbm>>
        tpu.enqueue_dma source(%dma_start3A_478 : memref<88xi32, #tpu.memory_space<hbm>>) target(%dma_start3A_475 : memref<88xi32, #tpu.memory_space<vmem>>) target_semaphore(%arg12 : memref<!tpu.dma_semaphore, #tpu.memory_space<semaphore_mem>>)
        %dma_start3A_479 = arith.constant 1 : i32
        %dma_start3A_480 = arith.constant 0 : i32
        %dma_start3A_481 = tpu.memref_slice %arg8[%dma_start3A_479, %dma_start3A_480] : memref<4x88xi32, #tpu.memory_space<vmem>> -> memref<1x88xi32, #tpu.memory_space<vmem>>
        %dma_start3A_482 = tpu.memref_squeeze %dma_start3A_481 : memref<1x88xi32, #tpu.memory_space<vmem>> -> memref<88xi32, #tpu.memory_space<vmem>>
        %dma_start3A_483 = arith.constant 0 : i32
        %dma_start3A_484 = tpu.memref_slice %arg4[%arg0, %arg1, %add3A_465, %dma_start3A_483] : memref<2x16x228x88xi32, #tpu.memory_space<hbm>> -> memref<1x1x1x88xi32, #tpu.memory_space<hbm>>
        %dma_start3A_485 = tpu.memref_squeeze %dma_start3A_484 : memref<1x1x1x88xi32, #tpu.memory_space<hbm>> -> memref<88xi32, #tpu.memory_space<hbm>>
        %dma_start3A_486 = arith.constant 0 : i32
        %dma_start3A_487 = tpu.memref_slice %arg8[%dma_start3A_479, %dma_start3A_486] : memref<4x88xi32, #tpu.memory_space<vmem>> -> memref<1x88xi32, #tpu.memory_space<vmem>>
        %dma_start3A_488 = tpu.memref_squeeze %dma_start3A_487 : memref<1x88xi32, #tpu.memory_space<vmem>> -> memref<88xi32, #tpu.memory_space<vmem>>
        %dma_start3A_489 = arith.constant 0 : i32
        %dma_start3A_490 = tpu.memref_slice %arg4[%arg0, %arg1, %add3A_465, %dma_start3A_489] : memref<2x16x228x88xi32, #tpu.memory_space<hbm>> -> memref<1x1x1x88xi32, #tpu.memory_space<hbm>>
        %dma_start3A_491 = tpu.memref_squeeze %dma_start3A_490 : memref<1x1x1x88xi32, #tpu.memory_space<hbm>> -> memref<88xi32, #tpu.memory_space<hbm>>
        tpu.enqueue_dma source(%dma_start3A_491 : memref<88xi32, #tpu.memory_space<hbm>>) target(%dma_start3A_488 : memref<88xi32, #tpu.memory_space<vmem>>) target_semaphore(%arg16 : memref<!tpu.dma_semaphore, #tpu.memory_space<semaphore_mem>>)
      } else {
      }
      %add3A_348 = arith.constant 2 : i32
      %add3A_349 = arith.addi %mul3A_237, %add3A_348 : i32
      %dma_wait3A_350 = arith.constant 2 : i32
      %dma_wait3A_351 = arith.constant 2 : i32
      %dma_wait3A_352 = arith.constant 0 : i32
      %dma_wait3A_353 = arith.constant 0 : i32
      %dma_wait3A_354 = tpu.memref_slice %arg9[%dma_wait3A_351, %dma_wait3A_352, %dma_wait3A_353] : memref<4x88x128xf32, #tpu.memory_space<vmem>> -> memref<1x40x128xf32, #tpu.memory_space<vmem>>
      %dma_wait3A_355 = tpu.memref_squeeze %dma_wait3A_354 : memref<1x40x128xf32, #tpu.memory_space<vmem>> -> memref<40x128xf32, #tpu.memory_space<vmem>>
      %dma_wait3A_356 = arith.constant 0 : i32
      %dma_wait3A_357 = tpu.memref_slice %arg7[%dma_wait3A_350, %dma_wait3A_356] : memref<4x88xi32, #tpu.memory_space<vmem>> -> memref<1x40xi32, #tpu.memory_space<vmem>>
      %dma_wait3A_358 = tpu.memref_squeeze %dma_wait3A_357 : memref<1x40xi32, #tpu.memory_space<vmem>> -> memref<40xi32, #tpu.memory_space<vmem>>
      %dma_wait3A_359 = arith.constant 0 : i32
      %dma_wait3A_360 = arith.constant 0 : i32
      %dma_wait3A_361 = tpu.memref_slice %arg2[%dma_wait3A_359, %dma_wait3A_360] : memref<20000x128xf32, #tpu.memory_space<hbm>> -> memref<20000x128xf32, #tpu.memory_space<hbm>>
      tpu.wait_indirect_dma semaphore(%arg21 : memref<!tpu.dma_semaphore, #tpu.memory_space<semaphore_mem>>) src(%dma_wait3A_361 : memref<20000x128xf32, #tpu.memory_space<hbm>>) dst(%dma_wait3A_355 : memref<40x128xf32, #tpu.memory_space<vmem>>)
      %dma_wait3A_362 = arith.constant 2 : i32
      %dma_wait3A_363 = arith.constant 2 : i32
      %dma_wait3A_364 = arith.constant 40 : i32
      %dma_wait3A_365 = arith.constant 0 : i32
      %dma_wait3A_366 = tpu.memref_slice %arg9[%dma_wait3A_363, %dma_wait3A_364, %dma_wait3A_365] : memref<4x88x128xf32, #tpu.memory_space<vmem>> -> memref<1x48x128xf32, #tpu.memory_space<vmem>>
      %dma_wait3A_367 = tpu.memref_squeeze %dma_wait3A_366 : memref<1x48x128xf32, #tpu.memory_space<vmem>> -> memref<48x128xf32, #tpu.memory_space<vmem>>
      %dma_wait3A_368 = arith.constant 40 : i32
      %dma_wait3A_369 = tpu.memref_slice %arg7[%dma_wait3A_362, %dma_wait3A_368] : memref<4x88xi32, #tpu.memory_space<vmem>> -> memref<1x48xi32, #tpu.memory_space<vmem>>
      %dma_wait3A_370 = tpu.memref_squeeze %dma_wait3A_369 : memref<1x48xi32, #tpu.memory_space<vmem>> -> memref<48xi32, #tpu.memory_space<vmem>>
      %dma_wait3A_371 = arith.constant 0 : i32
      %dma_wait3A_372 = arith.constant 0 : i32
      %dma_wait3A_373 = tpu.memref_slice %arg2[%dma_wait3A_371, %dma_wait3A_372] : memref<20000x128xf32, #tpu.memory_space<hbm>> -> memref<20000x128xf32, #tpu.memory_space<hbm>>
      tpu.wait_indirect_dma semaphore(%arg25 : memref<!tpu.dma_semaphore, #tpu.memory_space<semaphore_mem>>) src(%dma_wait3A_373 : memref<20000x128xf32, #tpu.memory_space<hbm>>) dst(%dma_wait3A_367 : memref<48x128xf32, #tpu.memory_space<vmem>>)
      %add3A_374 = arith.constant 4 : i32
      %add3A_375 = arith.addi %add3A_349, %add3A_374 : i32
      %sub3A_376 = arith.constant 1 : i32
      %sub3A_377 = arith.subi %add3A_375, %sub3A_376 : i32
      %lt3A_378 = arith.constant 228 : i32
      %lt3A_379 = arith.cmpi slt, %sub3A_377, %lt3A_378 : i32
      %convert_element_type3A_380 = arith.extui %lt3A_379 : i1 to i32
      %cond3A_381 = arith.constant 0 : i32
      %cond3A_382 = arith.cmpi ne, %convert_element_type3A_380, %cond3A_381 : i32
      scf.if %cond3A_382 {
        %dma_wait3A_464 = arith.constant 0 : i32
        %dma_wait3A_465 = arith.constant 1 : i32
        %dma_wait3A_466 = arith.constant 0 : i32
        %dma_wait3A_467 = tpu.memref_slice %arg7[%dma_wait3A_465, %dma_wait3A_466] : memref<4x88xi32, #tpu.memory_space<vmem>> -> memref<1x88xi32, #tpu.memory_space<vmem>>
        %dma_wait3A_468 = tpu.memref_squeeze %dma_wait3A_467 : memref<1x88xi32, #tpu.memory_space<vmem>> -> memref<88xi32, #tpu.memory_space<vmem>>
        %dma_wait3A_469 = arith.constant 0 : i32
        %dma_wait3A_470 = tpu.memref_slice %arg3[%arg0, %arg1, %dma_wait3A_464, %dma_wait3A_469] : memref<2x16x228x88xi32, #tpu.memory_space<hbm>> -> memref<1x1x1x88xi32, #tpu.memory_space<hbm>>
        %dma_wait3A_471 = tpu.memref_squeeze %dma_wait3A_470 : memref<1x1x1x88xi32, #tpu.memory_space<hbm>> -> memref<88xi32, #tpu.memory_space<hbm>>
        %dma_wait3A_472 = arith.constant 0 : i32
        %dma_wait3A_473 = tpu.memref_slice %arg7[%dma_wait3A_465, %dma_wait3A_472] : memref<4x88xi32, #tpu.memory_space<vmem>> -> memref<1x88xi32, #tpu.memory_space<vmem>>
        %dma_wait3A_474 = tpu.memref_squeeze %dma_wait3A_473 : memref<1x88xi32, #tpu.memory_space<vmem>> -> memref<88xi32, #tpu.memory_space<vmem>>
        %dma_wait3A_475 = arith.constant 0 : i32
        %dma_wait3A_476 = tpu.memref_slice %arg3[%arg0, %arg1, %dma_wait3A_464, %dma_wait3A_475] : memref<2x16x228x88xi32, #tpu.memory_space<hbm>> -> memref<1x1x1x88xi32, #tpu.memory_space<hbm>>
        %dma_wait3A_477 = tpu.memref_squeeze %dma_wait3A_476 : memref<1x1x1x88xi32, #tpu.memory_space<hbm>> -> memref<88xi32, #tpu.memory_space<hbm>>
        tpu.wait_dma2 semaphore(%arg12 : memref<!tpu.dma_semaphore, #tpu.memory_space<semaphore_mem>>) src(%dma_wait3A_477 : memref<88xi32, #tpu.memory_space<hbm>>) dst(%dma_wait3A_474 : memref<88xi32, #tpu.memory_space<vmem>>)
        %dma_start3A_478 = arith.constant 1 : i32
        %dma_start3A_479 = arith.constant 1 : i32
        %dma_start3A_480 = arith.constant 0 : i32
        %dma_start3A_481 = arith.constant 0 : i32
        %dma_start3A_482 = tpu.memref_slice %arg9[%dma_start3A_479, %dma_start3A_480, %dma_start3A_481] : memref<4x88x128xf32, #tpu.memory_space<vmem>> -> memref<1x40x128xf32, #tpu.memory_space<vmem>>
        %dma_start3A_483 = tpu.memref_squeeze %dma_start3A_482 : memref<1x40x128xf32, #tpu.memory_space<vmem>> -> memref<40x128xf32, #tpu.memory_space<vmem>>
        %dma_start3A_484 = arith.constant 0 : i32
        %dma_start3A_485 = tpu.memref_slice %arg7[%dma_start3A_478, %dma_start3A_484] : memref<4x88xi32, #tpu.memory_space<vmem>> -> memref<1x40xi32, #tpu.memory_space<vmem>>
        %dma_start3A_486 = tpu.memref_squeeze %dma_start3A_485 : memref<1x40xi32, #tpu.memory_space<vmem>> -> memref<40xi32, #tpu.memory_space<vmem>>
        %dma_start3A_487 = arith.constant 0 : i32
        %dma_start3A_488 = arith.constant 0 : i32
        %dma_start3A_489 = tpu.memref_slice %arg2[%dma_start3A_487, %dma_start3A_488] : memref<20000x128xf32, #tpu.memory_space<hbm>> -> memref<20000x128xf32, #tpu.memory_space<hbm>>
        tpu.enqueue_indirect_dma source(%dma_start3A_489 : memref<20000x128xf32, #tpu.memory_space<hbm>>) target(%dma_start3A_483 : memref<40x128xf32, #tpu.memory_space<vmem>>) offsets(%dma_start3A_486 : memref<40xi32, #tpu.memory_space<vmem>>) semaphore(%arg20 : memref<!tpu.dma_semaphore, #tpu.memory_space<semaphore_mem>>)
        %dma_start3A_490 = arith.constant 1 : i32
        %dma_start3A_491 = arith.constant 1 : i32
        %dma_start3A_492 = arith.constant 40 : i32
        %dma_start3A_493 = arith.constant 0 : i32
        %dma_start3A_494 = tpu.memref_slice %arg9[%dma_start3A_491, %dma_start3A_492, %dma_start3A_493] : memref<4x88x128xf32, #tpu.memory_space<vmem>> -> memref<1x48x128xf32, #tpu.memory_space<vmem>>
        %dma_start3A_495 = tpu.memref_squeeze %dma_start3A_494 : memref<1x48x128xf32, #tpu.memory_space<vmem>> -> memref<48x128xf32, #tpu.memory_space<vmem>>
        %dma_start3A_496 = arith.constant 40 : i32
        %dma_start3A_497 = tpu.memref_slice %arg7[%dma_start3A_490, %dma_start3A_496] : memref<4x88xi32, #tpu.memory_space<vmem>> -> memref<1x48xi32, #tpu.memory_space<vmem>>
        %dma_start3A_498 = tpu.memref_squeeze %dma_start3A_497 : memref<1x48xi32, #tpu.memory_space<vmem>> -> memref<48xi32, #tpu.memory_space<vmem>>
        %dma_start3A_499 = arith.constant 0 : i32
        %dma_start3A_500 = arith.constant 0 : i32
        %dma_start3A_501 = tpu.memref_slice %arg2[%dma_start3A_499, %dma_start3A_500] : memref<20000x128xf32, #tpu.memory_space<hbm>> -> memref<20000x128xf32, #tpu.memory_space<hbm>>
        tpu.enqueue_indirect_dma source(%dma_start3A_501 : memref<20000x128xf32, #tpu.memory_space<hbm>>) target(%dma_start3A_495 : memref<48x128xf32, #tpu.memory_space<vmem>>) offsets(%dma_start3A_498 : memref<48xi32, #tpu.memory_space<vmem>>) semaphore(%arg24 : memref<!tpu.dma_semaphore, #tpu.memory_space<semaphore_mem>>)
      } else {
      }
      %dma_wait3A_383 = arith.constant 0 : i32
      %dma_wait3A_384 = arith.constant 2 : i32
      %dma_wait3A_385 = arith.constant 0 : i32
      %dma_wait3A_386 = tpu.memref_slice %arg8[%dma_wait3A_384, %dma_wait3A_385] : memref<4x88xi32, #tpu.memory_space<vmem>> -> memref<1x88xi32, #tpu.memory_space<vmem>>
      %dma_wait3A_387 = tpu.memref_squeeze %dma_wait3A_386 : memref<1x88xi32, #tpu.memory_space<vmem>> -> memref<88xi32, #tpu.memory_space<vmem>>
      %dma_wait3A_388 = arith.constant 0 : i32
      %dma_wait3A_389 = tpu.memref_slice %arg3[%arg0, %arg1, %dma_wait3A_383, %dma_wait3A_388] : memref<2x16x228x88xi32, #tpu.memory_space<hbm>> -> memref<1x1x1x88xi32, #tpu.memory_space<hbm>>
      %dma_wait3A_390 = tpu.memref_squeeze %dma_wait3A_389 : memref<1x1x1x88xi32, #tpu.memory_space<hbm>> -> memref<88xi32, #tpu.memory_space<hbm>>
      %dma_wait3A_391 = arith.constant 0 : i32
      %dma_wait3A_392 = tpu.memref_slice %arg8[%dma_wait3A_384, %dma_wait3A_391] : memref<4x88xi32, #tpu.memory_space<vmem>> -> memref<1x88xi32, #tpu.memory_space<vmem>>
      %dma_wait3A_393 = tpu.memref_squeeze %dma_wait3A_392 : memref<1x88xi32, #tpu.memory_space<vmem>> -> memref<88xi32, #tpu.memory_space<vmem>>
      %dma_wait3A_394 = arith.constant 0 : i32
      %dma_wait3A_395 = tpu.memref_slice %arg3[%arg0, %arg1, %dma_wait3A_383, %dma_wait3A_394] : memref<2x16x228x88xi32, #tpu.memory_space<hbm>> -> memref<1x1x1x88xi32, #tpu.memory_space<hbm>>
      %dma_wait3A_396 = tpu.memref_squeeze %dma_wait3A_395 : memref<1x1x1x88xi32, #tpu.memory_space<hbm>> -> memref<88xi32, #tpu.memory_space<hbm>>
      tpu.wait_dma2 semaphore(%arg17 : memref<!tpu.dma_semaphore, #tpu.memory_space<semaphore_mem>>) src(%dma_wait3A_396 : memref<88xi32, #tpu.memory_space<hbm>>) dst(%dma_wait3A_393 : memref<88xi32, #tpu.memory_space<vmem>>)
      %run_scoped3A_397 = arith.constant 2 : i32
      %run_scoped3A_398 = arith.constant 2 : i32
      "tpu.region"() ({
        %run_scoped3A_464 = tpu.sem_alloc : memref<!tpu.dma_semaphore, #tpu.memory_space<semaphore_mem>>
        %dma_start3A_465 = arith.constant 0 : i32
        %dma_start3A_466 = arith.constant 0 : i32
        %dma_start3A_467 = tpu.memref_slice %arg9[%run_scoped3A_397, %dma_start3A_465, %dma_start3A_466] : memref<4x88x128xf32, #tpu.memory_space<vmem>> -> memref<1x88x128xf32, #tpu.memory_space<vmem>>
        %dma_start3A_468 = tpu.memref_squeeze %dma_start3A_467 : memref<1x88x128xf32, #tpu.memory_space<vmem>> -> memref<88x128xf32, #tpu.memory_space<vmem>>
        %dma_start3A_469 = arith.constant 0 : i32
        %dma_start3A_470 = tpu.memref_slice %arg8[%run_scoped3A_398, %dma_start3A_469] : memref<4x88xi32, #tpu.memory_space<vmem>> -> memref<1x88xi32, #tpu.memory_space<vmem>>
        %dma_start3A_471 = tpu.memref_squeeze %dma_start3A_470 : memref<1x88xi32, #tpu.memory_space<vmem>> -> memref<88xi32, #tpu.memory_space<vmem>>
        %dma_start3A_472 = arith.constant 0 : i32
        %dma_start3A_473 = arith.constant 0 : i32
        %dma_start3A_474 = tpu.memref_slice %arg10[%dma_start3A_472, %dma_start3A_473] : memref<10112x128xf32, #tpu.memory_space<vmem_shared>> -> memref<10112x128xf32, #tpu.memory_space<vmem_shared>>
        tpu.enqueue_indirect_dma source(%dma_start3A_468 : memref<88x128xf32, #tpu.memory_space<vmem>>) target(%dma_start3A_474 : memref<10112x128xf32, #tpu.memory_space<vmem_shared>>) offsets(%dma_start3A_471 : memref<88xi32, #tpu.memory_space<vmem>>) semaphore(%run_scoped3A_464 : memref<!tpu.dma_semaphore, #tpu.memory_space<semaphore_mem>>) {add = true}
        %dma_wait3A_475 = arith.constant 0 : i32
        %dma_wait3A_476 = arith.constant 0 : i32
        %dma_wait3A_477 = tpu.memref_slice %arg9[%run_scoped3A_397, %dma_wait3A_475, %dma_wait3A_476] : memref<4x88x128xf32, #tpu.memory_space<vmem>> -> memref<1x88x128xf32, #tpu.memory_space<vmem>>
        %dma_wait3A_478 = tpu.memref_squeeze %dma_wait3A_477 : memref<1x88x128xf32, #tpu.memory_space<vmem>> -> memref<88x128xf32, #tpu.memory_space<vmem>>
        %dma_wait3A_479 = arith.constant 0 : i32
        %dma_wait3A_480 = tpu.memref_slice %arg8[%run_scoped3A_398, %dma_wait3A_479] : memref<4x88xi32, #tpu.memory_space<vmem>> -> memref<1x88xi32, #tpu.memory_space<vmem>>
        %dma_wait3A_481 = tpu.memref_squeeze %dma_wait3A_480 : memref<1x88xi32, #tpu.memory_space<vmem>> -> memref<88xi32, #tpu.memory_space<vmem>>
        %dma_wait3A_482 = arith.constant 0 : i32
        %dma_wait3A_483 = arith.constant 0 : i32
        %dma_wait3A_484 = tpu.memref_slice %arg10[%dma_wait3A_482, %dma_wait3A_483] : memref<10112x128xf32, #tpu.memory_space<vmem_shared>> -> memref<10112x128xf32, #tpu.memory_space<vmem_shared>>
        tpu.wait_indirect_dma semaphore(%run_scoped3A_464 : memref<!tpu.dma_semaphore, #tpu.memory_space<semaphore_mem>>) src(%dma_wait3A_478 : memref<88x128xf32, #tpu.memory_space<vmem>>) dst(%dma_wait3A_484 : memref<10112x128xf32, #tpu.memory_space<vmem_shared>>)
        tpu.yield
      }) : () -> ()
      %add3A_399 = arith.constant 4 : i32
      %add3A_400 = arith.addi %add3A_349, %add3A_399 : i32
      %lt3A_401 = arith.constant 228 : i32
      %lt3A_402 = arith.cmpi slt, %add3A_400, %lt3A_401 : i32
      %convert_element_type3A_403 = arith.extui %lt3A_402 : i1 to i32
      %cond3A_404 = arith.constant 0 : i32
      %cond3A_405 = arith.cmpi ne, %convert_element_type3A_403, %cond3A_404 : i32
      scf.if %cond3A_405 {
        %add3A_464 = arith.constant 4 : i32
        %add3A_465 = arith.addi %add3A_349, %add3A_464 : i32
        %dma_start3A_466 = arith.constant 2 : i32
        %dma_start3A_467 = arith.constant 0 : i32
        %dma_start3A_468 = tpu.memref_slice %arg7[%dma_start3A_466, %dma_start3A_467] : memref<4x88xi32, #tpu.memory_space<vmem>> -> memref<1x88xi32, #tpu.memory_space<vmem>>
        %dma_start3A_469 = tpu.memref_squeeze %dma_start3A_468 : memref<1x88xi32, #tpu.memory_space<vmem>> -> memref<88xi32, #tpu.memory_space<vmem>>
        %dma_start3A_470 = arith.constant 0 : i32
        %dma_start3A_471 = tpu.memref_slice %arg3[%arg0, %arg1, %add3A_465, %dma_start3A_470] : memref<2x16x228x88xi32, #tpu.memory_space<hbm>> -> memref<1x1x1x88xi32, #tpu.memory_space<hbm>>
        %dma_start3A_472 = tpu.memref_squeeze %dma_start3A_471 : memref<1x1x1x88xi32, #tpu.memory_space<hbm>> -> memref<88xi32, #tpu.memory_space<hbm>>
        %dma_start3A_473 = arith.constant 0 : i32
        %dma_start3A_474 = tpu.memref_slice %arg7[%dma_start3A_466, %dma_start3A_473] : memref<4x88xi32, #tpu.memory_space<vmem>> -> memref<1x88xi32, #tpu.memory_space<vmem>>
        %dma_start3A_475 = tpu.memref_squeeze %dma_start3A_474 : memref<1x88xi32, #tpu.memory_space<vmem>> -> memref<88xi32, #tpu.memory_space<vmem>>
        %dma_start3A_476 = arith.constant 0 : i32
        %dma_start3A_477 = tpu.memref_slice %arg3[%arg0, %arg1, %add3A_465, %dma_start3A_476] : memref<2x16x228x88xi32, #tpu.memory_space<hbm>> -> memref<1x1x1x88xi32, #tpu.memory_space<hbm>>
        %dma_start3A_478 = tpu.memref_squeeze %dma_start3A_477 : memref<1x1x1x88xi32, #tpu.memory_space<hbm>> -> memref<88xi32, #tpu.memory_space<hbm>>
        tpu.enqueue_dma source(%dma_start3A_478 : memref<88xi32, #tpu.memory_space<hbm>>) target(%dma_start3A_475 : memref<88xi32, #tpu.memory_space<vmem>>) target_semaphore(%arg13 : memref<!tpu.dma_semaphore, #tpu.memory_space<semaphore_mem>>)
        %dma_start3A_479 = arith.constant 2 : i32
        %dma_start3A_480 = arith.constant 0 : i32
        %dma_start3A_481 = tpu.memref_slice %arg8[%dma_start3A_479, %dma_start3A_480] : memref<4x88xi32, #tpu.memory_space<vmem>> -> memref<1x88xi32, #tpu.memory_space<vmem>>
        %dma_start3A_482 = tpu.memref_squeeze %dma_start3A_481 : memref<1x88xi32, #tpu.memory_space<vmem>> -> memref<88xi32, #tpu.memory_space<vmem>>
        %dma_start3A_483 = arith.constant 0 : i32
        %dma_start3A_484 = tpu.memref_slice %arg4[%arg0, %arg1, %add3A_465, %dma_start3A_483] : memref<2x16x228x88xi32, #tpu.memory_space<hbm>> -> memref<1x1x1x88xi32, #tpu.memory_space<hbm>>
        %dma_start3A_485 = tpu.memref_squeeze %dma_start3A_484 : memref<1x1x1x88xi32, #tpu.memory_space<hbm>> -> memref<88xi32, #tpu.memory_space<hbm>>
        %dma_start3A_486 = arith.constant 0 : i32
        %dma_start3A_487 = tpu.memref_slice %arg8[%dma_start3A_479, %dma_start3A_486] : memref<4x88xi32, #tpu.memory_space<vmem>> -> memref<1x88xi32, #tpu.memory_space<vmem>>
        %dma_start3A_488 = tpu.memref_squeeze %dma_start3A_487 : memref<1x88xi32, #tpu.memory_space<vmem>> -> memref<88xi32, #tpu.memory_space<vmem>>
        %dma_start3A_489 = arith.constant 0 : i32
        %dma_start3A_490 = tpu.memref_slice %arg4[%arg0, %arg1, %add3A_465, %dma_start3A_489] : memref<2x16x228x88xi32, #tpu.memory_space<hbm>> -> memref<1x1x1x88xi32, #tpu.memory_space<hbm>>
        %dma_start3A_491 = tpu.memref_squeeze %dma_start3A_490 : memref<1x1x1x88xi32, #tpu.memory_space<hbm>> -> memref<88xi32, #tpu.memory_space<hbm>>
        tpu.enqueue_dma source(%dma_start3A_491 : memref<88xi32, #tpu.memory_space<hbm>>) target(%dma_start3A_488 : memref<88xi32, #tpu.memory_space<vmem>>) target_semaphore(%arg17 : memref<!tpu.dma_semaphore, #tpu.memory_space<semaphore_mem>>)
      } else {
      }
      %add3A_406 = arith.constant 3 : i32
      %add3A_407 = arith.addi %mul3A_237, %add3A_406 : i32
      %dma_wait3A_408 = arith.constant 3 : i32
      %dma_wait3A_409 = arith.constant 3 : i32
      %dma_wait3A_410 = arith.constant 0 : i32
      %dma_wait3A_411 = arith.constant 0 : i32
      %dma_wait3A_412 = tpu.memref_slice %arg9[%dma_wait3A_409, %dma_wait3A_410, %dma_wait3A_411] : memref<4x88x128xf32, #tpu.memory_space<vmem>> -> memref<1x40x128xf32, #tpu.memory_space<vmem>>
      %dma_wait3A_413 = tpu.memref_squeeze %dma_wait3A_412 : memref<1x40x128xf32, #tpu.memory_space<vmem>> -> memref<40x128xf32, #tpu.memory_space<vmem>>
      %dma_wait3A_414 = arith.constant 0 : i32
      %dma_wait3A_415 = tpu.memref_slice %arg7[%dma_wait3A_408, %dma_wait3A_414] : memref<4x88xi32, #tpu.memory_space<vmem>> -> memref<1x40xi32, #tpu.memory_space<vmem>>
      %dma_wait3A_416 = tpu.memref_squeeze %dma_wait3A_415 : memref<1x40xi32, #tpu.memory_space<vmem>> -> memref<40xi32, #tpu.memory_space<vmem>>
      %dma_wait3A_417 = arith.constant 0 : i32
      %dma_wait3A_418 = arith.constant 0 : i32
      %dma_wait3A_419 = tpu.memref_slice %arg2[%dma_wait3A_417, %dma_wait3A_418] : memref<20000x128xf32, #tpu.memory_space<hbm>> -> memref<20000x128xf32, #tpu.memory_space<hbm>>
      tpu.wait_indirect_dma semaphore(%arg22 : memref<!tpu.dma_semaphore, #tpu.memory_space<semaphore_mem>>) src(%dma_wait3A_419 : memref<20000x128xf32, #tpu.memory_space<hbm>>) dst(%dma_wait3A_413 : memref<40x128xf32, #tpu.memory_space<vmem>>)
      %dma_wait3A_420 = arith.constant 3 : i32
      %dma_wait3A_421 = arith.constant 3 : i32
      %dma_wait3A_422 = arith.constant 40 : i32
      %dma_wait3A_423 = arith.constant 0 : i32
      %dma_wait3A_424 = tpu.memref_slice %arg9[%dma_wait3A_421, %dma_wait3A_422, %dma_wait3A_423] : memref<4x88x128xf32, #tpu.memory_space<vmem>> -> memref<1x48x128xf32, #tpu.memory_space<vmem>>
      %dma_wait3A_425 = tpu.memref_squeeze %dma_wait3A_424 : memref<1x48x128xf32, #tpu.memory_space<vmem>> -> memref<48x128xf32, #tpu.memory_space<vmem>>
      %dma_wait3A_426 = arith.constant 40 : i32
      %dma_wait3A_427 = tpu.memref_slice %arg7[%dma_wait3A_420, %dma_wait3A_426] : memref<4x88xi32, #tpu.memory_space<vmem>> -> memref<1x48xi32, #tpu.memory_space<vmem>>
      %dma_wait3A_428 = tpu.memref_squeeze %dma_wait3A_427 : memref<1x48xi32, #tpu.memory_space<vmem>> -> memref<48xi32, #tpu.memory_space<vmem>>
      %dma_wait3A_429 = arith.constant 0 : i32
      %dma_wait3A_430 = arith.constant 0 : i32
      %dma_wait3A_431 = tpu.memref_slice %arg2[%dma_wait3A_429, %dma_wait3A_430] : memref<20000x128xf32, #tpu.memory_space<hbm>> -> memref<20000x128xf32, #tpu.memory_space<hbm>>
      tpu.wait_indirect_dma semaphore(%arg26 : memref<!tpu.dma_semaphore, #tpu.memory_space<semaphore_mem>>) src(%dma_wait3A_431 : memref<20000x128xf32, #tpu.memory_space<hbm>>) dst(%dma_wait3A_425 : memref<48x128xf32, #tpu.memory_space<vmem>>)
      %add3A_432 = arith.constant 4 : i32
      %add3A_433 = arith.addi %add3A_407, %add3A_432 : i32
      %sub3A_434 = arith.constant 1 : i32
      %sub3A_435 = arith.subi %add3A_433, %sub3A_434 : i32
      %lt3A_436 = arith.constant 228 : i32
      %lt3A_437 = arith.cmpi slt, %sub3A_435, %lt3A_436 : i32
      %convert_element_type3A_438 = arith.extui %lt3A_437 : i1 to i32
      %cond3A_439 = arith.constant 0 : i32
      %cond3A_440 = arith.cmpi ne, %convert_element_type3A_438, %cond3A_439 : i32
      scf.if %cond3A_440 {
        %dma_wait3A_464 = arith.constant 0 : i32
        %dma_wait3A_465 = arith.constant 2 : i32
        %dma_wait3A_466 = arith.constant 0 : i32
        %dma_wait3A_467 = tpu.memref_slice %arg7[%dma_wait3A_465, %dma_wait3A_466] : memref<4x88xi32, #tpu.memory_space<vmem>> -> memref<1x88xi32, #tpu.memory_space<vmem>>
        %dma_wait3A_468 = tpu.memref_squeeze %dma_wait3A_467 : memref<1x88xi32, #tpu.memory_space<vmem>> -> memref<88xi32, #tpu.memory_space<vmem>>
        %dma_wait3A_469 = arith.constant 0 : i32
        %dma_wait3A_470 = tpu.memref_slice %arg3[%arg0, %arg1, %dma_wait3A_464, %dma_wait3A_469] : memref<2x16x228x88xi32, #tpu.memory_space<hbm>> -> memref<1x1x1x88xi32, #tpu.memory_space<hbm>>
        %dma_wait3A_471 = tpu.memref_squeeze %dma_wait3A_470 : memref<1x1x1x88xi32, #tpu.memory_space<hbm>> -> memref<88xi32, #tpu.memory_space<hbm>>
        %dma_wait3A_472 = arith.constant 0 : i32
        %dma_wait3A_473 = tpu.memref_slice %arg7[%dma_wait3A_465, %dma_wait3A_472] : memref<4x88xi32, #tpu.memory_space<vmem>> -> memref<1x88xi32, #tpu.memory_space<vmem>>
        %dma_wait3A_474 = tpu.memref_squeeze %dma_wait3A_473 : memref<1x88xi32, #tpu.memory_space<vmem>> -> memref<88xi32, #tpu.memory_space<vmem>>
        %dma_wait3A_475 = arith.constant 0 : i32
        %dma_wait3A_476 = tpu.memref_slice %arg3[%arg0, %arg1, %dma_wait3A_464, %dma_wait3A_475] : memref<2x16x228x88xi32, #tpu.memory_space<hbm>> -> memref<1x1x1x88xi32, #tpu.memory_space<hbm>>
        %dma_wait3A_477 = tpu.memref_squeeze %dma_wait3A_476 : memref<1x1x1x88xi32, #tpu.memory_space<hbm>> -> memref<88xi32, #tpu.memory_space<hbm>>
        tpu.wait_dma2 semaphore(%arg13 : memref<!tpu.dma_semaphore, #tpu.memory_space<semaphore_mem>>) src(%dma_wait3A_477 : memref<88xi32, #tpu.memory_space<hbm>>) dst(%dma_wait3A_474 : memref<88xi32, #tpu.memory_space<vmem>>)
        %dma_start3A_478 = arith.constant 2 : i32
        %dma_start3A_479 = arith.constant 2 : i32
        %dma_start3A_480 = arith.constant 0 : i32
        %dma_start3A_481 = arith.constant 0 : i32
        %dma_start3A_482 = tpu.memref_slice %arg9[%dma_start3A_479, %dma_start3A_480, %dma_start3A_481] : memref<4x88x128xf32, #tpu.memory_space<vmem>> -> memref<1x40x128xf32, #tpu.memory_space<vmem>>
        %dma_start3A_483 = tpu.memref_squeeze %dma_start3A_482 : memref<1x40x128xf32, #tpu.memory_space<vmem>> -> memref<40x128xf32, #tpu.memory_space<vmem>>
        %dma_start3A_484 = arith.constant 0 : i32
        %dma_start3A_485 = tpu.memref_slice %arg7[%dma_start3A_478, %dma_start3A_484] : memref<4x88xi32, #tpu.memory_space<vmem>> -> memref<1x40xi32, #tpu.memory_space<vmem>>
        %dma_start3A_486 = tpu.memref_squeeze %dma_start3A_485 : memref<1x40xi32, #tpu.memory_space<vmem>> -> memref<40xi32, #tpu.memory_space<vmem>>
        %dma_start3A_487 = arith.constant 0 : i32
        %dma_start3A_488 = arith.constant 0 : i32
        %dma_start3A_489 = tpu.memref_slice %arg2[%dma_start3A_487, %dma_start3A_488] : memref<20000x128xf32, #tpu.memory_space<hbm>> -> memref<20000x128xf32, #tpu.memory_space<hbm>>
        tpu.enqueue_indirect_dma source(%dma_start3A_489 : memref<20000x128xf32, #tpu.memory_space<hbm>>) target(%dma_start3A_483 : memref<40x128xf32, #tpu.memory_space<vmem>>) offsets(%dma_start3A_486 : memref<40xi32, #tpu.memory_space<vmem>>) semaphore(%arg21 : memref<!tpu.dma_semaphore, #tpu.memory_space<semaphore_mem>>)
        %dma_start3A_490 = arith.constant 2 : i32
        %dma_start3A_491 = arith.constant 2 : i32
        %dma_start3A_492 = arith.constant 40 : i32
        %dma_start3A_493 = arith.constant 0 : i32
        %dma_start3A_494 = tpu.memref_slice %arg9[%dma_start3A_491, %dma_start3A_492, %dma_start3A_493] : memref<4x88x128xf32, #tpu.memory_space<vmem>> -> memref<1x48x128xf32, #tpu.memory_space<vmem>>
        %dma_start3A_495 = tpu.memref_squeeze %dma_start3A_494 : memref<1x48x128xf32, #tpu.memory_space<vmem>> -> memref<48x128xf32, #tpu.memory_space<vmem>>
        %dma_start3A_496 = arith.constant 40 : i32
        %dma_start3A_497 = tpu.memref_slice %arg7[%dma_start3A_490, %dma_start3A_496] : memref<4x88xi32, #tpu.memory_space<vmem>> -> memref<1x48xi32, #tpu.memory_space<vmem>>
        %dma_start3A_498 = tpu.memref_squeeze %dma_start3A_497 : memref<1x48xi32, #tpu.memory_space<vmem>> -> memref<48xi32, #tpu.memory_space<vmem>>
        %dma_start3A_499 = arith.constant 0 : i32
        %dma_start3A_500 = arith.constant 0 : i32
        %dma_start3A_501 = tpu.memref_slice %arg2[%dma_start3A_499, %dma_start3A_500] : memref<20000x128xf32, #tpu.memory_space<hbm>> -> memref<20000x128xf32, #tpu.memory_space<hbm>>
        tpu.enqueue_indirect_dma source(%dma_start3A_501 : memref<20000x128xf32, #tpu.memory_space<hbm>>) target(%dma_start3A_495 : memref<48x128xf32, #tpu.memory_space<vmem>>) offsets(%dma_start3A_498 : memref<48xi32, #tpu.memory_space<vmem>>) semaphore(%arg25 : memref<!tpu.dma_semaphore, #tpu.memory_space<semaphore_mem>>)
      } else {
      }
      %dma_wait3A_441 = arith.constant 0 : i32
      %dma_wait3A_442 = arith.constant 3 : i32
      %dma_wait3A_443 = arith.constant 0 : i32
      %dma_wait3A_444 = tpu.memref_slice %arg8[%dma_wait3A_442, %dma_wait3A_443] : memref<4x88xi32, #tpu.memory_space<vmem>> -> memref<1x88xi32, #tpu.memory_space<vmem>>
      %dma_wait3A_445 = tpu.memref_squeeze %dma_wait3A_444 : memref<1x88xi32, #tpu.memory_space<vmem>> -> memref<88xi32, #tpu.memory_space<vmem>>
      %dma_wait3A_446 = arith.constant 0 : i32
      %dma_wait3A_447 = tpu.memref_slice %arg3[%arg0, %arg1, %dma_wait3A_441, %dma_wait3A_446] : memref<2x16x228x88xi32, #tpu.memory_space<hbm>> -> memref<1x1x1x88xi32, #tpu.memory_space<hbm>>
      %dma_wait3A_448 = tpu.memref_squeeze %dma_wait3A_447 : memref<1x1x1x88xi32, #tpu.memory_space<hbm>> -> memref<88xi32, #tpu.memory_space<hbm>>
      %dma_wait3A_449 = arith.constant 0 : i32
      %dma_wait3A_450 = tpu.memref_slice %arg8[%dma_wait3A_442, %dma_wait3A_449] : memref<4x88xi32, #tpu.memory_space<vmem>> -> memref<1x88xi32, #tpu.memory_space<vmem>>
      %dma_wait3A_451 = tpu.memref_squeeze %dma_wait3A_450 : memref<1x88xi32, #tpu.memory_space<vmem>> -> memref<88xi32, #tpu.memory_space<vmem>>
      %dma_wait3A_452 = arith.constant 0 : i32
      %dma_wait3A_453 = tpu.memref_slice %arg3[%arg0, %arg1, %dma_wait3A_441, %dma_wait3A_452] : memref<2x16x228x88xi32, #tpu.memory_space<hbm>> -> memref<1x1x1x88xi32, #tpu.memory_space<hbm>>
      %dma_wait3A_454 = tpu.memref_squeeze %dma_wait3A_453 : memref<1x1x1x88xi32, #tpu.memory_space<hbm>> -> memref<88xi32, #tpu.memory_space<hbm>>
      tpu.wait_dma2 semaphore(%arg18 : memref<!tpu.dma_semaphore, #tpu.memory_space<semaphore_mem>>) src(%dma_wait3A_454 : memref<88xi32, #tpu.memory_space<hbm>>) dst(%dma_wait3A_451 : memref<88xi32, #tpu.memory_space<vmem>>)
      %run_scoped3A_455 = arith.constant 3 : i32
      %run_scoped3A_456 = arith.constant 3 : i32
      "tpu.region"() ({
        %run_scoped3A_464 = tpu.sem_alloc : memref<!tpu.dma_semaphore, #tpu.memory_space<semaphore_mem>>
        %dma_start3A_465 = arith.constant 0 : i32
        %dma_start3A_466 = arith.constant 0 : i32
        %dma_start3A_467 = tpu.memref_slice %arg9[%run_scoped3A_455, %dma_start3A_465, %dma_start3A_466] : memref<4x88x128xf32, #tpu.memory_space<vmem>> -> memref<1x88x128xf32, #tpu.memory_space<vmem>>
        %dma_start3A_468 = tpu.memref_squeeze %dma_start3A_467 : memref<1x88x128xf32, #tpu.memory_space<vmem>> -> memref<88x128xf32, #tpu.memory_space<vmem>>
        %dma_start3A_469 = arith.constant 0 : i32
        %dma_start3A_470 = tpu.memref_slice %arg8[%run_scoped3A_456, %dma_start3A_469] : memref<4x88xi32, #tpu.memory_space<vmem>> -> memref<1x88xi32, #tpu.memory_space<vmem>>
        %dma_start3A_471 = tpu.memref_squeeze %dma_start3A_470 : memref<1x88xi32, #tpu.memory_space<vmem>> -> memref<88xi32, #tpu.memory_space<vmem>>
        %dma_start3A_472 = arith.constant 0 : i32
        %dma_start3A_473 = arith.constant 0 : i32
        %dma_start3A_474 = tpu.memref_slice %arg10[%dma_start3A_472, %dma_start3A_473] : memref<10112x128xf32, #tpu.memory_space<vmem_shared>> -> memref<10112x128xf32, #tpu.memory_space<vmem_shared>>
        tpu.enqueue_indirect_dma source(%dma_start3A_468 : memref<88x128xf32, #tpu.memory_space<vmem>>) target(%dma_start3A_474 : memref<10112x128xf32, #tpu.memory_space<vmem_shared>>) offsets(%dma_start3A_471 : memref<88xi32, #tpu.memory_space<vmem>>) semaphore(%run_scoped3A_464 : memref<!tpu.dma_semaphore, #tpu.memory_space<semaphore_mem>>) {add = true}
        %dma_wait3A_475 = arith.constant 0 : i32
        %dma_wait3A_476 = arith.constant 0 : i32
        %dma_wait3A_477 = tpu.memref_slice %arg9[%run_scoped3A_455, %dma_wait3A_475, %dma_wait3A_476] : memref<4x88x128xf32, #tpu.memory_space<vmem>> -> memref<1x88x128xf32, #tpu.memory_space<vmem>>
        %dma_wait3A_478 = tpu.memref_squeeze %dma_wait3A_477 : memref<1x88x128xf32, #tpu.memory_space<vmem>> -> memref<88x128xf32, #tpu.memory_space<vmem>>
        %dma_wait3A_479 = arith.constant 0 : i32
        %dma_wait3A_480 = tpu.memref_slice %arg8[%run_scoped3A_456, %dma_wait3A_479] : memref<4x88xi32, #tpu.memory_space<vmem>> -> memref<1x88xi32, #tpu.memory_space<vmem>>
        %dma_wait3A_481 = tpu.memref_squeeze %dma_wait3A_480 : memref<1x88xi32, #tpu.memory_space<vmem>> -> memref<88xi32, #tpu.memory_space<vmem>>
        %dma_wait3A_482 = arith.constant 0 : i32
        %dma_wait3A_483 = arith.constant 0 : i32
        %dma_wait3A_484 = tpu.memref_slice %arg10[%dma_wait3A_482, %dma_wait3A_483] : memref<10112x128xf32, #tpu.memory_space<vmem_shared>> -> memref<10112x128xf32, #tpu.memory_space<vmem_shared>>
        tpu.wait_indirect_dma semaphore(%run_scoped3A_464 : memref<!tpu.dma_semaphore, #tpu.memory_space<semaphore_mem>>) src(%dma_wait3A_478 : memref<88x128xf32, #tpu.memory_space<vmem>>) dst(%dma_wait3A_484 : memref<10112x128xf32, #tpu.memory_space<vmem_shared>>)
        tpu.yield
      }) : () -> ()
      %add3A_457 = arith.constant 4 : i32
      %add3A_458 = arith.addi %add3A_407, %add3A_457 : i32
      %lt3A_459 = arith.constant 228 : i32
      %lt3A_460 = arith.cmpi slt, %add3A_458, %lt3A_459 : i32
      %convert_element_type3A_461 = arith.extui %lt3A_460 : i1 to i32
      %cond3A_462 = arith.constant 0 : i32
      %cond3A_463 = arith.cmpi ne, %convert_element_type3A_461, %cond3A_462 : i32
      scf.if %cond3A_463 {
        %add3A_464 = arith.constant 4 : i32
        %add3A_465 = arith.addi %add3A_407, %add3A_464 : i32
        %dma_start3A_466 = arith.constant 3 : i32
        %dma_start3A_467 = arith.constant 0 : i32
        %dma_start3A_468 = tpu.memref_slice %arg7[%dma_start3A_466, %dma_start3A_467] : memref<4x88xi32, #tpu.memory_space<vmem>> -> memref<1x88xi32, #tpu.memory_space<vmem>>
        %dma_start3A_469 = tpu.memref_squeeze %dma_start3A_468 : memref<1x88xi32, #tpu.memory_space<vmem>> -> memref<88xi32, #tpu.memory_space<vmem>>
        %dma_start3A_470 = arith.constant 0 : i32
        %dma_start3A_471 = tpu.memref_slice %arg3[%arg0, %arg1, %add3A_465, %dma_start3A_470] : memref<2x16x228x88xi32, #tpu.memory_space<hbm>> -> memref<1x1x1x88xi32, #tpu.memory_space<hbm>>
        %dma_start3A_472 = tpu.memref_squeeze %dma_start3A_471 : memref<1x1x1x88xi32, #tpu.memory_space<hbm>> -> memref<88xi32, #tpu.memory_space<hbm>>
        %dma_start3A_473 = arith.constant 0 : i32
        %dma_start3A_474 = tpu.memref_slice %arg7[%dma_start3A_466, %dma_start3A_473] : memref<4x88xi32, #tpu.memory_space<vmem>> -> memref<1x88xi32, #tpu.memory_space<vmem>>
        %dma_start3A_475 = tpu.memref_squeeze %dma_start3A_474 : memref<1x88xi32, #tpu.memory_space<vmem>> -> memref<88xi32, #tpu.memory_space<vmem>>
        %dma_start3A_476 = arith.constant 0 : i32
        %dma_start3A_477 = tpu.memref_slice %arg3[%arg0, %arg1, %add3A_465, %dma_start3A_476] : memref<2x16x228x88xi32, #tpu.memory_space<hbm>> -> memref<1x1x1x88xi32, #tpu.memory_space<hbm>>
        %dma_start3A_478 = tpu.memref_squeeze %dma_start3A_477 : memref<1x1x1x88xi32, #tpu.memory_space<hbm>> -> memref<88xi32, #tpu.memory_space<hbm>>
        tpu.enqueue_dma source(%dma_start3A_478 : memref<88xi32, #tpu.memory_space<hbm>>) target(%dma_start3A_475 : memref<88xi32, #tpu.memory_space<vmem>>) target_semaphore(%arg14 : memref<!tpu.dma_semaphore, #tpu.memory_space<semaphore_mem>>)
        %dma_start3A_479 = arith.constant 3 : i32
        %dma_start3A_480 = arith.constant 0 : i32
        %dma_start3A_481 = tpu.memref_slice %arg8[%dma_start3A_479, %dma_start3A_480] : memref<4x88xi32, #tpu.memory_space<vmem>> -> memref<1x88xi32, #tpu.memory_space<vmem>>
        %dma_start3A_482 = tpu.memref_squeeze %dma_start3A_481 : memref<1x88xi32, #tpu.memory_space<vmem>> -> memref<88xi32, #tpu.memory_space<vmem>>
        %dma_start3A_483 = arith.constant 0 : i32
        %dma_start3A_484 = tpu.memref_slice %arg4[%arg0, %arg1, %add3A_465, %dma_start3A_483] : memref<2x16x228x88xi32, #tpu.memory_space<hbm>> -> memref<1x1x1x88xi32, #tpu.memory_space<hbm>>
        %dma_start3A_485 = tpu.memref_squeeze %dma_start3A_484 : memref<1x1x1x88xi32, #tpu.memory_space<hbm>> -> memref<88xi32, #tpu.memory_space<hbm>>
        %dma_start3A_486 = arith.constant 0 : i32
        %dma_start3A_487 = tpu.memref_slice %arg8[%dma_start3A_479, %dma_start3A_486] : memref<4x88xi32, #tpu.memory_space<vmem>> -> memref<1x88xi32, #tpu.memory_space<vmem>>
        %dma_start3A_488 = tpu.memref_squeeze %dma_start3A_487 : memref<1x88xi32, #tpu.memory_space<vmem>> -> memref<88xi32, #tpu.memory_space<vmem>>
        %dma_start3A_489 = arith.constant 0 : i32
        %dma_start3A_490 = tpu.memref_slice %arg4[%arg0, %arg1, %add3A_465, %dma_start3A_489] : memref<2x16x228x88xi32, #tpu.memory_space<hbm>> -> memref<1x1x1x88xi32, #tpu.memory_space<hbm>>
        %dma_start3A_491 = tpu.memref_squeeze %dma_start3A_490 : memref<1x1x1x88xi32, #tpu.memory_space<hbm>> -> memref<88xi32, #tpu.memory_space<hbm>>
        tpu.enqueue_dma source(%dma_start3A_491 : memref<88xi32, #tpu.memory_space<hbm>>) target(%dma_start3A_488 : memref<88xi32, #tpu.memory_space<vmem>>) target_semaphore(%arg18 : memref<!tpu.dma_semaphore, #tpu.memory_space<semaphore_mem>>)
      } else {
      }
    }
    %scan3A_229 = arith.constant 57 : i32
    %barrier3A_230 = arith.constant 0 : index
    tpu.barrier barrier_id(%barrier3A_230)
    %mul3A_231 = arith.constant 632 : i32
    %mul3A_232 = arith.muli %arg1, %mul3A_231 : i32
    %mul3A_233 = arith.constant 632 : i32
    %mul3A_234 = arith.muli %arg1, %mul3A_233 : i32
    "tpu.region"() ({
      %run_scoped3A = tpu.sem_alloc : memref<!tpu.dma_semaphore, #tpu.memory_space<semaphore_mem>>
      %dma_start3A_235 = arith.constant 0 : i32
      %dma_start3A_236 = tpu.memref_slice %arg6[%arg0, %mul3A_234, %dma_start3A_235] : memref<2x10112x128xf32, #tpu.memory_space<hbm>> -> memref<1x632x128xf32, #tpu.memory_space<hbm>>
      %dma_start3A_237 = tpu.memref_squeeze %dma_start3A_236 : memref<1x632x128xf32, #tpu.memory_space<hbm>> -> memref<632x128xf32, #tpu.memory_space<hbm>>
      %dma_start3A_238 = arith.constant 0 : i32
      %dma_start3A_239 = tpu.memref_slice %arg10[%mul3A_232, %dma_start3A_238] : memref<10112x128xf32, #tpu.memory_space<vmem_shared>> -> memref<632x128xf32, #tpu.memory_space<vmem_shared>>
      tpu.enqueue_dma source(%dma_start3A_239 : memref<632x128xf32, #tpu.memory_space<vmem_shared>>) target(%dma_start3A_237 : memref<632x128xf32, #tpu.memory_space<hbm>>) target_semaphore(%run_scoped3A : memref<!tpu.dma_semaphore, #tpu.memory_space<semaphore_mem>>)
      %dma_wait3A_240 = arith.constant 0 : i32
      %dma_wait3A_241 = tpu.memref_slice %arg6[%arg0, %mul3A_234, %dma_wait3A_240] : memref<2x10112x128xf32, #tpu.memory_space<hbm>> -> memref<1x632x128xf32, #tpu.memory_space<hbm>>
      %dma_wait3A_242 = tpu.memref_squeeze %dma_wait3A_241 : memref<1x632x128xf32, #tpu.memory_space<hbm>> -> memref<632x128xf32, #tpu.memory_space<hbm>>
      %dma_wait3A_243 = arith.constant 0 : i32
      %dma_wait3A_244 = tpu.memref_slice %arg10[%mul3A_232, %dma_wait3A_243] : memref<10112x128xf32, #tpu.memory_space<vmem_shared>> -> memref<632x128xf32, #tpu.memory_space<vmem_shared>>
      tpu.wait_dma2 semaphore(%run_scoped3A : memref<!tpu.dma_semaphore, #tpu.memory_space<semaphore_mem>>) src(%dma_wait3A_244 : memref<632x128xf32, #tpu.memory_space<vmem_shared>>) dst(%dma_wait3A_242 : memref<632x128xf32, #tpu.memory_space<hbm>>)
      tpu.yield
    }) : () -> ()
    return
  }
}

#map = affine_map<(d0, d1) -> (0, 0)>
#map1 = affine_map<(d0, d1) -> (0, 0, 0, 0)>
#map2 = affine_map<(d0, d1) -> (0, 0, 0)>
module attributes {stable_mosaic.version = 14 : i64} {
  func.func @spmm_pair(%arg0: i32, %arg1: i32, %arg2: memref<20000x128xf32, #tpu.memory_space<hbm>>, %arg3: memref<2x16x228x88xi32, #tpu.memory_space<hbm>>, %arg4: memref<2x16x228x88xi32, #tpu.memory_space<hbm>>, %arg5: memref<632x128xf32, #tpu.memory_space<hbm>>, %arg6: memref<2x10112x128xf32, #tpu.memory_space<hbm>>, %arg7: memref<4x88xi32, #tpu.memory_space<vmem>>, %arg8: memref<4x88xi32, #tpu.memory_space<vmem>>, %arg9: memref<4x88x128xf32, #tpu.memory_space<vmem>>, %arg10: memref<10112x128xf32, #tpu.memory_space<vmem_shared>>, %arg11: memref<!tpu.dma_semaphore, #tpu.memory_space<semaphore_mem>>, %arg12: memref<!tpu.dma_semaphore, #tpu.memory_space<semaphore_mem>>, %arg13: memref<!tpu.dma_semaphore, #tpu.memory_space<semaphore_mem>>, %arg14: memref<!tpu.dma_semaphore, #tpu.memory_space<semaphore_mem>>, %arg15: memref<!tpu.dma_semaphore, #tpu.memory_space<semaphore_mem>>, %arg16: memref<!tpu.dma_semaphore, #tpu.memory_space<semaphore_mem>>, %arg17: memref<!tpu.dma_semaphore, #tpu.memory_space<semaphore_mem>>, %arg18: memref<!tpu.dma_semaphore, #tpu.memory_space<semaphore_mem>>, %arg19: memref<!tpu.dma_semaphore, #tpu.memory_space<semaphore_mem>>, %arg20: memref<!tpu.dma_semaphore, #tpu.memory_space<semaphore_mem>>, %arg21: memref<!tpu.dma_semaphore, #tpu.memory_space<semaphore_mem>>, %arg22: memref<!tpu.dma_semaphore, #tpu.memory_space<semaphore_mem>>, %arg23: memref<!tpu.dma_semaphore, #tpu.memory_space<semaphore_mem>>, %arg24: memref<!tpu.dma_semaphore, #tpu.memory_space<semaphore_mem>>, %arg25: memref<!tpu.dma_semaphore, #tpu.memory_space<semaphore_mem>>, %arg26: memref<!tpu.dma_semaphore, #tpu.memory_space<semaphore_mem>>) attributes {dimension_semantics = [#tpu.dimension_semantics<core_parallel>, #tpu.dimension_semantics<subcore_parallel>], iteration_bounds = array<i64: 2, 16>, scalar_prefetch = 0 : i64, scratch_operands = 20 : i64, tpu.core_type = #tpu.core_type<sc_vector_subcore>, window_params = [{transform_indices = #map}, {transform_indices = #map1}, {transform_indices = #map1}, {transform_indices = #map}, {transform_indices = #map2}]} {
    %mul3A = arith.constant 632 : i32
    %mul3A_0 = arith.muli %arg1, %mul3A : i32
    "tpu.region"() ({
      %run_scoped3A = tpu.sem_alloc : memref<!tpu.dma_semaphore, #tpu.memory_space<semaphore_mem>>
      %dma_start3A_235 = arith.constant 0 : i32
      %dma_start3A_236 = tpu.memref_slice %arg10[%mul3A_0, %dma_start3A_235] : memref<10112x128xf32, #tpu.memory_space<vmem_shared>> -> memref<632x128xf32, #tpu.memory_space<vmem_shared>>
      tpu.enqueue_dma source(%arg5 : memref<632x128xf32, #tpu.memory_space<hbm>>) target(%dma_start3A_236 : memref<632x128xf32, #tpu.memory_space<vmem_shared>>) target_semaphore(%run_scoped3A : memref<!tpu.dma_semaphore, #tpu.memory_space<semaphore_mem>>)
      %dma_wait3A_237 = arith.constant 0 : i32
      %dma_wait3A_238 = tpu.memref_slice %arg10[%mul3A_0, %dma_wait3A_237] : memref<10112x128xf32, #tpu.memory_space<vmem_shared>> -> memref<632x128xf32, #tpu.memory_space<vmem_shared>>
      tpu.wait_dma2 semaphore(%run_scoped3A : memref<!tpu.dma_semaphore, #tpu.memory_space<semaphore_mem>>) src(%arg5 : memref<632x128xf32, #tpu.memory_space<hbm>>) dst(%dma_wait3A_238 : memref<632x128xf32, #tpu.memory_space<vmem_shared>>)
      tpu.yield
    }) : () -> ()
    %barrier3A = arith.constant 0 : index
    tpu.barrier barrier_id(%barrier3A)
    %dma_start3A = arith.constant 0 : i32
    %dma_start3A_1 = arith.constant 0 : i32
    %dma_start3A_2 = arith.constant 0 : i32
    %dma_start3A_3 = tpu.memref_slice %arg7[%dma_start3A_1, %dma_start3A_2] : memref<4x88xi32, #tpu.memory_space<vmem>> -> memref<1x88xi32, #tpu.memory_space<vmem>>
    %dma_start3A_4 = tpu.memref_squeeze %dma_start3A_3 : memref<1x88xi32, #tpu.memory_space<vmem>> -> memref<88xi32, #tpu.memory_space<vmem>>
    %dma_start3A_5 = arith.constant 0 : i32
    %dma_start3A_6 = tpu.memref_slice %arg3[%arg0, %arg1, %dma_start3A, %dma_start3A_5] : memref<2x16x228x88xi32, #tpu.memory_space<hbm>> -> memref<1x1x1x88xi32, #tpu.memory_space<hbm>>
    %dma_start3A_7 = tpu.memref_squeeze %dma_start3A_6 : memref<1x1x1x88xi32, #tpu.memory_space<hbm>> -> memref<88xi32, #tpu.memory_space<hbm>>
    %dma_start3A_8 = arith.constant 0 : i32
    %dma_start3A_9 = tpu.memref_slice %arg7[%dma_start3A_1, %dma_start3A_8] : memref<4x88xi32, #tpu.memory_space<vmem>> -> memref<1x88xi32, #tpu.memory_space<vmem>>
    %dma_start3A_10 = tpu.memref_squeeze %dma_start3A_9 : memref<1x88xi32, #tpu.memory_space<vmem>> -> memref<88xi32, #tpu.memory_space<vmem>>
    %dma_start3A_11 = arith.constant 0 : i32
    %dma_start3A_12 = tpu.memref_slice %arg3[%arg0, %arg1, %dma_start3A, %dma_start3A_11] : memref<2x16x228x88xi32, #tpu.memory_space<hbm>> -> memref<1x1x1x88xi32, #tpu.memory_space<hbm>>
    %dma_start3A_13 = tpu.memref_squeeze %dma_start3A_12 : memref<1x1x1x88xi32, #tpu.memory_space<hbm>> -> memref<88xi32, #tpu.memory_space<hbm>>
    tpu.enqueue_dma source(%dma_start3A_13 : memref<88xi32, #tpu.memory_space<hbm>>) target(%dma_start3A_10 : memref<88xi32, #tpu.memory_space<vmem>>) target_semaphore(%arg11 : memref<!tpu.dma_semaphore, #tpu.memory_space<semaphore_mem>>)
    %dma_start3A_14 = arith.constant 0 : i32
    %dma_start3A_15 = arith.constant 0 : i32
    %dma_start3A_16 = arith.constant 0 : i32
    %dma_start3A_17 = tpu.memref_slice %arg8[%dma_start3A_15, %dma_start3A_16] : memref<4x88xi32, #tpu.memory_space<vmem>> -> memref<1x88xi32, #tpu.memory_space<vmem>>
    %dma_start3A_18 = tpu.memref_squeeze %dma_start3A_17 : memref<1x88xi32, #tpu.memory_space<vmem>> -> memref<88xi32, #tpu.memory_space<vmem>>
    %dma_start3A_19 = arith.constant 0 : i32
    %dma_start3A_20 = tpu.memref_slice %arg4[%arg0, %arg1, %dma_start3A_14, %dma_start3A_19] : memref<2x16x228x88xi32, #tpu.memory_space<hbm>> -> memref<1x1x1x88xi32, #tpu.memory_space<hbm>>
    %dma_start3A_21 = tpu.memref_squeeze %dma_start3A_20 : memref<1x1x1x88xi32, #tpu.memory_space<hbm>> -> memref<88xi32, #tpu.memory_space<hbm>>
    %dma_start3A_22 = arith.constant 0 : i32
    %dma_start3A_23 = tpu.memref_slice %arg8[%dma_start3A_15, %dma_start3A_22] : memref<4x88xi32, #tpu.memory_space<vmem>> -> memref<1x88xi32, #tpu.memory_space<vmem>>
    %dma_start3A_24 = tpu.memref_squeeze %dma_start3A_23 : memref<1x88xi32, #tpu.memory_space<vmem>> -> memref<88xi32, #tpu.memory_space<vmem>>
    %dma_start3A_25 = arith.constant 0 : i32
    %dma_start3A_26 = tpu.memref_slice %arg4[%arg0, %arg1, %dma_start3A_14, %dma_start3A_25] : memref<2x16x228x88xi32, #tpu.memory_space<hbm>> -> memref<1x1x1x88xi32, #tpu.memory_space<hbm>>
    %dma_start3A_27 = tpu.memref_squeeze %dma_start3A_26 : memref<1x1x1x88xi32, #tpu.memory_space<hbm>> -> memref<88xi32, #tpu.memory_space<hbm>>
    tpu.enqueue_dma source(%dma_start3A_27 : memref<88xi32, #tpu.memory_space<hbm>>) target(%dma_start3A_24 : memref<88xi32, #tpu.memory_space<vmem>>) target_semaphore(%arg15 : memref<!tpu.dma_semaphore, #tpu.memory_space<semaphore_mem>>)
    %dma_start3A_28 = arith.constant 1 : i32
    %dma_start3A_29 = arith.constant 1 : i32
    %dma_start3A_30 = arith.constant 0 : i32
    %dma_start3A_31 = tpu.memref_slice %arg7[%dma_start3A_29, %dma_start3A_30] : memref<4x88xi32, #tpu.memory_space<vmem>> -> memref<1x88xi32, #tpu.memory_space<vmem>>
    %dma_start3A_32 = tpu.memref_squeeze %dma_start3A_31 : memref<1x88xi32, #tpu.memory_space<vmem>> -> memref<88xi32, #tpu.memory_space<vmem>>
    %dma_start3A_33 = arith.constant 0 : i32
    %dma_start3A_34 = tpu.memref_slice %arg3[%arg0, %arg1, %dma_start3A_28, %dma_start3A_33] : memref<2x16x228x88xi32, #tpu.memory_space<hbm>> -> memref<1x1x1x88xi32, #tpu.memory_space<hbm>>
    %dma_start3A_35 = tpu.memref_squeeze %dma_start3A_34 : memref<1x1x1x88xi32, #tpu.memory_space<hbm>> -> memref<88xi32, #tpu.memory_space<hbm>>
    %dma_start3A_36 = arith.constant 0 : i32
    %dma_start3A_37 = tpu.memref_slice %arg7[%dma_start3A_29, %dma_start3A_36] : memref<4x88xi32, #tpu.memory_space<vmem>> -> memref<1x88xi32, #tpu.memory_space<vmem>>
    %dma_start3A_38 = tpu.memref_squeeze %dma_start3A_37 : memref<1x88xi32, #tpu.memory_space<vmem>> -> memref<88xi32, #tpu.memory_space<vmem>>
    %dma_start3A_39 = arith.constant 0 : i32
    %dma_start3A_40 = tpu.memref_slice %arg3[%arg0, %arg1, %dma_start3A_28, %dma_start3A_39] : memref<2x16x228x88xi32, #tpu.memory_space<hbm>> -> memref<1x1x1x88xi32, #tpu.memory_space<hbm>>
    %dma_start3A_41 = tpu.memref_squeeze %dma_start3A_40 : memref<1x1x1x88xi32, #tpu.memory_space<hbm>> -> memref<88xi32, #tpu.memory_space<hbm>>
    tpu.enqueue_dma source(%dma_start3A_41 : memref<88xi32, #tpu.memory_space<hbm>>) target(%dma_start3A_38 : memref<88xi32, #tpu.memory_space<vmem>>) target_semaphore(%arg12 : memref<!tpu.dma_semaphore, #tpu.memory_space<semaphore_mem>>)
    %dma_start3A_42 = arith.constant 1 : i32
    %dma_start3A_43 = arith.constant 1 : i32
    %dma_start3A_44 = arith.constant 0 : i32
    %dma_start3A_45 = tpu.memref_slice %arg8[%dma_start3A_43, %dma_start3A_44] : memref<4x88xi32, #tpu.memory_space<vmem>> -> memref<1x88xi32, #tpu.memory_space<vmem>>
    %dma_start3A_46 = tpu.memref_squeeze %dma_start3A_45 : memref<1x88xi32, #tpu.memory_space<vmem>> -> memref<88xi32, #tpu.memory_space<vmem>>
    %dma_start3A_47 = arith.constant 0 : i32
    %dma_start3A_48 = tpu.memref_slice %arg4[%arg0, %arg1, %dma_start3A_42, %dma_start3A_47] : memref<2x16x228x88xi32, #tpu.memory_space<hbm>> -> memref<1x1x1x88xi32, #tpu.memory_space<hbm>>
    %dma_start3A_49 = tpu.memref_squeeze %dma_start3A_48 : memref<1x1x1x88xi32, #tpu.memory_space<hbm>> -> memref<88xi32, #tpu.memory_space<hbm>>
    %dma_start3A_50 = arith.constant 0 : i32
    %dma_start3A_51 = tpu.memref_slice %arg8[%dma_start3A_43, %dma_start3A_50] : memref<4x88xi32, #tpu.memory_space<vmem>> -> memref<1x88xi32, #tpu.memory_space<vmem>>
    %dma_start3A_52 = tpu.memref_squeeze %dma_start3A_51 : memref<1x88xi32, #tpu.memory_space<vmem>> -> memref<88xi32, #tpu.memory_space<vmem>>
    %dma_start3A_53 = arith.constant 0 : i32
    %dma_start3A_54 = tpu.memref_slice %arg4[%arg0, %arg1, %dma_start3A_42, %dma_start3A_53] : memref<2x16x228x88xi32, #tpu.memory_space<hbm>> -> memref<1x1x1x88xi32, #tpu.memory_space<hbm>>
    %dma_start3A_55 = tpu.memref_squeeze %dma_start3A_54 : memref<1x1x1x88xi32, #tpu.memory_space<hbm>> -> memref<88xi32, #tpu.memory_space<hbm>>
    tpu.enqueue_dma source(%dma_start3A_55 : memref<88xi32, #tpu.memory_space<hbm>>) target(%dma_start3A_52 : memref<88xi32, #tpu.memory_space<vmem>>) target_semaphore(%arg16 : memref<!tpu.dma_semaphore, #tpu.memory_space<semaphore_mem>>)
    %dma_start3A_56 = arith.constant 2 : i32
    %dma_start3A_57 = arith.constant 2 : i32
    %dma_start3A_58 = arith.constant 0 : i32
    %dma_start3A_59 = tpu.memref_slice %arg7[%dma_start3A_57, %dma_start3A_58] : memref<4x88xi32, #tpu.memory_space<vmem>> -> memref<1x88xi32, #tpu.memory_space<vmem>>
    %dma_start3A_60 = tpu.memref_squeeze %dma_start3A_59 : memref<1x88xi32, #tpu.memory_space<vmem>> -> memref<88xi32, #tpu.memory_space<vmem>>
    %dma_start3A_61 = arith.constant 0 : i32
    %dma_start3A_62 = tpu.memref_slice %arg3[%arg0, %arg1, %dma_start3A_56, %dma_start3A_61] : memref<2x16x228x88xi32, #tpu.memory_space<hbm>> -> memref<1x1x1x88xi32, #tpu.memory_space<hbm>>
    %dma_start3A_63 = tpu.memref_squeeze %dma_start3A_62 : memref<1x1x1x88xi32, #tpu.memory_space<hbm>> -> memref<88xi32, #tpu.memory_space<hbm>>
    %dma_start3A_64 = arith.constant 0 : i32
    %dma_start3A_65 = tpu.memref_slice %arg7[%dma_start3A_57, %dma_start3A_64] : memref<4x88xi32, #tpu.memory_space<vmem>> -> memref<1x88xi32, #tpu.memory_space<vmem>>
    %dma_start3A_66 = tpu.memref_squeeze %dma_start3A_65 : memref<1x88xi32, #tpu.memory_space<vmem>> -> memref<88xi32, #tpu.memory_space<vmem>>
    %dma_start3A_67 = arith.constant 0 : i32
    %dma_start3A_68 = tpu.memref_slice %arg3[%arg0, %arg1, %dma_start3A_56, %dma_start3A_67] : memref<2x16x228x88xi32, #tpu.memory_space<hbm>> -> memref<1x1x1x88xi32, #tpu.memory_space<hbm>>
    %dma_start3A_69 = tpu.memref_squeeze %dma_start3A_68 : memref<1x1x1x88xi32, #tpu.memory_space<hbm>> -> memref<88xi32, #tpu.memory_space<hbm>>
    tpu.enqueue_dma source(%dma_start3A_69 : memref<88xi32, #tpu.memory_space<hbm>>) target(%dma_start3A_66 : memref<88xi32, #tpu.memory_space<vmem>>) target_semaphore(%arg13 : memref<!tpu.dma_semaphore, #tpu.memory_space<semaphore_mem>>)
    %dma_start3A_70 = arith.constant 2 : i32
    %dma_start3A_71 = arith.constant 2 : i32
    %dma_start3A_72 = arith.constant 0 : i32
    %dma_start3A_73 = tpu.memref_slice %arg8[%dma_start3A_71, %dma_start3A_72] : memref<4x88xi32, #tpu.memory_space<vmem>> -> memref<1x88xi32, #tpu.memory_space<vmem>>
    %dma_start3A_74 = tpu.memref_squeeze %dma_start3A_73 : memref<1x88xi32, #tpu.memory_space<vmem>> -> memref<88xi32, #tpu.memory_space<vmem>>
    %dma_start3A_75 = arith.constant 0 : i32
    %dma_start3A_76 = tpu.memref_slice %arg4[%arg0, %arg1, %dma_start3A_70, %dma_start3A_75] : memref<2x16x228x88xi32, #tpu.memory_space<hbm>> -> memref<1x1x1x88xi32, #tpu.memory_space<hbm>>
    %dma_start3A_77 = tpu.memref_squeeze %dma_start3A_76 : memref<1x1x1x88xi32, #tpu.memory_space<hbm>> -> memref<88xi32, #tpu.memory_space<hbm>>
    %dma_start3A_78 = arith.constant 0 : i32
    %dma_start3A_79 = tpu.memref_slice %arg8[%dma_start3A_71, %dma_start3A_78] : memref<4x88xi32, #tpu.memory_space<vmem>> -> memref<1x88xi32, #tpu.memory_space<vmem>>
    %dma_start3A_80 = tpu.memref_squeeze %dma_start3A_79 : memref<1x88xi32, #tpu.memory_space<vmem>> -> memref<88xi32, #tpu.memory_space<vmem>>
    %dma_start3A_81 = arith.constant 0 : i32
    %dma_start3A_82 = tpu.memref_slice %arg4[%arg0, %arg1, %dma_start3A_70, %dma_start3A_81] : memref<2x16x228x88xi32, #tpu.memory_space<hbm>> -> memref<1x1x1x88xi32, #tpu.memory_space<hbm>>
    %dma_start3A_83 = tpu.memref_squeeze %dma_start3A_82 : memref<1x1x1x88xi32, #tpu.memory_space<hbm>> -> memref<88xi32, #tpu.memory_space<hbm>>
    tpu.enqueue_dma source(%dma_start3A_83 : memref<88xi32, #tpu.memory_space<hbm>>) target(%dma_start3A_80 : memref<88xi32, #tpu.memory_space<vmem>>) target_semaphore(%arg17 : memref<!tpu.dma_semaphore, #tpu.memory_space<semaphore_mem>>)
    %dma_start3A_84 = arith.constant 3 : i32
    %dma_start3A_85 = arith.constant 3 : i32
    %dma_start3A_86 = arith.constant 0 : i32
    %dma_start3A_87 = tpu.memref_slice %arg7[%dma_start3A_85, %dma_start3A_86] : memref<4x88xi32, #tpu.memory_space<vmem>> -> memref<1x88xi32, #tpu.memory_space<vmem>>
    %dma_start3A_88 = tpu.memref_squeeze %dma_start3A_87 : memref<1x88xi32, #tpu.memory_space<vmem>> -> memref<88xi32, #tpu.memory_space<vmem>>
    %dma_start3A_89 = arith.constant 0 : i32
    %dma_start3A_90 = tpu.memref_slice %arg3[%arg0, %arg1, %dma_start3A_84, %dma_start3A_89] : memref<2x16x228x88xi32, #tpu.memory_space<hbm>> -> memref<1x1x1x88xi32, #tpu.memory_space<hbm>>
    %dma_start3A_91 = tpu.memref_squeeze %dma_start3A_90 : memref<1x1x1x88xi32, #tpu.memory_space<hbm>> -> memref<88xi32, #tpu.memory_space<hbm>>
    %dma_start3A_92 = arith.constant 0 : i32
    %dma_start3A_93 = tpu.memref_slice %arg7[%dma_start3A_85, %dma_start3A_92] : memref<4x88xi32, #tpu.memory_space<vmem>> -> memref<1x88xi32, #tpu.memory_space<vmem>>
    %dma_start3A_94 = tpu.memref_squeeze %dma_start3A_93 : memref<1x88xi32, #tpu.memory_space<vmem>> -> memref<88xi32, #tpu.memory_space<vmem>>
    %dma_start3A_95 = arith.constant 0 : i32
    %dma_start3A_96 = tpu.memref_slice %arg3[%arg0, %arg1, %dma_start3A_84, %dma_start3A_95] : memref<2x16x228x88xi32, #tpu.memory_space<hbm>> -> memref<1x1x1x88xi32, #tpu.memory_space<hbm>>
    %dma_start3A_97 = tpu.memref_squeeze %dma_start3A_96 : memref<1x1x1x88xi32, #tpu.memory_space<hbm>> -> memref<88xi32, #tpu.memory_space<hbm>>
    tpu.enqueue_dma source(%dma_start3A_97 : memref<88xi32, #tpu.memory_space<hbm>>) target(%dma_start3A_94 : memref<88xi32, #tpu.memory_space<vmem>>) target_semaphore(%arg14 : memref<!tpu.dma_semaphore, #tpu.memory_space<semaphore_mem>>)
    %dma_start3A_98 = arith.constant 3 : i32
    %dma_start3A_99 = arith.constant 3 : i32
    %dma_start3A_100 = arith.constant 0 : i32
    %dma_start3A_101 = tpu.memref_slice %arg8[%dma_start3A_99, %dma_start3A_100] : memref<4x88xi32, #tpu.memory_space<vmem>> -> memref<1x88xi32, #tpu.memory_space<vmem>>
    %dma_start3A_102 = tpu.memref_squeeze %dma_start3A_101 : memref<1x88xi32, #tpu.memory_space<vmem>> -> memref<88xi32, #tpu.memory_space<vmem>>
    %dma_start3A_103 = arith.constant 0 : i32
    %dma_start3A_104 = tpu.memref_slice %arg4[%arg0, %arg1, %dma_start3A_98, %dma_start3A_103] : memref<2x16x228x88xi32, #tpu.memory_space<hbm>> -> memref<1x1x1x88xi32, #tpu.memory_space<hbm>>
    %dma_start3A_105 = tpu.memref_squeeze %dma_start3A_104 : memref<1x1x1x88xi32, #tpu.memory_space<hbm>> -> memref<88xi32, #tpu.memory_space<hbm>>
    %dma_start3A_106 = arith.constant 0 : i32
    %dma_start3A_107 = tpu.memref_slice %arg8[%dma_start3A_99, %dma_start3A_106] : memref<4x88xi32, #tpu.memory_space<vmem>> -> memref<1x88xi32, #tpu.memory_space<vmem>>
    %dma_start3A_108 = tpu.memref_squeeze %dma_start3A_107 : memref<1x88xi32, #tpu.memory_space<vmem>> -> memref<88xi32, #tpu.memory_space<vmem>>
    %dma_start3A_109 = arith.constant 0 : i32
    %dma_start3A_110 = tpu.memref_slice %arg4[%arg0, %arg1, %dma_start3A_98, %dma_start3A_109] : memref<2x16x228x88xi32, #tpu.memory_space<hbm>> -> memref<1x1x1x88xi32, #tpu.memory_space<hbm>>
    %dma_start3A_111 = tpu.memref_squeeze %dma_start3A_110 : memref<1x1x1x88xi32, #tpu.memory_space<hbm>> -> memref<88xi32, #tpu.memory_space<hbm>>
    tpu.enqueue_dma source(%dma_start3A_111 : memref<88xi32, #tpu.memory_space<hbm>>) target(%dma_start3A_108 : memref<88xi32, #tpu.memory_space<vmem>>) target_semaphore(%arg18 : memref<!tpu.dma_semaphore, #tpu.memory_space<semaphore_mem>>)
    %dma_wait3A = arith.constant 0 : i32
    %dma_wait3A_112 = arith.constant 0 : i32
    %dma_wait3A_113 = arith.constant 0 : i32
    %dma_wait3A_114 = tpu.memref_slice %arg7[%dma_wait3A_112, %dma_wait3A_113] : memref<4x88xi32, #tpu.memory_space<vmem>> -> memref<1x88xi32, #tpu.memory_space<vmem>>
    %dma_wait3A_115 = tpu.memref_squeeze %dma_wait3A_114 : memref<1x88xi32, #tpu.memory_space<vmem>> -> memref<88xi32, #tpu.memory_space<vmem>>
    %dma_wait3A_116 = arith.constant 0 : i32
    %dma_wait3A_117 = tpu.memref_slice %arg3[%arg0, %arg1, %dma_wait3A, %dma_wait3A_116] : memref<2x16x228x88xi32, #tpu.memory_space<hbm>> -> memref<1x1x1x88xi32, #tpu.memory_space<hbm>>
    %dma_wait3A_118 = tpu.memref_squeeze %dma_wait3A_117 : memref<1x1x1x88xi32, #tpu.memory_space<hbm>> -> memref<88xi32, #tpu.memory_space<hbm>>
    %dma_wait3A_119 = arith.constant 0 : i32
    %dma_wait3A_120 = tpu.memref_slice %arg7[%dma_wait3A_112, %dma_wait3A_119] : memref<4x88xi32, #tpu.memory_space<vmem>> -> memref<1x88xi32, #tpu.memory_space<vmem>>
    %dma_wait3A_121 = tpu.memref_squeeze %dma_wait3A_120 : memref<1x88xi32, #tpu.memory_space<vmem>> -> memref<88xi32, #tpu.memory_space<vmem>>
    %dma_wait3A_122 = arith.constant 0 : i32
    %dma_wait3A_123 = tpu.memref_slice %arg3[%arg0, %arg1, %dma_wait3A, %dma_wait3A_122] : memref<2x16x228x88xi32, #tpu.memory_space<hbm>> -> memref<1x1x1x88xi32, #tpu.memory_space<hbm>>
    %dma_wait3A_124 = tpu.memref_squeeze %dma_wait3A_123 : memref<1x1x1x88xi32, #tpu.memory_space<hbm>> -> memref<88xi32, #tpu.memory_space<hbm>>
    tpu.wait_dma2 semaphore(%arg11 : memref<!tpu.dma_semaphore, #tpu.memory_space<semaphore_mem>>) src(%dma_wait3A_124 : memref<88xi32, #tpu.memory_space<hbm>>) dst(%dma_wait3A_121 : memref<88xi32, #tpu.memory_space<vmem>>)
    %dma_start3A_125 = arith.constant 0 : i32
    %dma_start3A_126 = arith.constant 0 : i32
    %dma_start3A_127 = arith.constant 0 : i32
    %dma_start3A_128 = arith.constant 0 : i32
    %dma_start3A_129 = tpu.memref_slice %arg9[%dma_start3A_126, %dma_start3A_127, %dma_start3A_128] : memref<4x88x128xf32, #tpu.memory_space<vmem>> -> memref<1x40x128xf32, #tpu.memory_space<vmem>>
    %dma_start3A_130 = tpu.memref_squeeze %dma_start3A_129 : memref<1x40x128xf32, #tpu.memory_space<vmem>> -> memref<40x128xf32, #tpu.memory_space<vmem>>
    %dma_start3A_131 = arith.constant 0 : i32
    %dma_start3A_132 = tpu.memref_slice %arg7[%dma_start3A_125, %dma_start3A_131] : memref<4x88xi32, #tpu.memory_space<vmem>> -> memref<1x40xi32, #tpu.memory_space<vmem>>
    %dma_start3A_133 = tpu.memref_squeeze %dma_start3A_132 : memref<1x40xi32, #tpu.memory_space<vmem>> -> memref<40xi32, #tpu.memory_space<vmem>>
    %dma_start3A_134 = arith.constant 0 : i32
    %dma_start3A_135 = arith.constant 0 : i32
    %dma_start3A_136 = tpu.memref_slice %arg2[%dma_start3A_134, %dma_start3A_135] : memref<20000x128xf32, #tpu.memory_space<hbm>> -> memref<20000x128xf32, #tpu.memory_space<hbm>>
    tpu.enqueue_indirect_dma source(%dma_start3A_136 : memref<20000x128xf32, #tpu.memory_space<hbm>>) target(%dma_start3A_130 : memref<40x128xf32, #tpu.memory_space<vmem>>) offsets(%dma_start3A_133 : memref<40xi32, #tpu.memory_space<vmem>>) semaphore(%arg19 : memref<!tpu.dma_semaphore, #tpu.memory_space<semaphore_mem>>)
    %dma_start3A_137 = arith.constant 0 : i32
    %dma_start3A_138 = arith.constant 0 : i32
    %dma_start3A_139 = arith.constant 40 : i32
    %dma_start3A_140 = arith.constant 0 : i32
    %dma_start3A_141 = tpu.memref_slice %arg9[%dma_start3A_138, %dma_start3A_139, %dma_start3A_140] : memref<4x88x128xf32, #tpu.memory_space<vmem>> -> memref<1x48x128xf32, #tpu.memory_space<vmem>>
    %dma_start3A_142 = tpu.memref_squeeze %dma_start3A_141 : memref<1x48x128xf32, #tpu.memory_space<vmem>> -> memref<48x128xf32, #tpu.memory_space<vmem>>
    %dma_start3A_143 = arith.constant 40 : i32
    %dma_start3A_144 = tpu.memref_slice %arg7[%dma_start3A_137, %dma_start3A_143] : memref<4x88xi32, #tpu.memory_space<vmem>> -> memref<1x48xi32, #tpu.memory_space<vmem>>
    %dma_start3A_145 = tpu.memref_squeeze %dma_start3A_144 : memref<1x48xi32, #tpu.memory_space<vmem>> -> memref<48xi32, #tpu.memory_space<vmem>>
    %dma_start3A_146 = arith.constant 0 : i32
    %dma_start3A_147 = arith.constant 0 : i32
    %dma_start3A_148 = tpu.memref_slice %arg2[%dma_start3A_146, %dma_start3A_147] : memref<20000x128xf32, #tpu.memory_space<hbm>> -> memref<20000x128xf32, #tpu.memory_space<hbm>>
    tpu.enqueue_indirect_dma source(%dma_start3A_148 : memref<20000x128xf32, #tpu.memory_space<hbm>>) target(%dma_start3A_142 : memref<48x128xf32, #tpu.memory_space<vmem>>) offsets(%dma_start3A_145 : memref<48xi32, #tpu.memory_space<vmem>>) semaphore(%arg23 : memref<!tpu.dma_semaphore, #tpu.memory_space<semaphore_mem>>)
    %dma_wait3A_149 = arith.constant 0 : i32
    %dma_wait3A_150 = arith.constant 1 : i32
    %dma_wait3A_151 = arith.constant 0 : i32
    %dma_wait3A_152 = tpu.memref_slice %arg7[%dma_wait3A_150, %dma_wait3A_151] : memref<4x88xi32, #tpu.memory_space<vmem>> -> memref<1x88xi32, #tpu.memory_space<vmem>>
    %dma_wait3A_153 = tpu.memref_squeeze %dma_wait3A_152 : memref<1x88xi32, #tpu.memory_space<vmem>> -> memref<88xi32, #tpu.memory_space<vmem>>
    %dma_wait3A_154 = arith.constant 0 : i32
    %dma_wait3A_155 = tpu.memref_slice %arg3[%arg0, %arg1, %dma_wait3A_149, %dma_wait3A_154] : memref<2x16x228x88xi32, #tpu.memory_space<hbm>> -> memref<1x1x1x88xi32, #tpu.memory_space<hbm>>
    %dma_wait3A_156 = tpu.memref_squeeze %dma_wait3A_155 : memref<1x1x1x88xi32, #tpu.memory_space<hbm>> -> memref<88xi32, #tpu.memory_space<hbm>>
    %dma_wait3A_157 = arith.constant 0 : i32
    %dma_wait3A_158 = tpu.memref_slice %arg7[%dma_wait3A_150, %dma_wait3A_157] : memref<4x88xi32, #tpu.memory_space<vmem>> -> memref<1x88xi32, #tpu.memory_space<vmem>>
    %dma_wait3A_159 = tpu.memref_squeeze %dma_wait3A_158 : memref<1x88xi32, #tpu.memory_space<vmem>> -> memref<88xi32, #tpu.memory_space<vmem>>
    %dma_wait3A_160 = arith.constant 0 : i32
    %dma_wait3A_161 = tpu.memref_slice %arg3[%arg0, %arg1, %dma_wait3A_149, %dma_wait3A_160] : memref<2x16x228x88xi32, #tpu.memory_space<hbm>> -> memref<1x1x1x88xi32, #tpu.memory_space<hbm>>
    %dma_wait3A_162 = tpu.memref_squeeze %dma_wait3A_161 : memref<1x1x1x88xi32, #tpu.memory_space<hbm>> -> memref<88xi32, #tpu.memory_space<hbm>>
    tpu.wait_dma2 semaphore(%arg12 : memref<!tpu.dma_semaphore, #tpu.memory_space<semaphore_mem>>) src(%dma_wait3A_162 : memref<88xi32, #tpu.memory_space<hbm>>) dst(%dma_wait3A_159 : memref<88xi32, #tpu.memory_space<vmem>>)
    %dma_start3A_163 = arith.constant 1 : i32
    %dma_start3A_164 = arith.constant 1 : i32
    %dma_start3A_165 = arith.constant 0 : i32
    %dma_start3A_166 = arith.constant 0 : i32
    %dma_start3A_167 = tpu.memref_slice %arg9[%dma_start3A_164, %dma_start3A_165, %dma_start3A_166] : memref<4x88x128xf32, #tpu.memory_space<vmem>> -> memref<1x40x128xf32, #tpu.memory_space<vmem>>
    %dma_start3A_168 = tpu.memref_squeeze %dma_start3A_167 : memref<1x40x128xf32, #tpu.memory_space<vmem>> -> memref<40x128xf32, #tpu.memory_space<vmem>>
    %dma_start3A_169 = arith.constant 0 : i32
    %dma_start3A_170 = tpu.memref_slice %arg7[%dma_start3A_163, %dma_start3A_169] : memref<4x88xi32, #tpu.memory_space<vmem>> -> memref<1x40xi32, #tpu.memory_space<vmem>>
    %dma_start3A_171 = tpu.memref_squeeze %dma_start3A_170 : memref<1x40xi32, #tpu.memory_space<vmem>> -> memref<40xi32, #tpu.memory_space<vmem>>
    %dma_start3A_172 = arith.constant 0 : i32
    %dma_start3A_173 = arith.constant 0 : i32
    %dma_start3A_174 = tpu.memref_slice %arg2[%dma_start3A_172, %dma_start3A_173] : memref<20000x128xf32, #tpu.memory_space<hbm>> -> memref<20000x128xf32, #tpu.memory_space<hbm>>
    tpu.enqueue_indirect_dma source(%dma_start3A_174 : memref<20000x128xf32, #tpu.memory_space<hbm>>) target(%dma_start3A_168 : memref<40x128xf32, #tpu.memory_space<vmem>>) offsets(%dma_start3A_171 : memref<40xi32, #tpu.memory_space<vmem>>) semaphore(%arg20 : memref<!tpu.dma_semaphore, #tpu.memory_space<semaphore_mem>>)
    %dma_start3A_175 = arith.constant 1 : i32
    %dma_start3A_176 = arith.constant 1 : i32
    %dma_start3A_177 = arith.constant 40 : i32
    %dma_start3A_178 = arith.constant 0 : i32
    %dma_start3A_179 = tpu.memref_slice %arg9[%dma_start3A_176, %dma_start3A_177, %dma_start3A_178] : memref<4x88x128xf32, #tpu.memory_space<vmem>> -> memref<1x48x128xf32, #tpu.memory_space<vmem>>
    %dma_start3A_180 = tpu.memref_squeeze %dma_start3A_179 : memref<1x48x128xf32, #tpu.memory_space<vmem>> -> memref<48x128xf32, #tpu.memory_space<vmem>>
    %dma_start3A_181 = arith.constant 40 : i32
    %dma_start3A_182 = tpu.memref_slice %arg7[%dma_start3A_175, %dma_start3A_181] : memref<4x88xi32, #tpu.memory_space<vmem>> -> memref<1x48xi32, #tpu.memory_space<vmem>>
    %dma_start3A_183 = tpu.memref_squeeze %dma_start3A_182 : memref<1x48xi32, #tpu.memory_space<vmem>> -> memref<48xi32, #tpu.memory_space<vmem>>
    %dma_start3A_184 = arith.constant 0 : i32
    %dma_start3A_185 = arith.constant 0 : i32
    %dma_start3A_186 = tpu.memref_slice %arg2[%dma_start3A_184, %dma_start3A_185] : memref<20000x128xf32, #tpu.memory_space<hbm>> -> memref<20000x128xf32, #tpu.memory_space<hbm>>
    tpu.enqueue_indirect_dma source(%dma_start3A_186 : memref<20000x128xf32, #tpu.memory_space<hbm>>) target(%dma_start3A_180 : memref<48x128xf32, #tpu.memory_space<vmem>>) offsets(%dma_start3A_183 : memref<48xi32, #tpu.memory_space<vmem>>) semaphore(%arg24 : memref<!tpu.dma_semaphore, #tpu.memory_space<semaphore_mem>>)
    %dma_wait3A_187 = arith.constant 0 : i32
    %dma_wait3A_188 = arith.constant 2 : i32
    %dma_wait3A_189 = arith.constant 0 : i32
    %dma_wait3A_190 = tpu.memref_slice %arg7[%dma_wait3A_188, %dma_wait3A_189] : memref<4x88xi32, #tpu.memory_space<vmem>> -> memref<1x88xi32, #tpu.memory_space<vmem>>
    %dma_wait3A_191 = tpu.memref_squeeze %dma_wait3A_190 : memref<1x88xi32, #tpu.memory_space<vmem>> -> memref<88xi32, #tpu.memory_space<vmem>>
    %dma_wait3A_192 = arith.constant 0 : i32
    %dma_wait3A_193 = tpu.memref_slice %arg3[%arg0, %arg1, %dma_wait3A_187, %dma_wait3A_192] : memref<2x16x228x88xi32, #tpu.memory_space<hbm>> -> memref<1x1x1x88xi32, #tpu.memory_space<hbm>>
    %dma_wait3A_194 = tpu.memref_squeeze %dma_wait3A_193 : memref<1x1x1x88xi32, #tpu.memory_space<hbm>> -> memref<88xi32, #tpu.memory_space<hbm>>
    %dma_wait3A_195 = arith.constant 0 : i32
    %dma_wait3A_196 = tpu.memref_slice %arg7[%dma_wait3A_188, %dma_wait3A_195] : memref<4x88xi32, #tpu.memory_space<vmem>> -> memref<1x88xi32, #tpu.memory_space<vmem>>
    %dma_wait3A_197 = tpu.memref_squeeze %dma_wait3A_196 : memref<1x88xi32, #tpu.memory_space<vmem>> -> memref<88xi32, #tpu.memory_space<vmem>>
    %dma_wait3A_198 = arith.constant 0 : i32
    %dma_wait3A_199 = tpu.memref_slice %arg3[%arg0, %arg1, %dma_wait3A_187, %dma_wait3A_198] : memref<2x16x228x88xi32, #tpu.memory_space<hbm>> -> memref<1x1x1x88xi32, #tpu.memory_space<hbm>>
    %dma_wait3A_200 = tpu.memref_squeeze %dma_wait3A_199 : memref<1x1x1x88xi32, #tpu.memory_space<hbm>> -> memref<88xi32, #tpu.memory_space<hbm>>
    tpu.wait_dma2 semaphore(%arg13 : memref<!tpu.dma_semaphore, #tpu.memory_space<semaphore_mem>>) src(%dma_wait3A_200 : memref<88xi32, #tpu.memory_space<hbm>>) dst(%dma_wait3A_197 : memref<88xi32, #tpu.memory_space<vmem>>)
    %dma_start3A_201 = arith.constant 2 : i32
    %dma_start3A_202 = arith.constant 2 : i32
    %dma_start3A_203 = arith.constant 0 : i32
    %dma_start3A_204 = arith.constant 0 : i32
    %dma_start3A_205 = tpu.memref_slice %arg9[%dma_start3A_202, %dma_start3A_203, %dma_start3A_204] : memref<4x88x128xf32, #tpu.memory_space<vmem>> -> memref<1x40x128xf32, #tpu.memory_space<vmem>>
    %dma_start3A_206 = tpu.memref_squeeze %dma_start3A_205 : memref<1x40x128xf32, #tpu.memory_space<vmem>> -> memref<40x128xf32, #tpu.memory_space<vmem>>
    %dma_start3A_207 = arith.constant 0 : i32
    %dma_start3A_208 = tpu.memref_slice %arg7[%dma_start3A_201, %dma_start3A_207] : memref<4x88xi32, #tpu.memory_space<vmem>> -> memref<1x40xi32, #tpu.memory_space<vmem>>
    %dma_start3A_209 = tpu.memref_squeeze %dma_start3A_208 : memref<1x40xi32, #tpu.memory_space<vmem>> -> memref<40xi32, #tpu.memory_space<vmem>>
    %dma_start3A_210 = arith.constant 0 : i32
    %dma_start3A_211 = arith.constant 0 : i32
    %dma_start3A_212 = tpu.memref_slice %arg2[%dma_start3A_210, %dma_start3A_211] : memref<20000x128xf32, #tpu.memory_space<hbm>> -> memref<20000x128xf32, #tpu.memory_space<hbm>>
    tpu.enqueue_indirect_dma source(%dma_start3A_212 : memref<20000x128xf32, #tpu.memory_space<hbm>>) target(%dma_start3A_206 : memref<40x128xf32, #tpu.memory_space<vmem>>) offsets(%dma_start3A_209 : memref<40xi32, #tpu.memory_space<vmem>>) semaphore(%arg21 : memref<!tpu.dma_semaphore, #tpu.memory_space<semaphore_mem>>)
    %dma_start3A_213 = arith.constant 2 : i32
    %dma_start3A_214 = arith.constant 2 : i32
    %dma_start3A_215 = arith.constant 40 : i32
    %dma_start3A_216 = arith.constant 0 : i32
    %dma_start3A_217 = tpu.memref_slice %arg9[%dma_start3A_214, %dma_start3A_215, %dma_start3A_216] : memref<4x88x128xf32, #tpu.memory_space<vmem>> -> memref<1x48x128xf32, #tpu.memory_space<vmem>>
    %dma_start3A_218 = tpu.memref_squeeze %dma_start3A_217 : memref<1x48x128xf32, #tpu.memory_space<vmem>> -> memref<48x128xf32, #tpu.memory_space<vmem>>
    %dma_start3A_219 = arith.constant 40 : i32
    %dma_start3A_220 = tpu.memref_slice %arg7[%dma_start3A_213, %dma_start3A_219] : memref<4x88xi32, #tpu.memory_space<vmem>> -> memref<1x48xi32, #tpu.memory_space<vmem>>
    %dma_start3A_221 = tpu.memref_squeeze %dma_start3A_220 : memref<1x48xi32, #tpu.memory_space<vmem>> -> memref<48xi32, #tpu.memory_space<vmem>>
    %dma_start3A_222 = arith.constant 0 : i32
    %dma_start3A_223 = arith.constant 0 : i32
    %dma_start3A_224 = tpu.memref_slice %arg2[%dma_start3A_222, %dma_start3A_223] : memref<20000x128xf32, #tpu.memory_space<hbm>> -> memref<20000x128xf32, #tpu.memory_space<hbm>>
    tpu.enqueue_indirect_dma source(%dma_start3A_224 : memref<20000x128xf32, #tpu.memory_space<hbm>>) target(%dma_start3A_218 : memref<48x128xf32, #tpu.memory_space<vmem>>) offsets(%dma_start3A_221 : memref<48xi32, #tpu.memory_space<vmem>>) semaphore(%arg25 : memref<!tpu.dma_semaphore, #tpu.memory_space<semaphore_mem>>)
    %scan3A = arith.constant 0 : i32
    %scan3A_225 = arith.constant 0 : i32
    %scan3A_226 = arith.constant 57 : i32
    %scan3A_227 = arith.addi %scan3A_225, %scan3A_226 : i32
    %scan3A_228 = arith.constant 1 : i32
    scf.for %scan3A_235 = %scan3A_225 to %scan3A_227 step %scan3A_228  : i32 {
      %mul3A_236 = arith.constant 4 : i32
      %mul3A_237 = arith.muli %mul3A_236, %scan3A_235 : i32
      %add3A = arith.constant 0 : i32
      %add3A_238 = arith.addi %mul3A_237, %add3A : i32
      %dma_wait3A_239 = arith.constant 0 : i32
      %dma_wait3A_240 = arith.constant 0 : i32
      %dma_wait3A_241 = arith.constant 0 : i32
      %dma_wait3A_242 = arith.constant 0 : i32
      %dma_wait3A_243 = tpu.memref_slice %arg9[%dma_wait3A_240, %dma_wait3A_241, %dma_wait3A_242] : memref<4x88x128xf32, #tpu.memory_space<vmem>> -> memref<1x40x128xf32, #tpu.memory_space<vmem>>
      %dma_wait3A_244 = tpu.memref_squeeze %dma_wait3A_243 : memref<1x40x128xf32, #tpu.memory_space<vmem>> -> memref<40x128xf32, #tpu.memory_space<vmem>>
      %dma_wait3A_245 = arith.constant 0 : i32
      %dma_wait3A_246 = tpu.memref_slice %arg7[%dma_wait3A_239, %dma_wait3A_245] : memref<4x88xi32, #tpu.memory_space<vmem>> -> memref<1x40xi32, #tpu.memory_space<vmem>>
      %dma_wait3A_247 = tpu.memref_squeeze %dma_wait3A_246 : memref<1x40xi32, #tpu.memory_space<vmem>> -> memref<40xi32, #tpu.memory_space<vmem>>
      %dma_wait3A_248 = arith.constant 0 : i32
      %dma_wait3A_249 = arith.constant 0 : i32
      %dma_wait3A_250 = tpu.memref_slice %arg2[%dma_wait3A_248, %dma_wait3A_249] : memref<20000x128xf32, #tpu.memory_space<hbm>> -> memref<20000x128xf32, #tpu.memory_space<hbm>>
      tpu.wait_indirect_dma semaphore(%arg19 : memref<!tpu.dma_semaphore, #tpu.memory_space<semaphore_mem>>) src(%dma_wait3A_250 : memref<20000x128xf32, #tpu.memory_space<hbm>>) dst(%dma_wait3A_244 : memref<40x128xf32, #tpu.memory_space<vmem>>)
      %dma_wait3A_251 = arith.constant 0 : i32
      %dma_wait3A_252 = arith.constant 0 : i32
      %dma_wait3A_253 = arith.constant 40 : i32
      %dma_wait3A_254 = arith.constant 0 : i32
      %dma_wait3A_255 = tpu.memref_slice %arg9[%dma_wait3A_252, %dma_wait3A_253, %dma_wait3A_254] : memref<4x88x128xf32, #tpu.memory_space<vmem>> -> memref<1x48x128xf32, #tpu.memory_space<vmem>>
      %dma_wait3A_256 = tpu.memref_squeeze %dma_wait3A_255 : memref<1x48x128xf32, #tpu.memory_space<vmem>> -> memref<48x128xf32, #tpu.memory_space<vmem>>
      %dma_wait3A_257 = arith.constant 40 : i32
      %dma_wait3A_258 = tpu.memref_slice %arg7[%dma_wait3A_251, %dma_wait3A_257] : memref<4x88xi32, #tpu.memory_space<vmem>> -> memref<1x48xi32, #tpu.memory_space<vmem>>
      %dma_wait3A_259 = tpu.memref_squeeze %dma_wait3A_258 : memref<1x48xi32, #tpu.memory_space<vmem>> -> memref<48xi32, #tpu.memory_space<vmem>>
      %dma_wait3A_260 = arith.constant 0 : i32
      %dma_wait3A_261 = arith.constant 0 : i32
      %dma_wait3A_262 = tpu.memref_slice %arg2[%dma_wait3A_260, %dma_wait3A_261] : memref<20000x128xf32, #tpu.memory_space<hbm>> -> memref<20000x128xf32, #tpu.memory_space<hbm>>
      tpu.wait_indirect_dma semaphore(%arg23 : memref<!tpu.dma_semaphore, #tpu.memory_space<semaphore_mem>>) src(%dma_wait3A_262 : memref<20000x128xf32, #tpu.memory_space<hbm>>) dst(%dma_wait3A_256 : memref<48x128xf32, #tpu.memory_space<vmem>>)
      %add3A_263 = arith.constant 4 : i32
      %add3A_264 = arith.addi %add3A_238, %add3A_263 : i32
      %sub3A = arith.constant 1 : i32
      %sub3A_265 = arith.subi %add3A_264, %sub3A : i32
      %lt3A = arith.constant 228 : i32
      %lt3A_266 = arith.cmpi slt, %sub3A_265, %lt3A : i32
      %convert_element_type3A = arith.extui %lt3A_266 : i1 to i32
      %cond3A = arith.constant 0 : i32
      %cond3A_267 = arith.cmpi ne, %convert_element_type3A, %cond3A : i32
      scf.if %cond3A_267 {
        %dma_wait3A_464 = arith.constant 0 : i32
        %dma_wait3A_465 = arith.constant 3 : i32
        %dma_wait3A_466 = arith.constant 0 : i32
        %dma_wait3A_467 = tpu.memref_slice %arg7[%dma_wait3A_465, %dma_wait3A_466] : memref<4x88xi32, #tpu.memory_space<vmem>> -> memref<1x88xi32, #tpu.memory_space<vmem>>
        %dma_wait3A_468 = tpu.memref_squeeze %dma_wait3A_467 : memref<1x88xi32, #tpu.memory_space<vmem>> -> memref<88xi32, #tpu.memory_space<vmem>>
        %dma_wait3A_469 = arith.constant 0 : i32
        %dma_wait3A_470 = tpu.memref_slice %arg3[%arg0, %arg1, %dma_wait3A_464, %dma_wait3A_469] : memref<2x16x228x88xi32, #tpu.memory_space<hbm>> -> memref<1x1x1x88xi32, #tpu.memory_space<hbm>>
        %dma_wait3A_471 = tpu.memref_squeeze %dma_wait3A_470 : memref<1x1x1x88xi32, #tpu.memory_space<hbm>> -> memref<88xi32, #tpu.memory_space<hbm>>
        %dma_wait3A_472 = arith.constant 0 : i32
        %dma_wait3A_473 = tpu.memref_slice %arg7[%dma_wait3A_465, %dma_wait3A_472] : memref<4x88xi32, #tpu.memory_space<vmem>> -> memref<1x88xi32, #tpu.memory_space<vmem>>
        %dma_wait3A_474 = tpu.memref_squeeze %dma_wait3A_473 : memref<1x88xi32, #tpu.memory_space<vmem>> -> memref<88xi32, #tpu.memory_space<vmem>>
        %dma_wait3A_475 = arith.constant 0 : i32
        %dma_wait3A_476 = tpu.memref_slice %arg3[%arg0, %arg1, %dma_wait3A_464, %dma_wait3A_475] : memref<2x16x228x88xi32, #tpu.memory_space<hbm>> -> memref<1x1x1x88xi32, #tpu.memory_space<hbm>>
        %dma_wait3A_477 = tpu.memref_squeeze %dma_wait3A_476 : memref<1x1x1x88xi32, #tpu.memory_space<hbm>> -> memref<88xi32, #tpu.memory_space<hbm>>
        tpu.wait_dma2 semaphore(%arg14 : memref<!tpu.dma_semaphore, #tpu.memory_space<semaphore_mem>>) src(%dma_wait3A_477 : memref<88xi32, #tpu.memory_space<hbm>>) dst(%dma_wait3A_474 : memref<88xi32, #tpu.memory_space<vmem>>)
        %dma_start3A_478 = arith.constant 3 : i32
        %dma_start3A_479 = arith.constant 3 : i32
        %dma_start3A_480 = arith.constant 0 : i32
        %dma_start3A_481 = arith.constant 0 : i32
        %dma_start3A_482 = tpu.memref_slice %arg9[%dma_start3A_479, %dma_start3A_480, %dma_start3A_481] : memref<4x88x128xf32, #tpu.memory_space<vmem>> -> memref<1x40x128xf32, #tpu.memory_space<vmem>>
        %dma_start3A_483 = tpu.memref_squeeze %dma_start3A_482 : memref<1x40x128xf32, #tpu.memory_space<vmem>> -> memref<40x128xf32, #tpu.memory_space<vmem>>
        %dma_start3A_484 = arith.constant 0 : i32
        %dma_start3A_485 = tpu.memref_slice %arg7[%dma_start3A_478, %dma_start3A_484] : memref<4x88xi32, #tpu.memory_space<vmem>> -> memref<1x40xi32, #tpu.memory_space<vmem>>
        %dma_start3A_486 = tpu.memref_squeeze %dma_start3A_485 : memref<1x40xi32, #tpu.memory_space<vmem>> -> memref<40xi32, #tpu.memory_space<vmem>>
        %dma_start3A_487 = arith.constant 0 : i32
        %dma_start3A_488 = arith.constant 0 : i32
        %dma_start3A_489 = tpu.memref_slice %arg2[%dma_start3A_487, %dma_start3A_488] : memref<20000x128xf32, #tpu.memory_space<hbm>> -> memref<20000x128xf32, #tpu.memory_space<hbm>>
        tpu.enqueue_indirect_dma source(%dma_start3A_489 : memref<20000x128xf32, #tpu.memory_space<hbm>>) target(%dma_start3A_483 : memref<40x128xf32, #tpu.memory_space<vmem>>) offsets(%dma_start3A_486 : memref<40xi32, #tpu.memory_space<vmem>>) semaphore(%arg22 : memref<!tpu.dma_semaphore, #tpu.memory_space<semaphore_mem>>)
        %dma_start3A_490 = arith.constant 3 : i32
        %dma_start3A_491 = arith.constant 3 : i32
        %dma_start3A_492 = arith.constant 40 : i32
        %dma_start3A_493 = arith.constant 0 : i32
        %dma_start3A_494 = tpu.memref_slice %arg9[%dma_start3A_491, %dma_start3A_492, %dma_start3A_493] : memref<4x88x128xf32, #tpu.memory_space<vmem>> -> memref<1x48x128xf32, #tpu.memory_space<vmem>>
        %dma_start3A_495 = tpu.memref_squeeze %dma_start3A_494 : memref<1x48x128xf32, #tpu.memory_space<vmem>> -> memref<48x128xf32, #tpu.memory_space<vmem>>
        %dma_start3A_496 = arith.constant 40 : i32
        %dma_start3A_497 = tpu.memref_slice %arg7[%dma_start3A_490, %dma_start3A_496] : memref<4x88xi32, #tpu.memory_space<vmem>> -> memref<1x48xi32, #tpu.memory_space<vmem>>
        %dma_start3A_498 = tpu.memref_squeeze %dma_start3A_497 : memref<1x48xi32, #tpu.memory_space<vmem>> -> memref<48xi32, #tpu.memory_space<vmem>>
        %dma_start3A_499 = arith.constant 0 : i32
        %dma_start3A_500 = arith.constant 0 : i32
        %dma_start3A_501 = tpu.memref_slice %arg2[%dma_start3A_499, %dma_start3A_500] : memref<20000x128xf32, #tpu.memory_space<hbm>> -> memref<20000x128xf32, #tpu.memory_space<hbm>>
        tpu.enqueue_indirect_dma source(%dma_start3A_501 : memref<20000x128xf32, #tpu.memory_space<hbm>>) target(%dma_start3A_495 : memref<48x128xf32, #tpu.memory_space<vmem>>) offsets(%dma_start3A_498 : memref<48xi32, #tpu.memory_space<vmem>>) semaphore(%arg26 : memref<!tpu.dma_semaphore, #tpu.memory_space<semaphore_mem>>)
      } else {
      }
      %dma_wait3A_268 = arith.constant 0 : i32
      %dma_wait3A_269 = arith.constant 0 : i32
      %dma_wait3A_270 = arith.constant 0 : i32
      %dma_wait3A_271 = tpu.memref_slice %arg8[%dma_wait3A_269, %dma_wait3A_270] : memref<4x88xi32, #tpu.memory_space<vmem>> -> memref<1x88xi32, #tpu.memory_space<vmem>>
      %dma_wait3A_272 = tpu.memref_squeeze %dma_wait3A_271 : memref<1x88xi32, #tpu.memory_space<vmem>> -> memref<88xi32, #tpu.memory_space<vmem>>
      %dma_wait3A_273 = arith.constant 0 : i32
      %dma_wait3A_274 = tpu.memref_slice %arg3[%arg0, %arg1, %dma_wait3A_268, %dma_wait3A_273] : memref<2x16x228x88xi32, #tpu.memory_space<hbm>> -> memref<1x1x1x88xi32, #tpu.memory_space<hbm>>
      %dma_wait3A_275 = tpu.memref_squeeze %dma_wait3A_274 : memref<1x1x1x88xi32, #tpu.memory_space<hbm>> -> memref<88xi32, #tpu.memory_space<hbm>>
      %dma_wait3A_276 = arith.constant 0 : i32
      %dma_wait3A_277 = tpu.memref_slice %arg8[%dma_wait3A_269, %dma_wait3A_276] : memref<4x88xi32, #tpu.memory_space<vmem>> -> memref<1x88xi32, #tpu.memory_space<vmem>>
      %dma_wait3A_278 = tpu.memref_squeeze %dma_wait3A_277 : memref<1x88xi32, #tpu.memory_space<vmem>> -> memref<88xi32, #tpu.memory_space<vmem>>
      %dma_wait3A_279 = arith.constant 0 : i32
      %dma_wait3A_280 = tpu.memref_slice %arg3[%arg0, %arg1, %dma_wait3A_268, %dma_wait3A_279] : memref<2x16x228x88xi32, #tpu.memory_space<hbm>> -> memref<1x1x1x88xi32, #tpu.memory_space<hbm>>
      %dma_wait3A_281 = tpu.memref_squeeze %dma_wait3A_280 : memref<1x1x1x88xi32, #tpu.memory_space<hbm>> -> memref<88xi32, #tpu.memory_space<hbm>>
      tpu.wait_dma2 semaphore(%arg15 : memref<!tpu.dma_semaphore, #tpu.memory_space<semaphore_mem>>) src(%dma_wait3A_281 : memref<88xi32, #tpu.memory_space<hbm>>) dst(%dma_wait3A_278 : memref<88xi32, #tpu.memory_space<vmem>>)
      %run_scoped3A = arith.constant 0 : i32
      %run_scoped3A_282 = arith.constant 0 : i32
      "tpu.region"() ({
        %run_scoped3A_464 = tpu.sem_alloc : memref<!tpu.dma_semaphore, #tpu.memory_space<semaphore_mem>>
        %dma_start3A_465 = arith.constant 0 : i32
        %dma_start3A_466 = arith.constant 0 : i32
        %dma_start3A_467 = tpu.memref_slice %arg9[%run_scoped3A, %dma_start3A_465, %dma_start3A_466] : memref<4x88x128xf32, #tpu.memory_space<vmem>> -> memref<1x88x128xf32, #tpu.memory_space<vmem>>
        %dma_start3A_468 = tpu.memref_squeeze %dma_start3A_467 : memref<1x88x128xf32, #tpu.memory_space<vmem>> -> memref<88x128xf32, #tpu.memory_space<vmem>>
        %dma_start3A_469 = arith.constant 0 : i32
        %dma_start3A_470 = tpu.memref_slice %arg8[%run_scoped3A_282, %dma_start3A_469] : memref<4x88xi32, #tpu.memory_space<vmem>> -> memref<1x88xi32, #tpu.memory_space<vmem>>
        %dma_start3A_471 = tpu.memref_squeeze %dma_start3A_470 : memref<1x88xi32, #tpu.memory_space<vmem>> -> memref<88xi32, #tpu.memory_space<vmem>>
        %dma_start3A_472 = arith.constant 0 : i32
        %dma_start3A_473 = arith.constant 0 : i32
        %dma_start3A_474 = tpu.memref_slice %arg10[%dma_start3A_472, %dma_start3A_473] : memref<10112x128xf32, #tpu.memory_space<vmem_shared>> -> memref<10112x128xf32, #tpu.memory_space<vmem_shared>>
        tpu.enqueue_indirect_dma source(%dma_start3A_468 : memref<88x128xf32, #tpu.memory_space<vmem>>) target(%dma_start3A_474 : memref<10112x128xf32, #tpu.memory_space<vmem_shared>>) offsets(%dma_start3A_471 : memref<88xi32, #tpu.memory_space<vmem>>) semaphore(%run_scoped3A_464 : memref<!tpu.dma_semaphore, #tpu.memory_space<semaphore_mem>>) {add = true}
        %dma_wait3A_475 = arith.constant 0 : i32
        %dma_wait3A_476 = arith.constant 0 : i32
        %dma_wait3A_477 = tpu.memref_slice %arg9[%run_scoped3A, %dma_wait3A_475, %dma_wait3A_476] : memref<4x88x128xf32, #tpu.memory_space<vmem>> -> memref<1x88x128xf32, #tpu.memory_space<vmem>>
        %dma_wait3A_478 = tpu.memref_squeeze %dma_wait3A_477 : memref<1x88x128xf32, #tpu.memory_space<vmem>> -> memref<88x128xf32, #tpu.memory_space<vmem>>
        %dma_wait3A_479 = arith.constant 0 : i32
        %dma_wait3A_480 = tpu.memref_slice %arg8[%run_scoped3A_282, %dma_wait3A_479] : memref<4x88xi32, #tpu.memory_space<vmem>> -> memref<1x88xi32, #tpu.memory_space<vmem>>
        %dma_wait3A_481 = tpu.memref_squeeze %dma_wait3A_480 : memref<1x88xi32, #tpu.memory_space<vmem>> -> memref<88xi32, #tpu.memory_space<vmem>>
        %dma_wait3A_482 = arith.constant 0 : i32
        %dma_wait3A_483 = arith.constant 0 : i32
        %dma_wait3A_484 = tpu.memref_slice %arg10[%dma_wait3A_482, %dma_wait3A_483] : memref<10112x128xf32, #tpu.memory_space<vmem_shared>> -> memref<10112x128xf32, #tpu.memory_space<vmem_shared>>
        tpu.wait_indirect_dma semaphore(%run_scoped3A_464 : memref<!tpu.dma_semaphore, #tpu.memory_space<semaphore_mem>>) src(%dma_wait3A_478 : memref<88x128xf32, #tpu.memory_space<vmem>>) dst(%dma_wait3A_484 : memref<10112x128xf32, #tpu.memory_space<vmem_shared>>)
        tpu.yield
      }) : () -> ()
      %add3A_283 = arith.constant 4 : i32
      %add3A_284 = arith.addi %add3A_238, %add3A_283 : i32
      %lt3A_285 = arith.constant 228 : i32
      %lt3A_286 = arith.cmpi slt, %add3A_284, %lt3A_285 : i32
      %convert_element_type3A_287 = arith.extui %lt3A_286 : i1 to i32
      %cond3A_288 = arith.constant 0 : i32
      %cond3A_289 = arith.cmpi ne, %convert_element_type3A_287, %cond3A_288 : i32
      scf.if %cond3A_289 {
        %add3A_464 = arith.constant 4 : i32
        %add3A_465 = arith.addi %add3A_238, %add3A_464 : i32
        %dma_start3A_466 = arith.constant 0 : i32
        %dma_start3A_467 = arith.constant 0 : i32
        %dma_start3A_468 = tpu.memref_slice %arg7[%dma_start3A_466, %dma_start3A_467] : memref<4x88xi32, #tpu.memory_space<vmem>> -> memref<1x88xi32, #tpu.memory_space<vmem>>
        %dma_start3A_469 = tpu.memref_squeeze %dma_start3A_468 : memref<1x88xi32, #tpu.memory_space<vmem>> -> memref<88xi32, #tpu.memory_space<vmem>>
        %dma_start3A_470 = arith.constant 0 : i32
        %dma_start3A_471 = tpu.memref_slice %arg3[%arg0, %arg1, %add3A_465, %dma_start3A_470] : memref<2x16x228x88xi32, #tpu.memory_space<hbm>> -> memref<1x1x1x88xi32, #tpu.memory_space<hbm>>
        %dma_start3A_472 = tpu.memref_squeeze %dma_start3A_471 : memref<1x1x1x88xi32, #tpu.memory_space<hbm>> -> memref<88xi32, #tpu.memory_space<hbm>>
        %dma_start3A_473 = arith.constant 0 : i32
        %dma_start3A_474 = tpu.memref_slice %arg7[%dma_start3A_466, %dma_start3A_473] : memref<4x88xi32, #tpu.memory_space<vmem>> -> memref<1x88xi32, #tpu.memory_space<vmem>>
        %dma_start3A_475 = tpu.memref_squeeze %dma_start3A_474 : memref<1x88xi32, #tpu.memory_space<vmem>> -> memref<88xi32, #tpu.memory_space<vmem>>
        %dma_start3A_476 = arith.constant 0 : i32
        %dma_start3A_477 = tpu.memref_slice %arg3[%arg0, %arg1, %add3A_465, %dma_start3A_476] : memref<2x16x228x88xi32, #tpu.memory_space<hbm>> -> memref<1x1x1x88xi32, #tpu.memory_space<hbm>>
        %dma_start3A_478 = tpu.memref_squeeze %dma_start3A_477 : memref<1x1x1x88xi32, #tpu.memory_space<hbm>> -> memref<88xi32, #tpu.memory_space<hbm>>
        tpu.enqueue_dma source(%dma_start3A_478 : memref<88xi32, #tpu.memory_space<hbm>>) target(%dma_start3A_475 : memref<88xi32, #tpu.memory_space<vmem>>) target_semaphore(%arg11 : memref<!tpu.dma_semaphore, #tpu.memory_space<semaphore_mem>>)
        %dma_start3A_479 = arith.constant 0 : i32
        %dma_start3A_480 = arith.constant 0 : i32
        %dma_start3A_481 = tpu.memref_slice %arg8[%dma_start3A_479, %dma_start3A_480] : memref<4x88xi32, #tpu.memory_space<vmem>> -> memref<1x88xi32, #tpu.memory_space<vmem>>
        %dma_start3A_482 = tpu.memref_squeeze %dma_start3A_481 : memref<1x88xi32, #tpu.memory_space<vmem>> -> memref<88xi32, #tpu.memory_space<vmem>>
        %dma_start3A_483 = arith.constant 0 : i32
        %dma_start3A_484 = tpu.memref_slice %arg4[%arg0, %arg1, %add3A_465, %dma_start3A_483] : memref<2x16x228x88xi32, #tpu.memory_space<hbm>> -> memref<1x1x1x88xi32, #tpu.memory_space<hbm>>
        %dma_start3A_485 = tpu.memref_squeeze %dma_start3A_484 : memref<1x1x1x88xi32, #tpu.memory_space<hbm>> -> memref<88xi32, #tpu.memory_space<hbm>>
        %dma_start3A_486 = arith.constant 0 : i32
        %dma_start3A_487 = tpu.memref_slice %arg8[%dma_start3A_479, %dma_start3A_486] : memref<4x88xi32, #tpu.memory_space<vmem>> -> memref<1x88xi32, #tpu.memory_space<vmem>>
        %dma_start3A_488 = tpu.memref_squeeze %dma_start3A_487 : memref<1x88xi32, #tpu.memory_space<vmem>> -> memref<88xi32, #tpu.memory_space<vmem>>
        %dma_start3A_489 = arith.constant 0 : i32
        %dma_start3A_490 = tpu.memref_slice %arg4[%arg0, %arg1, %add3A_465, %dma_start3A_489] : memref<2x16x228x88xi32, #tpu.memory_space<hbm>> -> memref<1x1x1x88xi32, #tpu.memory_space<hbm>>
        %dma_start3A_491 = tpu.memref_squeeze %dma_start3A_490 : memref<1x1x1x88xi32, #tpu.memory_space<hbm>> -> memref<88xi32, #tpu.memory_space<hbm>>
        tpu.enqueue_dma source(%dma_start3A_491 : memref<88xi32, #tpu.memory_space<hbm>>) target(%dma_start3A_488 : memref<88xi32, #tpu.memory_space<vmem>>) target_semaphore(%arg15 : memref<!tpu.dma_semaphore, #tpu.memory_space<semaphore_mem>>)
      } else {
      }
      %add3A_290 = arith.constant 1 : i32
      %add3A_291 = arith.addi %mul3A_237, %add3A_290 : i32
      %dma_wait3A_292 = arith.constant 1 : i32
      %dma_wait3A_293 = arith.constant 1 : i32
      %dma_wait3A_294 = arith.constant 0 : i32
      %dma_wait3A_295 = arith.constant 0 : i32
      %dma_wait3A_296 = tpu.memref_slice %arg9[%dma_wait3A_293, %dma_wait3A_294, %dma_wait3A_295] : memref<4x88x128xf32, #tpu.memory_space<vmem>> -> memref<1x40x128xf32, #tpu.memory_space<vmem>>
      %dma_wait3A_297 = tpu.memref_squeeze %dma_wait3A_296 : memref<1x40x128xf32, #tpu.memory_space<vmem>> -> memref<40x128xf32, #tpu.memory_space<vmem>>
      %dma_wait3A_298 = arith.constant 0 : i32
      %dma_wait3A_299 = tpu.memref_slice %arg7[%dma_wait3A_292, %dma_wait3A_298] : memref<4x88xi32, #tpu.memory_space<vmem>> -> memref<1x40xi32, #tpu.memory_space<vmem>>
      %dma_wait3A_300 = tpu.memref_squeeze %dma_wait3A_299 : memref<1x40xi32, #tpu.memory_space<vmem>> -> memref<40xi32, #tpu.memory_space<vmem>>
      %dma_wait3A_301 = arith.constant 0 : i32
      %dma_wait3A_302 = arith.constant 0 : i32
      %dma_wait3A_303 = tpu.memref_slice %arg2[%dma_wait3A_301, %dma_wait3A_302] : memref<20000x128xf32, #tpu.memory_space<hbm>> -> memref<20000x128xf32, #tpu.memory_space<hbm>>
      tpu.wait_indirect_dma semaphore(%arg20 : memref<!tpu.dma_semaphore, #tpu.memory_space<semaphore_mem>>) src(%dma_wait3A_303 : memref<20000x128xf32, #tpu.memory_space<hbm>>) dst(%dma_wait3A_297 : memref<40x128xf32, #tpu.memory_space<vmem>>)
      %dma_wait3A_304 = arith.constant 1 : i32
      %dma_wait3A_305 = arith.constant 1 : i32
      %dma_wait3A_306 = arith.constant 40 : i32
      %dma_wait3A_307 = arith.constant 0 : i32
      %dma_wait3A_308 = tpu.memref_slice %arg9[%dma_wait3A_305, %dma_wait3A_306, %dma_wait3A_307] : memref<4x88x128xf32, #tpu.memory_space<vmem>> -> memref<1x48x128xf32, #tpu.memory_space<vmem>>
      %dma_wait3A_309 = tpu.memref_squeeze %dma_wait3A_308 : memref<1x48x128xf32, #tpu.memory_space<vmem>> -> memref<48x128xf32, #tpu.memory_space<vmem>>
      %dma_wait3A_310 = arith.constant 40 : i32
      %dma_wait3A_311 = tpu.memref_slice %arg7[%dma_wait3A_304, %dma_wait3A_310] : memref<4x88xi32, #tpu.memory_space<vmem>> -> memref<1x48xi32, #tpu.memory_space<vmem>>
      %dma_wait3A_312 = tpu.memref_squeeze %dma_wait3A_311 : memref<1x48xi32, #tpu.memory_space<vmem>> -> memref<48xi32, #tpu.memory_space<vmem>>
      %dma_wait3A_313 = arith.constant 0 : i32
      %dma_wait3A_314 = arith.constant 0 : i32
      %dma_wait3A_315 = tpu.memref_slice %arg2[%dma_wait3A_313, %dma_wait3A_314] : memref<20000x128xf32, #tpu.memory_space<hbm>> -> memref<20000x128xf32, #tpu.memory_space<hbm>>
      tpu.wait_indirect_dma semaphore(%arg24 : memref<!tpu.dma_semaphore, #tpu.memory_space<semaphore_mem>>) src(%dma_wait3A_315 : memref<20000x128xf32, #tpu.memory_space<hbm>>) dst(%dma_wait3A_309 : memref<48x128xf32, #tpu.memory_space<vmem>>)
      %add3A_316 = arith.constant 4 : i32
      %add3A_317 = arith.addi %add3A_291, %add3A_316 : i32
      %sub3A_318 = arith.constant 1 : i32
      %sub3A_319 = arith.subi %add3A_317, %sub3A_318 : i32
      %lt3A_320 = arith.constant 228 : i32
      %lt3A_321 = arith.cmpi slt, %sub3A_319, %lt3A_320 : i32
      %convert_element_type3A_322 = arith.extui %lt3A_321 : i1 to i32
      %cond3A_323 = arith.constant 0 : i32
      %cond3A_324 = arith.cmpi ne, %convert_element_type3A_322, %cond3A_323 : i32
      scf.if %cond3A_324 {
        %dma_wait3A_464 = arith.constant 0 : i32
        %dma_wait3A_465 = arith.constant 0 : i32
        %dma_wait3A_466 = arith.constant 0 : i32
        %dma_wait3A_467 = tpu.memref_slice %arg7[%dma_wait3A_465, %dma_wait3A_466] : memref<4x88xi32, #tpu.memory_space<vmem>> -> memref<1x88xi32, #tpu.memory_space<vmem>>
        %dma_wait3A_468 = tpu.memref_squeeze %dma_wait3A_467 : memref<1x88xi32, #tpu.memory_space<vmem>> -> memref<88xi32, #tpu.memory_space<vmem>>
        %dma_wait3A_469 = arith.constant 0 : i32
        %dma_wait3A_470 = tpu.memref_slice %arg3[%arg0, %arg1, %dma_wait3A_464, %dma_wait3A_469] : memref<2x16x228x88xi32, #tpu.memory_space<hbm>> -> memref<1x1x1x88xi32, #tpu.memory_space<hbm>>
        %dma_wait3A_471 = tpu.memref_squeeze %dma_wait3A_470 : memref<1x1x1x88xi32, #tpu.memory_space<hbm>> -> memref<88xi32, #tpu.memory_space<hbm>>
        %dma_wait3A_472 = arith.constant 0 : i32
        %dma_wait3A_473 = tpu.memref_slice %arg7[%dma_wait3A_465, %dma_wait3A_472] : memref<4x88xi32, #tpu.memory_space<vmem>> -> memref<1x88xi32, #tpu.memory_space<vmem>>
        %dma_wait3A_474 = tpu.memref_squeeze %dma_wait3A_473 : memref<1x88xi32, #tpu.memory_space<vmem>> -> memref<88xi32, #tpu.memory_space<vmem>>
        %dma_wait3A_475 = arith.constant 0 : i32
        %dma_wait3A_476 = tpu.memref_slice %arg3[%arg0, %arg1, %dma_wait3A_464, %dma_wait3A_475] : memref<2x16x228x88xi32, #tpu.memory_space<hbm>> -> memref<1x1x1x88xi32, #tpu.memory_space<hbm>>
        %dma_wait3A_477 = tpu.memref_squeeze %dma_wait3A_476 : memref<1x1x1x88xi32, #tpu.memory_space<hbm>> -> memref<88xi32, #tpu.memory_space<hbm>>
        tpu.wait_dma2 semaphore(%arg11 : memref<!tpu.dma_semaphore, #tpu.memory_space<semaphore_mem>>) src(%dma_wait3A_477 : memref<88xi32, #tpu.memory_space<hbm>>) dst(%dma_wait3A_474 : memref<88xi32, #tpu.memory_space<vmem>>)
        %dma_start3A_478 = arith.constant 0 : i32
        %dma_start3A_479 = arith.constant 0 : i32
        %dma_start3A_480 = arith.constant 0 : i32
        %dma_start3A_481 = arith.constant 0 : i32
        %dma_start3A_482 = tpu.memref_slice %arg9[%dma_start3A_479, %dma_start3A_480, %dma_start3A_481] : memref<4x88x128xf32, #tpu.memory_space<vmem>> -> memref<1x40x128xf32, #tpu.memory_space<vmem>>
        %dma_start3A_483 = tpu.memref_squeeze %dma_start3A_482 : memref<1x40x128xf32, #tpu.memory_space<vmem>> -> memref<40x128xf32, #tpu.memory_space<vmem>>
        %dma_start3A_484 = arith.constant 0 : i32
        %dma_start3A_485 = tpu.memref_slice %arg7[%dma_start3A_478, %dma_start3A_484] : memref<4x88xi32, #tpu.memory_space<vmem>> -> memref<1x40xi32, #tpu.memory_space<vmem>>
        %dma_start3A_486 = tpu.memref_squeeze %dma_start3A_485 : memref<1x40xi32, #tpu.memory_space<vmem>> -> memref<40xi32, #tpu.memory_space<vmem>>
        %dma_start3A_487 = arith.constant 0 : i32
        %dma_start3A_488 = arith.constant 0 : i32
        %dma_start3A_489 = tpu.memref_slice %arg2[%dma_start3A_487, %dma_start3A_488] : memref<20000x128xf32, #tpu.memory_space<hbm>> -> memref<20000x128xf32, #tpu.memory_space<hbm>>
        tpu.enqueue_indirect_dma source(%dma_start3A_489 : memref<20000x128xf32, #tpu.memory_space<hbm>>) target(%dma_start3A_483 : memref<40x128xf32, #tpu.memory_space<vmem>>) offsets(%dma_start3A_486 : memref<40xi32, #tpu.memory_space<vmem>>) semaphore(%arg19 : memref<!tpu.dma_semaphore, #tpu.memory_space<semaphore_mem>>)
        %dma_start3A_490 = arith.constant 0 : i32
        %dma_start3A_491 = arith.constant 0 : i32
        %dma_start3A_492 = arith.constant 40 : i32
        %dma_start3A_493 = arith.constant 0 : i32
        %dma_start3A_494 = tpu.memref_slice %arg9[%dma_start3A_491, %dma_start3A_492, %dma_start3A_493] : memref<4x88x128xf32, #tpu.memory_space<vmem>> -> memref<1x48x128xf32, #tpu.memory_space<vmem>>
        %dma_start3A_495 = tpu.memref_squeeze %dma_start3A_494 : memref<1x48x128xf32, #tpu.memory_space<vmem>> -> memref<48x128xf32, #tpu.memory_space<vmem>>
        %dma_start3A_496 = arith.constant 40 : i32
        %dma_start3A_497 = tpu.memref_slice %arg7[%dma_start3A_490, %dma_start3A_496] : memref<4x88xi32, #tpu.memory_space<vmem>> -> memref<1x48xi32, #tpu.memory_space<vmem>>
        %dma_start3A_498 = tpu.memref_squeeze %dma_start3A_497 : memref<1x48xi32, #tpu.memory_space<vmem>> -> memref<48xi32, #tpu.memory_space<vmem>>
        %dma_start3A_499 = arith.constant 0 : i32
        %dma_start3A_500 = arith.constant 0 : i32
        %dma_start3A_501 = tpu.memref_slice %arg2[%dma_start3A_499, %dma_start3A_500] : memref<20000x128xf32, #tpu.memory_space<hbm>> -> memref<20000x128xf32, #tpu.memory_space<hbm>>
        tpu.enqueue_indirect_dma source(%dma_start3A_501 : memref<20000x128xf32, #tpu.memory_space<hbm>>) target(%dma_start3A_495 : memref<48x128xf32, #tpu.memory_space<vmem>>) offsets(%dma_start3A_498 : memref<48xi32, #tpu.memory_space<vmem>>) semaphore(%arg23 : memref<!tpu.dma_semaphore, #tpu.memory_space<semaphore_mem>>)
      } else {
      }
      %dma_wait3A_325 = arith.constant 0 : i32
      %dma_wait3A_326 = arith.constant 1 : i32
      %dma_wait3A_327 = arith.constant 0 : i32
      %dma_wait3A_328 = tpu.memref_slice %arg8[%dma_wait3A_326, %dma_wait3A_327] : memref<4x88xi32, #tpu.memory_space<vmem>> -> memref<1x88xi32, #tpu.memory_space<vmem>>
      %dma_wait3A_329 = tpu.memref_squeeze %dma_wait3A_328 : memref<1x88xi32, #tpu.memory_space<vmem>> -> memref<88xi32, #tpu.memory_space<vmem>>
      %dma_wait3A_330 = arith.constant 0 : i32
      %dma_wait3A_331 = tpu.memref_slice %arg3[%arg0, %arg1, %dma_wait3A_325, %dma_wait3A_330] : memref<2x16x228x88xi32, #tpu.memory_space<hbm>> -> memref<1x1x1x88xi32, #tpu.memory_space<hbm>>
      %dma_wait3A_332 = tpu.memref_squeeze %dma_wait3A_331 : memref<1x1x1x88xi32, #tpu.memory_space<hbm>> -> memref<88xi32, #tpu.memory_space<hbm>>
      %dma_wait3A_333 = arith.constant 0 : i32
      %dma_wait3A_334 = tpu.memref_slice %arg8[%dma_wait3A_326, %dma_wait3A_333] : memref<4x88xi32, #tpu.memory_space<vmem>> -> memref<1x88xi32, #tpu.memory_space<vmem>>
      %dma_wait3A_335 = tpu.memref_squeeze %dma_wait3A_334 : memref<1x88xi32, #tpu.memory_space<vmem>> -> memref<88xi32, #tpu.memory_space<vmem>>
      %dma_wait3A_336 = arith.constant 0 : i32
      %dma_wait3A_337 = tpu.memref_slice %arg3[%arg0, %arg1, %dma_wait3A_325, %dma_wait3A_336] : memref<2x16x228x88xi32, #tpu.memory_space<hbm>> -> memref<1x1x1x88xi32, #tpu.memory_space<hbm>>
      %dma_wait3A_338 = tpu.memref_squeeze %dma_wait3A_337 : memref<1x1x1x88xi32, #tpu.memory_space<hbm>> -> memref<88xi32, #tpu.memory_space<hbm>>
      tpu.wait_dma2 semaphore(%arg16 : memref<!tpu.dma_semaphore, #tpu.memory_space<semaphore_mem>>) src(%dma_wait3A_338 : memref<88xi32, #tpu.memory_space<hbm>>) dst(%dma_wait3A_335 : memref<88xi32, #tpu.memory_space<vmem>>)
      %run_scoped3A_339 = arith.constant 1 : i32
      %run_scoped3A_340 = arith.constant 1 : i32
      "tpu.region"() ({
        %run_scoped3A_464 = tpu.sem_alloc : memref<!tpu.dma_semaphore, #tpu.memory_space<semaphore_mem>>
        %dma_start3A_465 = arith.constant 0 : i32
        %dma_start3A_466 = arith.constant 0 : i32
        %dma_start3A_467 = tpu.memref_slice %arg9[%run_scoped3A_339, %dma_start3A_465, %dma_start3A_466] : memref<4x88x128xf32, #tpu.memory_space<vmem>> -> memref<1x88x128xf32, #tpu.memory_space<vmem>>
        %dma_start3A_468 = tpu.memref_squeeze %dma_start3A_467 : memref<1x88x128xf32, #tpu.memory_space<vmem>> -> memref<88x128xf32, #tpu.memory_space<vmem>>
        %dma_start3A_469 = arith.constant 0 : i32
        %dma_start3A_470 = tpu.memref_slice %arg8[%run_scoped3A_340, %dma_start3A_469] : memref<4x88xi32, #tpu.memory_space<vmem>> -> memref<1x88xi32, #tpu.memory_space<vmem>>
        %dma_start3A_471 = tpu.memref_squeeze %dma_start3A_470 : memref<1x88xi32, #tpu.memory_space<vmem>> -> memref<88xi32, #tpu.memory_space<vmem>>
        %dma_start3A_472 = arith.constant 0 : i32
        %dma_start3A_473 = arith.constant 0 : i32
        %dma_start3A_474 = tpu.memref_slice %arg10[%dma_start3A_472, %dma_start3A_473] : memref<10112x128xf32, #tpu.memory_space<vmem_shared>> -> memref<10112x128xf32, #tpu.memory_space<vmem_shared>>
        tpu.enqueue_indirect_dma source(%dma_start3A_468 : memref<88x128xf32, #tpu.memory_space<vmem>>) target(%dma_start3A_474 : memref<10112x128xf32, #tpu.memory_space<vmem_shared>>) offsets(%dma_start3A_471 : memref<88xi32, #tpu.memory_space<vmem>>) semaphore(%run_scoped3A_464 : memref<!tpu.dma_semaphore, #tpu.memory_space<semaphore_mem>>) {add = true}
        %dma_wait3A_475 = arith.constant 0 : i32
        %dma_wait3A_476 = arith.constant 0 : i32
        %dma_wait3A_477 = tpu.memref_slice %arg9[%run_scoped3A_339, %dma_wait3A_475, %dma_wait3A_476] : memref<4x88x128xf32, #tpu.memory_space<vmem>> -> memref<1x88x128xf32, #tpu.memory_space<vmem>>
        %dma_wait3A_478 = tpu.memref_squeeze %dma_wait3A_477 : memref<1x88x128xf32, #tpu.memory_space<vmem>> -> memref<88x128xf32, #tpu.memory_space<vmem>>
        %dma_wait3A_479 = arith.constant 0 : i32
        %dma_wait3A_480 = tpu.memref_slice %arg8[%run_scoped3A_340, %dma_wait3A_479] : memref<4x88xi32, #tpu.memory_space<vmem>> -> memref<1x88xi32, #tpu.memory_space<vmem>>
        %dma_wait3A_481 = tpu.memref_squeeze %dma_wait3A_480 : memref<1x88xi32, #tpu.memory_space<vmem>> -> memref<88xi32, #tpu.memory_space<vmem>>
        %dma_wait3A_482 = arith.constant 0 : i32
        %dma_wait3A_483 = arith.constant 0 : i32
        %dma_wait3A_484 = tpu.memref_slice %arg10[%dma_wait3A_482, %dma_wait3A_483] : memref<10112x128xf32, #tpu.memory_space<vmem_shared>> -> memref<10112x128xf32, #tpu.memory_space<vmem_shared>>
        tpu.wait_indirect_dma semaphore(%run_scoped3A_464 : memref<!tpu.dma_semaphore, #tpu.memory_space<semaphore_mem>>) src(%dma_wait3A_478 : memref<88x128xf32, #tpu.memory_space<vmem>>) dst(%dma_wait3A_484 : memref<10112x128xf32, #tpu.memory_space<vmem_shared>>)
        tpu.yield
      }) : () -> ()
      %add3A_341 = arith.constant 4 : i32
      %add3A_342 = arith.addi %add3A_291, %add3A_341 : i32
      %lt3A_343 = arith.constant 228 : i32
      %lt3A_344 = arith.cmpi slt, %add3A_342, %lt3A_343 : i32
      %convert_element_type3A_345 = arith.extui %lt3A_344 : i1 to i32
      %cond3A_346 = arith.constant 0 : i32
      %cond3A_347 = arith.cmpi ne, %convert_element_type3A_345, %cond3A_346 : i32
      scf.if %cond3A_347 {
        %add3A_464 = arith.constant 4 : i32
        %add3A_465 = arith.addi %add3A_291, %add3A_464 : i32
        %dma_start3A_466 = arith.constant 1 : i32
        %dma_start3A_467 = arith.constant 0 : i32
        %dma_start3A_468 = tpu.memref_slice %arg7[%dma_start3A_466, %dma_start3A_467] : memref<4x88xi32, #tpu.memory_space<vmem>> -> memref<1x88xi32, #tpu.memory_space<vmem>>
        %dma_start3A_469 = tpu.memref_squeeze %dma_start3A_468 : memref<1x88xi32, #tpu.memory_space<vmem>> -> memref<88xi32, #tpu.memory_space<vmem>>
        %dma_start3A_470 = arith.constant 0 : i32
        %dma_start3A_471 = tpu.memref_slice %arg3[%arg0, %arg1, %add3A_465, %dma_start3A_470] : memref<2x16x228x88xi32, #tpu.memory_space<hbm>> -> memref<1x1x1x88xi32, #tpu.memory_space<hbm>>
        %dma_start3A_472 = tpu.memref_squeeze %dma_start3A_471 : memref<1x1x1x88xi32, #tpu.memory_space<hbm>> -> memref<88xi32, #tpu.memory_space<hbm>>
        %dma_start3A_473 = arith.constant 0 : i32
        %dma_start3A_474 = tpu.memref_slice %arg7[%dma_start3A_466, %dma_start3A_473] : memref<4x88xi32, #tpu.memory_space<vmem>> -> memref<1x88xi32, #tpu.memory_space<vmem>>
        %dma_start3A_475 = tpu.memref_squeeze %dma_start3A_474 : memref<1x88xi32, #tpu.memory_space<vmem>> -> memref<88xi32, #tpu.memory_space<vmem>>
        %dma_start3A_476 = arith.constant 0 : i32
        %dma_start3A_477 = tpu.memref_slice %arg3[%arg0, %arg1, %add3A_465, %dma_start3A_476] : memref<2x16x228x88xi32, #tpu.memory_space<hbm>> -> memref<1x1x1x88xi32, #tpu.memory_space<hbm>>
        %dma_start3A_478 = tpu.memref_squeeze %dma_start3A_477 : memref<1x1x1x88xi32, #tpu.memory_space<hbm>> -> memref<88xi32, #tpu.memory_space<hbm>>
        tpu.enqueue_dma source(%dma_start3A_478 : memref<88xi32, #tpu.memory_space<hbm>>) target(%dma_start3A_475 : memref<88xi32, #tpu.memory_space<vmem>>) target_semaphore(%arg12 : memref<!tpu.dma_semaphore, #tpu.memory_space<semaphore_mem>>)
        %dma_start3A_479 = arith.constant 1 : i32
        %dma_start3A_480 = arith.constant 0 : i32
        %dma_start3A_481 = tpu.memref_slice %arg8[%dma_start3A_479, %dma_start3A_480] : memref<4x88xi32, #tpu.memory_space<vmem>> -> memref<1x88xi32, #tpu.memory_space<vmem>>
        %dma_start3A_482 = tpu.memref_squeeze %dma_start3A_481 : memref<1x88xi32, #tpu.memory_space<vmem>> -> memref<88xi32, #tpu.memory_space<vmem>>
        %dma_start3A_483 = arith.constant 0 : i32
        %dma_start3A_484 = tpu.memref_slice %arg4[%arg0, %arg1, %add3A_465, %dma_start3A_483] : memref<2x16x228x88xi32, #tpu.memory_space<hbm>> -> memref<1x1x1x88xi32, #tpu.memory_space<hbm>>
        %dma_start3A_485 = tpu.memref_squeeze %dma_start3A_484 : memref<1x1x1x88xi32, #tpu.memory_space<hbm>> -> memref<88xi32, #tpu.memory_space<hbm>>
        %dma_start3A_486 = arith.constant 0 : i32
        %dma_start3A_487 = tpu.memref_slice %arg8[%dma_start3A_479, %dma_start3A_486] : memref<4x88xi32, #tpu.memory_space<vmem>> -> memref<1x88xi32, #tpu.memory_space<vmem>>
        %dma_start3A_488 = tpu.memref_squeeze %dma_start3A_487 : memref<1x88xi32, #tpu.memory_space<vmem>> -> memref<88xi32, #tpu.memory_space<vmem>>
        %dma_start3A_489 = arith.constant 0 : i32
        %dma_start3A_490 = tpu.memref_slice %arg4[%arg0, %arg1, %add3A_465, %dma_start3A_489] : memref<2x16x228x88xi32, #tpu.memory_space<hbm>> -> memref<1x1x1x88xi32, #tpu.memory_space<hbm>>
        %dma_start3A_491 = tpu.memref_squeeze %dma_start3A_490 : memref<1x1x1x88xi32, #tpu.memory_space<hbm>> -> memref<88xi32, #tpu.memory_space<hbm>>
        tpu.enqueue_dma source(%dma_start3A_491 : memref<88xi32, #tpu.memory_space<hbm>>) target(%dma_start3A_488 : memref<88xi32, #tpu.memory_space<vmem>>) target_semaphore(%arg16 : memref<!tpu.dma_semaphore, #tpu.memory_space<semaphore_mem>>)
      } else {
      }
      %add3A_348 = arith.constant 2 : i32
      %add3A_349 = arith.addi %mul3A_237, %add3A_348 : i32
      %dma_wait3A_350 = arith.constant 2 : i32
      %dma_wait3A_351 = arith.constant 2 : i32
      %dma_wait3A_352 = arith.constant 0 : i32
      %dma_wait3A_353 = arith.constant 0 : i32
      %dma_wait3A_354 = tpu.memref_slice %arg9[%dma_wait3A_351, %dma_wait3A_352, %dma_wait3A_353] : memref<4x88x128xf32, #tpu.memory_space<vmem>> -> memref<1x40x128xf32, #tpu.memory_space<vmem>>
      %dma_wait3A_355 = tpu.memref_squeeze %dma_wait3A_354 : memref<1x40x128xf32, #tpu.memory_space<vmem>> -> memref<40x128xf32, #tpu.memory_space<vmem>>
      %dma_wait3A_356 = arith.constant 0 : i32
      %dma_wait3A_357 = tpu.memref_slice %arg7[%dma_wait3A_350, %dma_wait3A_356] : memref<4x88xi32, #tpu.memory_space<vmem>> -> memref<1x40xi32, #tpu.memory_space<vmem>>
      %dma_wait3A_358 = tpu.memref_squeeze %dma_wait3A_357 : memref<1x40xi32, #tpu.memory_space<vmem>> -> memref<40xi32, #tpu.memory_space<vmem>>
      %dma_wait3A_359 = arith.constant 0 : i32
      %dma_wait3A_360 = arith.constant 0 : i32
      %dma_wait3A_361 = tpu.memref_slice %arg2[%dma_wait3A_359, %dma_wait3A_360] : memref<20000x128xf32, #tpu.memory_space<hbm>> -> memref<20000x128xf32, #tpu.memory_space<hbm>>
      tpu.wait_indirect_dma semaphore(%arg21 : memref<!tpu.dma_semaphore, #tpu.memory_space<semaphore_mem>>) src(%dma_wait3A_361 : memref<20000x128xf32, #tpu.memory_space<hbm>>) dst(%dma_wait3A_355 : memref<40x128xf32, #tpu.memory_space<vmem>>)
      %dma_wait3A_362 = arith.constant 2 : i32
      %dma_wait3A_363 = arith.constant 2 : i32
      %dma_wait3A_364 = arith.constant 40 : i32
      %dma_wait3A_365 = arith.constant 0 : i32
      %dma_wait3A_366 = tpu.memref_slice %arg9[%dma_wait3A_363, %dma_wait3A_364, %dma_wait3A_365] : memref<4x88x128xf32, #tpu.memory_space<vmem>> -> memref<1x48x128xf32, #tpu.memory_space<vmem>>
      %dma_wait3A_367 = tpu.memref_squeeze %dma_wait3A_366 : memref<1x48x128xf32, #tpu.memory_space<vmem>> -> memref<48x128xf32, #tpu.memory_space<vmem>>
      %dma_wait3A_368 = arith.constant 40 : i32
      %dma_wait3A_369 = tpu.memref_slice %arg7[%dma_wait3A_362, %dma_wait3A_368] : memref<4x88xi32, #tpu.memory_space<vmem>> -> memref<1x48xi32, #tpu.memory_space<vmem>>
      %dma_wait3A_370 = tpu.memref_squeeze %dma_wait3A_369 : memref<1x48xi32, #tpu.memory_space<vmem>> -> memref<48xi32, #tpu.memory_space<vmem>>
      %dma_wait3A_371 = arith.constant 0 : i32
      %dma_wait3A_372 = arith.constant 0 : i32
      %dma_wait3A_373 = tpu.memref_slice %arg2[%dma_wait3A_371, %dma_wait3A_372] : memref<20000x128xf32, #tpu.memory_space<hbm>> -> memref<20000x128xf32, #tpu.memory_space<hbm>>
      tpu.wait_indirect_dma semaphore(%arg25 : memref<!tpu.dma_semaphore, #tpu.memory_space<semaphore_mem>>) src(%dma_wait3A_373 : memref<20000x128xf32, #tpu.memory_space<hbm>>) dst(%dma_wait3A_367 : memref<48x128xf32, #tpu.memory_space<vmem>>)
      %add3A_374 = arith.constant 4 : i32
      %add3A_375 = arith.addi %add3A_349, %add3A_374 : i32
      %sub3A_376 = arith.constant 1 : i32
      %sub3A_377 = arith.subi %add3A_375, %sub3A_376 : i32
      %lt3A_378 = arith.constant 228 : i32
      %lt3A_379 = arith.cmpi slt, %sub3A_377, %lt3A_378 : i32
      %convert_element_type3A_380 = arith.extui %lt3A_379 : i1 to i32
      %cond3A_381 = arith.constant 0 : i32
      %cond3A_382 = arith.cmpi ne, %convert_element_type3A_380, %cond3A_381 : i32
      scf.if %cond3A_382 {
        %dma_wait3A_464 = arith.constant 0 : i32
        %dma_wait3A_465 = arith.constant 1 : i32
        %dma_wait3A_466 = arith.constant 0 : i32
        %dma_wait3A_467 = tpu.memref_slice %arg7[%dma_wait3A_465, %dma_wait3A_466] : memref<4x88xi32, #tpu.memory_space<vmem>> -> memref<1x88xi32, #tpu.memory_space<vmem>>
        %dma_wait3A_468 = tpu.memref_squeeze %dma_wait3A_467 : memref<1x88xi32, #tpu.memory_space<vmem>> -> memref<88xi32, #tpu.memory_space<vmem>>
        %dma_wait3A_469 = arith.constant 0 : i32
        %dma_wait3A_470 = tpu.memref_slice %arg3[%arg0, %arg1, %dma_wait3A_464, %dma_wait3A_469] : memref<2x16x228x88xi32, #tpu.memory_space<hbm>> -> memref<1x1x1x88xi32, #tpu.memory_space<hbm>>
        %dma_wait3A_471 = tpu.memref_squeeze %dma_wait3A_470 : memref<1x1x1x88xi32, #tpu.memory_space<hbm>> -> memref<88xi32, #tpu.memory_space<hbm>>
        %dma_wait3A_472 = arith.constant 0 : i32
        %dma_wait3A_473 = tpu.memref_slice %arg7[%dma_wait3A_465, %dma_wait3A_472] : memref<4x88xi32, #tpu.memory_space<vmem>> -> memref<1x88xi32, #tpu.memory_space<vmem>>
        %dma_wait3A_474 = tpu.memref_squeeze %dma_wait3A_473 : memref<1x88xi32, #tpu.memory_space<vmem>> -> memref<88xi32, #tpu.memory_space<vmem>>
        %dma_wait3A_475 = arith.constant 0 : i32
        %dma_wait3A_476 = tpu.memref_slice %arg3[%arg0, %arg1, %dma_wait3A_464, %dma_wait3A_475] : memref<2x16x228x88xi32, #tpu.memory_space<hbm>> -> memref<1x1x1x88xi32, #tpu.memory_space<hbm>>
        %dma_wait3A_477 = tpu.memref_squeeze %dma_wait3A_476 : memref<1x1x1x88xi32, #tpu.memory_space<hbm>> -> memref<88xi32, #tpu.memory_space<hbm>>
        tpu.wait_dma2 semaphore(%arg12 : memref<!tpu.dma_semaphore, #tpu.memory_space<semaphore_mem>>) src(%dma_wait3A_477 : memref<88xi32, #tpu.memory_space<hbm>>) dst(%dma_wait3A_474 : memref<88xi32, #tpu.memory_space<vmem>>)
        %dma_start3A_478 = arith.constant 1 : i32
        %dma_start3A_479 = arith.constant 1 : i32
        %dma_start3A_480 = arith.constant 0 : i32
        %dma_start3A_481 = arith.constant 0 : i32
        %dma_start3A_482 = tpu.memref_slice %arg9[%dma_start3A_479, %dma_start3A_480, %dma_start3A_481] : memref<4x88x128xf32, #tpu.memory_space<vmem>> -> memref<1x40x128xf32, #tpu.memory_space<vmem>>
        %dma_start3A_483 = tpu.memref_squeeze %dma_start3A_482 : memref<1x40x128xf32, #tpu.memory_space<vmem>> -> memref<40x128xf32, #tpu.memory_space<vmem>>
        %dma_start3A_484 = arith.constant 0 : i32
        %dma_start3A_485 = tpu.memref_slice %arg7[%dma_start3A_478, %dma_start3A_484] : memref<4x88xi32, #tpu.memory_space<vmem>> -> memref<1x40xi32, #tpu.memory_space<vmem>>
        %dma_start3A_486 = tpu.memref_squeeze %dma_start3A_485 : memref<1x40xi32, #tpu.memory_space<vmem>> -> memref<40xi32, #tpu.memory_space<vmem>>
        %dma_start3A_487 = arith.constant 0 : i32
        %dma_start3A_488 = arith.constant 0 : i32
        %dma_start3A_489 = tpu.memref_slice %arg2[%dma_start3A_487, %dma_start3A_488] : memref<20000x128xf32, #tpu.memory_space<hbm>> -> memref<20000x128xf32, #tpu.memory_space<hbm>>
        tpu.enqueue_indirect_dma source(%dma_start3A_489 : memref<20000x128xf32, #tpu.memory_space<hbm>>) target(%dma_start3A_483 : memref<40x128xf32, #tpu.memory_space<vmem>>) offsets(%dma_start3A_486 : memref<40xi32, #tpu.memory_space<vmem>>) semaphore(%arg20 : memref<!tpu.dma_semaphore, #tpu.memory_space<semaphore_mem>>)
        %dma_start3A_490 = arith.constant 1 : i32
        %dma_start3A_491 = arith.constant 1 : i32
        %dma_start3A_492 = arith.constant 40 : i32
        %dma_start3A_493 = arith.constant 0 : i32
        %dma_start3A_494 = tpu.memref_slice %arg9[%dma_start3A_491, %dma_start3A_492, %dma_start3A_493] : memref<4x88x128xf32, #tpu.memory_space<vmem>> -> memref<1x48x128xf32, #tpu.memory_space<vmem>>
        %dma_start3A_495 = tpu.memref_squeeze %dma_start3A_494 : memref<1x48x128xf32, #tpu.memory_space<vmem>> -> memref<48x128xf32, #tpu.memory_space<vmem>>
        %dma_start3A_496 = arith.constant 40 : i32
        %dma_start3A_497 = tpu.memref_slice %arg7[%dma_start3A_490, %dma_start3A_496] : memref<4x88xi32, #tpu.memory_space<vmem>> -> memref<1x48xi32, #tpu.memory_space<vmem>>
        %dma_start3A_498 = tpu.memref_squeeze %dma_start3A_497 : memref<1x48xi32, #tpu.memory_space<vmem>> -> memref<48xi32, #tpu.memory_space<vmem>>
        %dma_start3A_499 = arith.constant 0 : i32
        %dma_start3A_500 = arith.constant 0 : i32
        %dma_start3A_501 = tpu.memref_slice %arg2[%dma_start3A_499, %dma_start3A_500] : memref<20000x128xf32, #tpu.memory_space<hbm>> -> memref<20000x128xf32, #tpu.memory_space<hbm>>
        tpu.enqueue_indirect_dma source(%dma_start3A_501 : memref<20000x128xf32, #tpu.memory_space<hbm>>) target(%dma_start3A_495 : memref<48x128xf32, #tpu.memory_space<vmem>>) offsets(%dma_start3A_498 : memref<48xi32, #tpu.memory_space<vmem>>) semaphore(%arg24 : memref<!tpu.dma_semaphore, #tpu.memory_space<semaphore_mem>>)
      } else {
      }
      %dma_wait3A_383 = arith.constant 0 : i32
      %dma_wait3A_384 = arith.constant 2 : i32
      %dma_wait3A_385 = arith.constant 0 : i32
      %dma_wait3A_386 = tpu.memref_slice %arg8[%dma_wait3A_384, %dma_wait3A_385] : memref<4x88xi32, #tpu.memory_space<vmem>> -> memref<1x88xi32, #tpu.memory_space<vmem>>
      %dma_wait3A_387 = tpu.memref_squeeze %dma_wait3A_386 : memref<1x88xi32, #tpu.memory_space<vmem>> -> memref<88xi32, #tpu.memory_space<vmem>>
      %dma_wait3A_388 = arith.constant 0 : i32
      %dma_wait3A_389 = tpu.memref_slice %arg3[%arg0, %arg1, %dma_wait3A_383, %dma_wait3A_388] : memref<2x16x228x88xi32, #tpu.memory_space<hbm>> -> memref<1x1x1x88xi32, #tpu.memory_space<hbm>>
      %dma_wait3A_390 = tpu.memref_squeeze %dma_wait3A_389 : memref<1x1x1x88xi32, #tpu.memory_space<hbm>> -> memref<88xi32, #tpu.memory_space<hbm>>
      %dma_wait3A_391 = arith.constant 0 : i32
      %dma_wait3A_392 = tpu.memref_slice %arg8[%dma_wait3A_384, %dma_wait3A_391] : memref<4x88xi32, #tpu.memory_space<vmem>> -> memref<1x88xi32, #tpu.memory_space<vmem>>
      %dma_wait3A_393 = tpu.memref_squeeze %dma_wait3A_392 : memref<1x88xi32, #tpu.memory_space<vmem>> -> memref<88xi32, #tpu.memory_space<vmem>>
      %dma_wait3A_394 = arith.constant 0 : i32
      %dma_wait3A_395 = tpu.memref_slice %arg3[%arg0, %arg1, %dma_wait3A_383, %dma_wait3A_394] : memref<2x16x228x88xi32, #tpu.memory_space<hbm>> -> memref<1x1x1x88xi32, #tpu.memory_space<hbm>>
      %dma_wait3A_396 = tpu.memref_squeeze %dma_wait3A_395 : memref<1x1x1x88xi32, #tpu.memory_space<hbm>> -> memref<88xi32, #tpu.memory_space<hbm>>
      tpu.wait_dma2 semaphore(%arg17 : memref<!tpu.dma_semaphore, #tpu.memory_space<semaphore_mem>>) src(%dma_wait3A_396 : memref<88xi32, #tpu.memory_space<hbm>>) dst(%dma_wait3A_393 : memref<88xi32, #tpu.memory_space<vmem>>)
      %run_scoped3A_397 = arith.constant 2 : i32
      %run_scoped3A_398 = arith.constant 2 : i32
      "tpu.region"() ({
        %run_scoped3A_464 = tpu.sem_alloc : memref<!tpu.dma_semaphore, #tpu.memory_space<semaphore_mem>>
        %dma_start3A_465 = arith.constant 0 : i32
        %dma_start3A_466 = arith.constant 0 : i32
        %dma_start3A_467 = tpu.memref_slice %arg9[%run_scoped3A_397, %dma_start3A_465, %dma_start3A_466] : memref<4x88x128xf32, #tpu.memory_space<vmem>> -> memref<1x88x128xf32, #tpu.memory_space<vmem>>
        %dma_start3A_468 = tpu.memref_squeeze %dma_start3A_467 : memref<1x88x128xf32, #tpu.memory_space<vmem>> -> memref<88x128xf32, #tpu.memory_space<vmem>>
        %dma_start3A_469 = arith.constant 0 : i32
        %dma_start3A_470 = tpu.memref_slice %arg8[%run_scoped3A_398, %dma_start3A_469] : memref<4x88xi32, #tpu.memory_space<vmem>> -> memref<1x88xi32, #tpu.memory_space<vmem>>
        %dma_start3A_471 = tpu.memref_squeeze %dma_start3A_470 : memref<1x88xi32, #tpu.memory_space<vmem>> -> memref<88xi32, #tpu.memory_space<vmem>>
        %dma_start3A_472 = arith.constant 0 : i32
        %dma_start3A_473 = arith.constant 0 : i32
        %dma_start3A_474 = tpu.memref_slice %arg10[%dma_start3A_472, %dma_start3A_473] : memref<10112x128xf32, #tpu.memory_space<vmem_shared>> -> memref<10112x128xf32, #tpu.memory_space<vmem_shared>>
        tpu.enqueue_indirect_dma source(%dma_start3A_468 : memref<88x128xf32, #tpu.memory_space<vmem>>) target(%dma_start3A_474 : memref<10112x128xf32, #tpu.memory_space<vmem_shared>>) offsets(%dma_start3A_471 : memref<88xi32, #tpu.memory_space<vmem>>) semaphore(%run_scoped3A_464 : memref<!tpu.dma_semaphore, #tpu.memory_space<semaphore_mem>>) {add = true}
        %dma_wait3A_475 = arith.constant 0 : i32
        %dma_wait3A_476 = arith.constant 0 : i32
        %dma_wait3A_477 = tpu.memref_slice %arg9[%run_scoped3A_397, %dma_wait3A_475, %dma_wait3A_476] : memref<4x88x128xf32, #tpu.memory_space<vmem>> -> memref<1x88x128xf32, #tpu.memory_space<vmem>>
        %dma_wait3A_478 = tpu.memref_squeeze %dma_wait3A_477 : memref<1x88x128xf32, #tpu.memory_space<vmem>> -> memref<88x128xf32, #tpu.memory_space<vmem>>
        %dma_wait3A_479 = arith.constant 0 : i32
        %dma_wait3A_480 = tpu.memref_slice %arg8[%run_scoped3A_398, %dma_wait3A_479] : memref<4x88xi32, #tpu.memory_space<vmem>> -> memref<1x88xi32, #tpu.memory_space<vmem>>
        %dma_wait3A_481 = tpu.memref_squeeze %dma_wait3A_480 : memref<1x88xi32, #tpu.memory_space<vmem>> -> memref<88xi32, #tpu.memory_space<vmem>>
        %dma_wait3A_482 = arith.constant 0 : i32
        %dma_wait3A_483 = arith.constant 0 : i32
        %dma_wait3A_484 = tpu.memref_slice %arg10[%dma_wait3A_482, %dma_wait3A_483] : memref<10112x128xf32, #tpu.memory_space<vmem_shared>> -> memref<10112x128xf32, #tpu.memory_space<vmem_shared>>
        tpu.wait_indirect_dma semaphore(%run_scoped3A_464 : memref<!tpu.dma_semaphore, #tpu.memory_space<semaphore_mem>>) src(%dma_wait3A_478 : memref<88x128xf32, #tpu.memory_space<vmem>>) dst(%dma_wait3A_484 : memref<10112x128xf32, #tpu.memory_space<vmem_shared>>)
        tpu.yield
      }) : () -> ()
      %add3A_399 = arith.constant 4 : i32
      %add3A_400 = arith.addi %add3A_349, %add3A_399 : i32
      %lt3A_401 = arith.constant 228 : i32
      %lt3A_402 = arith.cmpi slt, %add3A_400, %lt3A_401 : i32
      %convert_element_type3A_403 = arith.extui %lt3A_402 : i1 to i32
      %cond3A_404 = arith.constant 0 : i32
      %cond3A_405 = arith.cmpi ne, %convert_element_type3A_403, %cond3A_404 : i32
      scf.if %cond3A_405 {
        %add3A_464 = arith.constant 4 : i32
        %add3A_465 = arith.addi %add3A_349, %add3A_464 : i32
        %dma_start3A_466 = arith.constant 2 : i32
        %dma_start3A_467 = arith.constant 0 : i32
        %dma_start3A_468 = tpu.memref_slice %arg7[%dma_start3A_466, %dma_start3A_467] : memref<4x88xi32, #tpu.memory_space<vmem>> -> memref<1x88xi32, #tpu.memory_space<vmem>>
        %dma_start3A_469 = tpu.memref_squeeze %dma_start3A_468 : memref<1x88xi32, #tpu.memory_space<vmem>> -> memref<88xi32, #tpu.memory_space<vmem>>
        %dma_start3A_470 = arith.constant 0 : i32
        %dma_start3A_471 = tpu.memref_slice %arg3[%arg0, %arg1, %add3A_465, %dma_start3A_470] : memref<2x16x228x88xi32, #tpu.memory_space<hbm>> -> memref<1x1x1x88xi32, #tpu.memory_space<hbm>>
        %dma_start3A_472 = tpu.memref_squeeze %dma_start3A_471 : memref<1x1x1x88xi32, #tpu.memory_space<hbm>> -> memref<88xi32, #tpu.memory_space<hbm>>
        %dma_start3A_473 = arith.constant 0 : i32
        %dma_start3A_474 = tpu.memref_slice %arg7[%dma_start3A_466, %dma_start3A_473] : memref<4x88xi32, #tpu.memory_space<vmem>> -> memref<1x88xi32, #tpu.memory_space<vmem>>
        %dma_start3A_475 = tpu.memref_squeeze %dma_start3A_474 : memref<1x88xi32, #tpu.memory_space<vmem>> -> memref<88xi32, #tpu.memory_space<vmem>>
        %dma_start3A_476 = arith.constant 0 : i32
        %dma_start3A_477 = tpu.memref_slice %arg3[%arg0, %arg1, %add3A_465, %dma_start3A_476] : memref<2x16x228x88xi32, #tpu.memory_space<hbm>> -> memref<1x1x1x88xi32, #tpu.memory_space<hbm>>
        %dma_start3A_478 = tpu.memref_squeeze %dma_start3A_477 : memref<1x1x1x88xi32, #tpu.memory_space<hbm>> -> memref<88xi32, #tpu.memory_space<hbm>>
        tpu.enqueue_dma source(%dma_start3A_478 : memref<88xi32, #tpu.memory_space<hbm>>) target(%dma_start3A_475 : memref<88xi32, #tpu.memory_space<vmem>>) target_semaphore(%arg13 : memref<!tpu.dma_semaphore, #tpu.memory_space<semaphore_mem>>)
        %dma_start3A_479 = arith.constant 2 : i32
        %dma_start3A_480 = arith.constant 0 : i32
        %dma_start3A_481 = tpu.memref_slice %arg8[%dma_start3A_479, %dma_start3A_480] : memref<4x88xi32, #tpu.memory_space<vmem>> -> memref<1x88xi32, #tpu.memory_space<vmem>>
        %dma_start3A_482 = tpu.memref_squeeze %dma_start3A_481 : memref<1x88xi32, #tpu.memory_space<vmem>> -> memref<88xi32, #tpu.memory_space<vmem>>
        %dma_start3A_483 = arith.constant 0 : i32
        %dma_start3A_484 = tpu.memref_slice %arg4[%arg0, %arg1, %add3A_465, %dma_start3A_483] : memref<2x16x228x88xi32, #tpu.memory_space<hbm>> -> memref<1x1x1x88xi32, #tpu.memory_space<hbm>>
        %dma_start3A_485 = tpu.memref_squeeze %dma_start3A_484 : memref<1x1x1x88xi32, #tpu.memory_space<hbm>> -> memref<88xi32, #tpu.memory_space<hbm>>
        %dma_start3A_486 = arith.constant 0 : i32
        %dma_start3A_487 = tpu.memref_slice %arg8[%dma_start3A_479, %dma_start3A_486] : memref<4x88xi32, #tpu.memory_space<vmem>> -> memref<1x88xi32, #tpu.memory_space<vmem>>
        %dma_start3A_488 = tpu.memref_squeeze %dma_start3A_487 : memref<1x88xi32, #tpu.memory_space<vmem>> -> memref<88xi32, #tpu.memory_space<vmem>>
        %dma_start3A_489 = arith.constant 0 : i32
        %dma_start3A_490 = tpu.memref_slice %arg4[%arg0, %arg1, %add3A_465, %dma_start3A_489] : memref<2x16x228x88xi32, #tpu.memory_space<hbm>> -> memref<1x1x1x88xi32, #tpu.memory_space<hbm>>
        %dma_start3A_491 = tpu.memref_squeeze %dma_start3A_490 : memref<1x1x1x88xi32, #tpu.memory_space<hbm>> -> memref<88xi32, #tpu.memory_space<hbm>>
        tpu.enqueue_dma source(%dma_start3A_491 : memref<88xi32, #tpu.memory_space<hbm>>) target(%dma_start3A_488 : memref<88xi32, #tpu.memory_space<vmem>>) target_semaphore(%arg17 : memref<!tpu.dma_semaphore, #tpu.memory_space<semaphore_mem>>)
      } else {
      }
      %add3A_406 = arith.constant 3 : i32
      %add3A_407 = arith.addi %mul3A_237, %add3A_406 : i32
      %dma_wait3A_408 = arith.constant 3 : i32
      %dma_wait3A_409 = arith.constant 3 : i32
      %dma_wait3A_410 = arith.constant 0 : i32
      %dma_wait3A_411 = arith.constant 0 : i32
      %dma_wait3A_412 = tpu.memref_slice %arg9[%dma_wait3A_409, %dma_wait3A_410, %dma_wait3A_411] : memref<4x88x128xf32, #tpu.memory_space<vmem>> -> memref<1x40x128xf32, #tpu.memory_space<vmem>>
      %dma_wait3A_413 = tpu.memref_squeeze %dma_wait3A_412 : memref<1x40x128xf32, #tpu.memory_space<vmem>> -> memref<40x128xf32, #tpu.memory_space<vmem>>
      %dma_wait3A_414 = arith.constant 0 : i32
      %dma_wait3A_415 = tpu.memref_slice %arg7[%dma_wait3A_408, %dma_wait3A_414] : memref<4x88xi32, #tpu.memory_space<vmem>> -> memref<1x40xi32, #tpu.memory_space<vmem>>
      %dma_wait3A_416 = tpu.memref_squeeze %dma_wait3A_415 : memref<1x40xi32, #tpu.memory_space<vmem>> -> memref<40xi32, #tpu.memory_space<vmem>>
      %dma_wait3A_417 = arith.constant 0 : i32
      %dma_wait3A_418 = arith.constant 0 : i32
      %dma_wait3A_419 = tpu.memref_slice %arg2[%dma_wait3A_417, %dma_wait3A_418] : memref<20000x128xf32, #tpu.memory_space<hbm>> -> memref<20000x128xf32, #tpu.memory_space<hbm>>
      tpu.wait_indirect_dma semaphore(%arg22 : memref<!tpu.dma_semaphore, #tpu.memory_space<semaphore_mem>>) src(%dma_wait3A_419 : memref<20000x128xf32, #tpu.memory_space<hbm>>) dst(%dma_wait3A_413 : memref<40x128xf32, #tpu.memory_space<vmem>>)
      %dma_wait3A_420 = arith.constant 3 : i32
      %dma_wait3A_421 = arith.constant 3 : i32
      %dma_wait3A_422 = arith.constant 40 : i32
      %dma_wait3A_423 = arith.constant 0 : i32
      %dma_wait3A_424 = tpu.memref_slice %arg9[%dma_wait3A_421, %dma_wait3A_422, %dma_wait3A_423] : memref<4x88x128xf32, #tpu.memory_space<vmem>> -> memref<1x48x128xf32, #tpu.memory_space<vmem>>
      %dma_wait3A_425 = tpu.memref_squeeze %dma_wait3A_424 : memref<1x48x128xf32, #tpu.memory_space<vmem>> -> memref<48x128xf32, #tpu.memory_space<vmem>>
      %dma_wait3A_426 = arith.constant 40 : i32
      %dma_wait3A_427 = tpu.memref_slice %arg7[%dma_wait3A_420, %dma_wait3A_426] : memref<4x88xi32, #tpu.memory_space<vmem>> -> memref<1x48xi32, #tpu.memory_space<vmem>>
      %dma_wait3A_428 = tpu.memref_squeeze %dma_wait3A_427 : memref<1x48xi32, #tpu.memory_space<vmem>> -> memref<48xi32, #tpu.memory_space<vmem>>
      %dma_wait3A_429 = arith.constant 0 : i32
      %dma_wait3A_430 = arith.constant 0 : i32
      %dma_wait3A_431 = tpu.memref_slice %arg2[%dma_wait3A_429, %dma_wait3A_430] : memref<20000x128xf32, #tpu.memory_space<hbm>> -> memref<20000x128xf32, #tpu.memory_space<hbm>>
      tpu.wait_indirect_dma semaphore(%arg26 : memref<!tpu.dma_semaphore, #tpu.memory_space<semaphore_mem>>) src(%dma_wait3A_431 : memref<20000x128xf32, #tpu.memory_space<hbm>>) dst(%dma_wait3A_425 : memref<48x128xf32, #tpu.memory_space<vmem>>)
      %add3A_432 = arith.constant 4 : i32
      %add3A_433 = arith.addi %add3A_407, %add3A_432 : i32
      %sub3A_434 = arith.constant 1 : i32
      %sub3A_435 = arith.subi %add3A_433, %sub3A_434 : i32
      %lt3A_436 = arith.constant 228 : i32
      %lt3A_437 = arith.cmpi slt, %sub3A_435, %lt3A_436 : i32
      %convert_element_type3A_438 = arith.extui %lt3A_437 : i1 to i32
      %cond3A_439 = arith.constant 0 : i32
      %cond3A_440 = arith.cmpi ne, %convert_element_type3A_438, %cond3A_439 : i32
      scf.if %cond3A_440 {
        %dma_wait3A_464 = arith.constant 0 : i32
        %dma_wait3A_465 = arith.constant 2 : i32
        %dma_wait3A_466 = arith.constant 0 : i32
        %dma_wait3A_467 = tpu.memref_slice %arg7[%dma_wait3A_465, %dma_wait3A_466] : memref<4x88xi32, #tpu.memory_space<vmem>> -> memref<1x88xi32, #tpu.memory_space<vmem>>
        %dma_wait3A_468 = tpu.memref_squeeze %dma_wait3A_467 : memref<1x88xi32, #tpu.memory_space<vmem>> -> memref<88xi32, #tpu.memory_space<vmem>>
        %dma_wait3A_469 = arith.constant 0 : i32
        %dma_wait3A_470 = tpu.memref_slice %arg3[%arg0, %arg1, %dma_wait3A_464, %dma_wait3A_469] : memref<2x16x228x88xi32, #tpu.memory_space<hbm>> -> memref<1x1x1x88xi32, #tpu.memory_space<hbm>>
        %dma_wait3A_471 = tpu.memref_squeeze %dma_wait3A_470 : memref<1x1x1x88xi32, #tpu.memory_space<hbm>> -> memref<88xi32, #tpu.memory_space<hbm>>
        %dma_wait3A_472 = arith.constant 0 : i32
        %dma_wait3A_473 = tpu.memref_slice %arg7[%dma_wait3A_465, %dma_wait3A_472] : memref<4x88xi32, #tpu.memory_space<vmem>> -> memref<1x88xi32, #tpu.memory_space<vmem>>
        %dma_wait3A_474 = tpu.memref_squeeze %dma_wait3A_473 : memref<1x88xi32, #tpu.memory_space<vmem>> -> memref<88xi32, #tpu.memory_space<vmem>>
        %dma_wait3A_475 = arith.constant 0 : i32
        %dma_wait3A_476 = tpu.memref_slice %arg3[%arg0, %arg1, %dma_wait3A_464, %dma_wait3A_475] : memref<2x16x228x88xi32, #tpu.memory_space<hbm>> -> memref<1x1x1x88xi32, #tpu.memory_space<hbm>>
        %dma_wait3A_477 = tpu.memref_squeeze %dma_wait3A_476 : memref<1x1x1x88xi32, #tpu.memory_space<hbm>> -> memref<88xi32, #tpu.memory_space<hbm>>
        tpu.wait_dma2 semaphore(%arg13 : memref<!tpu.dma_semaphore, #tpu.memory_space<semaphore_mem>>) src(%dma_wait3A_477 : memref<88xi32, #tpu.memory_space<hbm>>) dst(%dma_wait3A_474 : memref<88xi32, #tpu.memory_space<vmem>>)
        %dma_start3A_478 = arith.constant 2 : i32
        %dma_start3A_479 = arith.constant 2 : i32
        %dma_start3A_480 = arith.constant 0 : i32
        %dma_start3A_481 = arith.constant 0 : i32
        %dma_start3A_482 = tpu.memref_slice %arg9[%dma_start3A_479, %dma_start3A_480, %dma_start3A_481] : memref<4x88x128xf32, #tpu.memory_space<vmem>> -> memref<1x40x128xf32, #tpu.memory_space<vmem>>
        %dma_start3A_483 = tpu.memref_squeeze %dma_start3A_482 : memref<1x40x128xf32, #tpu.memory_space<vmem>> -> memref<40x128xf32, #tpu.memory_space<vmem>>
        %dma_start3A_484 = arith.constant 0 : i32
        %dma_start3A_485 = tpu.memref_slice %arg7[%dma_start3A_478, %dma_start3A_484] : memref<4x88xi32, #tpu.memory_space<vmem>> -> memref<1x40xi32, #tpu.memory_space<vmem>>
        %dma_start3A_486 = tpu.memref_squeeze %dma_start3A_485 : memref<1x40xi32, #tpu.memory_space<vmem>> -> memref<40xi32, #tpu.memory_space<vmem>>
        %dma_start3A_487 = arith.constant 0 : i32
        %dma_start3A_488 = arith.constant 0 : i32
        %dma_start3A_489 = tpu.memref_slice %arg2[%dma_start3A_487, %dma_start3A_488] : memref<20000x128xf32, #tpu.memory_space<hbm>> -> memref<20000x128xf32, #tpu.memory_space<hbm>>
        tpu.enqueue_indirect_dma source(%dma_start3A_489 : memref<20000x128xf32, #tpu.memory_space<hbm>>) target(%dma_start3A_483 : memref<40x128xf32, #tpu.memory_space<vmem>>) offsets(%dma_start3A_486 : memref<40xi32, #tpu.memory_space<vmem>>) semaphore(%arg21 : memref<!tpu.dma_semaphore, #tpu.memory_space<semaphore_mem>>)
        %dma_start3A_490 = arith.constant 2 : i32
        %dma_start3A_491 = arith.constant 2 : i32
        %dma_start3A_492 = arith.constant 40 : i32
        %dma_start3A_493 = arith.constant 0 : i32
        %dma_start3A_494 = tpu.memref_slice %arg9[%dma_start3A_491, %dma_start3A_492, %dma_start3A_493] : memref<4x88x128xf32, #tpu.memory_space<vmem>> -> memref<1x48x128xf32, #tpu.memory_space<vmem>>
        %dma_start3A_495 = tpu.memref_squeeze %dma_start3A_494 : memref<1x48x128xf32, #tpu.memory_space<vmem>> -> memref<48x128xf32, #tpu.memory_space<vmem>>
        %dma_start3A_496 = arith.constant 40 : i32
        %dma_start3A_497 = tpu.memref_slice %arg7[%dma_start3A_490, %dma_start3A_496] : memref<4x88xi32, #tpu.memory_space<vmem>> -> memref<1x48xi32, #tpu.memory_space<vmem>>
        %dma_start3A_498 = tpu.memref_squeeze %dma_start3A_497 : memref<1x48xi32, #tpu.memory_space<vmem>> -> memref<48xi32, #tpu.memory_space<vmem>>
        %dma_start3A_499 = arith.constant 0 : i32
        %dma_start3A_500 = arith.constant 0 : i32
        %dma_start3A_501 = tpu.memref_slice %arg2[%dma_start3A_499, %dma_start3A_500] : memref<20000x128xf32, #tpu.memory_space<hbm>> -> memref<20000x128xf32, #tpu.memory_space<hbm>>
        tpu.enqueue_indirect_dma source(%dma_start3A_501 : memref<20000x128xf32, #tpu.memory_space<hbm>>) target(%dma_start3A_495 : memref<48x128xf32, #tpu.memory_space<vmem>>) offsets(%dma_start3A_498 : memref<48xi32, #tpu.memory_space<vmem>>) semaphore(%arg25 : memref<!tpu.dma_semaphore, #tpu.memory_space<semaphore_mem>>)
      } else {
      }
      %dma_wait3A_441 = arith.constant 0 : i32
      %dma_wait3A_442 = arith.constant 3 : i32
      %dma_wait3A_443 = arith.constant 0 : i32
      %dma_wait3A_444 = tpu.memref_slice %arg8[%dma_wait3A_442, %dma_wait3A_443] : memref<4x88xi32, #tpu.memory_space<vmem>> -> memref<1x88xi32, #tpu.memory_space<vmem>>
      %dma_wait3A_445 = tpu.memref_squeeze %dma_wait3A_444 : memref<1x88xi32, #tpu.memory_space<vmem>> -> memref<88xi32, #tpu.memory_space<vmem>>
      %dma_wait3A_446 = arith.constant 0 : i32
      %dma_wait3A_447 = tpu.memref_slice %arg3[%arg0, %arg1, %dma_wait3A_441, %dma_wait3A_446] : memref<2x16x228x88xi32, #tpu.memory_space<hbm>> -> memref<1x1x1x88xi32, #tpu.memory_space<hbm>>
      %dma_wait3A_448 = tpu.memref_squeeze %dma_wait3A_447 : memref<1x1x1x88xi32, #tpu.memory_space<hbm>> -> memref<88xi32, #tpu.memory_space<hbm>>
      %dma_wait3A_449 = arith.constant 0 : i32
      %dma_wait3A_450 = tpu.memref_slice %arg8[%dma_wait3A_442, %dma_wait3A_449] : memref<4x88xi32, #tpu.memory_space<vmem>> -> memref<1x88xi32, #tpu.memory_space<vmem>>
      %dma_wait3A_451 = tpu.memref_squeeze %dma_wait3A_450 : memref<1x88xi32, #tpu.memory_space<vmem>> -> memref<88xi32, #tpu.memory_space<vmem>>
      %dma_wait3A_452 = arith.constant 0 : i32
      %dma_wait3A_453 = tpu.memref_slice %arg3[%arg0, %arg1, %dma_wait3A_441, %dma_wait3A_452] : memref<2x16x228x88xi32, #tpu.memory_space<hbm>> -> memref<1x1x1x88xi32, #tpu.memory_space<hbm>>
      %dma_wait3A_454 = tpu.memref_squeeze %dma_wait3A_453 : memref<1x1x1x88xi32, #tpu.memory_space<hbm>> -> memref<88xi32, #tpu.memory_space<hbm>>
      tpu.wait_dma2 semaphore(%arg18 : memref<!tpu.dma_semaphore, #tpu.memory_space<semaphore_mem>>) src(%dma_wait3A_454 : memref<88xi32, #tpu.memory_space<hbm>>) dst(%dma_wait3A_451 : memref<88xi32, #tpu.memory_space<vmem>>)
      %run_scoped3A_455 = arith.constant 3 : i32
      %run_scoped3A_456 = arith.constant 3 : i32
      "tpu.region"() ({
        %run_scoped3A_464 = tpu.sem_alloc : memref<!tpu.dma_semaphore, #tpu.memory_space<semaphore_mem>>
        %dma_start3A_465 = arith.constant 0 : i32
        %dma_start3A_466 = arith.constant 0 : i32
        %dma_start3A_467 = tpu.memref_slice %arg9[%run_scoped3A_455, %dma_start3A_465, %dma_start3A_466] : memref<4x88x128xf32, #tpu.memory_space<vmem>> -> memref<1x88x128xf32, #tpu.memory_space<vmem>>
        %dma_start3A_468 = tpu.memref_squeeze %dma_start3A_467 : memref<1x88x128xf32, #tpu.memory_space<vmem>> -> memref<88x128xf32, #tpu.memory_space<vmem>>
        %dma_start3A_469 = arith.constant 0 : i32
        %dma_start3A_470 = tpu.memref_slice %arg8[%run_scoped3A_456, %dma_start3A_469] : memref<4x88xi32, #tpu.memory_space<vmem>> -> memref<1x88xi32, #tpu.memory_space<vmem>>
        %dma_start3A_471 = tpu.memref_squeeze %dma_start3A_470 : memref<1x88xi32, #tpu.memory_space<vmem>> -> memref<88xi32, #tpu.memory_space<vmem>>
        %dma_start3A_472 = arith.constant 0 : i32
        %dma_start3A_473 = arith.constant 0 : i32
        %dma_start3A_474 = tpu.memref_slice %arg10[%dma_start3A_472, %dma_start3A_473] : memref<10112x128xf32, #tpu.memory_space<vmem_shared>> -> memref<10112x128xf32, #tpu.memory_space<vmem_shared>>
        tpu.enqueue_indirect_dma source(%dma_start3A_468 : memref<88x128xf32, #tpu.memory_space<vmem>>) target(%dma_start3A_474 : memref<10112x128xf32, #tpu.memory_space<vmem_shared>>) offsets(%dma_start3A_471 : memref<88xi32, #tpu.memory_space<vmem>>) semaphore(%run_scoped3A_464 : memref<!tpu.dma_semaphore, #tpu.memory_space<semaphore_mem>>) {add = true}
        %dma_wait3A_475 = arith.constant 0 : i32
        %dma_wait3A_476 = arith.constant 0 : i32
        %dma_wait3A_477 = tpu.memref_slice %arg9[%run_scoped3A_455, %dma_wait3A_475, %dma_wait3A_476] : memref<4x88x128xf32, #tpu.memory_space<vmem>> -> memref<1x88x128xf32, #tpu.memory_space<vmem>>
        %dma_wait3A_478 = tpu.memref_squeeze %dma_wait3A_477 : memref<1x88x128xf32, #tpu.memory_space<vmem>> -> memref<88x128xf32, #tpu.memory_space<vmem>>
        %dma_wait3A_479 = arith.constant 0 : i32
        %dma_wait3A_480 = tpu.memref_slice %arg8[%run_scoped3A_456, %dma_wait3A_479] : memref<4x88xi32, #tpu.memory_space<vmem>> -> memref<1x88xi32, #tpu.memory_space<vmem>>
        %dma_wait3A_481 = tpu.memref_squeeze %dma_wait3A_480 : memref<1x88xi32, #tpu.memory_space<vmem>> -> memref<88xi32, #tpu.memory_space<vmem>>
        %dma_wait3A_482 = arith.constant 0 : i32
        %dma_wait3A_483 = arith.constant 0 : i32
        %dma_wait3A_484 = tpu.memref_slice %arg10[%dma_wait3A_482, %dma_wait3A_483] : memref<10112x128xf32, #tpu.memory_space<vmem_shared>> -> memref<10112x128xf32, #tpu.memory_space<vmem_shared>>
        tpu.wait_indirect_dma semaphore(%run_scoped3A_464 : memref<!tpu.dma_semaphore, #tpu.memory_space<semaphore_mem>>) src(%dma_wait3A_478 : memref<88x128xf32, #tpu.memory_space<vmem>>) dst(%dma_wait3A_484 : memref<10112x128xf32, #tpu.memory_space<vmem_shared>>)
        tpu.yield
      }) : () -> ()
      %add3A_457 = arith.constant 4 : i32
      %add3A_458 = arith.addi %add3A_407, %add3A_457 : i32
      %lt3A_459 = arith.constant 228 : i32
      %lt3A_460 = arith.cmpi slt, %add3A_458, %lt3A_459 : i32
      %convert_element_type3A_461 = arith.extui %lt3A_460 : i1 to i32
      %cond3A_462 = arith.constant 0 : i32
      %cond3A_463 = arith.cmpi ne, %convert_element_type3A_461, %cond3A_462 : i32
      scf.if %cond3A_463 {
        %add3A_464 = arith.constant 4 : i32
        %add3A_465 = arith.addi %add3A_407, %add3A_464 : i32
        %dma_start3A_466 = arith.constant 3 : i32
        %dma_start3A_467 = arith.constant 0 : i32
        %dma_start3A_468 = tpu.memref_slice %arg7[%dma_start3A_466, %dma_start3A_467] : memref<4x88xi32, #tpu.memory_space<vmem>> -> memref<1x88xi32, #tpu.memory_space<vmem>>
        %dma_start3A_469 = tpu.memref_squeeze %dma_start3A_468 : memref<1x88xi32, #tpu.memory_space<vmem>> -> memref<88xi32, #tpu.memory_space<vmem>>
        %dma_start3A_470 = arith.constant 0 : i32
        %dma_start3A_471 = tpu.memref_slice %arg3[%arg0, %arg1, %add3A_465, %dma_start3A_470] : memref<2x16x228x88xi32, #tpu.memory_space<hbm>> -> memref<1x1x1x88xi32, #tpu.memory_space<hbm>>
        %dma_start3A_472 = tpu.memref_squeeze %dma_start3A_471 : memref<1x1x1x88xi32, #tpu.memory_space<hbm>> -> memref<88xi32, #tpu.memory_space<hbm>>
        %dma_start3A_473 = arith.constant 0 : i32
        %dma_start3A_474 = tpu.memref_slice %arg7[%dma_start3A_466, %dma_start3A_473] : memref<4x88xi32, #tpu.memory_space<vmem>> -> memref<1x88xi32, #tpu.memory_space<vmem>>
        %dma_start3A_475 = tpu.memref_squeeze %dma_start3A_474 : memref<1x88xi32, #tpu.memory_space<vmem>> -> memref<88xi32, #tpu.memory_space<vmem>>
        %dma_start3A_476 = arith.constant 0 : i32
        %dma_start3A_477 = tpu.memref_slice %arg3[%arg0, %arg1, %add3A_465, %dma_start3A_476] : memref<2x16x228x88xi32, #tpu.memory_space<hbm>> -> memref<1x1x1x88xi32, #tpu.memory_space<hbm>>
        %dma_start3A_478 = tpu.memref_squeeze %dma_start3A_477 : memref<1x1x1x88xi32, #tpu.memory_space<hbm>> -> memref<88xi32, #tpu.memory_space<hbm>>
        tpu.enqueue_dma source(%dma_start3A_478 : memref<88xi32, #tpu.memory_space<hbm>>) target(%dma_start3A_475 : memref<88xi32, #tpu.memory_space<vmem>>) target_semaphore(%arg14 : memref<!tpu.dma_semaphore, #tpu.memory_space<semaphore_mem>>)
        %dma_start3A_479 = arith.constant 3 : i32
        %dma_start3A_480 = arith.constant 0 : i32
        %dma_start3A_481 = tpu.memref_slice %arg8[%dma_start3A_479, %dma_start3A_480] : memref<4x88xi32, #tpu.memory_space<vmem>> -> memref<1x88xi32, #tpu.memory_space<vmem>>
        %dma_start3A_482 = tpu.memref_squeeze %dma_start3A_481 : memref<1x88xi32, #tpu.memory_space<vmem>> -> memref<88xi32, #tpu.memory_space<vmem>>
        %dma_start3A_483 = arith.constant 0 : i32
        %dma_start3A_484 = tpu.memref_slice %arg4[%arg0, %arg1, %add3A_465, %dma_start3A_483] : memref<2x16x228x88xi32, #tpu.memory_space<hbm>> -> memref<1x1x1x88xi32, #tpu.memory_space<hbm>>
        %dma_start3A_485 = tpu.memref_squeeze %dma_start3A_484 : memref<1x1x1x88xi32, #tpu.memory_space<hbm>> -> memref<88xi32, #tpu.memory_space<hbm>>
        %dma_start3A_486 = arith.constant 0 : i32
        %dma_start3A_487 = tpu.memref_slice %arg8[%dma_start3A_479, %dma_start3A_486] : memref<4x88xi32, #tpu.memory_space<vmem>> -> memref<1x88xi32, #tpu.memory_space<vmem>>
        %dma_start3A_488 = tpu.memref_squeeze %dma_start3A_487 : memref<1x88xi32, #tpu.memory_space<vmem>> -> memref<88xi32, #tpu.memory_space<vmem>>
        %dma_start3A_489 = arith.constant 0 : i32
        %dma_start3A_490 = tpu.memref_slice %arg4[%arg0, %arg1, %add3A_465, %dma_start3A_489] : memref<2x16x228x88xi32, #tpu.memory_space<hbm>> -> memref<1x1x1x88xi32, #tpu.memory_space<hbm>>
        %dma_start3A_491 = tpu.memref_squeeze %dma_start3A_490 : memref<1x1x1x88xi32, #tpu.memory_space<hbm>> -> memref<88xi32, #tpu.memory_space<hbm>>
        tpu.enqueue_dma source(%dma_start3A_491 : memref<88xi32, #tpu.memory_space<hbm>>) target(%dma_start3A_488 : memref<88xi32, #tpu.memory_space<vmem>>) target_semaphore(%arg18 : memref<!tpu.dma_semaphore, #tpu.memory_space<semaphore_mem>>)
      } else {
      }
    }
    %scan3A_229 = arith.constant 57 : i32
    %barrier3A_230 = arith.constant 0 : index
    tpu.barrier barrier_id(%barrier3A_230)
    %mul3A_231 = arith.constant 632 : i32
    %mul3A_232 = arith.muli %arg1, %mul3A_231 : i32
    %mul3A_233 = arith.constant 632 : i32
    %mul3A_234 = arith.muli %arg1, %mul3A_233 : i32
    "tpu.region"() ({
      %run_scoped3A = tpu.sem_alloc : memref<!tpu.dma_semaphore, #tpu.memory_space<semaphore_mem>>
      %dma_start3A_235 = arith.constant 0 : i32
      %dma_start3A_236 = tpu.memref_slice %arg6[%arg0, %mul3A_234, %dma_start3A_235] : memref<2x10112x128xf32, #tpu.memory_space<hbm>> -> memref<1x632x128xf32, #tpu.memory_space<hbm>>
      %dma_start3A_237 = tpu.memref_squeeze %dma_start3A_236 : memref<1x632x128xf32, #tpu.memory_space<hbm>> -> memref<632x128xf32, #tpu.memory_space<hbm>>
      %dma_start3A_238 = arith.constant 0 : i32
      %dma_start3A_239 = tpu.memref_slice %arg10[%mul3A_232, %dma_start3A_238] : memref<10112x128xf32, #tpu.memory_space<vmem_shared>> -> memref<632x128xf32, #tpu.memory_space<vmem_shared>>
      tpu.enqueue_dma source(%dma_start3A_239 : memref<632x128xf32, #tpu.memory_space<vmem_shared>>) target(%dma_start3A_237 : memref<632x128xf32, #tpu.memory_space<hbm>>) target_semaphore(%run_scoped3A : memref<!tpu.dma_semaphore, #tpu.memory_space<semaphore_mem>>)
      %dma_wait3A_240 = arith.constant 0 : i32
      %dma_wait3A_241 = tpu.memref_slice %arg6[%arg0, %mul3A_234, %dma_wait3A_240] : memref<2x10112x128xf32, #tpu.memory_space<hbm>> -> memref<1x632x128xf32, #tpu.memory_space<hbm>>
      %dma_wait3A_242 = tpu.memref_squeeze %dma_wait3A_241 : memref<1x632x128xf32, #tpu.memory_space<hbm>> -> memref<632x128xf32, #tpu.memory_space<hbm>>
      %dma_wait3A_243 = arith.constant 0 : i32
      %dma_wait3A_244 = tpu.memref_slice %arg10[%mul3A_232, %dma_wait3A_243] : memref<10112x128xf32, #tpu.memory_space<vmem_shared>> -> memref<632x128xf32, #tpu.memory_space<vmem_shared>>
      tpu.wait_dma2 semaphore(%run_scoped3A : memref<!tpu.dma_semaphore, #tpu.memory_space<semaphore_mem>>) src(%dma_wait3A_244 : memref<632x128xf32, #tpu.memory_space<vmem_shared>>) dst(%dma_wait3A_242 : memref<632x128xf32, #tpu.memory_space<hbm>>)
      tpu.yield
    }) : () -> ()
    return
  }
}

module attributes {stable_mosaic.version = 14 : i64} {
  func.func @_tc0_body(%arg0: i32, %arg1: memref<1264x128xf32, #tpu.memory_space<vmem>>, %arg2: memref<128x128xf32, #tpu.memory_space<vmem>>, %arg3: memref<128x128xf32, #tpu.memory_space<vmem>>, %arg4: memref<2x1264x128xf32, #tpu.memory_space<vmem>>) attributes {dimension_semantics = [#tpu.dimension_semantics<arbitrary>], iteration_bounds = array<i64: 8>, scalar_prefetch = 0 : i64, scratch_operands = 0 : i64, tpu.core_type = #tpu.core_type<tc>, window_params = [{transform_indices = @transform_0, window_bounds = array<i64: 1264, 128>}, {pipeline_mode = #tpu.pipeline_mode<synchronous>, transform_indices = @transform_1, window_bounds = array<i64: 128, 128>}, {pipeline_mode = #tpu.pipeline_mode<synchronous>, transform_indices = @transform_2, window_bounds = array<i64: 128, 128>}, {transform_indices = @transform_3, window_bounds = array<i64: 2, 1264, 128>}]} {
    %get3A = arith.constant 0 : index
    %get3A_0 = arith.constant 0 : index
    %get3A_1 = vector.load %arg1[%get3A, %get3A_0] : memref<1264x128xf32, #tpu.memory_space<vmem>>, vector<1264x128xf32>
    %get3A_2 = arith.constant 0 : index
    %get3A_3 = arith.constant 0 : index
    %get3A_4 = vector.load %arg2[%get3A_2, %get3A_3] : memref<128x128xf32, #tpu.memory_space<vmem>>, vector<128x128xf32>
    %dot_general3A = arith.constant dense<0.000000e+00> : vector<1264x128xf32>
    %dot_general3A_5 = tpu.matmul %get3A_1, %get3A_4, %dot_general3A {dimension_numbers = #tpu.dot_dimension_numbers<[1], [0], [0], [1], [0, 0, 1, 1], [], []>, transpose_lhs_hint = false} : vector<1264x128xf32>, vector<128x128xf32>, vector<1264x128xf32> -> vector<1264x128xf32>
    %swap3A = arith.constant 0 : index
    %swap3A_6 = arith.constant 0 : index
    %swap3A_7 = arith.constant 0 : index
    %swap3A_8 = vector.load %arg4[%swap3A, %swap3A_6, %swap3A_7] : memref<2x1264x128xf32, #tpu.memory_space<vmem>>, vector<1x1264x128xf32>
    %swap3A_9 = vector.shape_cast %swap3A_8 : vector<1x1264x128xf32> to vector<1264x128xf32>
    %swap3A_10 = vector.shape_cast %dot_general3A_5 : vector<1264x128xf32> to vector<1x1264x128xf32>
    tpu.vector_store %arg4[%swap3A, %swap3A_6, %swap3A_7], %swap3A_10 {strides = array<i32>} : memref<2x1264x128xf32, #tpu.memory_space<vmem>>, vector<1x1264x128xf32>,
    %get3A_11 = arith.constant 0 : index
    %get3A_12 = arith.constant 0 : index
    %get3A_13 = vector.load %arg3[%get3A_11, %get3A_12] : memref<128x128xf32, #tpu.memory_space<vmem>>, vector<128x128xf32>
    %dot_general3A_14 = arith.constant dense<0.000000e+00> : vector<1264x128xf32>
    %dot_general3A_15 = tpu.matmul %get3A_1, %get3A_13, %dot_general3A_14 {dimension_numbers = #tpu.dot_dimension_numbers<[1], [0], [0], [1], [0, 0, 1, 1], [], []>, transpose_lhs_hint = false} : vector<1264x128xf32>, vector<128x128xf32>, vector<1264x128xf32> -> vector<1264x128xf32>
    %swap3A_16 = arith.constant 1 : index
    %swap3A_17 = arith.constant 0 : index
    %swap3A_18 = arith.constant 0 : index
    %swap3A_19 = vector.load %arg4[%swap3A_16, %swap3A_17, %swap3A_18] : memref<2x1264x128xf32, #tpu.memory_space<vmem>>, vector<1x1264x128xf32>
    %swap3A_20 = vector.shape_cast %swap3A_19 : vector<1x1264x128xf32> to vector<1264x128xf32>
    %swap3A_21 = vector.shape_cast %dot_general3A_15 : vector<1264x128xf32> to vector<1x1264x128xf32>
    tpu.vector_store %arg4[%swap3A_16, %swap3A_17, %swap3A_18], %swap3A_21 {strides = array<i32>} : memref<2x1264x128xf32, #tpu.memory_space<vmem>>, vector<1x1264x128xf32>,
    return
  }
  func.func @transform_0(%arg0: i32) -> (i32, i32) {
    %c0_i32 = arith.constant 0 : i32
    %c0_i32_0 = arith.constant 0 : i32
    return %arg0, %c0_i32 : i32, i32
  }
  func.func @transform_1(%arg0: i32) -> (i32, i32) {
    %c0_i32 = arith.constant 0 : i32
    %c0_i32_0 = arith.constant 0 : i32
    %c0_i32_1 = arith.constant 0 : i32
    return %c0_i32, %c0_i32_0 : i32, i32
  }
  func.func @transform_2(%arg0: i32) -> (i32, i32) {
    %c0_i32 = arith.constant 0 : i32
    %c0_i32_0 = arith.constant 0 : i32
    %c0_i32_1 = arith.constant 0 : i32
    return %c0_i32, %c0_i32_0 : i32, i32
  }
  func.func @transform_3(%arg0: i32) -> (i32, i32, i32) {
    %c0_i32 = arith.constant 0 : i32
    %c0_i32_0 = arith.constant 0 : i32
    %c0_i32_1 = arith.constant 0 : i32
    return %c0_i32, %arg0, %c0_i32_0 : i32, i32, i32
  }
}

module attributes {stable_mosaic.version = 14 : i64} {
  func.func @_stats_body(%arg0: memref<2x10112x128xf32, #tpu.memory_space<vmem>>, %arg1: memref<2x8x128xf32, #tpu.memory_space<vmem>>, %arg2: memref<2x8x128xf32, #tpu.memory_space<vmem>>) attributes {dimension_semantics = [], scalar_prefetch = 0 : i64, scratch_operands = 0 : i64, tpu.core_type = #tpu.core_type<tc>} {
    %get3A = arith.constant 0 : index
    %get3A_0 = arith.constant 0 : index
    %get3A_1 = arith.constant 0 : index
    %get3A_2 = vector.load %arg0[%get3A, %get3A_0, %get3A_1] : memref<2x10112x128xf32, #tpu.memory_space<vmem>>, vector<1x10112x128xf32>
    %get3A_3 = vector.shape_cast %get3A_2 : vector<1x10112x128xf32> to vector<10112x128xf32>
    %slice3A = vector.extract_strided_slice %get3A_3 {offsets = [10000, 0], sizes = [1, 128], strides = [1, 1]} : vector<10112x128xf32> to vector<1x128xf32>
    %reduce_sum3A = arith.constant dense<0.000000e+00> : vector<128xf32>
    %reduce_sum3A_4 = vector.multi_reduction <add>, %get3A_3, %reduce_sum3A [0] : vector<10112x128xf32> to vector<128xf32>
    %broadcast_in_dim3A = vector.shape_cast %reduce_sum3A_4 : vector<128xf32> to vector<1x128xf32>
    %sub3A = arith.subf %broadcast_in_dim3A, %slice3A : vector<1x128xf32>
    %mul3A = arith.mulf %get3A_3, %get3A_3 : vector<10112x128xf32>
    %reduce_sum3A_5 = arith.constant dense<0.000000e+00> : vector<128xf32>
    %reduce_sum3A_6 = vector.multi_reduction <add>, %mul3A, %reduce_sum3A_5 [0] : vector<10112x128xf32> to vector<128xf32>
    %broadcast_in_dim3A_7 = vector.shape_cast %reduce_sum3A_6 : vector<128xf32> to vector<1x128xf32>
    %mul3A_8 = arith.mulf %slice3A, %slice3A : vector<1x128xf32>
    %sub3A_9 = arith.subf %broadcast_in_dim3A_7, %mul3A_8 : vector<1x128xf32>
    %broadcast_in_dim3A_10 = vector.shape_cast %sub3A : vector<1x128xf32> to vector<1x128xf32>
    %broadcast_in_dim3A_11 = vector.broadcast %broadcast_in_dim3A_10 : vector<1x128xf32> to vector<8x128xf32>
    %swap3A = arith.constant 0 : index
    %swap3A_12 = arith.constant 0 : index
    %swap3A_13 = arith.constant 0 : index
    %swap3A_14 = vector.load %arg1[%swap3A, %swap3A_12, %swap3A_13] : memref<2x8x128xf32, #tpu.memory_space<vmem>>, vector<1x8x128xf32>
    %swap3A_15 = vector.shape_cast %swap3A_14 : vector<1x8x128xf32> to vector<8x128xf32>
    %swap3A_16 = vector.shape_cast %broadcast_in_dim3A_11 : vector<8x128xf32> to vector<1x8x128xf32>
    tpu.vector_store %arg1[%swap3A, %swap3A_12, %swap3A_13], %swap3A_16 {strides = array<i32>} : memref<2x8x128xf32, #tpu.memory_space<vmem>>, vector<1x8x128xf32>,
    %broadcast_in_dim3A_17 = vector.shape_cast %sub3A_9 : vector<1x128xf32> to vector<1x128xf32>
    %broadcast_in_dim3A_18 = vector.broadcast %broadcast_in_dim3A_17 : vector<1x128xf32> to vector<8x128xf32>
    %swap3A_19 = arith.constant 0 : index
    %swap3A_20 = arith.constant 0 : index
    %swap3A_21 = arith.constant 0 : index
    %swap3A_22 = vector.load %arg2[%swap3A_19, %swap3A_20, %swap3A_21] : memref<2x8x128xf32, #tpu.memory_space<vmem>>, vector<1x8x128xf32>
    %swap3A_23 = vector.shape_cast %swap3A_22 : vector<1x8x128xf32> to vector<8x128xf32>
    %swap3A_24 = vector.shape_cast %broadcast_in_dim3A_18 : vector<8x128xf32> to vector<1x8x128xf32>
    tpu.vector_store %arg2[%swap3A_19, %swap3A_20, %swap3A_21], %swap3A_24 {strides = array<i32>} : memref<2x8x128xf32, #tpu.memory_space<vmem>>, vector<1x8x128xf32>,
    %get3A_25 = arith.constant 1 : index
    %get3A_26 = arith.constant 0 : index
    %get3A_27 = arith.constant 0 : index
    %get3A_28 = vector.load %arg0[%get3A_25, %get3A_26, %get3A_27] : memref<2x10112x128xf32, #tpu.memory_space<vmem>>, vector<1x10112x128xf32>
    %get3A_29 = vector.shape_cast %get3A_28 : vector<1x10112x128xf32> to vector<10112x128xf32>
    %slice3A_30 = vector.extract_strided_slice %get3A_29 {offsets = [10000, 0], sizes = [1, 128], strides = [1, 1]} : vector<10112x128xf32> to vector<1x128xf32>
    %reduce_sum3A_31 = arith.constant dense<0.000000e+00> : vector<128xf32>
    %reduce_sum3A_32 = vector.multi_reduction <add>, %get3A_29, %reduce_sum3A_31 [0] : vector<10112x128xf32> to vector<128xf32>
    %broadcast_in_dim3A_33 = vector.shape_cast %reduce_sum3A_32 : vector<128xf32> to vector<1x128xf32>
    %sub3A_34 = arith.subf %broadcast_in_dim3A_33, %slice3A_30 : vector<1x128xf32>
    %mul3A_35 = arith.mulf %get3A_29, %get3A_29 : vector<10112x128xf32>
    %reduce_sum3A_36 = arith.constant dense<0.000000e+00> : vector<128xf32>
    %reduce_sum3A_37 = vector.multi_reduction <add>, %mul3A_35, %reduce_sum3A_36 [0] : vector<10112x128xf32> to vector<128xf32>
    %broadcast_in_dim3A_38 = vector.shape_cast %reduce_sum3A_37 : vector<128xf32> to vector<1x128xf32>
    %mul3A_39 = arith.mulf %slice3A_30, %slice3A_30 : vector<1x128xf32>
    %sub3A_40 = arith.subf %broadcast_in_dim3A_38, %mul3A_39 : vector<1x128xf32>
    %broadcast_in_dim3A_41 = vector.shape_cast %sub3A_34 : vector<1x128xf32> to vector<1x128xf32>
    %broadcast_in_dim3A_42 = vector.broadcast %broadcast_in_dim3A_41 : vector<1x128xf32> to vector<8x128xf32>
    %swap3A_43 = arith.constant 1 : index
    %swap3A_44 = arith.constant 0 : index
    %swap3A_45 = arith.constant 0 : index
    %swap3A_46 = vector.load %arg1[%swap3A_43, %swap3A_44, %swap3A_45] : memref<2x8x128xf32, #tpu.memory_space<vmem>>, vector<1x8x128xf32>
    %swap3A_47 = vector.shape_cast %swap3A_46 : vector<1x8x128xf32> to vector<8x128xf32>
    %swap3A_48 = vector.shape_cast %broadcast_in_dim3A_42 : vector<8x128xf32> to vector<1x8x128xf32>
    tpu.vector_store %arg1[%swap3A_43, %swap3A_44, %swap3A_45], %swap3A_48 {strides = array<i32>} : memref<2x8x128xf32, #tpu.memory_space<vmem>>, vector<1x8x128xf32>,
    %broadcast_in_dim3A_49 = vector.shape_cast %sub3A_40 : vector<1x128xf32> to vector<1x128xf32>
    %broadcast_in_dim3A_50 = vector.broadcast %broadcast_in_dim3A_49 : vector<1x128xf32> to vector<8x128xf32>
    %swap3A_51 = arith.constant 1 : index
    %swap3A_52 = arith.constant 0 : index
    %swap3A_53 = arith.constant 0 : index
    %swap3A_54 = vector.load %arg2[%swap3A_51, %swap3A_52, %swap3A_53] : memref<2x8x128xf32, #tpu.memory_space<vmem>>, vector<1x8x128xf32>
    %swap3A_55 = vector.shape_cast %swap3A_54 : vector<1x8x128xf32> to vector<8x128xf32>
    %swap3A_56 = vector.shape_cast %broadcast_in_dim3A_50 : vector<8x128xf32> to vector<1x8x128xf32>
    tpu.vector_store %arg2[%swap3A_51, %swap3A_52, %swap3A_53], %swap3A_56 {strides = array<i32>} : memref<2x8x128xf32, #tpu.memory_space<vmem>>, vector<1x8x128xf32>,
    return
  }
}

module attributes {stable_mosaic.version = 14 : i64} {
  func.func @_tc1_body(%arg0: i32, %arg1: memref<2x1264x128xf32, #tpu.memory_space<vmem>>, %arg2: memref<2x8x128xf32, #tpu.memory_space<vmem>>, %arg3: memref<2x8x128xf32, #tpu.memory_space<vmem>>, %arg4: memref<1264x128xf32, #tpu.memory_space<vmem>>, %arg5: memref<128x128xf32, #tpu.memory_space<vmem>>, %arg6: memref<64x128xf32, #tpu.memory_space<vmem>>, %arg7: memref<64x128xf32, #tpu.memory_space<vmem>>, %arg8: memref<128x128xf32, #tpu.memory_space<vmem>>, %arg9: memref<64x128xf32, #tpu.memory_space<vmem>>, %arg10: memref<64x128xf32, #tpu.memory_space<vmem>>, %arg11: memref<2x1264x128xf32, #tpu.memory_space<vmem>>, %arg12: memref<2x1264x128xf32, #tpu.memory_space<vmem>>) attributes {dimension_semantics = [#tpu.dimension_semantics<arbitrary>], iteration_bounds = array<i64: 8>, scalar_prefetch = 0 : i64, scratch_operands = 0 : i64, tpu.core_type = #tpu.core_type<tc>, window_params = [{transform_indices = @transform_0, window_bounds = array<i64: 2, 1264, 128>}, {pipeline_mode = #tpu.pipeline_mode<synchronous>, transform_indices = @transform_1, window_bounds = array<i64: 2, 8, 128>}, {pipeline_mode = #tpu.pipeline_mode<synchronous>, transform_indices = @transform_2, window_bounds = array<i64: 2, 8, 128>}, {transform_indices = @transform_3, window_bounds = array<i64: 1264, 128>}, {pipeline_mode = #tpu.pipeline_mode<synchronous>, transform_indices = @transform_4, window_bounds = array<i64: 128, 128>}, {pipeline_mode = #tpu.pipeline_mode<synchronous>, transform_indices = @transform_5, window_bounds = array<i64: 64, 128>}, {pipeline_mode = #tpu.pipeline_mode<synchronous>, transform_indices = @transform_6, window_bounds = array<i64: 64, 128>}, {pipeline_mode = #tpu.pipeline_mode<synchronous>, transform_indices = @transform_7, window_bounds = array<i64: 128, 128>}, {pipeline_mode = #tpu.pipeline_mode<synchronous>, transform_indices = @transform_8, window_bounds = array<i64: 64, 128>}, {pipeline_mode = #tpu.pipeline_mode<synchronous>, transform_indices = @transform_9, window_bounds = array<i64: 64, 128>}, {transform_indices = @transform_10, window_bounds = array<i64: 2, 1264, 128>}, {transform_indices = @transform_11, window_bounds = array<i64: 2, 1264, 128>}]} {
    %get3A = arith.constant 0 : index
    %get3A_0 = arith.constant 0 : index
    %get3A_1 = vector.load %arg4[%get3A, %get3A_0] : memref<1264x128xf32, #tpu.memory_space<vmem>>, vector<1264x128xf32>
    %get3A_2 = arith.constant 0 : index
    %get3A_3 = arith.constant 0 : index
    %get3A_4 = arith.constant 0 : index
    %get3A_5 = vector.load %arg1[%get3A_2, %get3A_3, %get3A_4] : memref<2x1264x128xf32, #tpu.memory_space<vmem>>, vector<1x1264x128xf32>
    %get3A_6 = vector.shape_cast %get3A_5 : vector<1x1264x128xf32> to vector<1264x128xf32>
    %get3A_7 = arith.constant 0 : index
    %get3A_8 = arith.constant 0 : index
    %get3A_9 = arith.constant 0 : index
    %get3A_10 = vector.load %arg2[%get3A_7, %get3A_8, %get3A_9] : memref<2x8x128xf32, #tpu.memory_space<vmem>>, vector<1x1x128xf32>
    %get3A_11 = vector.shape_cast %get3A_10 : vector<1x1x128xf32> to vector<1x128xf32>
    %get3A_12 = arith.constant 0 : index
    %get3A_13 = arith.constant 0 : index
    %get3A_14 = arith.constant 0 : index
    %get3A_15 = vector.load %arg3[%get3A_12, %get3A_13, %get3A_14] : memref<2x8x128xf32, #tpu.memory_space<vmem>>, vector<1x1x128xf32>
    %get3A_16 = vector.shape_cast %get3A_15 : vector<1x1x128xf32> to vector<1x128xf32>
    %mul3A = arith.constant 9.99999974E-5 : f32
    %mul3A_17 = vector.broadcast %mul3A : f32 to vector<1x128xf32>
    %mul3A_18 = arith.mulf %get3A_11, %mul3A_17 : vector<1x128xf32>
    %mul3A_19 = arith.constant 9.99999974E-5 : f32
    %mul3A_20 = vector.broadcast %mul3A_19 : f32 to vector<1x128xf32>
    %mul3A_21 = arith.mulf %get3A_16, %mul3A_20 : vector<1x128xf32>
    %mul3A_22 = arith.mulf %mul3A_18, %mul3A_18 : vector<1x128xf32>
    %sub3A = arith.subf %mul3A_21, %mul3A_22 : vector<1x128xf32>
    %slice3A = vector.extract_strided_slice %sub3A {offsets = [0, 0], sizes = [1, 64], strides = [1, 1]} : vector<1x128xf32> to vector<1x64xf32>
    %reduce_sum3A = vector.shape_cast %slice3A : vector<1x64xf32> to vector<1x1x64xf32>
    %reduce_sum3A_23 = arith.constant dense<0.000000e+00> : vector<1xf32>
    %reduce_sum3A_24 = vector.multi_reduction <add>, %reduce_sum3A, %reduce_sum3A_23 [1, 2] : vector<1x1x64xf32> to vector<1xf32>
    %reduce_sum3A_25 = vector.shape_cast %reduce_sum3A_24 : vector<1xf32> to vector<1x1x1xf32>
    %reduce_sum3A_26 = vector.extract %reduce_sum3A_25[0, 0, 0] : f32 from vector<1x1x1xf32>
    %add3A = arith.constant 9.99999997E-7 : f32
    %add3A_27 = arith.addf %add3A, %reduce_sum3A_26 : f32
    %sqrt3A = math.sqrt %add3A_27 : f32
    %slice3A_28 = vector.extract_strided_slice %sub3A {offsets = [0, 64], sizes = [1, 64], strides = [1, 1]} : vector<1x128xf32> to vector<1x64xf32>
    %reduce_sum3A_29 = vector.shape_cast %slice3A_28 : vector<1x64xf32> to vector<1x1x64xf32>
    %reduce_sum3A_30 = arith.constant dense<0.000000e+00> : vector<1xf32>
    %reduce_sum3A_31 = vector.multi_reduction <add>, %reduce_sum3A_29, %reduce_sum3A_30 [1, 2] : vector<1x1x64xf32> to vector<1xf32>
    %reduce_sum3A_32 = vector.shape_cast %reduce_sum3A_31 : vector<1xf32> to vector<1x1x1xf32>
    %reduce_sum3A_33 = vector.extract %reduce_sum3A_32[0, 0, 0] : f32 from vector<1x1x1xf32>
    %add3A_34 = arith.constant 9.99999997E-7 : f32
    %add3A_35 = arith.addf %add3A_34, %reduce_sum3A_33 : f32
    %sqrt3A_36 = math.sqrt %add3A_35 : f32
    %sub3A_37 = vector.broadcast %mul3A_18 : vector<1x128xf32> to vector<1264x128xf32>
    %sub3A_38 = arith.subf %get3A_6, %sub3A_37 : vector<1264x128xf32>
    %slice3A_39 = vector.extract_strided_slice %sub3A_38 {offsets = [0, 0], sizes = [1264, 64], strides = [1, 1]} : vector<1264x128xf32> to vector<1264x64xf32>
    %div3A = vector.broadcast %sqrt3A : f32 to vector<1264x64xf32>
    %div3A_40 = arith.divf %slice3A_39, %div3A : vector<1264x64xf32>
    %tanh3A = math.tanh %div3A_40 : vector<1264x64xf32>
    %slice3A_41 = vector.extract_strided_slice %sub3A_38 {offsets = [0, 64], sizes = [1264, 64], strides = [1, 1]} : vector<1264x128xf32> to vector<1264x64xf32>
    %div3A_42 = vector.broadcast %sqrt3A_36 : f32 to vector<1264x64xf32>
    %div3A_43 = arith.divf %slice3A_41, %div3A_42 : vector<1264x64xf32>
    %tanh3A_44 = math.tanh %div3A_43 : vector<1264x64xf32>
    %get3A_45 = arith.constant 0 : index
    %get3A_46 = arith.constant 0 : index
    %get3A_47 = vector.load %arg5[%get3A_45, %get3A_46] : memref<128x128xf32, #tpu.memory_space<vmem>>, vector<128x128xf32>
    %dot_general3A = arith.constant dense<0.000000e+00> : vector<1264x128xf32>
    %dot_general3A_48 = tpu.matmul %get3A_1, %get3A_47, %dot_general3A {dimension_numbers = #tpu.dot_dimension_numbers<[1], [0], [0], [1], [0, 0, 1, 1], [], []>, transpose_lhs_hint = false} : vector<1264x128xf32>, vector<128x128xf32>, vector<1264x128xf32> -> vector<1264x128xf32>
    %get3A_49 = arith.constant 0 : index
    %get3A_50 = arith.constant 0 : index
    %get3A_51 = vector.load %arg6[%get3A_49, %get3A_50] : memref<64x128xf32, #tpu.memory_space<vmem>>, vector<64x128xf32>
    %dot_general3A_52 = arith.constant dense<0.000000e+00> : vector<1264x128xf32>
    %dot_general3A_53 = tpu.matmul %tanh3A, %get3A_51, %dot_general3A_52 {dimension_numbers = #tpu.dot_dimension_numbers<[1], [0], [0], [1], [0, 0, 1, 1], [], []>, transpose_lhs_hint = false} : vector<1264x64xf32>, vector<64x128xf32>, vector<1264x128xf32> -> vector<1264x128xf32>
    %add3A_54 = arith.addf %dot_general3A_48, %dot_general3A_53 : vector<1264x128xf32>
    %get3A_55 = arith.constant 0 : index
    %get3A_56 = arith.constant 0 : index
    %get3A_57 = vector.load %arg7[%get3A_55, %get3A_56] : memref<64x128xf32, #tpu.memory_space<vmem>>, vector<64x128xf32>
    %dot_general3A_58 = arith.constant dense<0.000000e+00> : vector<1264x128xf32>
    %dot_general3A_59 = tpu.matmul %tanh3A_44, %get3A_57, %dot_general3A_58 {dimension_numbers = #tpu.dot_dimension_numbers<[1], [0], [0], [1], [0, 0, 1, 1], [], []>, transpose_lhs_hint = false} : vector<1264x64xf32>, vector<64x128xf32>, vector<1264x128xf32> -> vector<1264x128xf32>
    %add3A_60 = arith.addf %add3A_54, %dot_general3A_59 : vector<1264x128xf32>
    %swap3A = arith.constant 0 : index
    %swap3A_61 = arith.constant 0 : index
    %swap3A_62 = arith.constant 0 : index
    %swap3A_63 = vector.load %arg11[%swap3A, %swap3A_61, %swap3A_62] : memref<2x1264x128xf32, #tpu.memory_space<vmem>>, vector<1x1264x128xf32>
    %swap3A_64 = vector.shape_cast %swap3A_63 : vector<1x1264x128xf32> to vector<1264x128xf32>
    %swap3A_65 = vector.shape_cast %add3A_60 : vector<1264x128xf32> to vector<1x1264x128xf32>
    tpu.vector_store %arg11[%swap3A, %swap3A_61, %swap3A_62], %swap3A_65 {strides = array<i32>} : memref<2x1264x128xf32, #tpu.memory_space<vmem>>, vector<1x1264x128xf32>,
    %concatenate3A = tpu.concatenate %tanh3A, %tanh3A_44 in 1 : vector<1264x64xf32>, vector<1264x64xf32> -> vector<1264x128xf32>
    %swap3A_66 = arith.constant 0 : index
    %swap3A_67 = arith.constant 0 : index
    %swap3A_68 = arith.constant 0 : index
    %swap3A_69 = vector.load %arg12[%swap3A_66, %swap3A_67, %swap3A_68] : memref<2x1264x128xf32, #tpu.memory_space<vmem>>, vector<1x1264x128xf32>
    %swap3A_70 = vector.shape_cast %swap3A_69 : vector<1x1264x128xf32> to vector<1264x128xf32>
    %swap3A_71 = vector.shape_cast %concatenate3A : vector<1264x128xf32> to vector<1x1264x128xf32>
    tpu.vector_store %arg12[%swap3A_66, %swap3A_67, %swap3A_68], %swap3A_71 {strides = array<i32>} : memref<2x1264x128xf32, #tpu.memory_space<vmem>>, vector<1x1264x128xf32>,
    %get3A_72 = arith.constant 1 : index
    %get3A_73 = arith.constant 0 : index
    %get3A_74 = arith.constant 0 : index
    %get3A_75 = vector.load %arg1[%get3A_72, %get3A_73, %get3A_74] : memref<2x1264x128xf32, #tpu.memory_space<vmem>>, vector<1x1264x128xf32>
    %get3A_76 = vector.shape_cast %get3A_75 : vector<1x1264x128xf32> to vector<1264x128xf32>
    %get3A_77 = arith.constant 1 : index
    %get3A_78 = arith.constant 0 : index
    %get3A_79 = arith.constant 0 : index
    %get3A_80 = vector.load %arg2[%get3A_77, %get3A_78, %get3A_79] : memref<2x8x128xf32, #tpu.memory_space<vmem>>, vector<1x1x128xf32>
    %get3A_81 = vector.shape_cast %get3A_80 : vector<1x1x128xf32> to vector<1x128xf32>
    %get3A_82 = arith.constant 1 : index
    %get3A_83 = arith.constant 0 : index
    %get3A_84 = arith.constant 0 : index
    %get3A_85 = vector.load %arg3[%get3A_82, %get3A_83, %get3A_84] : memref<2x8x128xf32, #tpu.memory_space<vmem>>, vector<1x1x128xf32>
    %get3A_86 = vector.shape_cast %get3A_85 : vector<1x1x128xf32> to vector<1x128xf32>
    %mul3A_87 = arith.constant 9.99999974E-5 : f32
    %mul3A_88 = vector.broadcast %mul3A_87 : f32 to vector<1x128xf32>
    %mul3A_89 = arith.mulf %get3A_81, %mul3A_88 : vector<1x128xf32>
    %mul3A_90 = arith.constant 9.99999974E-5 : f32
    %mul3A_91 = vector.broadcast %mul3A_90 : f32 to vector<1x128xf32>
    %mul3A_92 = arith.mulf %get3A_86, %mul3A_91 : vector<1x128xf32>
    %mul3A_93 = arith.mulf %mul3A_89, %mul3A_89 : vector<1x128xf32>
    %sub3A_94 = arith.subf %mul3A_92, %mul3A_93 : vector<1x128xf32>
    %slice3A_95 = vector.extract_strided_slice %sub3A_94 {offsets = [0, 0], sizes = [1, 64], strides = [1, 1]} : vector<1x128xf32> to vector<1x64xf32>
    %reduce_sum3A_96 = vector.shape_cast %slice3A_95 : vector<1x64xf32> to vector<1x1x64xf32>
    %reduce_sum3A_97 = arith.constant dense<0.000000e+00> : vector<1xf32>
    %reduce_sum3A_98 = vector.multi_reduction <add>, %reduce_sum3A_96, %reduce_sum3A_97 [1, 2] : vector<1x1x64xf32> to vector<1xf32>
    %reduce_sum3A_99 = vector.shape_cast %reduce_sum3A_98 : vector<1xf32> to vector<1x1x1xf32>
    %reduce_sum3A_100 = vector.extract %reduce_sum3A_99[0, 0, 0] : f32 from vector<1x1x1xf32>
    %add3A_101 = arith.constant 9.99999997E-7 : f32
    %add3A_102 = arith.addf %add3A_101, %reduce_sum3A_100 : f32
    %sqrt3A_103 = math.sqrt %add3A_102 : f32
    %slice3A_104 = vector.extract_strided_slice %sub3A_94 {offsets = [0, 64], sizes = [1, 64], strides = [1, 1]} : vector<1x128xf32> to vector<1x64xf32>
    %reduce_sum3A_105 = vector.shape_cast %slice3A_104 : vector<1x64xf32> to vector<1x1x64xf32>
    %reduce_sum3A_106 = arith.constant dense<0.000000e+00> : vector<1xf32>
    %reduce_sum3A_107 = vector.multi_reduction <add>, %reduce_sum3A_105, %reduce_sum3A_106 [1, 2] : vector<1x1x64xf32> to vector<1xf32>
    %reduce_sum3A_108 = vector.shape_cast %reduce_sum3A_107 : vector<1xf32> to vector<1x1x1xf32>
    %reduce_sum3A_109 = vector.extract %reduce_sum3A_108[0, 0, 0] : f32 from vector<1x1x1xf32>
    %add3A_110 = arith.constant 9.99999997E-7 : f32
    %add3A_111 = arith.addf %add3A_110, %reduce_sum3A_109 : f32
    %sqrt3A_112 = math.sqrt %add3A_111 : f32
    %sub3A_113 = vector.broadcast %mul3A_89 : vector<1x128xf32> to vector<1264x128xf32>
    %sub3A_114 = arith.subf %get3A_76, %sub3A_113 : vector<1264x128xf32>
    %slice3A_115 = vector.extract_strided_slice %sub3A_114 {offsets = [0, 0], sizes = [1264, 64], strides = [1, 1]} : vector<1264x128xf32> to vector<1264x64xf32>
    %div3A_116 = vector.broadcast %sqrt3A_103 : f32 to vector<1264x64xf32>
    %div3A_117 = arith.divf %slice3A_115, %div3A_116 : vector<1264x64xf32>
    %tanh3A_118 = math.tanh %div3A_117 : vector<1264x64xf32>
    %slice3A_119 = vector.extract_strided_slice %sub3A_114 {offsets = [0, 64], sizes = [1264, 64], strides = [1, 1]} : vector<1264x128xf32> to vector<1264x64xf32>
    %div3A_120 = vector.broadcast %sqrt3A_112 : f32 to vector<1264x64xf32>
    %div3A_121 = arith.divf %slice3A_119, %div3A_120 : vector<1264x64xf32>
    %tanh3A_122 = math.tanh %div3A_121 : vector<1264x64xf32>
    %get3A_123 = arith.constant 0 : index
    %get3A_124 = arith.constant 0 : index
    %get3A_125 = vector.load %arg8[%get3A_123, %get3A_124] : memref<128x128xf32, #tpu.memory_space<vmem>>, vector<128x128xf32>
    %dot_general3A_126 = arith.constant dense<0.000000e+00> : vector<1264x128xf32>
    %dot_general3A_127 = tpu.matmul %get3A_1, %get3A_125, %dot_general3A_126 {dimension_numbers = #tpu.dot_dimension_numbers<[1], [0], [0], [1], [0, 0, 1, 1], [], []>, transpose_lhs_hint = false} : vector<1264x128xf32>, vector<128x128xf32>, vector<1264x128xf32> -> vector<1264x128xf32>
    %get3A_128 = arith.constant 0 : index
    %get3A_129 = arith.constant 0 : index
    %get3A_130 = vector.load %arg9[%get3A_128, %get3A_129] : memref<64x128xf32, #tpu.memory_space<vmem>>, vector<64x128xf32>
    %dot_general3A_131 = arith.constant dense<0.000000e+00> : vector<1264x128xf32>
    %dot_general3A_132 = tpu.matmul %tanh3A_118, %get3A_130, %dot_general3A_131 {dimension_numbers = #tpu.dot_dimension_numbers<[1], [0], [0], [1], [0, 0, 1, 1], [], []>, transpose_lhs_hint = false} : vector<1264x64xf32>, vector<64x128xf32>, vector<1264x128xf32> -> vector<1264x128xf32>
    %add3A_133 = arith.addf %dot_general3A_127, %dot_general3A_132 : vector<1264x128xf32>
    %get3A_134 = arith.constant 0 : index
    %get3A_135 = arith.constant 0 : index
    %get3A_136 = vector.load %arg10[%get3A_134, %get3A_135] : memref<64x128xf32, #tpu.memory_space<vmem>>, vector<64x128xf32>
    %dot_general3A_137 = arith.constant dense<0.000000e+00> : vector<1264x128xf32>
    %dot_general3A_138 = tpu.matmul %tanh3A_122, %get3A_136, %dot_general3A_137 {dimension_numbers = #tpu.dot_dimension_numbers<[1], [0], [0], [1], [0, 0, 1, 1], [], []>, transpose_lhs_hint = false} : vector<1264x64xf32>, vector<64x128xf32>, vector<1264x128xf32> -> vector<1264x128xf32>
    %add3A_139 = arith.addf %add3A_133, %dot_general3A_138 : vector<1264x128xf32>
    %swap3A_140 = arith.constant 1 : index
    %swap3A_141 = arith.constant 0 : index
    %swap3A_142 = arith.constant 0 : index
    %swap3A_143 = vector.load %arg11[%swap3A_140, %swap3A_141, %swap3A_142] : memref<2x1264x128xf32, #tpu.memory_space<vmem>>, vector<1x1264x128xf32>
    %swap3A_144 = vector.shape_cast %swap3A_143 : vector<1x1264x128xf32> to vector<1264x128xf32>
    %swap3A_145 = vector.shape_cast %add3A_139 : vector<1264x128xf32> to vector<1x1264x128xf32>
    tpu.vector_store %arg11[%swap3A_140, %swap3A_141, %swap3A_142], %swap3A_145 {strides = array<i32>} : memref<2x1264x128xf32, #tpu.memory_space<vmem>>, vector<1x1264x128xf32>,
    %concatenate3A_146 = tpu.concatenate %tanh3A_118, %tanh3A_122 in 1 : vector<1264x64xf32>, vector<1264x64xf32> -> vector<1264x128xf32>
    %swap3A_147 = arith.constant 1 : index
    %swap3A_148 = arith.constant 0 : index
    %swap3A_149 = arith.constant 0 : index
    %swap3A_150 = vector.load %arg12[%swap3A_147, %swap3A_148, %swap3A_149] : memref<2x1264x128xf32, #tpu.memory_space<vmem>>, vector<1x1264x128xf32>
    %swap3A_151 = vector.shape_cast %swap3A_150 : vector<1x1264x128xf32> to vector<1264x128xf32>
    %swap3A_152 = vector.shape_cast %concatenate3A_146 : vector<1264x128xf32> to vector<1x1264x128xf32>
    tpu.vector_store %arg12[%swap3A_147, %swap3A_148, %swap3A_149], %swap3A_152 {strides = array<i32>} : memref<2x1264x128xf32, #tpu.memory_space<vmem>>, vector<1x1264x128xf32>,
    return
  }
  func.func @transform_0(%arg0: i32) -> (i32, i32, i32) {
    %c0_i32 = arith.constant 0 : i32
    %c0_i32_0 = arith.constant 0 : i32
    %c0_i32_1 = arith.constant 0 : i32
    return %c0_i32, %arg0, %c0_i32_0 : i32, i32, i32
  }
  func.func @transform_1(%arg0: i32) -> (i32, i32, i32) {
    %c0_i32 = arith.constant 0 : i32
    %c0_i32_0 = arith.constant 0 : i32
    %c0_i32_1 = arith.constant 0 : i32
    %c0_i32_2 = arith.constant 0 : i32
    return %c0_i32, %c0_i32_0, %c0_i32_1 : i32, i32, i32
  }
  func.func @transform_2(%arg0: i32) -> (i32, i32, i32) {
    %c0_i32 = arith.constant 0 : i32
    %c0_i32_0 = arith.constant 0 : i32
    %c0_i32_1 = arith.constant 0 : i32
    %c0_i32_2 = arith.constant 0 : i32
    return %c0_i32, %c0_i32_0, %c0_i32_1 : i32, i32, i32
  }
  func.func @transform_3(%arg0: i32) -> (i32, i32) {
    %c0_i32 = arith.constant 0 : i32
    %c0_i32_0 = arith.constant 0 : i32
    return %arg0, %c0_i32 : i32, i32
  }
  func.func @transform_4(%arg0: i32) -> (i32, i32) {
    %c0_i32 = arith.constant 0 : i32
    %c0_i32_0 = arith.constant 0 : i32
    %c0_i32_1 = arith.constant 0 : i32
    return %c0_i32, %c0_i32_0 : i32, i32
  }
  func.func @transform_5(%arg0: i32) -> (i32, i32) {
    %c0_i32 = arith.constant 0 : i32
    %c0_i32_0 = arith.constant 0 : i32
    %c0_i32_1 = arith.constant 0 : i32
    return %c0_i32, %c0_i32_0 : i32, i32
  }
  func.func @transform_6(%arg0: i32) -> (i32, i32) {
    %c0_i32 = arith.constant 0 : i32
    %c0_i32_0 = arith.constant 0 : i32
    %c0_i32_1 = arith.constant 0 : i32
    return %c0_i32, %c0_i32_0 : i32, i32
  }
  func.func @transform_7(%arg0: i32) -> (i32, i32) {
    %c0_i32 = arith.constant 0 : i32
    %c0_i32_0 = arith.constant 0 : i32
    %c0_i32_1 = arith.constant 0 : i32
    return %c0_i32, %c0_i32_0 : i32, i32
  }
  func.func @transform_8(%arg0: i32) -> (i32, i32) {
    %c0_i32 = arith.constant 0 : i32
    %c0_i32_0 = arith.constant 0 : i32
    %c0_i32_1 = arith.constant 0 : i32
    return %c0_i32, %c0_i32_0 : i32, i32
  }
  func.func @transform_9(%arg0: i32) -> (i32, i32) {
    %c0_i32 = arith.constant 0 : i32
    %c0_i32_0 = arith.constant 0 : i32
    %c0_i32_1 = arith.constant 0 : i32
    return %c0_i32, %c0_i32_0 : i32, i32
  }
  func.func @transform_10(%arg0: i32) -> (i32, i32, i32) {
    %c0_i32 = arith.constant 0 : i32
    %c0_i32_0 = arith.constant 0 : i32
    %c0_i32_1 = arith.constant 0 : i32
    return %c0_i32, %arg0, %c0_i32_0 : i32, i32, i32
  }
  func.func @transform_11(%arg0: i32) -> (i32, i32, i32) {
    %c0_i32 = arith.constant 0 : i32
    %c0_i32_0 = arith.constant 0 : i32
    %c0_i32_1 = arith.constant 0 : i32
    return %c0_i32, %arg0, %c0_i32_0 : i32, i32, i32
  }
}

module attributes {stable_mosaic.version = 14 : i64} {
  func.func @_tc2_body(%arg0: i32, %arg1: memref<2x1264x128xf32, #tpu.memory_space<vmem>>, %arg2: memref<2x8x128xf32, #tpu.memory_space<vmem>>, %arg3: memref<2x8x128xf32, #tpu.memory_space<vmem>>, %arg4: memref<1264x128xf32, #tpu.memory_space<vmem>>, %arg5: memref<2x1264x128xf32, #tpu.memory_space<vmem>>, %arg6: memref<128x128xf32, #tpu.memory_space<vmem>>, %arg7: memref<64x128xf32, #tpu.memory_space<vmem>>, %arg8: memref<64x128xf32, #tpu.memory_space<vmem>>, %arg9: memref<64x128xf32, #tpu.memory_space<vmem>>, %arg10: memref<64x128xf32, #tpu.memory_space<vmem>>, %arg11: memref<128x128xf32, #tpu.memory_space<vmem>>, %arg12: memref<64x128xf32, #tpu.memory_space<vmem>>, %arg13: memref<64x128xf32, #tpu.memory_space<vmem>>, %arg14: memref<64x128xf32, #tpu.memory_space<vmem>>, %arg15: memref<64x128xf32, #tpu.memory_space<vmem>>, %arg16: memref<2x1264x128xf32, #tpu.memory_space<vmem>>) attributes {dimension_semantics = [#tpu.dimension_semantics<arbitrary>], iteration_bounds = array<i64: 8>, scalar_prefetch = 0 : i64, scratch_operands = 0 : i64, tpu.core_type = #tpu.core_type<tc>, window_params = [{transform_indices = @transform_0, window_bounds = array<i64: 2, 1264, 128>}, {pipeline_mode = #tpu.pipeline_mode<synchronous>, transform_indices = @transform_1, window_bounds = array<i64: 2, 8, 128>}, {pipeline_mode = #tpu.pipeline_mode<synchronous>, transform_indices = @transform_2, window_bounds = array<i64: 2, 8, 128>}, {transform_indices = @transform_3, window_bounds = array<i64: 1264, 128>}, {transform_indices = @transform_4, window_bounds = array<i64: 2, 1264, 128>}, {pipeline_mode = #tpu.pipeline_mode<synchronous>, transform_indices = @transform_5, window_bounds = array<i64: 128, 128>}, {pipeline_mode = #tpu.pipeline_mode<synchronous>, transform_indices = @transform_6, window_bounds = array<i64: 64, 128>}, {pipeline_mode = #tpu.pipeline_mode<synchronous>, transform_indices = @transform_7, window_bounds = array<i64: 64, 128>}, {pipeline_mode = #tpu.pipeline_mode<synchronous>, transform_indices = @transform_8, window_bounds = array<i64: 64, 128>}, {pipeline_mode = #tpu.pipeline_mode<synchronous>, transform_indices = @transform_9, window_bounds = array<i64: 64, 128>}, {pipeline_mode = #tpu.pipeline_mode<synchronous>, transform_indices = @transform_10, window_bounds = array<i64: 128, 128>}, {pipeline_mode = #tpu.pipeline_mode<synchronous>, transform_indices = @transform_11, window_bounds = array<i64: 64, 128>}, {pipeline_mode = #tpu.pipeline_mode<synchronous>, transform_indices = @transform_12, window_bounds = array<i64: 64, 128>}, {pipeline_mode = #tpu.pipeline_mode<synchronous>, transform_indices = @transform_13, window_bounds = array<i64: 64, 128>}, {pipeline_mode = #tpu.pipeline_mode<synchronous>, transform_indices = @transform_14, window_bounds = array<i64: 64, 128>}, {transform_indices = @transform_15, window_bounds = array<i64: 2, 1264, 128>}]} {
    %get3A = arith.constant 0 : index
    %get3A_0 = arith.constant 0 : index
    %get3A_1 = vector.load %arg4[%get3A, %get3A_0] : memref<1264x128xf32, #tpu.memory_space<vmem>>, vector<1264x128xf32>
    %get3A_2 = arith.constant 0 : index
    %get3A_3 = arith.constant 0 : index
    %get3A_4 = arith.constant 0 : index
    %get3A_5 = vector.load %arg1[%get3A_2, %get3A_3, %get3A_4] : memref<2x1264x128xf32, #tpu.memory_space<vmem>>, vector<1x1264x128xf32>
    %get3A_6 = vector.shape_cast %get3A_5 : vector<1x1264x128xf32> to vector<1264x128xf32>
    %get3A_7 = arith.constant 0 : index
    %get3A_8 = arith.constant 0 : index
    %get3A_9 = arith.constant 0 : index
    %get3A_10 = vector.load %arg2[%get3A_7, %get3A_8, %get3A_9] : memref<2x8x128xf32, #tpu.memory_space<vmem>>, vector<1x1x128xf32>
    %get3A_11 = vector.shape_cast %get3A_10 : vector<1x1x128xf32> to vector<1x128xf32>
    %get3A_12 = arith.constant 0 : index
    %get3A_13 = arith.constant 0 : index
    %get3A_14 = arith.constant 0 : index
    %get3A_15 = vector.load %arg3[%get3A_12, %get3A_13, %get3A_14] : memref<2x8x128xf32, #tpu.memory_space<vmem>>, vector<1x1x128xf32>
    %get3A_16 = vector.shape_cast %get3A_15 : vector<1x1x128xf32> to vector<1x128xf32>
    %mul3A = arith.constant 9.99999974E-5 : f32
    %mul3A_17 = vector.broadcast %mul3A : f32 to vector<1x128xf32>
    %mul3A_18 = arith.mulf %get3A_11, %mul3A_17 : vector<1x128xf32>
    %mul3A_19 = arith.constant 9.99999974E-5 : f32
    %mul3A_20 = vector.broadcast %mul3A_19 : f32 to vector<1x128xf32>
    %mul3A_21 = arith.mulf %get3A_16, %mul3A_20 : vector<1x128xf32>
    %mul3A_22 = arith.mulf %mul3A_18, %mul3A_18 : vector<1x128xf32>
    %sub3A = arith.subf %mul3A_21, %mul3A_22 : vector<1x128xf32>
    %slice3A = vector.extract_strided_slice %sub3A {offsets = [0, 0], sizes = [1, 64], strides = [1, 1]} : vector<1x128xf32> to vector<1x64xf32>
    %reduce_sum3A = vector.shape_cast %slice3A : vector<1x64xf32> to vector<1x1x64xf32>
    %reduce_sum3A_23 = arith.constant dense<0.000000e+00> : vector<1xf32>
    %reduce_sum3A_24 = vector.multi_reduction <add>, %reduce_sum3A, %reduce_sum3A_23 [1, 2] : vector<1x1x64xf32> to vector<1xf32>
    %reduce_sum3A_25 = vector.shape_cast %reduce_sum3A_24 : vector<1xf32> to vector<1x1x1xf32>
    %reduce_sum3A_26 = vector.extract %reduce_sum3A_25[0, 0, 0] : f32 from vector<1x1x1xf32>
    %add3A = arith.constant 9.99999997E-7 : f32
    %add3A_27 = arith.addf %add3A, %reduce_sum3A_26 : f32
    %sqrt3A = math.sqrt %add3A_27 : f32
    %slice3A_28 = vector.extract_strided_slice %sub3A {offsets = [0, 64], sizes = [1, 64], strides = [1, 1]} : vector<1x128xf32> to vector<1x64xf32>
    %reduce_sum3A_29 = vector.shape_cast %slice3A_28 : vector<1x64xf32> to vector<1x1x64xf32>
    %reduce_sum3A_30 = arith.constant dense<0.000000e+00> : vector<1xf32>
    %reduce_sum3A_31 = vector.multi_reduction <add>, %reduce_sum3A_29, %reduce_sum3A_30 [1, 2] : vector<1x1x64xf32> to vector<1xf32>
    %reduce_sum3A_32 = vector.shape_cast %reduce_sum3A_31 : vector<1xf32> to vector<1x1x1xf32>
    %reduce_sum3A_33 = vector.extract %reduce_sum3A_32[0, 0, 0] : f32 from vector<1x1x1xf32>
    %add3A_34 = arith.constant 9.99999997E-7 : f32
    %add3A_35 = arith.addf %add3A_34, %reduce_sum3A_33 : f32
    %sqrt3A_36 = math.sqrt %add3A_35 : f32
    %sub3A_37 = vector.broadcast %mul3A_18 : vector<1x128xf32> to vector<1264x128xf32>
    %sub3A_38 = arith.subf %get3A_6, %sub3A_37 : vector<1264x128xf32>
    %slice3A_39 = vector.extract_strided_slice %sub3A_38 {offsets = [0, 0], sizes = [1264, 64], strides = [1, 1]} : vector<1264x128xf32> to vector<1264x64xf32>
    %div3A = vector.broadcast %sqrt3A : f32 to vector<1264x64xf32>
    %div3A_40 = arith.divf %slice3A_39, %div3A : vector<1264x64xf32>
    %tanh3A = math.tanh %div3A_40 : vector<1264x64xf32>
    %slice3A_41 = vector.extract_strided_slice %sub3A_38 {offsets = [0, 64], sizes = [1264, 64], strides = [1, 1]} : vector<1264x128xf32> to vector<1264x64xf32>
    %div3A_42 = vector.broadcast %sqrt3A_36 : f32 to vector<1264x64xf32>
    %div3A_43 = arith.divf %slice3A_41, %div3A_42 : vector<1264x64xf32>
    %tanh3A_44 = math.tanh %div3A_43 : vector<1264x64xf32>
    %get3A_45 = arith.constant 0 : index
    %get3A_46 = arith.constant 0 : index
    %get3A_47 = arith.constant 0 : index
    %get3A_48 = vector.load %arg5[%get3A_45, %get3A_46, %get3A_47] : memref<2x1264x128xf32, #tpu.memory_space<vmem>>, vector<1x1264x64xf32>
    %get3A_49 = vector.shape_cast %get3A_48 : vector<1x1264x64xf32> to vector<1264x64xf32>
    %get3A_50 = arith.constant 0 : index
    %get3A_51 = arith.constant 0 : index
    %get3A_52 = arith.constant 64 : index
    %get3A_53 = vector.load %arg5[%get3A_50, %get3A_51, %get3A_52] : memref<2x1264x128xf32, #tpu.memory_space<vmem>>, vector<1x1264x64xf32>
    %get3A_54 = vector.shape_cast %get3A_53 : vector<1x1264x64xf32> to vector<1264x64xf32>
    %get3A_55 = arith.constant 0 : index
    %get3A_56 = arith.constant 0 : index
    %get3A_57 = vector.load %arg6[%get3A_55, %get3A_56] : memref<128x128xf32, #tpu.memory_space<vmem>>, vector<128x128xf32>
    %dot_general3A = arith.constant dense<0.000000e+00> : vector<1264x128xf32>
    %dot_general3A_58 = tpu.matmul %get3A_1, %get3A_57, %dot_general3A {dimension_numbers = #tpu.dot_dimension_numbers<[1], [0], [0], [1], [0, 0, 1, 1], [], []>, transpose_lhs_hint = false} : vector<1264x128xf32>, vector<128x128xf32>, vector<1264x128xf32> -> vector<1264x128xf32>
    %get3A_59 = arith.constant 0 : index
    %get3A_60 = arith.constant 0 : index
    %get3A_61 = vector.load %arg7[%get3A_59, %get3A_60] : memref<64x128xf32, #tpu.memory_space<vmem>>, vector<64x128xf32>
    %dot_general3A_62 = arith.constant dense<0.000000e+00> : vector<1264x128xf32>
    %dot_general3A_63 = tpu.matmul %get3A_49, %get3A_61, %dot_general3A_62 {dimension_numbers = #tpu.dot_dimension_numbers<[1], [0], [0], [1], [0, 0, 1, 1], [], []>, transpose_lhs_hint = false} : vector<1264x64xf32>, vector<64x128xf32>, vector<1264x128xf32> -> vector<1264x128xf32>
    %add3A_64 = arith.addf %dot_general3A_58, %dot_general3A_63 : vector<1264x128xf32>
    %get3A_65 = arith.constant 0 : index
    %get3A_66 = arith.constant 0 : index
    %get3A_67 = vector.load %arg8[%get3A_65, %get3A_66] : memref<64x128xf32, #tpu.memory_space<vmem>>, vector<64x128xf32>
    %dot_general3A_68 = arith.constant dense<0.000000e+00> : vector<1264x128xf32>
    %dot_general3A_69 = tpu.matmul %get3A_54, %get3A_67, %dot_general3A_68 {dimension_numbers = #tpu.dot_dimension_numbers<[1], [0], [0], [1], [0, 0, 1, 1], [], []>, transpose_lhs_hint = false} : vector<1264x64xf32>, vector<64x128xf32>, vector<1264x128xf32> -> vector<1264x128xf32>
    %add3A_70 = arith.addf %add3A_64, %dot_general3A_69 : vector<1264x128xf32>
    %get3A_71 = arith.constant 0 : index
    %get3A_72 = arith.constant 0 : index
    %get3A_73 = vector.load %arg9[%get3A_71, %get3A_72] : memref<64x128xf32, #tpu.memory_space<vmem>>, vector<64x128xf32>
    %dot_general3A_74 = arith.constant dense<0.000000e+00> : vector<1264x128xf32>
    %dot_general3A_75 = tpu.matmul %tanh3A, %get3A_73, %dot_general3A_74 {dimension_numbers = #tpu.dot_dimension_numbers<[1], [0], [0], [1], [0, 0, 1, 1], [], []>, transpose_lhs_hint = false} : vector<1264x64xf32>, vector<64x128xf32>, vector<1264x128xf32> -> vector<1264x128xf32>
    %add3A_76 = arith.addf %add3A_70, %dot_general3A_75 : vector<1264x128xf32>
    %get3A_77 = arith.constant 0 : index
    %get3A_78 = arith.constant 0 : index
    %get3A_79 = vector.load %arg10[%get3A_77, %get3A_78] : memref<64x128xf32, #tpu.memory_space<vmem>>, vector<64x128xf32>
    %dot_general3A_80 = arith.constant dense<0.000000e+00> : vector<1264x128xf32>
    %dot_general3A_81 = tpu.matmul %tanh3A_44, %get3A_79, %dot_general3A_80 {dimension_numbers = #tpu.dot_dimension_numbers<[1], [0], [0], [1], [0, 0, 1, 1], [], []>, transpose_lhs_hint = false} : vector<1264x64xf32>, vector<64x128xf32>, vector<1264x128xf32> -> vector<1264x128xf32>
    %add3A_82 = arith.addf %add3A_76, %dot_general3A_81 : vector<1264x128xf32>
    %swap3A = arith.constant 0 : index
    %swap3A_83 = arith.constant 0 : index
    %swap3A_84 = arith.constant 0 : index
    %swap3A_85 = vector.load %arg16[%swap3A, %swap3A_83, %swap3A_84] : memref<2x1264x128xf32, #tpu.memory_space<vmem>>, vector<1x1264x128xf32>
    %swap3A_86 = vector.shape_cast %swap3A_85 : vector<1x1264x128xf32> to vector<1264x128xf32>
    %swap3A_87 = vector.shape_cast %add3A_82 : vector<1264x128xf32> to vector<1x1264x128xf32>
    tpu.vector_store %arg16[%swap3A, %swap3A_83, %swap3A_84], %swap3A_87 {strides = array<i32>} : memref<2x1264x128xf32, #tpu.memory_space<vmem>>, vector<1x1264x128xf32>,
    %get3A_88 = arith.constant 1 : index
    %get3A_89 = arith.constant 0 : index
    %get3A_90 = arith.constant 0 : index
    %get3A_91 = vector.load %arg1[%get3A_88, %get3A_89, %get3A_90] : memref<2x1264x128xf32, #tpu.memory_space<vmem>>, vector<1x1264x128xf32>
    %get3A_92 = vector.shape_cast %get3A_91 : vector<1x1264x128xf32> to vector<1264x128xf32>
    %get3A_93 = arith.constant 1 : index
    %get3A_94 = arith.constant 0 : index
    %get3A_95 = arith.constant 0 : index
    %get3A_96 = vector.load %arg2[%get3A_93, %get3A_94, %get3A_95] : memref<2x8x128xf32, #tpu.memory_space<vmem>>, vector<1x1x128xf32>
    %get3A_97 = vector.shape_cast %get3A_96 : vector<1x1x128xf32> to vector<1x128xf32>
    %get3A_98 = arith.constant 1 : index
    %get3A_99 = arith.constant 0 : index
    %get3A_100 = arith.constant 0 : index
    %get3A_101 = vector.load %arg3[%get3A_98, %get3A_99, %get3A_100] : memref<2x8x128xf32, #tpu.memory_space<vmem>>, vector<1x1x128xf32>
    %get3A_102 = vector.shape_cast %get3A_101 : vector<1x1x128xf32> to vector<1x128xf32>
    %mul3A_103 = arith.constant 9.99999974E-5 : f32
    %mul3A_104 = vector.broadcast %mul3A_103 : f32 to vector<1x128xf32>
    %mul3A_105 = arith.mulf %get3A_97, %mul3A_104 : vector<1x128xf32>
    %mul3A_106 = arith.constant 9.99999974E-5 : f32
    %mul3A_107 = vector.broadcast %mul3A_106 : f32 to vector<1x128xf32>
    %mul3A_108 = arith.mulf %get3A_102, %mul3A_107 : vector<1x128xf32>
    %mul3A_109 = arith.mulf %mul3A_105, %mul3A_105 : vector<1x128xf32>
    %sub3A_110 = arith.subf %mul3A_108, %mul3A_109 : vector<1x128xf32>
    %slice3A_111 = vector.extract_strided_slice %sub3A_110 {offsets = [0, 0], sizes = [1, 64], strides = [1, 1]} : vector<1x128xf32> to vector<1x64xf32>
    %reduce_sum3A_112 = vector.shape_cast %slice3A_111 : vector<1x64xf32> to vector<1x1x64xf32>
    %reduce_sum3A_113 = arith.constant dense<0.000000e+00> : vector<1xf32>
    %reduce_sum3A_114 = vector.multi_reduction <add>, %reduce_sum3A_112, %reduce_sum3A_113 [1, 2] : vector<1x1x64xf32> to vector<1xf32>
    %reduce_sum3A_115 = vector.shape_cast %reduce_sum3A_114 : vector<1xf32> to vector<1x1x1xf32>
    %reduce_sum3A_116 = vector.extract %reduce_sum3A_115[0, 0, 0] : f32 from vector<1x1x1xf32>
    %add3A_117 = arith.constant 9.99999997E-7 : f32
    %add3A_118 = arith.addf %add3A_117, %reduce_sum3A_116 : f32
    %sqrt3A_119 = math.sqrt %add3A_118 : f32
    %slice3A_120 = vector.extract_strided_slice %sub3A_110 {offsets = [0, 64], sizes = [1, 64], strides = [1, 1]} : vector<1x128xf32> to vector<1x64xf32>
    %reduce_sum3A_121 = vector.shape_cast %slice3A_120 : vector<1x64xf32> to vector<1x1x64xf32>
    %reduce_sum3A_122 = arith.constant dense<0.000000e+00> : vector<1xf32>
    %reduce_sum3A_123 = vector.multi_reduction <add>, %reduce_sum3A_121, %reduce_sum3A_122 [1, 2] : vector<1x1x64xf32> to vector<1xf32>
    %reduce_sum3A_124 = vector.shape_cast %reduce_sum3A_123 : vector<1xf32> to vector<1x1x1xf32>
    %reduce_sum3A_125 = vector.extract %reduce_sum3A_124[0, 0, 0] : f32 from vector<1x1x1xf32>
    %add3A_126 = arith.constant 9.99999997E-7 : f32
    %add3A_127 = arith.addf %add3A_126, %reduce_sum3A_125 : f32
    %sqrt3A_128 = math.sqrt %add3A_127 : f32
    %sub3A_129 = vector.broadcast %mul3A_105 : vector<1x128xf32> to vector<1264x128xf32>
    %sub3A_130 = arith.subf %get3A_92, %sub3A_129 : vector<1264x128xf32>
    %slice3A_131 = vector.extract_strided_slice %sub3A_130 {offsets = [0, 0], sizes = [1264, 64], strides = [1, 1]} : vector<1264x128xf32> to vector<1264x64xf32>
    %div3A_132 = vector.broadcast %sqrt3A_119 : f32 to vector<1264x64xf32>
    %div3A_133 = arith.divf %slice3A_131, %div3A_132 : vector<1264x64xf32>
    %tanh3A_134 = math.tanh %div3A_133 : vector<1264x64xf32>
    %slice3A_135 = vector.extract_strided_slice %sub3A_130 {offsets = [0, 64], sizes = [1264, 64], strides = [1, 1]} : vector<1264x128xf32> to vector<1264x64xf32>
    %div3A_136 = vector.broadcast %sqrt3A_128 : f32 to vector<1264x64xf32>
    %div3A_137 = arith.divf %slice3A_135, %div3A_136 : vector<1264x64xf32>
    %tanh3A_138 = math.tanh %div3A_137 : vector<1264x64xf32>
    %get3A_139 = arith.constant 1 : index
    %get3A_140 = arith.constant 0 : index
    %get3A_141 = arith.constant 0 : index
    %get3A_142 = vector.load %arg5[%get3A_139, %get3A_140, %get3A_141] : memref<2x1264x128xf32, #tpu.memory_space<vmem>>, vector<1x1264x64xf32>
    %get3A_143 = vector.shape_cast %get3A_142 : vector<1x1264x64xf32> to vector<1264x64xf32>
    %get3A_144 = arith.constant 1 : index
    %get3A_145 = arith.constant 0 : index
    %get3A_146 = arith.constant 64 : index
    %get3A_147 = vector.load %arg5[%get3A_144, %get3A_145, %get3A_146] : memref<2x1264x128xf32, #tpu.memory_space<vmem>>, vector<1x1264x64xf32>
    %get3A_148 = vector.shape_cast %get3A_147 : vector<1x1264x64xf32> to vector<1264x64xf32>
    %get3A_149 = arith.constant 0 : index
    %get3A_150 = arith.constant 0 : index
    %get3A_151 = vector.load %arg11[%get3A_149, %get3A_150] : memref<128x128xf32, #tpu.memory_space<vmem>>, vector<128x128xf32>
    %dot_general3A_152 = arith.constant dense<0.000000e+00> : vector<1264x128xf32>
    %dot_general3A_153 = tpu.matmul %get3A_1, %get3A_151, %dot_general3A_152 {dimension_numbers = #tpu.dot_dimension_numbers<[1], [0], [0], [1], [0, 0, 1, 1], [], []>, transpose_lhs_hint = false} : vector<1264x128xf32>, vector<128x128xf32>, vector<1264x128xf32> -> vector<1264x128xf32>
    %get3A_154 = arith.constant 0 : index
    %get3A_155 = arith.constant 0 : index
    %get3A_156 = vector.load %arg12[%get3A_154, %get3A_155] : memref<64x128xf32, #tpu.memory_space<vmem>>, vector<64x128xf32>
    %dot_general3A_157 = arith.constant dense<0.000000e+00> : vector<1264x128xf32>
    %dot_general3A_158 = tpu.matmul %get3A_143, %get3A_156, %dot_general3A_157 {dimension_numbers = #tpu.dot_dimension_numbers<[1], [0], [0], [1], [0, 0, 1, 1], [], []>, transpose_lhs_hint = false} : vector<1264x64xf32>, vector<64x128xf32>, vector<1264x128xf32> -> vector<1264x128xf32>
    %add3A_159 = arith.addf %dot_general3A_153, %dot_general3A_158 : vector<1264x128xf32>
    %get3A_160 = arith.constant 0 : index
    %get3A_161 = arith.constant 0 : index
    %get3A_162 = vector.load %arg13[%get3A_160, %get3A_161] : memref<64x128xf32, #tpu.memory_space<vmem>>, vector<64x128xf32>
    %dot_general3A_163 = arith.constant dense<0.000000e+00> : vector<1264x128xf32>
    %dot_general3A_164 = tpu.matmul %get3A_148, %get3A_162, %dot_general3A_163 {dimension_numbers = #tpu.dot_dimension_numbers<[1], [0], [0], [1], [0, 0, 1, 1], [], []>, transpose_lhs_hint = false} : vector<1264x64xf32>, vector<64x128xf32>, vector<1264x128xf32> -> vector<1264x128xf32>
    %add3A_165 = arith.addf %add3A_159, %dot_general3A_164 : vector<1264x128xf32>
    %get3A_166 = arith.constant 0 : index
    %get3A_167 = arith.constant 0 : index
    %get3A_168 = vector.load %arg14[%get3A_166, %get3A_167] : memref<64x128xf32, #tpu.memory_space<vmem>>, vector<64x128xf32>
    %dot_general3A_169 = arith.constant dense<0.000000e+00> : vector<1264x128xf32>
    %dot_general3A_170 = tpu.matmul %tanh3A_134, %get3A_168, %dot_general3A_169 {dimension_numbers = #tpu.dot_dimension_numbers<[1], [0], [0], [1], [0, 0, 1, 1], [], []>, transpose_lhs_hint = false} : vector<1264x64xf32>, vector<64x128xf32>, vector<1264x128xf32> -> vector<1264x128xf32>
    %add3A_171 = arith.addf %add3A_165, %dot_general3A_170 : vector<1264x128xf32>
    %get3A_172 = arith.constant 0 : index
    %get3A_173 = arith.constant 0 : index
    %get3A_174 = vector.load %arg15[%get3A_172, %get3A_173] : memref<64x128xf32, #tpu.memory_space<vmem>>, vector<64x128xf32>
    %dot_general3A_175 = arith.constant dense<0.000000e+00> : vector<1264x128xf32>
    %dot_general3A_176 = tpu.matmul %tanh3A_138, %get3A_174, %dot_general3A_175 {dimension_numbers = #tpu.dot_dimension_numbers<[1], [0], [0], [1], [0, 0, 1, 1], [], []>, transpose_lhs_hint = false} : vector<1264x64xf32>, vector<64x128xf32>, vector<1264x128xf32> -> vector<1264x128xf32>
    %add3A_177 = arith.addf %add3A_171, %dot_general3A_176 : vector<1264x128xf32>
    %swap3A_178 = arith.constant 1 : index
    %swap3A_179 = arith.constant 0 : index
    %swap3A_180 = arith.constant 0 : index
    %swap3A_181 = vector.load %arg16[%swap3A_178, %swap3A_179, %swap3A_180] : memref<2x1264x128xf32, #tpu.memory_space<vmem>>, vector<1x1264x128xf32>
    %swap3A_182 = vector.shape_cast %swap3A_181 : vector<1x1264x128xf32> to vector<1264x128xf32>
    %swap3A_183 = vector.shape_cast %add3A_177 : vector<1264x128xf32> to vector<1x1264x128xf32>
    tpu.vector_store %arg16[%swap3A_178, %swap3A_179, %swap3A_180], %swap3A_183 {strides = array<i32>} : memref<2x1264x128xf32, #tpu.memory_space<vmem>>, vector<1x1264x128xf32>,
    return
  }
  func.func @transform_0(%arg0: i32) -> (i32, i32, i32) {
    %c0_i32 = arith.constant 0 : i32
    %c0_i32_0 = arith.constant 0 : i32
    %c0_i32_1 = arith.constant 0 : i32
    return %c0_i32, %arg0, %c0_i32_0 : i32, i32, i32
  }
  func.func @transform_1(%arg0: i32) -> (i32, i32, i32) {
    %c0_i32 = arith.constant 0 : i32
    %c0_i32_0 = arith.constant 0 : i32
    %c0_i32_1 = arith.constant 0 : i32
    %c0_i32_2 = arith.constant 0 : i32
    return %c0_i32, %c0_i32_0, %c0_i32_1 : i32, i32, i32
  }
  func.func @transform_2(%arg0: i32) -> (i32, i32, i32) {
    %c0_i32 = arith.constant 0 : i32
    %c0_i32_0 = arith.constant 0 : i32
    %c0_i32_1 = arith.constant 0 : i32
    %c0_i32_2 = arith.constant 0 : i32
    return %c0_i32, %c0_i32_0, %c0_i32_1 : i32, i32, i32
  }
  func.func @transform_3(%arg0: i32) -> (i32, i32) {
    %c0_i32 = arith.constant 0 : i32
    %c0_i32_0 = arith.constant 0 : i32
    return %arg0, %c0_i32 : i32, i32
  }
  func.func @transform_4(%arg0: i32) -> (i32, i32, i32) {
    %c0_i32 = arith.constant 0 : i32
    %c0_i32_0 = arith.constant 0 : i32
    %c0_i32_1 = arith.constant 0 : i32
    return %c0_i32, %arg0, %c0_i32_0 : i32, i32, i32
  }
  func.func @transform_5(%arg0: i32) -> (i32, i32) {
    %c0_i32 = arith.constant 0 : i32
    %c0_i32_0 = arith.constant 0 : i32
    %c0_i32_1 = arith.constant 0 : i32
    return %c0_i32, %c0_i32_0 : i32, i32
  }
  func.func @transform_6(%arg0: i32) -> (i32, i32) {
    %c0_i32 = arith.constant 0 : i32
    %c0_i32_0 = arith.constant 0 : i32
    %c0_i32_1 = arith.constant 0 : i32
    return %c0_i32, %c0_i32_0 : i32, i32
  }
  func.func @transform_7(%arg0: i32) -> (i32, i32) {
    %c0_i32 = arith.constant 0 : i32
    %c0_i32_0 = arith.constant 0 : i32
    %c0_i32_1 = arith.constant 0 : i32
    return %c0_i32, %c0_i32_0 : i32, i32
  }
  func.func @transform_8(%arg0: i32) -> (i32, i32) {
    %c0_i32 = arith.constant 0 : i32
    %c0_i32_0 = arith.constant 0 : i32
    %c0_i32_1 = arith.constant 0 : i32
    return %c0_i32, %c0_i32_0 : i32, i32
  }
  func.func @transform_9(%arg0: i32) -> (i32, i32) {
    %c0_i32 = arith.constant 0 : i32
    %c0_i32_0 = arith.constant 0 : i32
    %c0_i32_1 = arith.constant 0 : i32
    return %c0_i32, %c0_i32_0 : i32, i32
  }
  func.func @transform_10(%arg0: i32) -> (i32, i32) {
    %c0_i32 = arith.constant 0 : i32
    %c0_i32_0 = arith.constant 0 : i32
    %c0_i32_1 = arith.constant 0 : i32
    return %c0_i32, %c0_i32_0 : i32, i32
  }
  func.func @transform_11(%arg0: i32) -> (i32, i32) {
    %c0_i32 = arith.constant 0 : i32
    %c0_i32_0 = arith.constant 0 : i32
    %c0_i32_1 = arith.constant 0 : i32
    return %c0_i32, %c0_i32_0 : i32, i32
  }
  func.func @transform_12(%arg0: i32) -> (i32, i32) {
    %c0_i32 = arith.constant 0 : i32
    %c0_i32_0 = arith.constant 0 : i32
    %c0_i32_1 = arith.constant 0 : i32
    return %c0_i32, %c0_i32_0 : i32, i32
  }
  func.func @transform_13(%arg0: i32) -> (i32, i32) {
    %c0_i32 = arith.constant 0 : i32
    %c0_i32_0 = arith.constant 0 : i32
    %c0_i32_1 = arith.constant 0 : i32
    return %c0_i32, %c0_i32_0 : i32, i32
  }
  func.func @transform_14(%arg0: i32) -> (i32, i32) {
    %c0_i32 = arith.constant 0 : i32
    %c0_i32_0 = arith.constant 0 : i32
    %c0_i32_1 = arith.constant 0 : i32
    return %c0_i32, %c0_i32_0 : i32, i32
  }
  func.func @transform_15(%arg0: i32) -> (i32, i32, i32) {
    %c0_i32 = arith.constant 0 : i32
    %c0_i32_0 = arith.constant 0 : i32
    %c0_i32_1 = arith.constant 0 : i32
    return %c0_i32, %arg0, %c0_i32_0 : i32, i32, i32
  }
}

module attributes {stable_mosaic.version = 14 : i64} {
  func.func @_tc3_body(%arg0: i32, %arg1: memref<2x1264x128xf32, #tpu.memory_space<vmem>>, %arg2: memref<64xf32, #tpu.memory_space<vmem>>, %arg3: memref<64xf32, #tpu.memory_space<vmem>>, %arg4: memref<64xf32, #tpu.memory_space<vmem>>, %arg5: memref<64x2xf32, #tpu.memory_space<vmem>>, %arg6: memref<2xf32, #tpu.memory_space<vmem>>, %arg7: memref<2x1xf32, #tpu.memory_space<vmem>>, %arg8: memref<64x16xf32, #tpu.memory_space<vmem>>, %arg9: memref<16xf32, #tpu.memory_space<vmem>>, %arg10: memref<1264x16xf32, #tpu.memory_space<vmem>>, %arg11: memref<1264x3xf32, #tpu.memory_space<vmem>>, %arg12: memref<1264x64xf32, #tpu.memory_space<vmem>>, %arg13: memref<1264x64xf32, #tpu.memory_space<vmem>>, %arg14: memref<1264x64xf32, #tpu.memory_space<vmem>>, %arg15: memref<1264x64xf32, #tpu.memory_space<vmem>>) attributes {dimension_semantics = [#tpu.dimension_semantics<arbitrary>], iteration_bounds = array<i64: 8>, scalar_prefetch = 0 : i64, scratch_operands = 0 : i64, tpu.core_type = #tpu.core_type<tc>, window_params = [{transform_indices = @transform_0, window_bounds = array<i64: 2, 1264, 128>}, {pipeline_mode = #tpu.pipeline_mode<synchronous>, transform_indices = @transform_1, window_bounds = array<i64: 64>}, {pipeline_mode = #tpu.pipeline_mode<synchronous>, transform_indices = @transform_2, window_bounds = array<i64: 64>}, {pipeline_mode = #tpu.pipeline_mode<synchronous>, transform_indices = @transform_3, window_bounds = array<i64: 64>}, {pipeline_mode = #tpu.pipeline_mode<synchronous>, transform_indices = @transform_4, window_bounds = array<i64: 64, 2>}, {pipeline_mode = #tpu.pipeline_mode<synchronous>, transform_indices = @transform_5, window_bounds = array<i64: 2>}, {pipeline_mode = #tpu.pipeline_mode<synchronous>, transform_indices = @transform_6, window_bounds = array<i64: 2, 1>}, {pipeline_mode = #tpu.pipeline_mode<synchronous>, transform_indices = @transform_7, window_bounds = array<i64: 64, 16>}, {pipeline_mode = #tpu.pipeline_mode<synchronous>, transform_indices = @transform_8, window_bounds = array<i64: 16>}, {transform_indices = @transform_9, window_bounds = array<i64: 1264, 16>}, {transform_indices = @transform_10, window_bounds = array<i64: 1264, 3>}, {transform_indices = @transform_11, window_bounds = array<i64: 1264, 64>}, {transform_indices = @transform_12, window_bounds = array<i64: 1264, 64>}, {transform_indices = @transform_13, window_bounds = array<i64: 1264, 64>}, {transform_indices = @transform_14, window_bounds = array<i64: 1264, 64>}]} {
    %get3A = arith.constant 0 : index
    %get3A_0 = arith.constant 0 : index
    %get3A_1 = arith.constant 0 : index
    %get3A_2 = vector.load %arg1[%get3A, %get3A_0, %get3A_1] : memref<2x1264x128xf32, #tpu.memory_space<vmem>>, vector<1x1264x64xf32>
    %get3A_3 = vector.shape_cast %get3A_2 : vector<1x1264x64xf32> to vector<1264x64xf32>
    %get3A_4 = arith.constant 0 : index
    %get3A_5 = vector.load %arg2[%get3A_4] : memref<64xf32, #tpu.memory_space<vmem>>, vector<64xf32>
    %broadcast_in_dim3A = vector.shape_cast %get3A_5 : vector<64xf32> to vector<1x64xf32>
    %add3A = vector.broadcast %broadcast_in_dim3A : vector<1x64xf32> to vector<1264x64xf32>
    %add3A_6 = arith.addf %get3A_3, %add3A : vector<1264x64xf32>
    %mul3A = arith.mulf %add3A_6, %add3A_6 : vector<1264x64xf32>
    %reduce_sum3A = arith.constant dense<0.000000e+00> : vector<1264xf32>
    %reduce_sum3A_7 = vector.multi_reduction <add>, %mul3A, %reduce_sum3A [1] : vector<1264x64xf32> to vector<1264xf32>
    %broadcast_in_dim3A_8 = vector.shape_cast %reduce_sum3A_7 : vector<1264xf32> to vector<1264x1xf32>
    %sqrt3A = math.sqrt %broadcast_in_dim3A_8 : vector<1264x1xf32>
    %max3A = arith.constant 9.99999996E-13 : f32
    %max3A_9 = vector.broadcast %max3A : f32 to vector<1264x1xf32>
    %max3A_10 = arith.maximumf %sqrt3A, %max3A_9 : vector<1264x1xf32>
    %div3A = vector.broadcast %max3A_10 : vector<1264x1xf32> to vector<1264x64xf32>
    %div3A_11 = arith.divf %add3A_6, %div3A : vector<1264x64xf32>
    %get3A_12 = arith.constant 0 : index
    %get3A_13 = arith.constant 0 : index
    %get3A_14 = arith.constant 64 : index
    %get3A_15 = vector.load %arg1[%get3A_12, %get3A_13, %get3A_14] : memref<2x1264x128xf32, #tpu.memory_space<vmem>>, vector<1x1264x64xf32>
    %get3A_16 = vector.shape_cast %get3A_15 : vector<1x1264x64xf32> to vector<1264x64xf32>
    %get3A_17 = arith.constant 0 : index
    %get3A_18 = vector.load %arg3[%get3A_17] : memref<64xf32, #tpu.memory_space<vmem>>, vector<64xf32>
    %broadcast_in_dim3A_19 = vector.shape_cast %get3A_18 : vector<64xf32> to vector<1x64xf32>
    %add3A_20 = vector.broadcast %broadcast_in_dim3A_19 : vector<1x64xf32> to vector<1264x64xf32>
    %add3A_21 = arith.addf %get3A_16, %add3A_20 : vector<1264x64xf32>
    %mul3A_22 = arith.mulf %add3A_21, %add3A_21 : vector<1264x64xf32>
    %reduce_sum3A_23 = arith.constant dense<0.000000e+00> : vector<1264xf32>
    %reduce_sum3A_24 = vector.multi_reduction <add>, %mul3A_22, %reduce_sum3A_23 [1] : vector<1264x64xf32> to vector<1264xf32>
    %broadcast_in_dim3A_25 = vector.shape_cast %reduce_sum3A_24 : vector<1264xf32> to vector<1264x1xf32>
    %sqrt3A_26 = math.sqrt %broadcast_in_dim3A_25 : vector<1264x1xf32>
    %max3A_27 = arith.constant 9.99999996E-13 : f32
    %max3A_28 = vector.broadcast %max3A_27 : f32 to vector<1264x1xf32>
    %max3A_29 = arith.maximumf %sqrt3A_26, %max3A_28 : vector<1264x1xf32>
    %div3A_30 = vector.broadcast %max3A_29 : vector<1264x1xf32> to vector<1264x64xf32>
    %div3A_31 = arith.divf %add3A_21, %div3A_30 : vector<1264x64xf32>
    %get3A_32 = arith.constant 1 : index
    %get3A_33 = arith.constant 0 : index
    %get3A_34 = arith.constant 0 : index
    %get3A_35 = vector.load %arg1[%get3A_32, %get3A_33, %get3A_34] : memref<2x1264x128xf32, #tpu.memory_space<vmem>>, vector<1x1264x64xf32>
    %get3A_36 = vector.shape_cast %get3A_35 : vector<1x1264x64xf32> to vector<1264x64xf32>
    %get3A_37 = arith.constant 0 : index
    %get3A_38 = vector.load %arg4[%get3A_37] : memref<64xf32, #tpu.memory_space<vmem>>, vector<64xf32>
    %broadcast_in_dim3A_39 = vector.shape_cast %get3A_38 : vector<64xf32> to vector<1x64xf32>
    %add3A_40 = vector.broadcast %broadcast_in_dim3A_39 : vector<1x64xf32> to vector<1264x64xf32>
    %add3A_41 = arith.addf %get3A_36, %add3A_40 : vector<1264x64xf32>
    %mul3A_42 = arith.mulf %add3A_41, %add3A_41 : vector<1264x64xf32>
    %reduce_sum3A_43 = arith.constant dense<0.000000e+00> : vector<1264xf32>
    %reduce_sum3A_44 = vector.multi_reduction <add>, %mul3A_42, %reduce_sum3A_43 [1] : vector<1264x64xf32> to vector<1264xf32>
    %broadcast_in_dim3A_45 = vector.shape_cast %reduce_sum3A_44 : vector<1264xf32> to vector<1264x1xf32>
    %sqrt3A_46 = math.sqrt %broadcast_in_dim3A_45 : vector<1264x1xf32>
    %max3A_47 = arith.constant 9.99999996E-13 : f32
    %max3A_48 = vector.broadcast %max3A_47 : f32 to vector<1264x1xf32>
    %max3A_49 = arith.maximumf %sqrt3A_46, %max3A_48 : vector<1264x1xf32>
    %div3A_50 = vector.broadcast %max3A_49 : vector<1264x1xf32> to vector<1264x64xf32>
    %div3A_51 = arith.divf %add3A_41, %div3A_50 : vector<1264x64xf32>
    %get3A_52 = arith.constant 1 : index
    %get3A_53 = arith.constant 0 : index
    %get3A_54 = arith.constant 64 : index
    %get3A_55 = vector.load %arg1[%get3A_52, %get3A_53, %get3A_54] : memref<2x1264x128xf32, #tpu.memory_space<vmem>>, vector<1x1264x64xf32>
    %get3A_56 = vector.shape_cast %get3A_55 : vector<1x1264x64xf32> to vector<1264x64xf32>
    %get3A_57 = arith.constant 0 : index
    %get3A_58 = vector.load %arg3[%get3A_57] : memref<64xf32, #tpu.memory_space<vmem>>, vector<64xf32>
    %broadcast_in_dim3A_59 = vector.shape_cast %get3A_58 : vector<64xf32> to vector<1x64xf32>
    %add3A_60 = vector.broadcast %broadcast_in_dim3A_59 : vector<1x64xf32> to vector<1264x64xf32>
    %add3A_61 = arith.addf %get3A_56, %add3A_60 : vector<1264x64xf32>
    %mul3A_62 = arith.mulf %add3A_61, %add3A_61 : vector<1264x64xf32>
    %reduce_sum3A_63 = arith.constant dense<0.000000e+00> : vector<1264xf32>
    %reduce_sum3A_64 = vector.multi_reduction <add>, %mul3A_62, %reduce_sum3A_63 [1] : vector<1264x64xf32> to vector<1264xf32>
    %broadcast_in_dim3A_65 = vector.shape_cast %reduce_sum3A_64 : vector<1264xf32> to vector<1264x1xf32>
    %sqrt3A_66 = math.sqrt %broadcast_in_dim3A_65 : vector<1264x1xf32>
    %max3A_67 = arith.constant 9.99999996E-13 : f32
    %max3A_68 = vector.broadcast %max3A_67 : f32 to vector<1264x1xf32>
    %max3A_69 = arith.maximumf %sqrt3A_66, %max3A_68 : vector<1264x1xf32>
    %div3A_70 = vector.broadcast %max3A_69 : vector<1264x1xf32> to vector<1264x64xf32>
    %div3A_71 = arith.divf %add3A_61, %div3A_70 : vector<1264x64xf32>
    %add3A_72 = arith.addf %div3A_31, %div3A_71 : vector<1264x64xf32>
    %mul3A_73 = arith.constant 5.000000e-01 : f32
    %mul3A_74 = vector.broadcast %mul3A_73 : f32 to vector<1264x64xf32>
    %mul3A_75 = arith.mulf %add3A_72, %mul3A_74 : vector<1264x64xf32>
    %get3A_76 = arith.constant 0 : index
    %get3A_77 = arith.constant 0 : index
    %get3A_78 = vector.load %arg5[%get3A_76, %get3A_77] : memref<64x2xf32, #tpu.memory_space<vmem>>, vector<64x2xf32>
    %get3A_79 = arith.constant 0 : index
    %get3A_80 = vector.load %arg6[%get3A_79] : memref<2xf32, #tpu.memory_space<vmem>>, vector<2xf32>
    %get3A_81 = arith.constant 0 : index
    %get3A_82 = arith.constant 0 : index
    %get3A_83 = vector.load %arg7[%get3A_81, %get3A_82] : memref<2x1xf32, #tpu.memory_space<vmem>>, vector<2x1xf32>
    %dot_general3A = arith.constant dense<0.000000e+00> : vector<1264x2xf32>
    %dot_general3A_84 = tpu.matmul %div3A_11, %get3A_78, %dot_general3A {dimension_numbers = #tpu.dot_dimension_numbers<[1], [0], [0], [1], [0, 0, 1, 1], [], []>, transpose_lhs_hint = false} : vector<1264x64xf32>, vector<64x2xf32>, vector<1264x2xf32> -> vector<1264x2xf32>
    %broadcast_in_dim3A_85 = vector.shape_cast %get3A_80 : vector<2xf32> to vector<1x2xf32>
    %add3A_86 = vector.broadcast %broadcast_in_dim3A_85 : vector<1x2xf32> to vector<1264x2xf32>
    %add3A_87 = arith.addf %dot_general3A_84, %add3A_86 : vector<1264x2xf32>
    %tanh3A = math.tanh %add3A_87 : vector<1264x2xf32>
    %dot_general3A_88 = arith.constant dense<0.000000e+00> : vector<1264x1xf32>
    %dot_general3A_89 = tpu.matmul %tanh3A, %get3A_83, %dot_general3A_88 {dimension_numbers = #tpu.dot_dimension_numbers<[1], [0], [0], [1], [0, 0, 1, 1], [], []>, transpose_lhs_hint = false} : vector<1264x2xf32>, vector<2x1xf32>, vector<1264x1xf32> -> vector<1264x1xf32>
    %dot_general3A_90 = arith.constant dense<0.000000e+00> : vector<1264x2xf32>
    %dot_general3A_91 = tpu.matmul %div3A_51, %get3A_78, %dot_general3A_90 {dimension_numbers = #tpu.dot_dimension_numbers<[1], [0], [0], [1], [0, 0, 1, 1], [], []>, transpose_lhs_hint = false} : vector<1264x64xf32>, vector<64x2xf32>, vector<1264x2xf32> -> vector<1264x2xf32>
    %broadcast_in_dim3A_92 = vector.shape_cast %get3A_80 : vector<2xf32> to vector<1x2xf32>
    %add3A_93 = vector.broadcast %broadcast_in_dim3A_92 : vector<1x2xf32> to vector<1264x2xf32>
    %add3A_94 = arith.addf %dot_general3A_91, %add3A_93 : vector<1264x2xf32>
    %tanh3A_95 = math.tanh %add3A_94 : vector<1264x2xf32>
    %dot_general3A_96 = arith.constant dense<0.000000e+00> : vector<1264x1xf32>
    %dot_general3A_97 = tpu.matmul %tanh3A_95, %get3A_83, %dot_general3A_96 {dimension_numbers = #tpu.dot_dimension_numbers<[1], [0], [0], [1], [0, 0, 1, 1], [], []>, transpose_lhs_hint = false} : vector<1264x2xf32>, vector<2x1xf32>, vector<1264x1xf32> -> vector<1264x1xf32>
    %dot_general3A_98 = arith.constant dense<0.000000e+00> : vector<1264x2xf32>
    %dot_general3A_99 = tpu.matmul %mul3A_75, %get3A_78, %dot_general3A_98 {dimension_numbers = #tpu.dot_dimension_numbers<[1], [0], [0], [1], [0, 0, 1, 1], [], []>, transpose_lhs_hint = false} : vector<1264x64xf32>, vector<64x2xf32>, vector<1264x2xf32> -> vector<1264x2xf32>
    %broadcast_in_dim3A_100 = vector.shape_cast %get3A_80 : vector<2xf32> to vector<1x2xf32>
    %add3A_101 = vector.broadcast %broadcast_in_dim3A_100 : vector<1x2xf32> to vector<1264x2xf32>
    %add3A_102 = arith.addf %dot_general3A_99, %add3A_101 : vector<1264x2xf32>
    %tanh3A_103 = math.tanh %add3A_102 : vector<1264x2xf32>
    %dot_general3A_104 = arith.constant dense<0.000000e+00> : vector<1264x1xf32>
    %dot_general3A_105 = tpu.matmul %tanh3A_103, %get3A_83, %dot_general3A_104 {dimension_numbers = #tpu.dot_dimension_numbers<[1], [0], [0], [1], [0, 0, 1, 1], [], []>, transpose_lhs_hint = false} : vector<1264x2xf32>, vector<2x1xf32>, vector<1264x1xf32> -> vector<1264x1xf32>
    %concatenate3A = tpu.concatenate %dot_general3A_89, %dot_general3A_97, %dot_general3A_105 in 1 : vector<1264x1xf32>, vector<1264x1xf32>, vector<1264x1xf32> -> vector<1264x3xf32>
    %reduce_max3A = arith.constant dense<0xFF800000> : vector<1264xf32>
    %reduce_max3A_106 = vector.multi_reduction <maximumf>, %concatenate3A, %reduce_max3A [1] : vector<1264x3xf32> to vector<1264xf32>
    %broadcast_in_dim3A_107 = vector.shape_cast %reduce_max3A_106 : vector<1264xf32> to vector<1264x1xf32>
    %sub3A = vector.broadcast %broadcast_in_dim3A_107 : vector<1264x1xf32> to vector<1264x3xf32>
    %sub3A_108 = arith.subf %concatenate3A, %sub3A : vector<1264x3xf32>
    %exp3A = math.exp %sub3A_108 : vector<1264x3xf32>
    %reduce_sum3A_109 = arith.constant dense<0.000000e+00> : vector<1264xf32>
    %reduce_sum3A_110 = vector.multi_reduction <add>, %exp3A, %reduce_sum3A_109 [1] : vector<1264x3xf32> to vector<1264xf32>
    %broadcast_in_dim3A_111 = vector.shape_cast %reduce_sum3A_110 : vector<1264xf32> to vector<1264x1xf32>
    %div3A_112 = vector.broadcast %broadcast_in_dim3A_111 : vector<1264x1xf32> to vector<1264x3xf32>
    %div3A_113 = arith.divf %exp3A, %div3A_112 : vector<1264x3xf32>
    %slice3A = vector.extract_strided_slice %div3A_113 {offsets = [0, 0], sizes = [1264, 1], strides = [1, 1]} : vector<1264x3xf32> to vector<1264x1xf32>
    %mul3A_114 = vector.broadcast %slice3A : vector<1264x1xf32> to vector<1264x64xf32>
    %mul3A_115 = arith.mulf %mul3A_114, %div3A_11 : vector<1264x64xf32>
    %slice3A_116 = vector.extract_strided_slice %div3A_113 {offsets = [0, 1], sizes = [1264, 1], strides = [1, 1]} : vector<1264x3xf32> to vector<1264x1xf32>
    %mul3A_117 = vector.broadcast %slice3A_116 : vector<1264x1xf32> to vector<1264x64xf32>
    %mul3A_118 = arith.mulf %mul3A_117, %div3A_51 : vector<1264x64xf32>
    %add3A_119 = arith.addf %mul3A_115, %mul3A_118 : vector<1264x64xf32>
    %slice3A_120 = vector.extract_strided_slice %div3A_113 {offsets = [0, 2], sizes = [1264, 1], strides = [1, 1]} : vector<1264x3xf32> to vector<1264x1xf32>
    %mul3A_121 = vector.broadcast %slice3A_120 : vector<1264x1xf32> to vector<1264x64xf32>
    %mul3A_122 = arith.mulf %mul3A_121, %mul3A_75 : vector<1264x64xf32>
    %add3A_123 = arith.addf %add3A_119, %mul3A_122 : vector<1264x64xf32>
    %get3A_124 = arith.constant 0 : index
    %get3A_125 = arith.constant 0 : index
    %get3A_126 = vector.load %arg8[%get3A_124, %get3A_125] : memref<64x16xf32, #tpu.memory_space<vmem>>, vector<64x16xf32>
    %dot_general3A_127 = arith.constant dense<0.000000e+00> : vector<1264x16xf32>
    %dot_general3A_128 = tpu.matmul %add3A_123, %get3A_126, %dot_general3A_127 {dimension_numbers = #tpu.dot_dimension_numbers<[1], [0], [0], [1], [0, 0, 1, 1], [], []>, transpose_lhs_hint = false} : vector<1264x64xf32>, vector<64x16xf32>, vector<1264x16xf32> -> vector<1264x16xf32>
    %get3A_129 = arith.constant 0 : index
    %get3A_130 = vector.load %arg9[%get3A_129] : memref<16xf32, #tpu.memory_space<vmem>>, vector<16xf32>
    %broadcast_in_dim3A_131 = vector.shape_cast %get3A_130 : vector<16xf32> to vector<1x16xf32>
    %add3A_132 = vector.broadcast %broadcast_in_dim3A_131 : vector<1x16xf32> to vector<1264x16xf32>
    %add3A_133 = arith.addf %dot_general3A_128, %add3A_132 : vector<1264x16xf32>
    %reduce_max3A_134 = arith.constant dense<0xFF800000> : vector<1264xf32>
    %reduce_max3A_135 = vector.multi_reduction <maximumf>, %add3A_133, %reduce_max3A_134 [1] : vector<1264x16xf32> to vector<1264xf32>
    %broadcast_in_dim3A_136 = vector.shape_cast %reduce_max3A_135 : vector<1264xf32> to vector<1264x1xf32>
    %sub3A_137 = vector.broadcast %broadcast_in_dim3A_136 : vector<1264x1xf32> to vector<1264x16xf32>
    %sub3A_138 = arith.subf %add3A_133, %sub3A_137 : vector<1264x16xf32>
    %exp3A_139 = math.exp %sub3A_138 : vector<1264x16xf32>
    %reduce_sum3A_140 = arith.constant dense<0.000000e+00> : vector<1264xf32>
    %reduce_sum3A_141 = vector.multi_reduction <add>, %exp3A_139, %reduce_sum3A_140 [1] : vector<1264x16xf32> to vector<1264xf32>
    %broadcast_in_dim3A_142 = vector.shape_cast %reduce_sum3A_141 : vector<1264xf32> to vector<1264x1xf32>
    %div3A_143 = vector.broadcast %broadcast_in_dim3A_142 : vector<1264x1xf32> to vector<1264x16xf32>
    %div3A_144 = arith.divf %exp3A_139, %div3A_143 : vector<1264x16xf32>
    %swap3A = arith.constant 0 : index
    %swap3A_145 = arith.constant 0 : index
    %swap3A_146 = vector.load %arg10[%swap3A, %swap3A_145] : memref<1264x16xf32, #tpu.memory_space<vmem>>, vector<1264x16xf32>
    tpu.vector_store %arg10[%swap3A, %swap3A_145], %div3A_144 {strides = array<i32>} : memref<1264x16xf32, #tpu.memory_space<vmem>>, vector<1264x16xf32>,
    %swap3A_147 = arith.constant 0 : index
    %swap3A_148 = arith.constant 0 : index
    %swap3A_149 = vector.load %arg11[%swap3A_147, %swap3A_148] : memref<1264x3xf32, #tpu.memory_space<vmem>>, vector<1264x3xf32>
    tpu.vector_store %arg11[%swap3A_147, %swap3A_148], %div3A_113 {strides = array<i32>} : memref<1264x3xf32, #tpu.memory_space<vmem>>, vector<1264x3xf32>,
    %swap3A_150 = arith.constant 0 : index
    %swap3A_151 = arith.constant 0 : index
    %swap3A_152 = vector.load %arg12[%swap3A_150, %swap3A_151] : memref<1264x64xf32, #tpu.memory_space<vmem>>, vector<1264x64xf32>
    tpu.vector_store %arg12[%swap3A_150, %swap3A_151], %div3A_11 {strides = array<i32>} : memref<1264x64xf32, #tpu.memory_space<vmem>>, vector<1264x64xf32>,
    %swap3A_153 = arith.constant 0 : index
    %swap3A_154 = arith.constant 0 : index
    %swap3A_155 = vector.load %arg13[%swap3A_153, %swap3A_154] : memref<1264x64xf32, #tpu.memory_space<vmem>>, vector<1264x64xf32>
    tpu.vector_store %arg13[%swap3A_153, %swap3A_154], %div3A_31 {strides = array<i32>} : memref<1264x64xf32, #tpu.memory_space<vmem>>, vector<1264x64xf32>,
    %swap3A_156 = arith.constant 0 : index
    %swap3A_157 = arith.constant 0 : index
    %swap3A_158 = vector.load %arg14[%swap3A_156, %swap3A_157] : memref<1264x64xf32, #tpu.memory_space<vmem>>, vector<1264x64xf32>
    tpu.vector_store %arg14[%swap3A_156, %swap3A_157], %div3A_71 {strides = array<i32>} : memref<1264x64xf32, #tpu.memory_space<vmem>>, vector<1264x64xf32>,
    %swap3A_159 = arith.constant 0 : index
    %swap3A_160 = arith.constant 0 : index
    %swap3A_161 = vector.load %arg15[%swap3A_159, %swap3A_160] : memref<1264x64xf32, #tpu.memory_space<vmem>>, vector<1264x64xf32>
    tpu.vector_store %arg15[%swap3A_159, %swap3A_160], %div3A_51 {strides = array<i32>} : memref<1264x64xf32, #tpu.memory_space<vmem>>, vector<1264x64xf32>,
    return
  }
  func.func @transform_0(%arg0: i32) -> (i32, i32, i32) {
    %c0_i32 = arith.constant 0 : i32
    %c0_i32_0 = arith.constant 0 : i32
    %c0_i32_1 = arith.constant 0 : i32
    return %c0_i32, %arg0, %c0_i32_0 : i32, i32, i32
  }
  func.func @transform_1(%arg0: i32) -> i32 {
    %c0_i32 = arith.constant 0 : i32
    %c0_i32_0 = arith.constant 0 : i32
    return %c0_i32 : i32
  }
  func.func @transform_2(%arg0: i32) -> i32 {
    %c0_i32 = arith.constant 0 : i32
    %c0_i32_0 = arith.constant 0 : i32
    return %c0_i32 : i32
  }
  func.func @transform_3(%arg0: i32) -> i32 {
    %c0_i32 = arith.constant 0 : i32
    %c0_i32_0 = arith.constant 0 : i32
    return %c0_i32 : i32
  }
  func.func @transform_4(%arg0: i32) -> (i32, i32) {
    %c0_i32 = arith.constant 0 : i32
    %c0_i32_0 = arith.constant 0 : i32
    %c0_i32_1 = arith.constant 0 : i32
    return %c0_i32, %c0_i32_0 : i32, i32
  }
  func.func @transform_5(%arg0: i32) -> i32 {
    %c0_i32 = arith.constant 0 : i32
    %c0_i32_0 = arith.constant 0 : i32
    return %c0_i32 : i32
  }
  func.func @transform_6(%arg0: i32) -> (i32, i32) {
    %c0_i32 = arith.constant 0 : i32
    %c0_i32_0 = arith.constant 0 : i32
    %c0_i32_1 = arith.constant 0 : i32
    return %c0_i32, %c0_i32_0 : i32, i32
  }
  func.func @transform_7(%arg0: i32) -> (i32, i32) {
    %c0_i32 = arith.constant 0 : i32
    %c0_i32_0 = arith.constant 0 : i32
    %c0_i32_1 = arith.constant 0 : i32
    return %c0_i32, %c0_i32_0 : i32, i32
  }
  func.func @transform_8(%arg0: i32) -> i32 {
    %c0_i32 = arith.constant 0 : i32
    %c0_i32_0 = arith.constant 0 : i32
    return %c0_i32 : i32
  }
  func.func @transform_9(%arg0: i32) -> (i32, i32) {
    %c0_i32 = arith.constant 0 : i32
    %c0_i32_0 = arith.constant 0 : i32
    return %arg0, %c0_i32 : i32, i32
  }
  func.func @transform_10(%arg0: i32) -> (i32, i32) {
    %c0_i32 = arith.constant 0 : i32
    %c0_i32_0 = arith.constant 0 : i32
    return %arg0, %c0_i32 : i32, i32
  }
  func.func @transform_11(%arg0: i32) -> (i32, i32) {
    %c0_i32 = arith.constant 0 : i32
    %c0_i32_0 = arith.constant 0 : i32
    return %arg0, %c0_i32 : i32, i32
  }
  func.func @transform_12(%arg0: i32) -> (i32, i32) {
    %c0_i32 = arith.constant 0 : i32
    %c0_i32_0 = arith.constant 0 : i32
    return %arg0, %c0_i32 : i32, i32
  }
  func.func @transform_13(%arg0: i32) -> (i32, i32) {
    %c0_i32 = arith.constant 0 : i32
    %c0_i32_0 = arith.constant 0 : i32
    return %arg0, %c0_i32 : i32, i32
  }
  func.func @transform_14(%arg0: i32) -> (i32, i32) {
    %c0_i32 = arith.constant 0 : i32
    %c0_i32_0 = arith.constant 0 : i32
    return %arg0, %c0_i32 : i32, i32
  }
}

</mosaic_0001>

<sc_bundles>
// kernel: kernel.11.cloned.1.call-start
scs
__scs_entry_jumppad:
0x0: {  	(pc) =	sbr.rel $0x88, $3  }
0x1: {  	(tag) =	ssettag $0x0;
	lr =	simm.s32 $0x1  }
0x2: {  	[smem:$0x3F8D] =	sst lr;
	_ =	strace $0xD0000000  }
0x3: {  	_ = 	snop  }
0x4: {  	_ = 	snop  }
0x5: {  	_ = 	snop  }
0x6: {  	_ = 	snop  }
0x7: {  	_ = 	snop  }
__scs_overlays_trampoline_lowered:
0x8: {  	[smem:$0x3F9C] =	sst s0  }
0x9: {  	[smem:$0x3F9D] =	sst s1  }
0xa: {  	[smem:$0x3F9E] =	sst s2  }
0xb: {  	[smem:$0x3F9F] =	sst s3  }
0xc: {  	[smem:$0x3FA0] =	sst s4  }
0xd: {  	[smem:$0x3FA1] =	sst s5  }
0xe: {  	[smem:$0x3FA2] =	sst s6  }
0xf: {  	[smem:$0x3FA3] =	sst s7  }
0x10: {  	[smem:$0x3FA4] =	sst s8  }
0x11: {  	[smem:$0x3FA5] =	sst s9;
	s0 =	simm.s32 @!p0 $0x0  }
0x12: {  	s1 =	sld [smem:$0x3F8B];
	s0 =	simm.s32 @p0 $0x1  }
0x13: {  	[smem:$0x3FA6] =	sst s0;
	s0 =	simm.s32 @!p1 $0x0  }
0x14: {  	s2 =	sld [smem:$0x3F8A];
	s0 =	simm.s32 @p1 $0x1  }
0x15: {  	[smem:$0x3FA7] =	sst s0;
	s0 =	simm.s32 @!p2 $0x0  }
0x16: {  	s3 =	sld [smem:$0x3FDB];
	s0 =	simm.s32 @p2 $0x1  }
0x17: {  	s4 =	simm.s32 $0x1BF5;
	[smem:$0x3FA9] =	sst s0  }
0x18: {  	s0 =	sld [smem:$0x3F8C];
	_ =	swait.ge [sflag:s4], $0x0  }
0x19: {  	s7 =	sld [smem:$0x3F8D]  }
0x1a: {  	s8 =	sadd.s32 $0xFFFFE003, lr  }
0x1b: {  	s9 =	sadd.s32 $0xFFFFFEF7, lr;
	s5 =	simm.s32 $0xFFFFFFFF;
	p2 =	slt.u32 s8, $0xFFFFF086  }
0x1c: {  	p1 =	slt.u32 s9, $0xF7A;
	s5 =	simm.s32 @!p2 $0x0  }
0x1d: {  	s5 =	simm.s32 @p1 $0x1;
	p0 =	seq.s32 s7, s2  }
0x1e: {  	s7 =	smul.u32 @!p0 $0xF7A, s2;
	p2 =	seq.s32 @!p0 s5, $0x0  }
0x1f: {  	s9 =	smul.u32 $0xF7A, s1;
	s8 =	simm.s32 @!p0 $0x1BF5;
	p2 =	por !p2, p0  }
0x20: {  	[sflag:s8] =	ssyncset.s32 @!p0 $0xFFFFF086;
	s6 =	sadd.s32 @!p0 s3, s7;
	s7 =	simm.s32 @!p0 $0x108  }
0x21: {  	s3 =	sadd.s32 s3, s9;
	s6 =	sadd.s32 @!p0 $0x88, s6;
	s7 =	simm.s32 @p2 $0x1082  }
0x22: {  	[simem:s7], [sflag:s8] =	dma.local @!p0 [hbm:s6], $0xF7A  }
0x23: {  	s9 =	sor.u32 $0xD0000000, s2;
	s6 =	simm.s32 $0x108;
	_ =	swait.ge @!p0 [sflag:s8], $0x0  }
0x24: {  	s3 =	sadd.s32 $0x88, s3;
	s6 =	simm.s32 @!p1 $0x1082;
	[sflag:s4] =	ssyncset.s32 $0xFFFFF086  }
0x25: {  	[simem:s6], [sflag:s4] =	dma.local [hbm:s3], $0xF7A  }
0x26: {  	[smem:$0x3F8D] =	sst s1;
	(tag) =	ssettag s2;
	_ =	strace s9  }
0x27: {  	s1 =	sld [smem:$0x3F9D]  }
0x28: {  	s2 =	sld [smem:$0x3F9E]  }
0x29: {  	s4 =	sld [smem:$0x3FA0]  }
0x2a: {  	p0 =	seq.s32 s5, $0x0;
	s5 =	sld [smem:$0x3FA1]  }
0x2b: {  	s6 =	sld [smem:$0x3FA2]  }
0x2c: {  	s7 =	sld [smem:$0x3FA3]  }
0x2d: {  	s3 =	simm.s32 $0x108;
	s8 =	sld [smem:$0x3FA4]  }
0x2e: {  	s3 =	simm.s32 @!p0 $0x1082;
	s9 =	sld [smem:$0x3FA5]  }
0x2f: {  	lr =	sadd.s32 s0, s3;
	s0 =	sld [smem:$0x3F9C]  }
0x30: {  	s3 =	sld [smem:$0x3F9F]  }
0x31: {  	[smem:$0x3FA8] =	sst s10  }
0x32: {  	s10 =	sld [smem:$0x3FA6];
	_ =	sdelay $0x3  }
0x33: {  	p0 =	seq.s32 s10, $0x1;
	s10 =	sld [smem:$0x3FA8];
	_ =	sdelay $0x3  }
0x34: {  	[smem:$0x3FA8] =	sst s10  }
0x35: {  	s10 =	sld [smem:$0x3FA7];
	_ =	sdelay $0x3  }
0x36: {  	p1 =	seq.s32 s10, $0x1;
	s10 =	sld [smem:$0x3FA8];
	_ =	sdelay $0x3  }
0x37: {  	[smem:$0x3FA8] =	sst s10  }
0x38: {  	s10 =	sld [smem:$0x3FA9]  }
0x39: {  	_ = 	snop;
	(pc) =	sbr.ind lr, $3  }
0x3a: {  	_ = 	snop  }
0x3b: {  	_ = 	snop  }
0x3c: {  	p2 =	seq.s32 s10, $0x1;
	s10 =	sld [smem:$0x3FA8]  }
0x3d: {  	_ =	shalt  }
0x3e: {  	_ =	shalt  }
0x3f: {  	_ =	shalt  }
0x40: {  	_ =	shalt  }
0x41: {  	_ =	shalt  }
0x42: {  	_ =	shalt  }
0x43: {  	_ =	shalt  }
0x44: {  	_ =	shalt  }
0x45: {  	_ =	shalt  }
0x46: {  	_ =	shalt  }
0x47: {  	_ =	shalt  }
0x48: {  	_ =	shalt  }
0x49: {  	_ =	shalt  }
0x4a: {  	_ =	shalt  }
0x4b: {  	_ =	shalt  }
0x4c: {  	_ =	shalt  }
0x4d: {  	_ =	shalt  }
0x4e: {  	_ =	shalt  }
0x4f: {  	_ =	shalt  }
0x50: {  	_ =	shalt  }
0x51: {  	_ =	shalt  }
0x52: {  	_ =	shalt  }
0x53: {  	_ =	shalt  }
0x54: {  	_ =	shalt  }
0x55: {  	_ =	shalt  }
0x56: {  	_ =	shalt  }
0x57: {  	_ =	shalt  }
0x58: {  	_ =	shalt  }
0x59: {  	_ =	shalt  }
0x5a: {  	_ =	shalt  }
0x5b: {  	_ =	shalt  }
0x5c: {  	_ =	shalt  }
0x5d: {  	_ =	shalt  }
0x5e: {  	_ =	shalt  }
0x5f: {  	_ =	shalt  }
0x60: {  	_ =	shalt  }
0x61: {  	_ =	shalt  }
0x62: {  	_ =	shalt  }
0x63: {  	_ =	shalt  }
0x64: {  	_ =	shalt  }
0x65: {  	_ =	shalt  }
0x66: {  	_ =	shalt  }
0x67: {  	_ =	shalt  }
0x68: {  	_ =	shalt  }
0x69: {  	_ =	shalt  }
0x6a: {  	_ =	shalt  }
0x6b: {  	_ =	shalt  }
0x6c: {  	_ =	shalt  }
0x6d: {  	_ =	shalt  }
0x6e: {  	_ =	shalt  }
0x6f: {  	_ =	shalt  }
0x70: {  	_ =	shalt  }
0x71: {  	_ =	shalt  }
0x72: {  	_ =	shalt  }
0x73: {  	_ =	shalt  }
0x74: {  	_ =	shalt  }
0x75: {  	_ =	shalt  }
0x76: {  	_ =	shalt  }
0x77: {  	_ =	shalt  }
0x78: {  	_ =	shalt  }
0x79: {  	_ =	shalt  }
0x7a: {  	_ =	shalt  }
0x7b: {  	_ =	shalt  }
0x7c: {  	_ =	shalt  }
0x7d: {  	_ =	shalt  }
0x7e: {  	_ =	shalt  }
0x7f: {  	_ =	shalt  }
0x80: {  	_ =	shalt  }
0x81: {  	_ =	shalt  }
0x82: {  	_ =	shalt  }
0x83: {  	_ =	shalt  }
0x84: {  	_ =	shalt  }
0x85: {  	_ =	shalt  }
0x86: {  	_ =	shalt  }
0x87: {  	_ =	shalt  }
.Lfunc_end0:
.L_simem_size_0:
called_computation_lowered:
.L_overlay_start_0:
0x88: {  	s2 =	sld [smem:$0x3FD9]  }
0x89: {  	s3 =	sld [smem:$0x3FFE];
	_ =	sdelay $0x1  }
0x8a: {  	s1 =	srdreg.scid  }
0x8b: {  	s0 =	sand.u32 $0x1, s1  }
0x8c: {  	s14 =	sshll.u32 s0, $0xA;
	s2 =	sadd.s32 s3, s2  }
0x8d: {  	s2 =	sadd.s32 s2, s14  }
0x8e: {  	[smem:$0x3FB4] =	sst s2  }
0x8f: {  	_ = 	snop  }
0x90: {  	s2 =	sld [smem:$0x3FD0];
	_ =	sdelay $0x2  }
0x91: {  	s15 =	simm.s32 $0xA;
	s4 =	simm.s32 $0x10  }
0x92: {  	[smem:s4], [sflag:s15] =	dma.local [hbm:s2], $0x1  }
0x93: {  	_ =	swait.eq [sflag:s15], $0x1  }
0x94: {  	[sflag:s15] =	ssyncset.done $0x0  }
0x95: {  	[sflag:s15] =	ssyncadd.s32 $0xFFFFFFFF  }
0x96: {  	s16 =	sld [smem:$0x10];
	(tm) =	ssettm $0x1  }
0x97: {  	s17 =	sld [smem:$0x3FFB];
	_ =	sdelay $0x3  }
0x98: {  	_ =	strace s17  }
0x99: {  	s3 =	sld [smem:$0x3FFC];
	_ =	sdelay $0x3  }
0x9a: {  	_ =	strace s3  }
0x9b: {  	s3 =	sld [smem:$0x3FFD];
	_ =	sdelay $0x3  }
0x9c: {  	_ =	strace s3  }
0x9d: {  	_ =	strace $0x8FFFFFFF  }
0x9e: {  	s18 =	sld [smem:$0x3FDB];
	_ =	sdelay $0x1  }
0x9f: {  	s19 =	simm.s32 $_scs_section_size  }
0xa0: {  	s5 =	simm.s32 $_size__tile_overlayer_lowered;
	s6 =	simm.s32 $_tile_overlayer_lowered  }
0xa1: {  	s22 =	simm.s32 $0x1BFF;
	s21 =	sshll.u32 s6, $0x1;
	s3 =	sadd.s32 s19, s18  }
0xa2: {  	s7 =	simm.s32 $0x0;
	s20 =	sshll.u32 s5, $0x1;
	s5 =	sadd.s32 s21, s3  }
0xa3: {  	[timem:s7], [sflag:s22] =	dma.local [hbm:s5], s20  }
0xa4: {  	_ =	swait.ge [sflag:s22], s20  }
0xa5: {  	s4 =	ssub.s32 $0x0, s20;
	[sflag:s22] =	ssyncset.done $0x0  }
0xa6: {  	[sflag:s22] =	ssyncadd.s32 s4;
	_ =	sdelay $0x1  }
0xa7: {  	s23 =	simm.s32 $0x1B8B  }
0xa8: {  	_ =	swait.ge [sflag:s23], $0x1  }
0xa9: {  	[sflag:s23] =	ssyncset.done $0x0  }
0xaa: {  	s25 =	simm.s32 $0x1B8E;
	s24 =	sld [smem:$0x3FFE];
	[sflag:s23] =	ssyncadd.s32 $0xFFFFFFFF  }
0xab: {  	s26 =	simm.s32 $execute0_lowered;
	[smem:$0x3FD2] =	sst s25  }
0xac: {  	s5 =	sshll.u32 s26, $0x1;
	_ =	strace $0x80000046;
	[dreg:$0x1] =	wrdreg $0xFFFFFFFF  }
0xad: {  	s28 =	simm.s32 $_size_execute0_lowered;
	s3 =	sadd.s32 s3, s5;
	[dreg:$0x0] =	wrdreg $0x0  }
0xae: {  	s5 =	sshll.u32 s28, $0x1;
	[dreg:$0x2] =	wrdreg s3  }
0xaf: {  	[dreg:$0x3] =	wrdreg s5  }
0xb0: {  	[dreg:$0x4] =	wrdreg $0xC0  }
0xb1: {  	_ =	task [dreg:s7], $0x5FFFF  }
0xb2: {  	[dreg:$0x1] =	wrdreg $0xFFFFFFFF  }
0xb3: {  	[dreg:$0x0] =	wrdreg $0x60  }
0xb4: {  	[dreg:$0x2] =	wrdreg s24  }
0xb5: {  	[dreg:$0x3] =	wrdreg s16  }
0xb6: {  	[dreg:$0x4] =	wrdreg $0xB4000  }
0xb7: {  	[dreg:$0x5] =	wrdreg $0x9  }
0xb8: {  	_ =	task.clear_ibuf [dreg:s7], $0x6FFFF;
	_ =	strace $0x90000046  }
0xb9: {  	s29 =	simm.s32 $0x9;
	_ =	strace $0x80000048  }
0xba: {  	_ =	swait.ge [sflag:s29], $0x1  }
0xbb: {  	[sflag:s29] =	ssyncadd.s32 $0xFFFFFFFF  }
0xbc: {  	_ =	strace $0x90000048  }
0xbd: {  	_ =	sfence  }
0xbe: {  	s30 =	sld [smem:$0x0];
	_ =	sdelay $0x2  }
0xbf: {  	s31 =	sshll.u32 s1, $0xD;
	s1 =	sshrl.u32 s1, $0x2  }
0xc0: {  	s3 =	sand.u32 $0x4000, s31;
	s1 =	sadd.s32 s1, s30  }
0xc1: {  	s0 =	sor.u32 s3, s0;
	s1 =	sshll.u32 s1, $0x11  }
0xc2: {  	s0 =	sor.u32 s1, s0  }
0xc3: {  	s0 =	sadd.s32 $0x8F2B, s0  }
0xc4: {  	[sflag:s0] =	ssyncadd.remote.s32 $0x1  }
0xc5: {  	_ =	sfence.sel $0xFFFF  }
0xc6: {  	[dreg:$0x0] =	wrdreg $0xFFFFFFFF;
	(pc) =	sbr.abs _section_cstart, $3  }
0xc7: {  	[dreg:$0x1] =	wrdreg $0xFFFFFFFF  }
0xc8: {  	_ =	task.clear_ibuf [dreg:s7], $0x2FFFF;
	_ =	strace $0x9FFFFFFF  }
0xc9: {  	(tm) =	ssettm $0x7FFFFFFF  }
tec
execute0_lowered:
.L_overlay_start_1:
0x0: {  	(tag) =	ssettag $0x1  }
0x1: {  	s0 =	rddreg [dreg:$0x0]  }
0x2: {  	s2 =	rddreg [dreg:$0x2]  }
0x3: {  	s1 =	srdreg.scid;
	s4 =	simm.s32 $0x0;
	s11 =	stileid.u32  }
0x4: {  	s28 =	simm.s32 $0x180;
	s30 =	simm.s32 $0x28;
	s12 =	simm.s32 $0x9  }
0x5: {  	s13 =	simm.s32 $0xD;
	s29 =	simm.s32 $0x8;
	s7 =	smul.u32 $0x13C00, s11  }
0x6: {  	s1 =	sand.u32 $0x1, s1;
	[smem:$0x7FF] =	sst s4;
	s8 =	smul.u32 $0x4F000, s11  }
0x7: {  	s5 =	sadd.s32 $0x7200, s0;
	s6 =	sadd.s32 $0x55400, s0;
	s10 =	smul.u32 $0x7400, s11  }
0x8: {  	s16 =	sshll.u32 s11, $0x6;
	s11 =	simm.s32 $0x5C00;
	s3 =	smul.u32 $0x13C000, s1  }
0x9: {  	_ =	strace $0x80000047;
	s9 =	smul.u32 $0x74000, s1;
	s1 =	ssub.s32 $0x2, s1  }
0xa: {  	s20 =	sor.u32 $0x1C11, s16;
	s16 =	simm.s32 $0x1A8;
	s14 =	sshrl.u32 s1, $0x1  }
0xb: {  	s15 =	sshrl.u32 s8, $0x2;
	[dreg:$0x4] =	wrdreg s20;
	s3 =	sadd.s32 s7, s3  }
0xc: {  	s7 =	sadd.s32 $0x72400, s0;
	s1 =	ssub.s32 s1, s14;
	s8 =	sadd.s32 s10, s9  }
0xd: {  	s14 =	simm.s32 $0x4;
	s3 =	sshrl.u32 s3, $0x3;
	s10 =	sshrl.u32 s8, $0x3  }
0xe: {  	s31 =	smax.u32 s1, $0x1;
	s1 =	simm.s32 $0x380;
	s0 =	sadd.s32 s3, s0  }
0xf: {  	s3 =	sadd.s32 s15, s2;
	s17 =	sadd.s32 s6, s10;
	s18 =	sor.u32 $0x10, s10  }
0x10: {  	s19 =	sadd.s32 s7, s10;
	s22 =	sor.u32 $0x20, s10;
	[dreg:$0xe] =	wrdreg s31  }
0x11: {  	s24 =	sor.u32 $0x30, s10;
	s15 =	simm.s32 $0x8800;
	[dreg:$0x5] =	wrdreg s17  }
0x12: {  	[dreg:$0x6] =	wrdreg s19;
	s21 =	sadd.s32 s6, s18;
	s9 =	sadd.s32 s7, s18  }
0x13: {  	s23 =	sadd.s32 s6, s22;
	s25 =	sadd.s32 s7, s22;
	[dreg:$0x7] =	wrdreg s21  }
0x14: {  	s26 =	sadd.s32 s6, s24;
	s0 =	sadd.s32 $0x8F400, s0;
	[dreg:$0x8] =	wrdreg s9  }
0x15: {  	s10 =	sshrl.u32 s3, $0x3;
	s3 =	simm.s32 $0x3000;
	[dreg:$0x9] =	wrdreg s23  }
.Ltmp0:
0x16: {  	s17 =	simm.s32 $0x9C00;
	[dreg:$0xa] =	wrdreg s25;
	(pc) =	sbr.rel .LBB2_1-.Ltmp0, $4  }
0x17: {  	s18 =	simm.s32 $0x5;
	s19 =	simm.s32 $0x6;
	[dreg:$0xb] =	wrdreg s26  }
0x18: {  	s22 =	simm.s32 $0x0;
	s9 =	sadd.s32 s7, s24;
	[dreg:$0xd] =	wrdreg s0  }
0x19: {  	s21 =	simm.s32 $0x11;
	s0 =	simm.s32 $0x30;
	[dreg:$0xf] =	wrdreg s10  }
0x1a: {  	s23 =	simm.s32 $0x58;
	s25 =	simm.s32 $0x7;
	[dreg:$0xc] =	wrdreg s9  }
.LBB2_4:
0x1b: {  	[bflag:$0x0] =	sbarrier.arrive $0xFFFF  }
0x1c: {  	s20 =	rddreg [dreg:$0x4]  }
0x1d: {  	s9 =	rddreg [dreg:$0xd]  }
0x1e: {  	s10 =	rddreg [dreg:$0xf]  }
0x1f: {  	[hbm:s9], [sflag:s20] =	dma.local [spmem:s10], $0x2780  }
0x20: {  	_ =	swait.ge [sflag:s21], $0x2780  }
0x21: {  	s22 =	rddreg [dreg:$0x10]  }
0x22: {  	s31 =	rddreg [dreg:$0xe];
	s22 =	sadd.s32 $0x1, s22  }
0x23: {  	p0 =	sne.s32 s22, s31  }
.Ltmp1:
0x24: {  	_ = 	snop;
	(pc) =	sbr.rel @!p0 .LBB2_5-.Ltmp1, $3  }
0x25: {  	_ =	sdelay $0x1  }
0x26: {  	[sflag:s21] =	ssyncset.done $0x0  }
0x27: {  	[sflag:s21] =	ssyncadd.s32 $0xFFFFD880  }
.LBB2_1:
0x28: {  	[dreg:$0x10] =	wrdreg s22  }
0x29: {  	s9 =	rddreg [dreg:$0x1]  }
0x2a: {  	[spmem:s10], [sflag:s20] =	dma.local [hbm:s9], $0x2780  }
0x2b: {  	_ =	swait.ge [sflag:s21], $0x2780  }
0x2c: {  	[sflag:s21] =	ssyncset.done $0x0  }
0x2d: {  	[sflag:s21] =	ssyncadd.s32 $0xFFFFD880  }
0x2e: {  	[bflag:$0x0] =	sbarrier.arrive $0xFFFF  }
0x2f: {  	s31 =	rddreg [dreg:$0x5]  }
0x30: {  	[tilespmem:s4], [sflag:$0x1] =	stream.linear.gather [hbm4b:s31+s4], $0x80, $0x38;
	[tilespmem:$0x1F000] =	vst v63  }
0x31: {  	s20 =	simm.s32 $0x200;
	s10 =	rddreg [dreg:$0x6]  }
0x32: {  	[tilespmem:s20], [sflag:$0x5] =	stream.linear.gather [hbm4b:s10+s4], $0x80, $0x38;
	[tilespmem:$0x1F000] =	vst v63  }
0x33: {  	s22 =	rddreg [dreg:$0x7];
	s10 =	simm.s32 $0x80  }
0x34: {  	[tilespmem:s10], [sflag:$0x2] =	stream.linear.gather [hbm4b:s22+s4], $0x80, $0x38;
	[tilespmem:$0x1F000] =	vst v63  }
0x35: {  	s26 =	simm.s32 $0x280;
	s24 =	rddreg [dreg:$0x8]  }
0x36: {  	[tilespmem:s26], [sflag:$0x6] =	stream.linear.gather [hbm4b:s24+s4], $0x80, $0x38;
	[tilespmem:$0x1F000] =	vst v63  }
0x37: {  	s31 =	rddreg [dreg:$0x9];
	s20 =	simm.s32 $0x100  }
0x38: {  	[tilespmem:s20], [sflag:$0x3] =	stream.linear.gather [hbm4b:s31+s4], $0x80, $0x38;
	[tilespmem:$0x1F000] =	vst v63  }
0x39: {  	s22 =	rddreg [dreg:$0xa];
	s24 =	simm.s32 $0x300  }
0x3a: {  	[tilespmem:s24], [sflag:$0x7] =	stream.linear.gather [hbm4b:s22+s4], $0x80, $0x38;
	[tilespmem:$0x1F000] =	vst v63  }
0x3b: {  	s26 =	rddreg [dreg:$0xb]  }
0x3c: {  	[tilespmem:s28], [sflag:$0x4] =	stream.linear.gather [hbm4b:s26+s4], $0x80, $0x38;
	[tilespmem:$0x1F000] =	vst v63  }
0x3d: {  	s31 =	rddreg [dreg:$0xc];
	s22 =	simm.s32 $0x1  }
0x3e: {  	[tilespmem:s1], [sflag:$0x8] =	stream.linear.gather [hbm4b:s31+s4], $0x80, $0x38;
	[tilespmem:$0x1F000] =	vst v63  }
0x3f: {  	_ =	swait.ge [sflag:s22], $0x80  }
0x40: {  	[sflag:s22] =	ssyncset.done $0x0  }
0x41: {  	s24 =	simm.s32 $0x400;
	[sflag:s22] =	ssyncadd.s32 $0xFFFFFF80  }
0x42: {  	[tilespmem:s24], [sflag:$0x9] =	stream.indirect.gather [hbm4b:s5+s30], $0x80, s4, s30, $0xb8;
	[tilespmem:$0x1F000] =	vst v63  }
0x43: {  	s26 =	simm.s32 $0x1800;
	s31 =	simm.s32 $0x2  }
0x44: {  	[tilespmem:s26], [sflag:$0xD] =	stream.indirect.gather [hbm4b:s5+s0], $0x80, s30, s0, $0xb8;
	[tilespmem:$0x1F000] =	vst v63  }
0x45: {  	_ =	swait.ge [sflag:s31], $0x80  }
0x46: {  	[sflag:s31] =	ssyncset.done $0x0  }
0x47: {  	[sflag:s31] =	ssyncadd.s32 $0xFFFFFF80  }
0x48: {  	[tilespmem:s3], [sflag:$0xA] =	stream.indirect.gather [hbm4b:s5+s30], $0x80, s10, s30, $0xb8;
	[tilespmem:$0x1F000] =	vst v63  }
0x49: {  	s22 =	simm.s32 $0x4400;
	s24 =	simm.s32 $0x3;
	s10 =	simm.s32 $0xA8  }
0x4a: {  	[tilespmem:s22], [sflag:$0xE] =	stream.indirect.gather [hbm4b:s5+s0], $0x80, s10, s0, $0xb8;
	[tilespmem:$0x1F000] =	vst v63  }
0x4b: {  	_ =	swait.ge [sflag:s24], $0x80  }
0x4c: {  	[sflag:s24] =	ssyncset.done $0x0  }
0x4d: {  	[sflag:s24] =	ssyncadd.s32 $0xFFFFFF80  }
0x4e: {  	[tilespmem:s11], [sflag:$0xB] =	stream.indirect.gather [hbm4b:s5+s30], $0x80, s20, s30, $0xb8;
	[tilespmem:$0x1F000] =	vst v63  }
0x4f: {  	s9 =	simm.s32 $0x380;
	s26 =	simm.s32 $0x128;
	s31 =	simm.s32 $0x7000  }
0x50: {  	[tilespmem:s31], [sflag:$0xF] =	stream.indirect.gather [hbm4b:s5+s0], $0x80, s26, s0, $0xb8;
	[tilespmem:$0x1F000] =	vst v63  }
.LBB2_2:
0x51: {  	_ =	swait.ge [sflag:s12], $0x1400  }
0x52: {  	[sflag:s12] =	ssyncset.done $0x0  }
0x53: {  	[sflag:s12] =	ssyncadd.s32 $0xFFFFEC00  }
0x54: {  	_ =	swait.ge [sflag:s13], $0x1800  }
0x55: {  	[sflag:s13] =	ssyncset.done $0x0  }
0x56: {  	[sflag:s13] =	ssyncadd.s32 $0xFFFFE800  }
0x57: {  	_ =	swait.ge [sflag:s14], $0x80  }
0x58: {  	[sflag:s14] =	ssyncset.done $0x0  }
0x59: {  	[sflag:s14] =	ssyncadd.s32 $0xFFFFFF80  }
0x5a: {  	[tilespmem:s15], [sflag:$0xC] =	stream.indirect.gather [hbm4b:s5+s30], $0x80, s28, s30, $0xb8;
	[tilespmem:$0x1F000] =	vst v63  }
0x5b: {  	_ = 	snop  }
0x5c: {  	[tilespmem:s17], [sflag:$0x10] =	stream.indirect.gather [hbm4b:s5+s0], $0x80, s16, s0, $0xb8;
	[tilespmem:$0x1F000] =	vst v63  }
0x5d: {  	_ =	swait.ge [sflag:s18], $0x80  }
0x5e: {  	[sflag:s18] =	ssyncset.done $0x0  }
0x5f: {  	s10 =	simm.s32 $0x200;
	s20 =	simm.s32 $0x400;
	[sflag:s18] =	ssyncadd.s32 $0xFFFFFF80  }
0x60: {  	[spmem:s2] =	stream.indirect.scatter.add.f32 [tilespmem:s20], [sflag:$0x11], $0x80, s10, s23, $0xb8;
	[tilespmem:$0x1F000] =	vst v63  }
0x61: {  	_ =	swait.ge [sflag:s21], $0x2C00  }
0x62: {  	p0 =	seq.s32 s9, $0x7380;
	[sflag:s21] =	ssyncset.done $0x0  }
0x63: {  	s10 =	simm.s32 @p0 $0xA;
	[sflag:s21] =	ssyncadd.s32 $0xFFFFD400  }
0x64: {  	_ =	swait.ge @p0 [sflag:s10], $0x1400  }
0x65: {  	s20 =	sadd.s32 @!p0 $0xFFFFFE80, s9;
	[sflag:s10] =	ssyncset.done @p0 $0x0  }
0x66: {  	[sflag:s10] =	ssyncadd.s32 @p0 $0xFFFFEC00;
	s10 =	sand.u32 @!p0 $0xFC00, s20  }
0x67: {  	s22 =	simm.s32 @p0 $0xE;
	s20 =	sand.u32 @!p0 $0x200, s20;
	s10 =	sadd.s32 @!p0 s8, s10  }
0x68: {  	_ =	swait.ge @p0 [sflag:s22], $0x1800;
	s10 =	sor.u32 @!p0 s20, s10  }
0x69: {  	[sflag:s22] =	ssyncset.done @p0 $0x0;
	s10 =	sshrl.u32 @!p0 s10, $0x3  }
0x6a: {  	s20 =	simm.s32 @!p0 $0x0;
	[sflag:s22] =	ssyncadd.s32 @p0 $0xFFFFE800;
	s22 =	sadd.s32 @!p0 s6, s10  }
0x6b: {  	[tilespmem:s20], [sflag:$0x1] =	stream.linear.gather @!p0 [hbm4b:s22+s20], $0x80, $0x38;
	[tilespmem:$0x1F000] =	vst v63  }
0x6c: {  	s10 =	sadd.s32 @!p0 s7, s10;
	s22 =	simm.s32 @!p0 $0x200  }
0x6d: {  	[tilespmem:s22], [sflag:$0x5] =	stream.linear.gather @!p0 [hbm4b:s10+s20], $0x80, $0x38;
	[tilespmem:$0x1F000] =	vst v63  }
0x6e: {  	s10 =	simm.s32 @!p0 $0xA  }
0x6f: {  	_ =	swait.ge @!p0 [sflag:s10], $0x1400  }
0x70: {  	[sflag:s10] =	ssyncset.done @!p0 $0x0  }
0x71: {  	[sflag:s10] =	ssyncadd.s32 @!p0 $0xFFFFEC00;
	s10 =	simm.s32 @!p0 $0xE  }
0x72: {  	_ =	swait.ge @!p0 [sflag:s10], $0x1800  }
0x73: {  	[sflag:s10] =	ssyncset.done @!p0 $0x0  }
0x74: {  	[sflag:s10] =	ssyncadd.s32 @!p0 $0xFFFFE800;
	s10 =	simm.s32 @!p0 $0x1  }
0x75: {  	_ =	swait.ge @!p0 [sflag:s10], $0x80  }
0x76: {  	[sflag:s10] =	ssyncset.done @!p0 $0x0  }
0x77: {  	s22 =	simm.s32 @!p0 $0x400;
	[sflag:s10] =	ssyncadd.s32 @!p0 $0xFFFFFF80;
	s10 =	simm.s32 @!p0 $0x28  }
0x78: {  	[tilespmem:s22], [sflag:$0x9] =	stream.indirect.gather @!p0 [hbm4b:s5+s10], $0x80, s20, s10, $0xb8;
	[tilespmem:$0x1F000] =	vst v63  }
0x79: {  	s24 =	simm.s32 @!p0 $0x1800;
	s22 =	simm.s32 @!p0 $0x30  }
0x7a: {  	[tilespmem:s24], [sflag:$0xD] =	stream.indirect.gather @!p0 [hbm4b:s5+s22], $0x80, s10, s22, $0xb8;
	[tilespmem:$0x1F000] =	vst v63  }
0x7b: {  	_ =	swait.ge [sflag:s19], $0x80  }
0x7c: {  	[sflag:s19] =	ssyncset.done $0x0  }
0x7d: {  	s26 =	simm.s32 $0x280;
	[sflag:s19] =	ssyncadd.s32 $0xFFFFFF80  }
0x7e: {  	[spmem:s2] =	stream.indirect.scatter.add.f32 [tilespmem:s3], [sflag:$0x11], $0x80, s26, s23, $0xb8;
	[tilespmem:$0x1F000] =	vst v63  }
0x7f: {  	_ =	swait.ge [sflag:s21], $0x2C00  }
0x80: {  	[sflag:s21] =	ssyncset.done $0x0  }
0x81: {  	s24 =	simm.s32 @p0 $0xB;
	[sflag:s21] =	ssyncadd.s32 $0xFFFFD400  }
0x82: {  	_ =	swait.ge @p0 [sflag:s24], $0x1400  }
0x83: {  	s26 =	sadd.s32 @!p0 $0xFFFFFF00, s9;
	[sflag:s24] =	ssyncset.done @p0 $0x0  }
0x84: {  	[sflag:s24] =	ssyncadd.s32 @p0 $0xFFFFEC00;
	s24 =	sand.u32 @!p0 $0xFC00, s26  }
0x85: {  	s31 =	simm.s32 @p0 $0xF;
	s26 =	sand.u32 @!p0 $0x280, s26;
	s24 =	sadd.s32 @!p0 s8, s24  }
0x86: {  	_ =	swait.ge @p0 [sflag:s31], $0x1800;
	s24 =	sor.u32 @!p0 s26, s24  }
0x87: {  	[sflag:s31] =	ssyncset.done @p0 $0x0;
	s24 =	sshrl.u32 @!p0 s24, $0x3  }
0x88: {  	[sflag:s31] =	ssyncadd.s32 @p0 $0xFFFFE800;
	s31 =	simm.s32 @!p0 $0x80;
	s26 =	sadd.s32 @!p0 s6, s24  }
0x89: {  	[tilespmem:s31], [sflag:$0x2] =	stream.linear.gather @!p0 [hbm4b:s26+s20], $0x80, $0x38;
	[tilespmem:$0x1F000] =	vst v63  }
0x8a: {  	s24 =	sadd.s32 @!p0 s7, s24;
	s26 =	simm.s32 @!p0 $0x280  }
0x8b: {  	[tilespmem:s26], [sflag:$0x6] =	stream.linear.gather @!p0 [hbm4b:s24+s20], $0x80, $0x38;
	[tilespmem:$0x1F000] =	vst v63  }
0x8c: {  	s24 =	simm.s32 @!p0 $0xB  }
0x8d: {  	_ =	swait.ge @!p0 [sflag:s24], $0x1400  }
0x8e: {  	[sflag:s24] =	ssyncset.done @!p0 $0x0  }
0x8f: {  	[sflag:s24] =	ssyncadd.s32 @!p0 $0xFFFFEC00;
	s24 =	simm.s32 @!p0 $0xF  }
0x90: {  	_ =	swait.ge @!p0 [sflag:s24], $0x1800  }
0x91: {  	[sflag:s24] =	ssyncset.done @!p0 $0x0  }
0x92: {  	[sflag:s24] =	ssyncadd.s32 @!p0 $0xFFFFE800;
	s24 =	simm.s32 @!p0 $0x2  }
0x93: {  	_ =	swait.ge @!p0 [sflag:s24], $0x80  }
0x94: {  	[sflag:s24] =	ssyncset.done @!p0 $0x0  }
0x95: {  	[sflag:s24] =	ssyncadd.s32 @!p0 $0xFFFFFF80;
	s24 =	simm.s32 @!p0 $0x3000  }
0x96: {  	[tilespmem:s24], [sflag:$0xA] =	stream.indirect.gather @!p0 [hbm4b:s5+s10], $0x80, s31, s10, $0xb8;
	[tilespmem:$0x1F000] =	vst v63  }
0x97: {  	s26 =	simm.s32 @!p0 $0x4400;
	s24 =	simm.s32 @!p0 $0xA8  }
0x98: {  	[tilespmem:s26], [sflag:$0xE] =	stream.indirect.gather @!p0 [hbm4b:s5+s22], $0x80, s24, s22, $0xb8;
	[tilespmem:$0x1F000] =	vst v63  }
0x99: {  	_ =	swait.ge [sflag:s25], $0x80  }
0x9a: {  	[sflag:s25] =	ssyncset.done $0x0  }
0x9b: {  	s31 =	simm.s32 $0x300;
	[sflag:s25] =	ssyncadd.s32 $0xFFFFFF80  }
0x9c: {  	[spmem:s2] =	stream.indirect.scatter.add.f32 [tilespmem:s11], [sflag:$0x11], $0x80, s31, s23, $0xb8;
	[tilespmem:$0x1F000] =	vst v63  }
0x9d: {  	_ =	swait.ge [sflag:s21], $0x2C00  }
0x9e: {  	[sflag:s21] =	ssyncset.done $0x0  }
0x9f: {  	s24 =	simm.s32 @p0 $0xC;
	[sflag:s21] =	ssyncadd.s32 $0xFFFFD400  }
0xa0: {  	_ =	swait.ge @p0 [sflag:s24], $0x1400  }
0xa1: {  	s26 =	sadd.s32 @!p0 $0xFFFFFF80, s9;
	[sflag:s24] =	ssyncset.done @p0 $0x0  }
0xa2: {  	[sflag:s24] =	ssyncadd.s32 @p0 $0xFFFFEC00;
	s24 =	sand.u32 @!p0 $0xFC00, s26  }
0xa3: {  	s31 =	simm.s32 @p0 $0x10;
	s26 =	sand.u32 @!p0 $0x300, s26;
	s24 =	sadd.s32 @!p0 s8, s24  }
0xa4: {  	_ =	swait.ge @p0 [sflag:s31], $0x1800;
	s24 =	sor.u32 @!p0 s26, s24  }
0xa5: {  	[sflag:s31] =	ssyncset.done @p0 $0x0;
	s24 =	sshrl.u32 @!p0 s24, $0x3  }
0xa6: {  	[sflag:s31] =	ssyncadd.s32 @p0 $0xFFFFE800;
	s31 =	simm.s32 @!p0 $0x100;
	s26 =	sadd.s32 @!p0 s6, s24  }
0xa7: {  	[tilespmem:s31], [sflag:$0x3] =	stream.linear.gather @!p0 [hbm4b:s26+s20], $0x80, $0x38;
	[tilespmem:$0x1F000] =	vst v63  }
0xa8: {  	s24 =	sadd.s32 @!p0 s7, s24;
	s26 =	simm.s32 @!p0 $0x300  }
0xa9: {  	[tilespmem:s26], [sflag:$0x7] =	stream.linear.gather @!p0 [hbm4b:s24+s20], $0x80, $0x38;
	[tilespmem:$0x1F000] =	vst v63  }
0xaa: {  	s20 =	simm.s32 @!p0 $0xC  }
0xab: {  	_ =	swait.ge @!p0 [sflag:s20], $0x1400  }
0xac: {  	[sflag:s20] =	ssyncset.done @!p0 $0x0  }
0xad: {  	[sflag:s20] =	ssyncadd.s32 @!p0 $0xFFFFEC00;
	s20 =	simm.s32 @!p0 $0x10  }
0xae: {  	_ =	swait.ge @!p0 [sflag:s20], $0x1800  }
0xaf: {  	[sflag:s20] =	ssyncset.done @!p0 $0x0  }
0xb0: {  	[sflag:s20] =	ssyncadd.s32 @!p0 $0xFFFFE800;
	s20 =	simm.s32 @!p0 $0x3  }
0xb1: {  	_ =	swait.ge @!p0 [sflag:s20], $0x80  }
0xb2: {  	[sflag:s20] =	ssyncset.done @!p0 $0x0  }
0xb3: {  	[sflag:s20] =	ssyncadd.s32 @!p0 $0xFFFFFF80;
	s20 =	simm.s32 @!p0 $0x5C00  }
0xb4: {  	[tilespmem:s20], [sflag:$0xB] =	stream.indirect.gather @!p0 [hbm4b:s5+s10], $0x80, s31, s10, $0xb8;
	[tilespmem:$0x1F000] =	vst v63  }
0xb5: {  	s10 =	simm.s32 @!p0 $0x128;
	s20 =	simm.s32 @!p0 $0x7000  }
0xb6: {  	[tilespmem:s20], [sflag:$0xF] =	stream.indirect.gather @!p0 [hbm4b:s5+s22], $0x80, s10, s22, $0xb8;
	[tilespmem:$0x1F000] =	vst v63  }
0xb7: {  	_ =	swait.ge [sflag:s29], $0x80  }
0xb8: {  	[sflag:s29] =	ssyncset.done $0x0  }
.Ltmp2:
0xb9: {  	[sflag:s29] =	ssyncadd.s32 $0xFFFFFF80;
	(pc) =	sbr.rel @p0 .LBB2_4-.Ltmp2, $4  }
0xba: {  	[spmem:s2] =	stream.indirect.scatter.add.f32 [tilespmem:s15], [sflag:$0x11], $0x80, s1, s23, $0xb8;
	[tilespmem:$0x1F000] =	vst v63  }
0xbb: {  	_ =	swait.ge [sflag:s21], $0x2C00  }
0xbc: {  	[sflag:s21] =	ssyncset.done $0x0  }
0xbd: {  	[sflag:s21] =	ssyncadd.s32 $0xFFFFD400  }
0xbe: {  	s10 =	sand.u32 $0xFC00, s9  }
0xbf: {  	s20 =	sand.u32 $0x380, s9;
	s10 =	sadd.s32 s8, s10  }
0xc0: {  	s10 =	sor.u32 s20, s10  }
.Ltmp3:
0xc1: {  	s10 =	sshrl.u32 s10, $0x3;
	(pc) =	sbr.rel .LBB2_2-.Ltmp3, $4  }
0xc2: {  	s31 =	sadd.s32 s6, s10  }
0xc3: {  	[tilespmem:s28], [sflag:$0x4] =	stream.linear.gather [hbm4b:s31+s4], $0x80, $0x38;
	[tilespmem:$0x1F000] =	vst v63  }
0xc4: {  	s9 =	sadd.s32 $0x200, s9;
	s10 =	sadd.s32 s7, s10  }
0xc5: {  	[tilespmem:s1], [sflag:$0x8] =	stream.linear.gather [hbm4b:s10+s4], $0x80, $0x38;
	[tilespmem:$0x1F000] =	vst v63  }
.LBB2_5:
0xc6: {  	_ =	sfence.sel $0x180000  }
0xc7: {  	[bflag:$0x0] =	sbarrier.arrive $0xFFFF  }
0xc8: {  	_ =	strace $0x90000047  }
0xc9: {  	s0 =	stileid.u32;
	[bflag:$0x2] =	sbarrier.arrive $0xFFFF  }
0xca: {  	p0 =	sne.s32 s0, $0x0;
	s0 =	rddreg [dreg:$0x3]  }
0xcb: {  	s0 =	sadd.s32 @!p0 $0x100000, s0  }
0xcc: {  	[sflag:s0] =	ssyncadd.tile.s32 @!p0 $0x1;
	_ =	shalt  }
.Lfunc_end2:
_tile_overlayer_lowered:
.L_overlay_start_2:
0xcd: {  	(tag) =	ssettag $0x2  }
0xce: {  	s0 =	rddreg [dreg:$0x0];
	s2 =	stileid.u32  }
0xcf: {  	s1 =	rddreg [dreg:$0x1];
	p0 =	sne.s32 s2, $0x0  }
0xd0: {  	s3 =	rddreg [dreg:$0x2];
	[bflag:$0x3] =	sbarrier.arrive $0xFFFF;
	s2 =	simm.s32 @!p0 $0x1C11  }
0xd1: {  	[timem:s3], [sflag:s2] =	dma.local @!p0 [hbm:s0], s1  }
0xd2: {  	s0 =	simm.s32 @!p0 $0x11  }
0xd3: {  	_ =	swait.ge @!p0 [sflag:s0], s1  }
0xd4: {  	s1 =	ssub.s32 @!p0 $0x0, s1;
	[sflag:s0] =	ssyncset.done @!p0 $0x0  }
0xd5: {  	[sflag:s0] =	ssyncadd.s32 @!p0 s1  }
0xd6: {  	[bflag:$0x3] =	sbarrier.arrive $0xFFFF  }
0xd7: {  	_ =	shalt  }

// kernel: kernel.14.cloned.1.call-start
scs
__scs_entry_jumppad:
0x0: {  	(pc) =	sbr.rel $0x88, $3  }
0x1: {  	(tag) =	ssettag $0x0;
	lr =	simm.s32 $0x1  }
0x2: {  	[smem:$0x3F8D] =	sst lr;
	_ =	strace $0xD0000000  }
0x3: {  	_ = 	snop  }
0x4: {  	_ = 	snop  }
0x5: {  	_ = 	snop  }
0x6: {  	_ = 	snop  }
0x7: {  	_ = 	snop  }
__scs_overlays_trampoline_lowered:
0x8: {  	[smem:$0x3F9C] =	sst s0  }
0x9: {  	[smem:$0x3F9D] =	sst s1  }
0xa: {  	[smem:$0x3F9E] =	sst s2  }
0xb: {  	[smem:$0x3F9F] =	sst s3  }
0xc: {  	[smem:$0x3FA0] =	sst s4  }
0xd: {  	[smem:$0x3FA1] =	sst s5  }
0xe: {  	[smem:$0x3FA2] =	sst s6  }
0xf: {  	[smem:$0x3FA3] =	sst s7  }
0x10: {  	[smem:$0x3FA4] =	sst s8  }
0x11: {  	[smem:$0x3FA5] =	sst s9;
	s0 =	simm.s32 @!p0 $0x0  }
0x12: {  	s1 =	sld [smem:$0x3F8B];
	s0 =	simm.s32 @p0 $0x1  }
0x13: {  	[smem:$0x3FA6] =	sst s0;
	s0 =	simm.s32 @!p1 $0x0  }
0x14: {  	s2 =	sld [smem:$0x3F8A];
	s0 =	simm.s32 @p1 $0x1  }
0x15: {  	[smem:$0x3FA7] =	sst s0;
	s0 =	simm.s32 @!p2 $0x0  }
0x16: {  	s3 =	sld [smem:$0x3FDB];
	s0 =	simm.s32 @p2 $0x1  }
0x17: {  	s4 =	simm.s32 $0x1BF5;
	[smem:$0x3FA9] =	sst s0  }
0x18: {  	s0 =	sld [smem:$0x3F8C];
	_ =	swait.ge [sflag:s4], $0x0  }
0x19: {  	s7 =	sld [smem:$0x3F8D]  }
0x1a: {  	s8 =	sadd.s32 $0xFFFFE003, lr  }
0x1b: {  	s9 =	sadd.s32 $0xFFFFFEF7, lr;
	s5 =	simm.s32 $0xFFFFFFFF;
	p2 =	slt.u32 s8, $0xFFFFF086  }
0x1c: {  	p1 =	slt.u32 s9, $0xF7A;
	s5 =	simm.s32 @!p2 $0x0  }
0x1d: {  	s5 =	simm.s32 @p1 $0x1;
	p0 =	seq.s32 s7, s2  }
0x1e: {  	s7 =	smul.u32 @!p0 $0xF7A, s2;
	p2 =	seq.s32 @!p0 s5, $0x0  }
0x1f: {  	s9 =	smul.u32 $0xF7A, s1;
	s8 =	simm.s32 @!p0 $0x1BF5;
	p2 =	por !p2, p0  }
0x20: {  	[sflag:s8] =	ssyncset.s32 @!p0 $0xFFFFF086;
	s6 =	sadd.s32 @!p0 s3, s7;
	s7 =	simm.s32 @!p0 $0x108  }
0x21: {  	s3 =	sadd.s32 s3, s9;
	s6 =	sadd.s32 @!p0 $0x88, s6;
	s7 =	simm.s32 @p2 $0x1082  }
0x22: {  	[simem:s7], [sflag:s8] =	dma.local @!p0 [hbm:s6], $0xF7A  }
0x23: {  	s9 =	sor.u32 $0xD0000000, s2;
	s6 =	simm.s32 $0x108;
	_ =	swait.ge @!p0 [sflag:s8], $0x0  }
0x24: {  	s3 =	sadd.s32 $0x88, s3;
	s6 =	simm.s32 @!p1 $0x1082;
	[sflag:s4] =	ssyncset.s32 $0xFFFFF086  }
0x25: {  	[simem:s6], [sflag:s4] =	dma.local [hbm:s3], $0xF7A  }
0x26: {  	[smem:$0x3F8D] =	sst s1;
	(tag) =	ssettag s2;
	_ =	strace s9  }
0x27: {  	s1 =	sld [smem:$0x3F9D]  }
0x28: {  	s2 =	sld [smem:$0x3F9E]  }
0x29: {  	s4 =	sld [smem:$0x3FA0]  }
0x2a: {  	p0 =	seq.s32 s5, $0x0;
	s5 =	sld [smem:$0x3FA1]  }
0x2b: {  	s6 =	sld [smem:$0x3FA2]  }
0x2c: {  	s7 =	sld [smem:$0x3FA3]  }
0x2d: {  	s3 =	simm.s32 $0x108;
	s8 =	sld [smem:$0x3FA4]  }
0x2e: {  	s3 =	simm.s32 @!p0 $0x1082;
	s9 =	sld [smem:$0x3FA5]  }
0x2f: {  	lr =	sadd.s32 s0, s3;
	s0 =	sld [smem:$0x3F9C]  }
0x30: {  	s3 =	sld [smem:$0x3F9F]  }
0x31: {  	[smem:$0x3FA8] =	sst s10  }
0x32: {  	s10 =	sld [smem:$0x3FA6];
	_ =	sdelay $0x3  }
0x33: {  	p0 =	seq.s32 s10, $0x1;
	s10 =	sld [smem:$0x3FA8];
	_ =	sdelay $0x3  }
0x34: {  	[smem:$0x3FA8] =	sst s10  }
0x35: {  	s10 =	sld [smem:$0x3FA7];
	_ =	sdelay $0x3  }
0x36: {  	p1 =	seq.s32 s10, $0x1;
	s10 =	sld [smem:$0x3FA8];
	_ =	sdelay $0x3  }
0x37: {  	[smem:$0x3FA8] =	sst s10  }
0x38: {  	s10 =	sld [smem:$0x3FA9]  }
0x39: {  	_ = 	snop;
	(pc) =	sbr.ind lr, $3  }
0x3a: {  	_ = 	snop  }
0x3b: {  	_ = 	snop  }
0x3c: {  	p2 =	seq.s32 s10, $0x1;
	s10 =	sld [smem:$0x3FA8]  }
0x3d: {  	_ =	shalt  }
0x3e: {  	_ =	shalt  }
0x3f: {  	_ =	shalt  }
0x40: {  	_ =	shalt  }
0x41: {  	_ =	shalt  }
0x42: {  	_ =	shalt  }
0x43: {  	_ =	shalt  }
0x44: {  	_ =	shalt  }
0x45: {  	_ =	shalt  }
0x46: {  	_ =	shalt  }
0x47: {  	_ =	shalt  }
0x48: {  	_ =	shalt  }
0x49: {  	_ =	shalt  }
0x4a: {  	_ =	shalt  }
0x4b: {  	_ =	shalt  }
0x4c: {  	_ =	shalt  }
0x4d: {  	_ =	shalt  }
0x4e: {  	_ =	shalt  }
0x4f: {  	_ =	shalt  }
0x50: {  	_ =	shalt  }
0x51: {  	_ =	shalt  }
0x52: {  	_ =	shalt  }
0x53: {  	_ =	shalt  }
0x54: {  	_ =	shalt  }
0x55: {  	_ =	shalt  }
0x56: {  	_ =	shalt  }
0x57: {  	_ =	shalt  }
0x58: {  	_ =	shalt  }
0x59: {  	_ =	shalt  }
0x5a: {  	_ =	shalt  }
0x5b: {  	_ =	shalt  }
0x5c: {  	_ =	shalt  }
0x5d: {  	_ =	shalt  }
0x5e: {  	_ =	shalt  }
0x5f: {  	_ =	shalt  }
0x60: {  	_ =	shalt  }
0x61: {  	_ =	shalt  }
0x62: {  	_ =	shalt  }
0x63: {  	_ =	shalt  }
0x64: {  	_ =	shalt  }
0x65: {  	_ =	shalt  }
0x66: {  	_ =	shalt  }
0x67: {  	_ =	shalt  }
0x68: {  	_ =	shalt  }
0x69: {  	_ =	shalt  }
0x6a: {  	_ =	shalt  }
0x6b: {  	_ =	shalt  }
0x6c: {  	_ =	shalt  }
0x6d: {  	_ =	shalt  }
0x6e: {  	_ =	shalt  }
0x6f: {  	_ =	shalt  }
0x70: {  	_ =	shalt  }
0x71: {  	_ =	shalt  }
0x72: {  	_ =	shalt  }
0x73: {  	_ =	shalt  }
0x74: {  	_ =	shalt  }
0x75: {  	_ =	shalt  }
0x76: {  	_ =	shalt  }
0x77: {  	_ =	shalt  }
0x78: {  	_ =	shalt  }
0x79: {  	_ =	shalt  }
0x7a: {  	_ =	shalt  }
0x7b: {  	_ =	shalt  }
0x7c: {  	_ =	shalt  }
0x7d: {  	_ =	shalt  }
0x7e: {  	_ =	shalt  }
0x7f: {  	_ =	shalt  }
0x80: {  	_ =	shalt  }
0x81: {  	_ =	shalt  }
0x82: {  	_ =	shalt  }
0x83: {  	_ =	shalt  }
0x84: {  	_ =	shalt  }
0x85: {  	_ =	shalt  }
0x86: {  	_ =	shalt  }
0x87: {  	_ =	shalt  }
.Lfunc_end0:
.L_simem_size_0:
called_computation.1_lowered:
.L_overlay_start_0:
0x88: {  	s2 =	sld [smem:$0x3FD9]  }
0x89: {  	s3 =	sld [smem:$0x3FFE];
	_ =	sdelay $0x1  }
0x8a: {  	s1 =	srdreg.scid  }
0x8b: {  	s0 =	sand.u32 $0x1, s1  }
0x8c: {  	s14 =	sshll.u32 s0, $0xA;
	s2 =	sadd.s32 s3, s2  }
0x8d: {  	s2 =	sadd.s32 s2, s14  }
0x8e: {  	[smem:$0x3FB4] =	sst s2  }
0x8f: {  	_ = 	snop  }
0x90: {  	s2 =	sld [smem:$0x3FD0];
	_ =	sdelay $0x2  }
0x91: {  	s15 =	simm.s32 $0xA;
	s4 =	simm.s32 $0x10  }
0x92: {  	[smem:s4], [sflag:s15] =	dma.local [hbm:s2], $0x1  }
0x93: {  	_ =	swait.eq [sflag:s15], $0x1  }
0x94: {  	[sflag:s15] =	ssyncset.done $0x0  }
0x95: {  	[sflag:s15] =	ssyncadd.s32 $0xFFFFFFFF  }
0x96: {  	s16 =	sld [smem:$0x10];
	(tm) =	ssettm $0x1  }
0x97: {  	s17 =	sld [smem:$0x3FFB];
	_ =	sdelay $0x3  }
0x98: {  	_ =	strace s17  }
0x99: {  	s3 =	sld [smem:$0x3FFC];
	_ =	sdelay $0x3  }
0x9a: {  	_ =	strace s3  }
0x9b: {  	s3 =	sld [smem:$0x3FFD];
	_ =	sdelay $0x3  }
0x9c: {  	_ =	strace s3  }
0x9d: {  	_ =	strace $0x8FFFFFFF  }
0x9e: {  	s18 =	sld [smem:$0x3FDB];
	_ =	sdelay $0x1  }
0x9f: {  	s19 =	simm.s32 $_scs_section_size  }
0xa0: {  	s5 =	simm.s32 $_size__tile_overlayer_lowered;
	s6 =	simm.s32 $_tile_overlayer_lowered  }
0xa1: {  	s22 =	simm.s32 $0x1BFF;
	s21 =	sshll.u32 s6, $0x1;
	s3 =	sadd.s32 s19, s18  }
0xa2: {  	s7 =	simm.s32 $0x0;
	s20 =	sshll.u32 s5, $0x1;
	s5 =	sadd.s32 s21, s3  }
0xa3: {  	[timem:s7], [sflag:s22] =	dma.local [hbm:s5], s20  }
0xa4: {  	_ =	swait.ge [sflag:s22], s20  }
0xa5: {  	s4 =	ssub.s32 $0x0, s20;
	[sflag:s22] =	ssyncset.done $0x0  }
0xa6: {  	[sflag:s22] =	ssyncadd.s32 s4;
	_ =	sdelay $0x1  }
0xa7: {  	s23 =	simm.s32 $0x1B8B  }
0xa8: {  	_ =	swait.ge [sflag:s23], $0x1  }
0xa9: {  	[sflag:s23] =	ssyncset.done $0x0  }
0xaa: {  	s25 =	simm.s32 $0x1B8E;
	s24 =	sld [smem:$0x3FFE];
	[sflag:s23] =	ssyncadd.s32 $0xFFFFFFFF  }
0xab: {  	s26 =	simm.s32 $execute0_lowered;
	[smem:$0x3FD2] =	sst s25  }
0xac: {  	s5 =	sshll.u32 s26, $0x1;
	_ =	strace $0x80000049;
	[dreg:$0x1] =	wrdreg $0xFFFFFFFF  }
0xad: {  	s28 =	simm.s32 $_size_execute0_lowered;
	s3 =	sadd.s32 s3, s5;
	[dreg:$0x0] =	wrdreg $0x0  }
0xae: {  	s5 =	sshll.u32 s28, $0x1;
	[dreg:$0x2] =	wrdreg s3  }
0xaf: {  	[dreg:$0x3] =	wrdreg s5  }
0xb0: {  	[dreg:$0x4] =	wrdreg $0xC0  }
0xb1: {  	_ =	task [dreg:s7], $0x5FFFF  }
0xb2: {  	[dreg:$0x1] =	wrdreg $0xFFFFFFFF  }
0xb3: {  	[dreg:$0x0] =	wrdreg $0x60  }
0xb4: {  	[dreg:$0x2] =	wrdreg s24  }
0xb5: {  	[dreg:$0x3] =	wrdreg s16  }
0xb6: {  	[dreg:$0x4] =	wrdreg $0xB4000  }
0xb7: {  	[dreg:$0x5] =	wrdreg $0x9  }
0xb8: {  	_ =	task.clear_ibuf [dreg:s7], $0x6FFFF;
	_ =	strace $0x90000049  }
0xb9: {  	s29 =	simm.s32 $0x9;
	_ =	strace $0x8000004B  }
0xba: {  	_ =	swait.ge [sflag:s29], $0x1  }
0xbb: {  	[sflag:s29] =	ssyncadd.s32 $0xFFFFFFFF  }
0xbc: {  	_ =	strace $0x9000004B  }
0xbd: {  	_ =	sfence  }
0xbe: {  	s30 =	sld [smem:$0x0];
	_ =	sdelay $0x2  }
0xbf: {  	s31 =	sshll.u32 s1, $0xD;
	s1 =	sshrl.u32 s1, $0x2  }
0xc0: {  	s3 =	sand.u32 $0x4000, s31;
	s1 =	sadd.s32 s1, s30  }
0xc1: {  	s0 =	sor.u32 s3, s0;
	s1 =	sshll.u32 s1, $0x11  }
0xc2: {  	s0 =	sor.u32 s1, s0  }
0xc3: {  	s0 =	sadd.s32 $0x8F2B, s0  }
0xc4: {  	[sflag:s0] =	ssyncadd.remote.s32 $0x1  }
0xc5: {  	_ =	sfence.sel $0xFFFF  }
0xc6: {  	[dreg:$0x0] =	wrdreg $0xFFFFFFFF;
	(pc) =	sbr.abs _section_cstart, $3  }
0xc7: {  	[dreg:$0x1] =	wrdreg $0xFFFFFFFF  }
0xc8: {  	_ =	task.clear_ibuf [dreg:s7], $0x2FFFF;
	_ =	strace $0x9FFFFFFF  }
0xc9: {  	(tm) =	ssettm $0x7FFFFFFF  }
tec
execute0_lowered:
.L_overlay_start_1:
0x0: {  	(tag) =	ssettag $0x1  }
0x1: {  	s0 =	rddreg [dreg:$0x0]  }
0x2: {  	s2 =	rddreg [dreg:$0x2]  }
0x3: {  	s1 =	srdreg.scid;
	s4 =	simm.s32 $0x0;
	s11 =	stileid.u32  }
0x4: {  	s28 =	simm.s32 $0x180;
	s30 =	simm.s32 $0x28;
	s12 =	simm.s32 $0x9  }
0x5: {  	s13 =	simm.s32 $0xD;
	s29 =	simm.s32 $0x8;
	s7 =	smul.u32 $0x13C00, s11  }
0x6: {  	s1 =	sand.u32 $0x1, s1;
	[smem:$0x7FF] =	sst s4;
	s8 =	smul.u32 $0x4F000, s11  }
0x7: {  	s5 =	sadd.s32 $0x8F400, s0;
	s6 =	sadd.s32 $0x55400, s0;
	s10 =	smul.u32 $0x7400, s11  }
0x8: {  	s16 =	sshll.u32 s11, $0x6;
	s11 =	simm.s32 $0x5C00;
	s3 =	smul.u32 $0x13C000, s1  }
0x9: {  	_ =	strace $0x8000004A;
	s9 =	smul.u32 $0x74000, s1;
	s1 =	ssub.s32 $0x2, s1  }
0xa: {  	s20 =	sor.u32 $0x1C11, s16;
	s16 =	simm.s32 $0x1A8;
	s14 =	sshrl.u32 s1, $0x1  }
0xb: {  	s15 =	sshrl.u32 s8, $0x2;
	[dreg:$0x4] =	wrdreg s20;
	s3 =	sadd.s32 s7, s3  }
0xc: {  	s7 =	sadd.s32 $0x72400, s0;
	s1 =	ssub.s32 s1, s14;
	s8 =	sadd.s32 s10, s9  }
0xd: {  	s14 =	simm.s32 $0x4;
	s3 =	sshrl.u32 s3, $0x3;
	s10 =	sshrl.u32 s8, $0x3  }
0xe: {  	s31 =	smax.u32 s1, $0x1;
	s1 =	simm.s32 $0x380;
	s0 =	sadd.s32 s3, s0  }
0xf: {  	s3 =	sadd.s32 s15, s2;
	s17 =	sadd.s32 s6, s10;
	s18 =	sor.u32 $0x10, s10  }
0x10: {  	s19 =	sadd.s32 s7, s10;
	s22 =	sor.u32 $0x20, s10;
	[dreg:$0xe] =	wrdreg s31  }
0x11: {  	s24 =	sor.u32 $0x30, s10;
	s15 =	simm.s32 $0x8800;
	[dreg:$0x5] =	wrdreg s17  }
0x12: {  	[dreg:$0x6] =	wrdreg s19;
	s21 =	sadd.s32 s6, s18;
	s9 =	sadd.s32 s7, s18  }
0x13: {  	s23 =	sadd.s32 s6, s22;
	s25 =	sadd.s32 s7, s22;
	[dreg:$0x7] =	wrdreg s21  }
0x14: {  	s26 =	sadd.s32 s6, s24;
	s0 =	sadd.s32 $0xDD600, s0;
	[dreg:$0x8] =	wrdreg s9  }
0x15: {  	s10 =	sshrl.u32 s3, $0x3;
	s3 =	simm.s32 $0x3000;
	[dreg:$0x9] =	wrdreg s23  }
.Ltmp0:
0x16: {  	s17 =	simm.s32 $0x9C00;
	[dreg:$0xa] =	wrdreg s25;
	(pc) =	sbr.rel .LBB2_1-.Ltmp0, $4  }
0x17: {  	s18 =	simm.s32 $0x5;
	s19 =	simm.s32 $0x6;
	[dreg:$0xb] =	wrdreg s26  }
0x18: {  	s22 =	simm.s32 $0x0;
	s9 =	sadd.s32 s7, s24;
	[dreg:$0xd] =	wrdreg s0  }
0x19: {  	s21 =	simm.s32 $0x11;
	s0 =	simm.s32 $0x30;
	[dreg:$0xf] =	wrdreg s10  }
0x1a: {  	s23 =	simm.s32 $0x58;
	s25 =	simm.s32 $0x7;
	[dreg:$0xc] =	wrdreg s9  }
.LBB2_4:
0x1b: {  	[bflag:$0x0] =	sbarrier.arrive $0xFFFF  }
0x1c: {  	s20 =	rddreg [dreg:$0x4]  }
0x1d: {  	s9 =	rddreg [dreg:$0xd]  }
0x1e: {  	s10 =	rddreg [dreg:$0xf]  }
0x1f: {  	[hbm:s9], [sflag:s20] =	dma.local [spmem:s10], $0x2780  }
0x20: {  	_ =	swait.ge [sflag:s21], $0x2780  }
0x21: {  	s22 =	rddreg [dreg:$0x10]  }
0x22: {  	s31 =	rddreg [dreg:$0xe];
	s22 =	sadd.s32 $0x1, s22  }
0x23: {  	p0 =	sne.s32 s22, s31  }
.Ltmp1:
0x24: {  	_ = 	snop;
	(pc) =	sbr.rel @!p0 .LBB2_5-.Ltmp1, $3  }
0x25: {  	_ =	sdelay $0x1  }
0x26: {  	[sflag:s21] =	ssyncset.done $0x0  }
0x27: {  	[sflag:s21] =	ssyncadd.s32 $0xFFFFD880  }
.LBB2_1:
0x28: {  	[dreg:$0x10] =	wrdreg s22  }
0x29: {  	s9 =	rddreg [dreg:$0x1]  }
0x2a: {  	[spmem:s10], [sflag:s20] =	dma.local [hbm:s9], $0x2780  }
0x2b: {  	_ =	swait.ge [sflag:s21], $0x2780  }
0x2c: {  	[sflag:s21] =	ssyncset.done $0x0  }
0x2d: {  	[sflag:s21] =	ssyncadd.s32 $0xFFFFD880  }
0x2e: {  	[bflag:$0x0] =	sbarrier.arrive $0xFFFF  }
0x2f: {  	s31 =	rddreg [dreg:$0x5]  }
0x30: {  	[tilespmem:s4], [sflag:$0x1] =	stream.linear.gather [hbm4b:s31+s4], $0x80, $0x38;
	[tilespmem:$0x1F000] =	vst v63  }
0x31: {  	s20 =	simm.s32 $0x200;
	s10 =	rddreg [dreg:$0x6]  }
0x32: {  	[tilespmem:s20], [sflag:$0x5] =	stream.linear.gather [hbm4b:s10+s4], $0x80, $0x38;
	[tilespmem:$0x1F000] =	vst v63  }
0x33: {  	s22 =	rddreg [dreg:$0x7];
	s10 =	simm.s32 $0x80  }
0x34: {  	[tilespmem:s10], [sflag:$0x2] =	stream.linear.gather [hbm4b:s22+s4], $0x80, $0x38;
	[tilespmem:$0x1F000] =	vst v63  }
0x35: {  	s26 =	simm.s32 $0x280;
	s24 =	rddreg [dreg:$0x8]  }
0x36: {  	[tilespmem:s26], [sflag:$0x6] =	stream.linear.gather [hbm4b:s24+s4], $0x80, $0x38;
	[tilespmem:$0x1F000] =	vst v63  }
0x37: {  	s31 =	rddreg [dreg:$0x9];
	s20 =	simm.s32 $0x100  }
0x38: {  	[tilespmem:s20], [sflag:$0x3] =	stream.linear.gather [hbm4b:s31+s4], $0x80, $0x38;
	[tilespmem:$0x1F000] =	vst v63  }
0x39: {  	s22 =	rddreg [dreg:$0xa];
	s24 =	simm.s32 $0x300  }
0x3a: {  	[tilespmem:s24], [sflag:$0x7] =	stream.linear.gather [hbm4b:s22+s4], $0x80, $0x38;
	[tilespmem:$0x1F000] =	vst v63  }
0x3b: {  	s26 =	rddreg [dreg:$0xb]  }
0x3c: {  	[tilespmem:s28], [sflag:$0x4] =	stream.linear.gather [hbm4b:s26+s4], $0x80, $0x38;
	[tilespmem:$0x1F000] =	vst v63  }
0x3d: {  	s31 =	rddreg [dreg:$0xc];
	s22 =	simm.s32 $0x1  }
0x3e: {  	[tilespmem:s1], [sflag:$0x8] =	stream.linear.gather [hbm4b:s31+s4], $0x80, $0x38;
	[tilespmem:$0x1F000] =	vst v63  }
0x3f: {  	_ =	swait.ge [sflag:s22], $0x80  }
0x40: {  	[sflag:s22] =	ssyncset.done $0x0  }
0x41: {  	s24 =	simm.s32 $0x400;
	[sflag:s22] =	ssyncadd.s32 $0xFFFFFF80  }
0x42: {  	[tilespmem:s24], [sflag:$0x9] =	stream.indirect.gather [hbm4b:s5+s30], $0x80, s4, s30, $0xb8;
	[tilespmem:$0x1F000] =	vst v63  }
0x43: {  	s26 =	simm.s32 $0x1800;
	s31 =	simm.s32 $0x2  }
0x44: {  	[tilespmem:s26], [sflag:$0xD] =	stream.indirect.gather [hbm4b:s5+s0], $0x80, s30, s0, $0xb8;
	[tilespmem:$0x1F000] =	vst v63  }
0x45: {  	_ =	swait.ge [sflag:s31], $0x80  }
0x46: {  	[sflag:s31] =	ssyncset.done $0x0  }
0x47: {  	[sflag:s31] =	ssyncadd.s32 $0xFFFFFF80  }
0x48: {  	[tilespmem:s3], [sflag:$0xA] =	stream.indirect.gather [hbm4b:s5+s30], $0x80, s10, s30, $0xb8;
	[tilespmem:$0x1F000] =	vst v63  }
0x49: {  	s22 =	simm.s32 $0x4400;
	s24 =	simm.s32 $0x3;
	s10 =	simm.s32 $0xA8  }
0x4a: {  	[tilespmem:s22], [sflag:$0xE] =	stream.indirect.gather [hbm4b:s5+s0], $0x80, s10, s0, $0xb8;
	[tilespmem:$0x1F000] =	vst v63  }
0x4b: {  	_ =	swait.ge [sflag:s24], $0x80  }
0x4c: {  	[sflag:s24] =	ssyncset.done $0x0  }
0x4d: {  	[sflag:s24] =	ssyncadd.s32 $0xFFFFFF80  }
0x4e: {  	[tilespmem:s11], [sflag:$0xB] =	stream.indirect.gather [hbm4b:s5+s30], $0x80, s20, s30, $0xb8;
	[tilespmem:$0x1F000] =	vst v63  }
0x4f: {  	s9 =	simm.s32 $0x380;
	s26 =	simm.s32 $0x128;
	s31 =	simm.s32 $0x7000  }
0x50: {  	[tilespmem:s31], [sflag:$0xF] =	stream.indirect.gather [hbm4b:s5+s0], $0x80, s26, s0, $0xb8;
	[tilespmem:$0x1F000] =	vst v63  }
.LBB2_2:
0x51: {  	_ =	swait.ge [sflag:s12], $0x1400  }
0x52: {  	[sflag:s12] =	ssyncset.done $0x0  }
0x53: {  	[sflag:s12] =	ssyncadd.s32 $0xFFFFEC00  }
0x54: {  	_ =	swait.ge [sflag:s13], $0x1800  }
0x55: {  	[sflag:s13] =	ssyncset.done $0x0  }
0x56: {  	[sflag:s13] =	ssyncadd.s32 $0xFFFFE800  }
0x57: {  	_ =	swait.ge [sflag:s14], $0x80  }
0x58: {  	[sflag:s14] =	ssyncset.done $0x0  }
0x59: {  	[sflag:s14] =	ssyncadd.s32 $0xFFFFFF80  }
0x5a: {  	[tilespmem:s15], [sflag:$0xC] =	stream.indirect.gather [hbm4b:s5+s30], $0x80, s28, s30, $0xb8;
	[tilespmem:$0x1F000] =	vst v63  }
0x5b: {  	_ = 	snop  }
0x5c: {  	[tilespmem:s17], [sflag:$0x10] =	stream.indirect.gather [hbm4b:s5+s0], $0x80, s16, s0, $0xb8;
	[tilespmem:$0x1F000] =	vst v63  }
0x5d: {  	_ =	swait.ge [sflag:s18], $0x80  }
0x5e: {  	[sflag:s18] =	ssyncset.done $0x0  }
0x5f: {  	s10 =	simm.s32 $0x200;
	s20 =	simm.s32 $0x400;
	[sflag:s18] =	ssyncadd.s32 $0xFFFFFF80  }
0x60: {  	[spmem:s2] =	stream.indirect.scatter.add.f32 [tilespmem:s20], [sflag:$0x11], $0x80, s10, s23, $0xb8;
	[tilespmem:$0x1F000] =	vst v63  }
0x61: {  	_ =	swait.ge [sflag:s21], $0x2C00  }
0x62: {  	p0 =	seq.s32 s9, $0x7380;
	[sflag:s21] =	ssyncset.done $0x0  }
0x63: {  	s10 =	simm.s32 @p0 $0xA;
	[sflag:s21] =	ssyncadd.s32 $0xFFFFD400  }
0x64: {  	_ =	swait.ge @p0 [sflag:s10], $0x1400  }
0x65: {  	s20 =	sadd.s32 @!p0 $0xFFFFFE80, s9;
	[sflag:s10] =	ssyncset.done @p0 $0x0  }
0x66: {  	[sflag:s10] =	ssyncadd.s32 @p0 $0xFFFFEC00;
	s10 =	sand.u32 @!p0 $0xFC00, s20  }
0x67: {  	s22 =	simm.s32 @p0 $0xE;
	s20 =	sand.u32 @!p0 $0x200, s20;
	s10 =	sadd.s32 @!p0 s8, s10  }
0x68: {  	_ =	swait.ge @p0 [sflag:s22], $0x1800;
	s10 =	sor.u32 @!p0 s20, s10  }
0x69: {  	[sflag:s22] =	ssyncset.done @p0 $0x0;
	s10 =	sshrl.u32 @!p0 s10, $0x3  }
0x6a: {  	s20 =	simm.s32 @!p0 $0x0;
	[sflag:s22] =	ssyncadd.s32 @p0 $0xFFFFE800;
	s22 =	sadd.s32 @!p0 s6, s10  }
0x6b: {  	[tilespmem:s20], [sflag:$0x1] =	stream.linear.gather @!p0 [hbm4b:s22+s20], $0x80, $0x38;
	[tilespmem:$0x1F000] =	vst v63  }
0x6c: {  	s10 =	sadd.s32 @!p0 s7, s10;
	s22 =	simm.s32 @!p0 $0x200  }
0x6d: {  	[tilespmem:s22], [sflag:$0x5] =	stream.linear.gather @!p0 [hbm4b:s10+s20], $0x80, $0x38;
	[tilespmem:$0x1F000] =	vst v63  }
0x6e: {  	s10 =	simm.s32 @!p0 $0xA  }
0x6f: {  	_ =	swait.ge @!p0 [sflag:s10], $0x1400  }
0x70: {  	[sflag:s10] =	ssyncset.done @!p0 $0x0  }
0x71: {  	[sflag:s10] =	ssyncadd.s32 @!p0 $0xFFFFEC00;
	s10 =	simm.s32 @!p0 $0xE  }
0x72: {  	_ =	swait.ge @!p0 [sflag:s10], $0x1800  }
0x73: {  	[sflag:s10] =	ssyncset.done @!p0 $0x0  }
0x74: {  	[sflag:s10] =	ssyncadd.s32 @!p0 $0xFFFFE800;
	s10 =	simm.s32 @!p0 $0x1  }
0x75: {  	_ =	swait.ge @!p0 [sflag:s10], $0x80  }
0x76: {  	[sflag:s10] =	ssyncset.done @!p0 $0x0  }
0x77: {  	s22 =	simm.s32 @!p0 $0x400;
	[sflag:s10] =	ssyncadd.s32 @!p0 $0xFFFFFF80;
	s10 =	simm.s32 @!p0 $0x28  }
0x78: {  	[tilespmem:s22], [sflag:$0x9] =	stream.indirect.gather @!p0 [hbm4b:s5+s10], $0x80, s20, s10, $0xb8;
	[tilespmem:$0x1F000] =	vst v63  }
0x79: {  	s24 =	simm.s32 @!p0 $0x1800;
	s22 =	simm.s32 @!p0 $0x30  }
0x7a: {  	[tilespmem:s24], [sflag:$0xD] =	stream.indirect.gather @!p0 [hbm4b:s5+s22], $0x80, s10, s22, $0xb8;
	[tilespmem:$0x1F000] =	vst v63  }
0x7b: {  	_ =	swait.ge [sflag:s19], $0x80  }
0x7c: {  	[sflag:s19] =	ssyncset.done $0x0  }
0x7d: {  	s26 =	simm.s32 $0x280;
	[sflag:s19] =	ssyncadd.s32 $0xFFFFFF80  }
0x7e: {  	[spmem:s2] =	stream.indirect.scatter.add.f32 [tilespmem:s3], [sflag:$0x11], $0x80, s26, s23, $0xb8;
	[tilespmem:$0x1F000] =	vst v63  }
0x7f: {  	_ =	swait.ge [sflag:s21], $0x2C00  }
0x80: {  	[sflag:s21] =	ssyncset.done $0x0  }
0x81: {  	s24 =	simm.s32 @p0 $0xB;
	[sflag:s21] =	ssyncadd.s32 $0xFFFFD400  }
0x82: {  	_ =	swait.ge @p0 [sflag:s24], $0x1400  }
0x83: {  	s26 =	sadd.s32 @!p0 $0xFFFFFF00, s9;
	[sflag:s24] =	ssyncset.done @p0 $0x0  }
0x84: {  	[sflag:s24] =	ssyncadd.s32 @p0 $0xFFFFEC00;
	s24 =	sand.u32 @!p0 $0xFC00, s26  }
0x85: {  	s31 =	simm.s32 @p0 $0xF;
	s26 =	sand.u32 @!p0 $0x280, s26;
	s24 =	sadd.s32 @!p0 s8, s24  }
0x86: {  	_ =	swait.ge @p0 [sflag:s31], $0x1800;
	s24 =	sor.u32 @!p0 s26, s24  }
0x87: {  	[sflag:s31] =	ssyncset.done @p0 $0x0;
	s24 =	sshrl.u32 @!p0 s24, $0x3  }
0x88: {  	[sflag:s31] =	ssyncadd.s32 @p0 $0xFFFFE800;
	s31 =	simm.s32 @!p0 $0x80;
	s26 =	sadd.s32 @!p0 s6, s24  }
0x89: {  	[tilespmem:s31], [sflag:$0x2] =	stream.linear.gather @!p0 [hbm4b:s26+s20], $0x80, $0x38;
	[tilespmem:$0x1F000] =	vst v63  }
0x8a: {  	s24 =	sadd.s32 @!p0 s7, s24;
	s26 =	simm.s32 @!p0 $0x280  }
0x8b: {  	[tilespmem:s26], [sflag:$0x6] =	stream.linear.gather @!p0 [hbm4b:s24+s20], $0x80, $0x38;
	[tilespmem:$0x1F000] =	vst v63  }
0x8c: {  	s24 =	simm.s32 @!p0 $0xB  }
0x8d: {  	_ =	swait.ge @!p0 [sflag:s24], $0x1400  }
0x8e: {  	[sflag:s24] =	ssyncset.done @!p0 $0x0  }
0x8f: {  	[sflag:s24] =	ssyncadd.s32 @!p0 $0xFFFFEC00;
	s24 =	simm.s32 @!p0 $0xF  }
0x90: {  	_ =	swait.ge @!p0 [sflag:s24], $0x1800  }
0x91: {  	[sflag:s24] =	ssyncset.done @!p0 $0x0  }
0x92: {  	[sflag:s24] =	ssyncadd.s32 @!p0 $0xFFFFE800;
	s24 =	simm.s32 @!p0 $0x2  }
0x93: {  	_ =	swait.ge @!p0 [sflag:s24], $0x80  }
0x94: {  	[sflag:s24] =	ssyncset.done @!p0 $0x0  }
0x95: {  	[sflag:s24] =	ssyncadd.s32 @!p0 $0xFFFFFF80;
	s24 =	simm.s32 @!p0 $0x3000  }
0x96: {  	[tilespmem:s24], [sflag:$0xA] =	stream.indirect.gather @!p0 [hbm4b:s5+s10], $0x80, s31, s10, $0xb8;
	[tilespmem:$0x1F000] =	vst v63  }
0x97: {  	s26 =	simm.s32 @!p0 $0x4400;
	s24 =	simm.s32 @!p0 $0xA8  }
0x98: {  	[tilespmem:s26], [sflag:$0xE] =	stream.indirect.gather @!p0 [hbm4b:s5+s22], $0x80, s24, s22, $0xb8;
	[tilespmem:$0x1F000] =	vst v63  }
0x99: {  	_ =	swait.ge [sflag:s25], $0x80  }
0x9a: {  	[sflag:s25] =	ssyncset.done $0x0  }
0x9b: {  	s31 =	simm.s32 $0x300;
	[sflag:s25] =	ssyncadd.s32 $0xFFFFFF80  }
0x9c: {  	[spmem:s2] =	stream.indirect.scatter.add.f32 [tilespmem:s11], [sflag:$0x11], $0x80, s31, s23, $0xb8;
	[tilespmem:$0x1F000] =	vst v63  }
0x9d: {  	_ =	swait.ge [sflag:s21], $0x2C00  }
0x9e: {  	[sflag:s21] =	ssyncset.done $0x0  }
0x9f: {  	s24 =	simm.s32 @p0 $0xC;
	[sflag:s21] =	ssyncadd.s32 $0xFFFFD400  }
0xa0: {  	_ =	swait.ge @p0 [sflag:s24], $0x1400  }
0xa1: {  	s26 =	sadd.s32 @!p0 $0xFFFFFF80, s9;
	[sflag:s24] =	ssyncset.done @p0 $0x0  }
0xa2: {  	[sflag:s24] =	ssyncadd.s32 @p0 $0xFFFFEC00;
	s24 =	sand.u32 @!p0 $0xFC00, s26  }
0xa3: {  	s31 =	simm.s32 @p0 $0x10;
	s26 =	sand.u32 @!p0 $0x300, s26;
	s24 =	sadd.s32 @!p0 s8, s24  }
0xa4: {  	_ =	swait.ge @p0 [sflag:s31], $0x1800;
	s24 =	sor.u32 @!p0 s26, s24  }
0xa5: {  	[sflag:s31] =	ssyncset.done @p0 $0x0;
	s24 =	sshrl.u32 @!p0 s24, $0x3  }
0xa6: {  	[sflag:s31] =	ssyncadd.s32 @p0 $0xFFFFE800;
	s31 =	simm.s32 @!p0 $0x100;
	s26 =	sadd.s32 @!p0 s6, s24  }
0xa7: {  	[tilespmem:s31], [sflag:$0x3] =	stream.linear.gather @!p0 [hbm4b:s26+s20], $0x80, $0x38;
	[tilespmem:$0x1F000] =	vst v63  }
0xa8: {  	s24 =	sadd.s32 @!p0 s7, s24;
	s26 =	simm.s32 @!p0 $0x300  }
0xa9: {  	[tilespmem:s26], [sflag:$0x7] =	stream.linear.gather @!p0 [hbm4b:s24+s20], $0x80, $0x38;
	[tilespmem:$0x1F000] =	vst v63  }
0xaa: {  	s20 =	simm.s32 @!p0 $0xC  }
0xab: {  	_ =	swait.ge @!p0 [sflag:s20], $0x1400  }
0xac: {  	[sflag:s20] =	ssyncset.done @!p0 $0x0  }
0xad: {  	[sflag:s20] =	ssyncadd.s32 @!p0 $0xFFFFEC00;
	s20 =	simm.s32 @!p0 $0x10  }
0xae: {  	_ =	swait.ge @!p0 [sflag:s20], $0x1800  }
0xaf: {  	[sflag:s20] =	ssyncset.done @!p0 $0x0  }
0xb0: {  	[sflag:s20] =	ssyncadd.s32 @!p0 $0xFFFFE800;
	s20 =	simm.s32 @!p0 $0x3  }
0xb1: {  	_ =	swait.ge @!p0 [sflag:s20], $0x80  }
0xb2: {  	[sflag:s20] =	ssyncset.done @!p0 $0x0  }
0xb3: {  	[sflag:s20] =	ssyncadd.s32 @!p0 $0xFFFFFF80;
	s20 =	simm.s32 @!p0 $0x5C00  }
0xb4: {  	[tilespmem:s20], [sflag:$0xB] =	stream.indirect.gather @!p0 [hbm4b:s5+s10], $0x80, s31, s10, $0xb8;
	[tilespmem:$0x1F000] =	vst v63  }
0xb5: {  	s10 =	simm.s32 @!p0 $0x128;
	s20 =	simm.s32 @!p0 $0x7000  }
0xb6: {  	[tilespmem:s20], [sflag:$0xF] =	stream.indirect.gather @!p0 [hbm4b:s5+s22], $0x80, s10, s22, $0xb8;
	[tilespmem:$0x1F000] =	vst v63  }
0xb7: {  	_ =	swait.ge [sflag:s29], $0x80  }
0xb8: {  	[sflag:s29] =	ssyncset.done $0x0  }
.Ltmp2:
0xb9: {  	[sflag:s29] =	ssyncadd.s32 $0xFFFFFF80;
	(pc) =	sbr.rel @p0 .LBB2_4-.Ltmp2, $4  }
0xba: {  	[spmem:s2] =	stream.indirect.scatter.add.f32 [tilespmem:s15], [sflag:$0x11], $0x80, s1, s23, $0xb8;
	[tilespmem:$0x1F000] =	vst v63  }
0xbb: {  	_ =	swait.ge [sflag:s21], $0x2C00  }
0xbc: {  	[sflag:s21] =	ssyncset.done $0x0  }
0xbd: {  	[sflag:s21] =	ssyncadd.s32 $0xFFFFD400  }
0xbe: {  	s10 =	sand.u32 $0xFC00, s9  }
0xbf: {  	s20 =	sand.u32 $0x380, s9;
	s10 =	sadd.s32 s8, s10  }
0xc0: {  	s10 =	sor.u32 s20, s10  }
.Ltmp3:
0xc1: {  	s10 =	sshrl.u32 s10, $0x3;
	(pc) =	sbr.rel .LBB2_2-.Ltmp3, $4  }
0xc2: {  	s31 =	sadd.s32 s6, s10  }
0xc3: {  	[tilespmem:s28], [sflag:$0x4] =	stream.linear.gather [hbm4b:s31+s4], $0x80, $0x38;
	[tilespmem:$0x1F000] =	vst v63  }
0xc4: {  	s9 =	sadd.s32 $0x200, s9;
	s10 =	sadd.s32 s7, s10  }
0xc5: {  	[tilespmem:s1], [sflag:$0x8] =	stream.linear.gather [hbm4b:s10+s4], $0x80, $0x38;
	[tilespmem:$0x1F000] =	vst v63  }
.LBB2_5:
0xc6: {  	_ =	sfence.sel $0x180000  }
0xc7: {  	[bflag:$0x0] =	sbarrier.arrive $0xFFFF  }
0xc8: {  	_ =	strace $0x9000004A  }
0xc9: {  	s0 =	stileid.u32;
	[bflag:$0x2] =	sbarrier.arrive $0xFFFF  }
0xca: {  	p0 =	sne.s32 s0, $0x0;
	s0 =	rddreg [dreg:$0x3]  }
0xcb: {  	s0 =	sadd.s32 @!p0 $0x100000, s0  }
0xcc: {  	[sflag:s0] =	ssyncadd.tile.s32 @!p0 $0x1;
	_ =	shalt  }
.Lfunc_end2:
_tile_overlayer_lowered:
.L_overlay_start_2:
0xcd: {  	(tag) =	ssettag $0x2  }
0xce: {  	s0 =	rddreg [dreg:$0x0];
	s2 =	stileid.u32  }
0xcf: {  	s1 =	rddreg [dreg:$0x1];
	p0 =	sne.s32 s2, $0x0  }
0xd0: {  	s3 =	rddreg [dreg:$0x2];
	[bflag:$0x3] =	sbarrier.arrive $0xFFFF;
	s2 =	simm.s32 @!p0 $0x1C11  }
0xd1: {  	[timem:s3], [sflag:s2] =	dma.local @!p0 [hbm:s0], s1  }
0xd2: {  	s0 =	simm.s32 @!p0 $0x11  }
0xd3: {  	_ =	swait.ge @!p0 [sflag:s0], s1  }
0xd4: {  	s1 =	ssub.s32 @!p0 $0x0, s1;
	[sflag:s0] =	ssyncset.done @!p0 $0x0  }
0xd5: {  	[sflag:s0] =	ssyncadd.s32 @!p0 s1  }
0xd6: {  	[bflag:$0x3] =	sbarrier.arrive $0xFFFF  }
0xd7: {  	_ =	shalt  }

// kernel: kernel.17.cloned.1.call-start
scs
__scs_entry_jumppad:
0x0: {  	(pc) =	sbr.rel $0x88, $3  }
0x1: {  	(tag) =	ssettag $0x0;
	lr =	simm.s32 $0x1  }
0x2: {  	[smem:$0x3F8D] =	sst lr;
	_ =	strace $0xD0000000  }
0x3: {  	_ = 	snop  }
0x4: {  	_ = 	snop  }
0x5: {  	_ = 	snop  }
0x6: {  	_ = 	snop  }
0x7: {  	_ = 	snop  }
__scs_overlays_trampoline_lowered:
0x8: {  	[smem:$0x3F9C] =	sst s0  }
0x9: {  	[smem:$0x3F9D] =	sst s1  }
0xa: {  	[smem:$0x3F9E] =	sst s2  }
0xb: {  	[smem:$0x3F9F] =	sst s3  }
0xc: {  	[smem:$0x3FA0] =	sst s4  }
0xd: {  	[smem:$0x3FA1] =	sst s5  }
0xe: {  	[smem:$0x3FA2] =	sst s6  }
0xf: {  	[smem:$0x3FA3] =	sst s7  }
0x10: {  	[smem:$0x3FA4] =	sst s8  }
0x11: {  	[smem:$0x3FA5] =	sst s9;
	s0 =	simm.s32 @!p0 $0x0  }
0x12: {  	s1 =	sld [smem:$0x3F8B];
	s0 =	simm.s32 @p0 $0x1  }
0x13: {  	[smem:$0x3FA6] =	sst s0;
	s0 =	simm.s32 @!p1 $0x0  }
0x14: {  	s2 =	sld [smem:$0x3F8A];
	s0 =	simm.s32 @p1 $0x1  }
0x15: {  	[smem:$0x3FA7] =	sst s0;
	s0 =	simm.s32 @!p2 $0x0  }
0x16: {  	s3 =	sld [smem:$0x3FDB];
	s0 =	simm.s32 @p2 $0x1  }
0x17: {  	s4 =	simm.s32 $0x1BF5;
	[smem:$0x3FA9] =	sst s0  }
0x18: {  	s0 =	sld [smem:$0x3F8C];
	_ =	swait.ge [sflag:s4], $0x0  }
0x19: {  	s7 =	sld [smem:$0x3F8D]  }
0x1a: {  	s8 =	sadd.s32 $0xFFFFE003, lr  }
0x1b: {  	s9 =	sadd.s32 $0xFFFFFEF7, lr;
	s5 =	simm.s32 $0xFFFFFFFF;
	p2 =	slt.u32 s8, $0xFFFFF086  }
0x1c: {  	p1 =	slt.u32 s9, $0xF7A;
	s5 =	simm.s32 @!p2 $0x0  }
0x1d: {  	s5 =	simm.s32 @p1 $0x1;
	p0 =	seq.s32 s7, s2  }
0x1e: {  	s7 =	smul.u32 @!p0 $0xF7A, s2;
	p2 =	seq.s32 @!p0 s5, $0x0  }
0x1f: {  	s9 =	smul.u32 $0xF7A, s1;
	s8 =	simm.s32 @!p0 $0x1BF5;
	p2 =	por !p2, p0  }
0x20: {  	[sflag:s8] =	ssyncset.s32 @!p0 $0xFFFFF086;
	s6 =	sadd.s32 @!p0 s3, s7;
	s7 =	simm.s32 @!p0 $0x108  }
0x21: {  	s3 =	sadd.s32 s3, s9;
	s6 =	sadd.s32 @!p0 $0x88, s6;
	s7 =	simm.s32 @p2 $0x1082  }
0x22: {  	[simem:s7], [sflag:s8] =	dma.local @!p0 [hbm:s6], $0xF7A  }
0x23: {  	s9 =	sor.u32 $0xD0000000, s2;
	s6 =	simm.s32 $0x108;
	_ =	swait.ge @!p0 [sflag:s8], $0x0  }
0x24: {  	s3 =	sadd.s32 $0x88, s3;
	s6 =	simm.s32 @!p1 $0x1082;
	[sflag:s4] =	ssyncset.s32 $0xFFFFF086  }
0x25: {  	[simem:s6], [sflag:s4] =	dma.local [hbm:s3], $0xF7A  }
0x26: {  	[smem:$0x3F8D] =	sst s1;
	(tag) =	ssettag s2;
	_ =	strace s9  }
0x27: {  	s1 =	sld [smem:$0x3F9D]  }
0x28: {  	s2 =	sld [smem:$0x3F9E]  }
0x29: {  	s4 =	sld [smem:$0x3FA0]  }
0x2a: {  	p0 =	seq.s32 s5, $0x0;
	s5 =	sld [smem:$0x3FA1]  }
0x2b: {  	s6 =	sld [smem:$0x3FA2]  }
0x2c: {  	s7 =	sld [smem:$0x3FA3]  }
0x2d: {  	s3 =	simm.s32 $0x108;
	s8 =	sld [smem:$0x3FA4]  }
0x2e: {  	s3 =	simm.s32 @!p0 $0x1082;
	s9 =	sld [smem:$0x3FA5]  }
0x2f: {  	lr =	sadd.s32 s0, s3;
	s0 =	sld [smem:$0x3F9C]  }
0x30: {  	s3 =	sld [smem:$0x3F9F]  }
0x31: {  	[smem:$0x3FA8] =	sst s10  }
0x32: {  	s10 =	sld [smem:$0x3FA6];
	_ =	sdelay $0x3  }
0x33: {  	p0 =	seq.s32 s10, $0x1;
	s10 =	sld [smem:$0x3FA8];
	_ =	sdelay $0x3  }
0x34: {  	[smem:$0x3FA8] =	sst s10  }
0x35: {  	s10 =	sld [smem:$0x3FA7];
	_ =	sdelay $0x3  }
0x36: {  	p1 =	seq.s32 s10, $0x1;
	s10 =	sld [smem:$0x3FA8];
	_ =	sdelay $0x3  }
0x37: {  	[smem:$0x3FA8] =	sst s10  }
0x38: {  	s10 =	sld [smem:$0x3FA9]  }
0x39: {  	_ = 	snop;
	(pc) =	sbr.ind lr, $3  }
0x3a: {  	_ = 	snop  }
0x3b: {  	_ = 	snop  }
0x3c: {  	p2 =	seq.s32 s10, $0x1;
	s10 =	sld [smem:$0x3FA8]  }
0x3d: {  	_ =	shalt  }
0x3e: {  	_ =	shalt  }
0x3f: {  	_ =	shalt  }
0x40: {  	_ =	shalt  }
0x41: {  	_ =	shalt  }
0x42: {  	_ =	shalt  }
0x43: {  	_ =	shalt  }
0x44: {  	_ =	shalt  }
0x45: {  	_ =	shalt  }
0x46: {  	_ =	shalt  }
0x47: {  	_ =	shalt  }
0x48: {  	_ =	shalt  }
0x49: {  	_ =	shalt  }
0x4a: {  	_ =	shalt  }
0x4b: {  	_ =	shalt  }
0x4c: {  	_ =	shalt  }
0x4d: {  	_ =	shalt  }
0x4e: {  	_ =	shalt  }
0x4f: {  	_ =	shalt  }
0x50: {  	_ =	shalt  }
0x51: {  	_ =	shalt  }
0x52: {  	_ =	shalt  }
0x53: {  	_ =	shalt  }
0x54: {  	_ =	shalt  }
0x55: {  	_ =	shalt  }
0x56: {  	_ =	shalt  }
0x57: {  	_ =	shalt  }
0x58: {  	_ =	shalt  }
0x59: {  	_ =	shalt  }
0x5a: {  	_ =	shalt  }
0x5b: {  	_ =	shalt  }
0x5c: {  	_ =	shalt  }
0x5d: {  	_ =	shalt  }
0x5e: {  	_ =	shalt  }
0x5f: {  	_ =	shalt  }
0x60: {  	_ =	shalt  }
0x61: {  	_ =	shalt  }
0x62: {  	_ =	shalt  }
0x63: {  	_ =	shalt  }
0x64: {  	_ =	shalt  }
0x65: {  	_ =	shalt  }
0x66: {  	_ =	shalt  }
0x67: {  	_ =	shalt  }
0x68: {  	_ =	shalt  }
0x69: {  	_ =	shalt  }
0x6a: {  	_ =	shalt  }
0x6b: {  	_ =	shalt  }
0x6c: {  	_ =	shalt  }
0x6d: {  	_ =	shalt  }
0x6e: {  	_ =	shalt  }
0x6f: {  	_ =	shalt  }
0x70: {  	_ =	shalt  }
0x71: {  	_ =	shalt  }
0x72: {  	_ =	shalt  }
0x73: {  	_ =	shalt  }
0x74: {  	_ =	shalt  }
0x75: {  	_ =	shalt  }
0x76: {  	_ =	shalt  }
0x77: {  	_ =	shalt  }
0x78: {  	_ =	shalt  }
0x79: {  	_ =	shalt  }
0x7a: {  	_ =	shalt  }
0x7b: {  	_ =	shalt  }
0x7c: {  	_ =	shalt  }
0x7d: {  	_ =	shalt  }
0x7e: {  	_ =	shalt  }
0x7f: {  	_ =	shalt  }
0x80: {  	_ =	shalt  }
0x81: {  	_ =	shalt  }
0x82: {  	_ =	shalt  }
0x83: {  	_ =	shalt  }
0x84: {  	_ =	shalt  }
0x85: {  	_ =	shalt  }
0x86: {  	_ =	shalt  }
0x87: {  	_ =	shalt  }
.Lfunc_end0:
.L_simem_size_0:
called_computation.2_lowered:
.L_overlay_start_0:
0x88: {  	s2 =	sld [smem:$0x3FD9]  }
0x89: {  	s3 =	sld [smem:$0x3FFE];
	_ =	sdelay $0x1  }
0x8a: {  	s1 =	srdreg.scid  }
0x8b: {  	s0 =	sand.u32 $0x1, s1  }
0x8c: {  	s14 =	sshll.u32 s0, $0xA;
	s2 =	sadd.s32 s3, s2  }
0x8d: {  	s2 =	sadd.s32 s2, s14  }
0x8e: {  	[smem:$0x3FB4] =	sst s2  }
0x8f: {  	_ = 	snop  }
0x90: {  	s2 =	sld [smem:$0x3FD0];
	_ =	sdelay $0x2  }
0x91: {  	s15 =	simm.s32 $0xA;
	s4 =	simm.s32 $0x10  }
0x92: {  	[smem:s4], [sflag:s15] =	dma.local [hbm:s2], $0x1  }
0x93: {  	_ =	swait.eq [sflag:s15], $0x1  }
0x94: {  	[sflag:s15] =	ssyncset.done $0x0  }
0x95: {  	[sflag:s15] =	ssyncadd.s32 $0xFFFFFFFF  }
0x96: {  	s16 =	sld [smem:$0x10];
	(tm) =	ssettm $0x1  }
0x97: {  	s17 =	sld [smem:$0x3FFB];
	_ =	sdelay $0x3  }
0x98: {  	_ =	strace s17  }
0x99: {  	s3 =	sld [smem:$0x3FFC];
	_ =	sdelay $0x3  }
0x9a: {  	_ =	strace s3  }
0x9b: {  	s3 =	sld [smem:$0x3FFD];
	_ =	sdelay $0x3  }
0x9c: {  	_ =	strace s3  }
0x9d: {  	_ =	strace $0x8FFFFFFF  }
0x9e: {  	s18 =	sld [smem:$0x3FDB];
	_ =	sdelay $0x1  }
0x9f: {  	s19 =	simm.s32 $_scs_section_size  }
0xa0: {  	s5 =	simm.s32 $_size__tile_overlayer_lowered;
	s6 =	simm.s32 $_tile_overlayer_lowered  }
0xa1: {  	s22 =	simm.s32 $0x1BFF;
	s21 =	sshll.u32 s6, $0x1;
	s3 =	sadd.s32 s19, s18  }
0xa2: {  	s7 =	simm.s32 $0x0;
	s20 =	sshll.u32 s5, $0x1;
	s5 =	sadd.s32 s21, s3  }
0xa3: {  	[timem:s7], [sflag:s22] =	dma.local [hbm:s5], s20  }
0xa4: {  	_ =	swait.ge [sflag:s22], s20  }
0xa5: {  	s4 =	ssub.s32 $0x0, s20;
	[sflag:s22] =	ssyncset.done $0x0  }
0xa6: {  	[sflag:s22] =	ssyncadd.s32 s4;
	_ =	sdelay $0x1  }
0xa7: {  	s23 =	simm.s32 $0x1B8B  }
0xa8: {  	_ =	swait.ge [sflag:s23], $0x1  }
0xa9: {  	[sflag:s23] =	ssyncset.done $0x0  }
0xaa: {  	s25 =	simm.s32 $0x1B8E;
	s24 =	sld [smem:$0x3FFE];
	[sflag:s23] =	ssyncadd.s32 $0xFFFFFFFF  }
0xab: {  	s26 =	simm.s32 $execute0_lowered;
	[smem:$0x3FD2] =	sst s25  }
0xac: {  	s5 =	sshll.u32 s26, $0x1;
	_ =	strace $0x8000004C;
	[dreg:$0x1] =	wrdreg $0xFFFFFFFF  }
0xad: {  	s28 =	simm.s32 $_size_execute0_lowered;
	s3 =	sadd.s32 s3, s5;
	[dreg:$0x0] =	wrdreg $0x0  }
0xae: {  	s5 =	sshll.u32 s28, $0x1;
	[dreg:$0x2] =	wrdreg s3  }
0xaf: {  	[dreg:$0x3] =	wrdreg s5  }
0xb0: {  	[dreg:$0x4] =	wrdreg $0xC0  }
0xb1: {  	_ =	task [dreg:s7], $0x5FFFF  }
0xb2: {  	[dreg:$0x1] =	wrdreg $0xFFFFFFFF  }
0xb3: {  	[dreg:$0x0] =	wrdreg $0x60  }
0xb4: {  	[dreg:$0x2] =	wrdreg s24  }
0xb5: {  	[dreg:$0x3] =	wrdreg s16  }
0xb6: {  	[dreg:$0x4] =	wrdreg $0xB4000  }
0xb7: {  	[dreg:$0x5] =	wrdreg $0x9  }
0xb8: {  	_ =	task.clear_ibuf [dreg:s7], $0x6FFFF;
	_ =	strace $0x9000004C  }
0xb9: {  	s29 =	simm.s32 $0x9;
	_ =	strace $0x8000004E  }
0xba: {  	_ =	swait.ge [sflag:s29], $0x1  }
0xbb: {  	[sflag:s29] =	ssyncadd.s32 $0xFFFFFFFF  }
0xbc: {  	_ =	strace $0x9000004E  }
0xbd: {  	_ =	sfence  }
0xbe: {  	s30 =	sld [smem:$0x0];
	_ =	sdelay $0x2  }
0xbf: {  	s31 =	sshll.u32 s1, $0xD;
	s1 =	sshrl.u32 s1, $0x2  }
0xc0: {  	s3 =	sand.u32 $0x4000, s31;
	s1 =	sadd.s32 s1, s30  }
0xc1: {  	s0 =	sor.u32 s3, s0;
	s1 =	sshll.u32 s1, $0x11  }
0xc2: {  	s0 =	sor.u32 s1, s0  }
0xc3: {  	s0 =	sadd.s32 $0x8F2B, s0  }
0xc4: {  	[sflag:s0] =	ssyncadd.remote.s32 $0x1  }
0xc5: {  	_ =	sfence.sel $0xFFFF  }
0xc6: {  	[dreg:$0x0] =	wrdreg $0xFFFFFFFF;
	(pc) =	sbr.abs _section_cstart, $3  }
0xc7: {  	[dreg:$0x1] =	wrdreg $0xFFFFFFFF  }
0xc8: {  	_ =	task.clear_ibuf [dreg:s7], $0x2FFFF;
	_ =	strace $0x9FFFFFFF  }
0xc9: {  	(tm) =	ssettm $0x7FFFFFFF  }
tec
execute0_lowered:
.L_overlay_start_1:
0x0: {  	(tag) =	ssettag $0x1  }
0x1: {  	s0 =	rddreg [dreg:$0x0]  }
0x2: {  	s2 =	rddreg [dreg:$0x2]  }
0x3: {  	s1 =	srdreg.scid;
	s4 =	simm.s32 $0x0;
	s11 =	stileid.u32  }
0x4: {  	s28 =	simm.s32 $0x180;
	s30 =	simm.s32 $0x28;
	s12 =	simm.s32 $0x9  }
0x5: {  	s13 =	simm.s32 $0xD;
	s29 =	simm.s32 $0x8;
	s7 =	smul.u32 $0x13C00, s11  }
0x6: {  	s1 =	sand.u32 $0x1, s1;
	[smem:$0x7FF] =	sst s4;
	s8 =	smul.u32 $0x4F000, s11  }
0x7: {  	s5 =	sadd.s32 $0x7200, s0;
	s6 =	sadd.s32 $0x55400, s0;
	s10 =	smul.u32 $0x7400, s11  }
0x8: {  	s16 =	sshll.u32 s11, $0x6;
	s11 =	simm.s32 $0x5C00;
	s3 =	smul.u32 $0x13C000, s1  }
0x9: {  	_ =	strace $0x8000004D;
	s9 =	smul.u32 $0x74000, s1;
	s1 =	ssub.s32 $0x2, s1  }
0xa: {  	s20 =	sor.u32 $0x1C11, s16;
	s16 =	simm.s32 $0x1A8;
	s14 =	sshrl.u32 s1, $0x1  }
0xb: {  	s15 =	sshrl.u32 s8, $0x2;
	[dreg:$0x4] =	wrdreg s20;
	s3 =	sadd.s32 s7, s3  }
0xc: {  	s7 =	sadd.s32 $0x72400, s0;
	s1 =	ssub.s32 s1, s14;
	s8 =	sadd.s32 s10, s9  }
0xd: {  	s14 =	simm.s32 $0x4;
	s3 =	sshrl.u32 s3, $0x3;
	s10 =	sshrl.u32 s8, $0x3  }
0xe: {  	s31 =	smax.u32 s1, $0x1;
	s1 =	simm.s32 $0x380;
	s0 =	sadd.s32 s3, s0  }
0xf: {  	s3 =	sadd.s32 s15, s2;
	s17 =	sadd.s32 s6, s10;
	s18 =	sor.u32 $0x10, s10  }
0x10: {  	s19 =	sadd.s32 s7, s10;
	s22 =	sor.u32 $0x20, s10;
	[dreg:$0xe] =	wrdreg s31  }
0x11: {  	s24 =	sor.u32 $0x30, s10;
	s15 =	simm.s32 $0x8800;
	[dreg:$0x5] =	wrdreg s17  }
0x12: {  	[dreg:$0x6] =	wrdreg s19;
	s21 =	sadd.s32 s6, s18;
	s9 =	sadd.s32 s7, s18  }
0x13: {  	s23 =	sadd.s32 s6, s22;
	s25 =	sadd.s32 s7, s22;
	[dreg:$0x7] =	wrdreg s21  }
0x14: {  	s26 =	sadd.s32 s6, s24;
	s0 =	sadd.s32 $0x8F400, s0;
	[dreg:$0x8] =	wrdreg s9  }
0x15: {  	s10 =	sshrl.u32 s3, $0x3;
	s3 =	simm.s32 $0x3000;
	[dreg:$0x9] =	wrdreg s23  }
.Ltmp0:
0x16: {  	s17 =	simm.s32 $0x9C00;
	[dreg:$0xa] =	wrdreg s25;
	(pc) =	sbr.rel .LBB2_1-.Ltmp0, $4  }
0x17: {  	s18 =	simm.s32 $0x5;
	s19 =	simm.s32 $0x6;
	[dreg:$0xb] =	wrdreg s26  }
0x18: {  	s22 =	simm.s32 $0x0;
	s9 =	sadd.s32 s7, s24;
	[dreg:$0xd] =	wrdreg s0  }
0x19: {  	s21 =	simm.s32 $0x11;
	s0 =	simm.s32 $0x30;
	[dreg:$0xf] =	wrdreg s10  }
0x1a: {  	s23 =	simm.s32 $0x58;
	s25 =	simm.s32 $0x7;
	[dreg:$0xc] =	wrdreg s9  }
.LBB2_4:
0x1b: {  	[bflag:$0x0] =	sbarrier.arrive $0xFFFF  }
0x1c: {  	s20 =	rddreg [dreg:$0x4]  }
0x1d: {  	s9 =	rddreg [dreg:$0xd]  }
0x1e: {  	s10 =	rddreg [dreg:$0xf]  }
0x1f: {  	[hbm:s9], [sflag:s20] =	dma.local [spmem:s10], $0x2780  }
0x20: {  	_ =	swait.ge [sflag:s21], $0x2780  }
0x21: {  	s22 =	rddreg [dreg:$0x10]  }
0x22: {  	s31 =	rddreg [dreg:$0xe];
	s22 =	sadd.s32 $0x1, s22  }
0x23: {  	p0 =	sne.s32 s22, s31  }
.Ltmp1:
0x24: {  	_ = 	snop;
	(pc) =	sbr.rel @!p0 .LBB2_5-.Ltmp1, $3  }
0x25: {  	_ =	sdelay $0x1  }
0x26: {  	[sflag:s21] =	ssyncset.done $0x0  }
0x27: {  	[sflag:s21] =	ssyncadd.s32 $0xFFFFD880  }
.LBB2_1:
0x28: {  	[dreg:$0x10] =	wrdreg s22  }
0x29: {  	s9 =	rddreg [dreg:$0x1]  }
0x2a: {  	[spmem:s10], [sflag:s20] =	dma.local [hbm:s9], $0x2780  }
0x2b: {  	_ =	swait.ge [sflag:s21], $0x2780  }
0x2c: {  	[sflag:s21] =	ssyncset.done $0x0  }
0x2d: {  	[sflag:s21] =	ssyncadd.s32 $0xFFFFD880  }
0x2e: {  	[bflag:$0x0] =	sbarrier.arrive $0xFFFF  }
0x2f: {  	s31 =	rddreg [dreg:$0x5]  }
0x30: {  	[tilespmem:s4], [sflag:$0x1] =	stream.linear.gather [hbm4b:s31+s4], $0x80, $0x38;
	[tilespmem:$0x1F000] =	vst v63  }
0x31: {  	s20 =	simm.s32 $0x200;
	s10 =	rddreg [dreg:$0x6]  }
0x32: {  	[tilespmem:s20], [sflag:$0x5] =	stream.linear.gather [hbm4b:s10+s4], $0x80, $0x38;
	[tilespmem:$0x1F000] =	vst v63  }
0x33: {  	s22 =	rddreg [dreg:$0x7];
	s10 =	simm.s32 $0x80  }
0x34: {  	[tilespmem:s10], [sflag:$0x2] =	stream.linear.gather [hbm4b:s22+s4], $0x80, $0x38;
	[tilespmem:$0x1F000] =	vst v63  }
0x35: {  	s26 =	simm.s32 $0x280;
	s24 =	rddreg [dreg:$0x8]  }
0x36: {  	[tilespmem:s26], [sflag:$0x6] =	stream.linear.gather [hbm4b:s24+s4], $0x80, $0x38;
	[tilespmem:$0x1F000] =	vst v63  }
0x37: {  	s31 =	rddreg [dreg:$0x9];
	s20 =	simm.s32 $0x100  }
0x38: {  	[tilespmem:s20], [sflag:$0x3] =	stream.linear.gather [hbm4b:s31+s4], $0x80, $0x38;
	[tilespmem:$0x1F000] =	vst v63  }
0x39: {  	s22 =	rddreg [dreg:$0xa];
	s24 =	simm.s32 $0x300  }
0x3a: {  	[tilespmem:s24], [sflag:$0x7] =	stream.linear.gather [hbm4b:s22+s4], $0x80, $0x38;
	[tilespmem:$0x1F000] =	vst v63  }
0x3b: {  	s26 =	rddreg [dreg:$0xb]  }
0x3c: {  	[tilespmem:s28], [sflag:$0x4] =	stream.linear.gather [hbm4b:s26+s4], $0x80, $0x38;
	[tilespmem:$0x1F000] =	vst v63  }
0x3d: {  	s31 =	rddreg [dreg:$0xc];
	s22 =	simm.s32 $0x1  }
0x3e: {  	[tilespmem:s1], [sflag:$0x8] =	stream.linear.gather [hbm4b:s31+s4], $0x80, $0x38;
	[tilespmem:$0x1F000] =	vst v63  }
0x3f: {  	_ =	swait.ge [sflag:s22], $0x80  }
0x40: {  	[sflag:s22] =	ssyncset.done $0x0  }
0x41: {  	s24 =	simm.s32 $0x400;
	[sflag:s22] =	ssyncadd.s32 $0xFFFFFF80  }
0x42: {  	[tilespmem:s24], [sflag:$0x9] =	stream.indirect.gather [hbm4b:s5+s30], $0x80, s4, s30, $0xb8;
	[tilespmem:$0x1F000] =	vst v63  }
0x43: {  	s26 =	simm.s32 $0x1800;
	s31 =	simm.s32 $0x2  }
0x44: {  	[tilespmem:s26], [sflag:$0xD] =	stream.indirect.gather [hbm4b:s5+s0], $0x80, s30, s0, $0xb8;
	[tilespmem:$0x1F000] =	vst v63  }
0x45: {  	_ =	swait.ge [sflag:s31], $0x80  }
0x46: {  	[sflag:s31] =	ssyncset.done $0x0  }
0x47: {  	[sflag:s31] =	ssyncadd.s32 $0xFFFFFF80  }
0x48: {  	[tilespmem:s3], [sflag:$0xA] =	stream.indirect.gather [hbm4b:s5+s30], $0x80, s10, s30, $0xb8;
	[tilespmem:$0x1F000] =	vst v63  }
0x49: {  	s22 =	simm.s32 $0x4400;
	s24 =	simm.s32 $0x3;
	s10 =	simm.s32 $0xA8  }
0x4a: {  	[tilespmem:s22], [sflag:$0xE] =	stream.indirect.gather [hbm4b:s5+s0], $0x80, s10, s0, $0xb8;
	[tilespmem:$0x1F000] =	vst v63  }
0x4b: {  	_ =	swait.ge [sflag:s24], $0x80  }
0x4c: {  	[sflag:s24] =	ssyncset.done $0x0  }
0x4d: {  	[sflag:s24] =	ssyncadd.s32 $0xFFFFFF80  }
0x4e: {  	[tilespmem:s11], [sflag:$0xB] =	stream.indirect.gather [hbm4b:s5+s30], $0x80, s20, s30, $0xb8;
	[tilespmem:$0x1F000] =	vst v63  }
0x4f: {  	s9 =	simm.s32 $0x380;
	s26 =	simm.s32 $0x128;
	s31 =	simm.s32 $0x7000  }
0x50: {  	[tilespmem:s31], [sflag:$0xF] =	stream.indirect.gather [hbm4b:s5+s0], $0x80, s26, s0, $0xb8;
	[tilespmem:$0x1F000] =	vst v63  }
.LBB2_2:
0x51: {  	_ =	swait.ge [sflag:s12], $0x1400  }
0x52: {  	[sflag:s12] =	ssyncset.done $0x0  }
0x53: {  	[sflag:s12] =	ssyncadd.s32 $0xFFFFEC00  }
0x54: {  	_ =	swait.ge [sflag:s13], $0x1800  }
0x55: {  	[sflag:s13] =	ssyncset.done $0x0  }
0x56: {  	[sflag:s13] =	ssyncadd.s32 $0xFFFFE800  }
0x57: {  	_ =	swait.ge [sflag:s14], $0x80  }
0x58: {  	[sflag:s14] =	ssyncset.done $0x0  }
0x59: {  	[sflag:s14] =	ssyncadd.s32 $0xFFFFFF80  }
0x5a: {  	[tilespmem:s15], [sflag:$0xC] =	stream.indirect.gather [hbm4b:s5+s30], $0x80, s28, s30, $0xb8;
	[tilespmem:$0x1F000] =	vst v63  }
0x5b: {  	_ = 	snop  }
0x5c: {  	[tilespmem:s17], [sflag:$0x10] =	stream.indirect.gather [hbm4b:s5+s0], $0x80, s16, s0, $0xb8;
	[tilespmem:$0x1F000] =	vst v63  }
0x5d: {  	_ =	swait.ge [sflag:s18], $0x80  }
0x5e: {  	[sflag:s18] =	ssyncset.done $0x0  }
0x5f: {  	s10 =	simm.s32 $0x200;
	s20 =	simm.s32 $0x400;
	[sflag:s18] =	ssyncadd.s32 $0xFFFFFF80  }
0x60: {  	[spmem:s2] =	stream.indirect.scatter.add.f32 [tilespmem:s20], [sflag:$0x11], $0x80, s10, s23, $0xb8;
	[tilespmem:$0x1F000] =	vst v63  }
0x61: {  	_ =	swait.ge [sflag:s21], $0x2C00  }
0x62: {  	p0 =	seq.s32 s9, $0x7380;
	[sflag:s21] =	ssyncset.done $0x0  }
0x63: {  	s10 =	simm.s32 @p0 $0xA;
	[sflag:s21] =	ssyncadd.s32 $0xFFFFD400  }
0x64: {  	_ =	swait.ge @p0 [sflag:s10], $0x1400  }
0x65: {  	s20 =	sadd.s32 @!p0 $0xFFFFFE80, s9;
	[sflag:s10] =	ssyncset.done @p0 $0x0  }
0x66: {  	[sflag:s10] =	ssyncadd.s32 @p0 $0xFFFFEC00;
	s10 =	sand.u32 @!p0 $0xFC00, s20  }
0x67: {  	s22 =	simm.s32 @p0 $0xE;
	s20 =	sand.u32 @!p0 $0x200, s20;
	s10 =	sadd.s32 @!p0 s8, s10  }
0x68: {  	_ =	swait.ge @p0 [sflag:s22], $0x1800;
	s10 =	sor.u32 @!p0 s20, s10  }
0x69: {  	[sflag:s22] =	ssyncset.done @p0 $0x0;
	s10 =	sshrl.u32 @!p0 s10, $0x3  }
0x6a: {  	s20 =	simm.s32 @!p0 $0x0;
	[sflag:s22] =	ssyncadd.s32 @p0 $0xFFFFE800;
	s22 =	sadd.s32 @!p0 s6, s10  }
0x6b: {  	[tilespmem:s20], [sflag:$0x1] =	stream.linear.gather @!p0 [hbm4b:s22+s20], $0x80, $0x38;
	[tilespmem:$0x1F000] =	vst v63  }
0x6c: {  	s10 =	sadd.s32 @!p0 s7, s10;
	s22 =	simm.s32 @!p0 $0x200  }
0x6d: {  	[tilespmem:s22], [sflag:$0x5] =	stream.linear.gather @!p0 [hbm4b:s10+s20], $0x80, $0x38;
	[tilespmem:$0x1F000] =	vst v63  }
0x6e: {  	s10 =	simm.s32 @!p0 $0xA  }
0x6f: {  	_ =	swait.ge @!p0 [sflag:s10], $0x1400  }
0x70: {  	[sflag:s10] =	ssyncset.done @!p0 $0x0  }
0x71: {  	[sflag:s10] =	ssyncadd.s32 @!p0 $0xFFFFEC00;
	s10 =	simm.s32 @!p0 $0xE  }
0x72: {  	_ =	swait.ge @!p0 [sflag:s10], $0x1800  }
0x73: {  	[sflag:s10] =	ssyncset.done @!p0 $0x0  }
0x74: {  	[sflag:s10] =	ssyncadd.s32 @!p0 $0xFFFFE800;
	s10 =	simm.s32 @!p0 $0x1  }
0x75: {  	_ =	swait.ge @!p0 [sflag:s10], $0x80  }
0x76: {  	[sflag:s10] =	ssyncset.done @!p0 $0x0  }
0x77: {  	s22 =	simm.s32 @!p0 $0x400;
	[sflag:s10] =	ssyncadd.s32 @!p0 $0xFFFFFF80;
	s10 =	simm.s32 @!p0 $0x28  }
0x78: {  	[tilespmem:s22], [sflag:$0x9] =	stream.indirect.gather @!p0 [hbm4b:s5+s10], $0x80, s20, s10, $0xb8;
	[tilespmem:$0x1F000] =	vst v63  }
0x79: {  	s24 =	simm.s32 @!p0 $0x1800;
	s22 =	simm.s32 @!p0 $0x30  }
0x7a: {  	[tilespmem:s24], [sflag:$0xD] =	stream.indirect.gather @!p0 [hbm4b:s5+s22], $0x80, s10, s22, $0xb8;
	[tilespmem:$0x1F000] =	vst v63  }
0x7b: {  	_ =	swait.ge [sflag:s19], $0x80  }
0x7c: {  	[sflag:s19] =	ssyncset.done $0x0  }
0x7d: {  	s26 =	simm.s32 $0x280;
	[sflag:s19] =	ssyncadd.s32 $0xFFFFFF80  }
0x7e: {  	[spmem:s2] =	stream.indirect.scatter.add.f32 [tilespmem:s3], [sflag:$0x11], $0x80, s26, s23, $0xb8;
	[tilespmem:$0x1F000] =	vst v63  }
0x7f: {  	_ =	swait.ge [sflag:s21], $0x2C00  }
0x80: {  	[sflag:s21] =	ssyncset.done $0x0  }
0x81: {  	s24 =	simm.s32 @p0 $0xB;
	[sflag:s21] =	ssyncadd.s32 $0xFFFFD400  }
0x82: {  	_ =	swait.ge @p0 [sflag:s24], $0x1400  }
0x83: {  	s26 =	sadd.s32 @!p0 $0xFFFFFF00, s9;
	[sflag:s24] =	ssyncset.done @p0 $0x0  }
0x84: {  	[sflag:s24] =	ssyncadd.s32 @p0 $0xFFFFEC00;
	s24 =	sand.u32 @!p0 $0xFC00, s26  }
0x85: {  	s31 =	simm.s32 @p0 $0xF;
	s26 =	sand.u32 @!p0 $0x280, s26;
	s24 =	sadd.s32 @!p0 s8, s24  }
0x86: {  	_ =	swait.ge @p0 [sflag:s31], $0x1800;
	s24 =	sor.u32 @!p0 s26, s24  }
0x87: {  	[sflag:s31] =	ssyncset.done @p0 $0x0;
	s24 =	sshrl.u32 @!p0 s24, $0x3  }
0x88: {  	[sflag:s31] =	ssyncadd.s32 @p0 $0xFFFFE800;
	s31 =	simm.s32 @!p0 $0x80;
	s26 =	sadd.s32 @!p0 s6, s24  }
0x89: {  	[tilespmem:s31], [sflag:$0x2] =	stream.linear.gather @!p0 [hbm4b:s26+s20], $0x80, $0x38;
	[tilespmem:$0x1F000] =	vst v63  }
0x8a: {  	s24 =	sadd.s32 @!p0 s7, s24;
	s26 =	simm.s32 @!p0 $0x280  }
0x8b: {  	[tilespmem:s26], [sflag:$0x6] =	stream.linear.gather @!p0 [hbm4b:s24+s20], $0x80, $0x38;
	[tilespmem:$0x1F000] =	vst v63  }
0x8c: {  	s24 =	simm.s32 @!p0 $0xB  }
0x8d: {  	_ =	swait.ge @!p0 [sflag:s24], $0x1400  }
0x8e: {  	[sflag:s24] =	ssyncset.done @!p0 $0x0  }
0x8f: {  	[sflag:s24] =	ssyncadd.s32 @!p0 $0xFFFFEC00;
	s24 =	simm.s32 @!p0 $0xF  }
0x90: {  	_ =	swait.ge @!p0 [sflag:s24], $0x1800  }
0x91: {  	[sflag:s24] =	ssyncset.done @!p0 $0x0  }
0x92: {  	[sflag:s24] =	ssyncadd.s32 @!p0 $0xFFFFE800;
	s24 =	simm.s32 @!p0 $0x2  }
0x93: {  	_ =	swait.ge @!p0 [sflag:s24], $0x80  }
0x94: {  	[sflag:s24] =	ssyncset.done @!p0 $0x0  }
0x95: {  	[sflag:s24] =	ssyncadd.s32 @!p0 $0xFFFFFF80;
	s24 =	simm.s32 @!p0 $0x3000  }
0x96: {  	[tilespmem:s24], [sflag:$0xA] =	stream.indirect.gather @!p0 [hbm4b:s5+s10], $0x80, s31, s10, $0xb8;
	[tilespmem:$0x1F000] =	vst v63  }
0x97: {  	s26 =	simm.s32 @!p0 $0x4400;
	s24 =	simm.s32 @!p0 $0xA8  }
0x98: {  	[tilespmem:s26], [sflag:$0xE] =	stream.indirect.gather @!p0 [hbm4b:s5+s22], $0x80, s24, s22, $0xb8;
	[tilespmem:$0x1F000] =	vst v63  }
0x99: {  	_ =	swait.ge [sflag:s25], $0x80  }
0x9a: {  	[sflag:s25] =	ssyncset.done $0x0  }
0x9b: {  	s31 =	simm.s32 $0x300;
	[sflag:s25] =	ssyncadd.s32 $0xFFFFFF80  }
0x9c: {  	[spmem:s2] =	stream.indirect.scatter.add.f32 [tilespmem:s11], [sflag:$0x11], $0x80, s31, s23, $0xb8;
	[tilespmem:$0x1F000] =	vst v63  }
0x9d: {  	_ =	swait.ge [sflag:s21], $0x2C00  }
0x9e: {  	[sflag:s21] =	ssyncset.done $0x0  }
0x9f: {  	s24 =	simm.s32 @p0 $0xC;
	[sflag:s21] =	ssyncadd.s32 $0xFFFFD400  }
0xa0: {  	_ =	swait.ge @p0 [sflag:s24], $0x1400  }
0xa1: {  	s26 =	sadd.s32 @!p0 $0xFFFFFF80, s9;
	[sflag:s24] =	ssyncset.done @p0 $0x0  }
0xa2: {  	[sflag:s24] =	ssyncadd.s32 @p0 $0xFFFFEC00;
	s24 =	sand.u32 @!p0 $0xFC00, s26  }
0xa3: {  	s31 =	simm.s32 @p0 $0x10;
	s26 =	sand.u32 @!p0 $0x300, s26;
	s24 =	sadd.s32 @!p0 s8, s24  }
0xa4: {  	_ =	swait.ge @p0 [sflag:s31], $0x1800;
	s24 =	sor.u32 @!p0 s26, s24  }
0xa5: {  	[sflag:s31] =	ssyncset.done @p0 $0x0;
	s24 =	sshrl.u32 @!p0 s24, $0x3  }
0xa6: {  	[sflag:s31] =	ssyncadd.s32 @p0 $0xFFFFE800;
	s31 =	simm.s32 @!p0 $0x100;
	s26 =	sadd.s32 @!p0 s6, s24  }
0xa7: {  	[tilespmem:s31], [sflag:$0x3] =	stream.linear.gather @!p0 [hbm4b:s26+s20], $0x80, $0x38;
	[tilespmem:$0x1F000] =	vst v63  }
0xa8: {  	s24 =	sadd.s32 @!p0 s7, s24;
	s26 =	simm.s32 @!p0 $0x300  }
0xa9: {  	[tilespmem:s26], [sflag:$0x7] =	stream.linear.gather @!p0 [hbm4b:s24+s20], $0x80, $0x38;
	[tilespmem:$0x1F000] =	vst v63  }
0xaa: {  	s20 =	simm.s32 @!p0 $0xC  }
0xab: {  	_ =	swait.ge @!p0 [sflag:s20], $0x1400  }
0xac: {  	[sflag:s20] =	ssyncset.done @!p0 $0x0  }
0xad: {  	[sflag:s20] =	ssyncadd.s32 @!p0 $0xFFFFEC00;
	s20 =	simm.s32 @!p0 $0x10  }
0xae: {  	_ =	swait.ge @!p0 [sflag:s20], $0x1800  }
0xaf: {  	[sflag:s20] =	ssyncset.done @!p0 $0x0  }
0xb0: {  	[sflag:s20] =	ssyncadd.s32 @!p0 $0xFFFFE800;
	s20 =	simm.s32 @!p0 $0x3  }
0xb1: {  	_ =	swait.ge @!p0 [sflag:s20], $0x80  }
0xb2: {  	[sflag:s20] =	ssyncset.done @!p0 $0x0  }
0xb3: {  	[sflag:s20] =	ssyncadd.s32 @!p0 $0xFFFFFF80;
	s20 =	simm.s32 @!p0 $0x5C00  }
0xb4: {  	[tilespmem:s20], [sflag:$0xB] =	stream.indirect.gather @!p0 [hbm4b:s5+s10], $0x80, s31, s10, $0xb8;
	[tilespmem:$0x1F000] =	vst v63  }
0xb5: {  	s10 =	simm.s32 @!p0 $0x128;
	s20 =	simm.s32 @!p0 $0x7000  }
0xb6: {  	[tilespmem:s20], [sflag:$0xF] =	stream.indirect.gather @!p0 [hbm4b:s5+s22], $0x80, s10, s22, $0xb8;
	[tilespmem:$0x1F000] =	vst v63  }
0xb7: {  	_ =	swait.ge [sflag:s29], $0x80  }
0xb8: {  	[sflag:s29] =	ssyncset.done $0x0  }
.Ltmp2:
0xb9: {  	[sflag:s29] =	ssyncadd.s32 $0xFFFFFF80;
	(pc) =	sbr.rel @p0 .LBB2_4-.Ltmp2, $4  }
0xba: {  	[spmem:s2] =	stream.indirect.scatter.add.f32 [tilespmem:s15], [sflag:$0x11], $0x80, s1, s23, $0xb8;
	[tilespmem:$0x1F000] =	vst v63  }
0xbb: {  	_ =	swait.ge [sflag:s21], $0x2C00  }
0xbc: {  	[sflag:s21] =	ssyncset.done $0x0  }
0xbd: {  	[sflag:s21] =	ssyncadd.s32 $0xFFFFD400  }
0xbe: {  	s10 =	sand.u32 $0xFC00, s9  }
0xbf: {  	s20 =	sand.u32 $0x380, s9;
	s10 =	sadd.s32 s8, s10  }
0xc0: {  	s10 =	sor.u32 s20, s10  }
.Ltmp3:
0xc1: {  	s10 =	sshrl.u32 s10, $0x3;
	(pc) =	sbr.rel .LBB2_2-.Ltmp3, $4  }
0xc2: {  	s31 =	sadd.s32 s6, s10  }
0xc3: {  	[tilespmem:s28], [sflag:$0x4] =	stream.linear.gather [hbm4b:s31+s4], $0x80, $0x38;
	[tilespmem:$0x1F000] =	vst v63  }
0xc4: {  	s9 =	sadd.s32 $0x200, s9;
	s10 =	sadd.s32 s7, s10  }
0xc5: {  	[tilespmem:s1], [sflag:$0x8] =	stream.linear.gather [hbm4b:s10+s4], $0x80, $0x38;
	[tilespmem:$0x1F000] =	vst v63  }
.LBB2_5:
0xc6: {  	_ =	sfence.sel $0x180000  }
0xc7: {  	[bflag:$0x0] =	sbarrier.arrive $0xFFFF  }
0xc8: {  	_ =	strace $0x9000004D  }
0xc9: {  	s0 =	stileid.u32;
	[bflag:$0x2] =	sbarrier.arrive $0xFFFF  }
0xca: {  	p0 =	sne.s32 s0, $0x0;
	s0 =	rddreg [dreg:$0x3]  }
0xcb: {  	s0 =	sadd.s32 @!p0 $0x100000, s0  }
0xcc: {  	[sflag:s0] =	ssyncadd.tile.s32 @!p0 $0x1;
	_ =	shalt  }
.Lfunc_end2:
_tile_overlayer_lowered:
.L_overlay_start_2:
0xcd: {  	(tag) =	ssettag $0x2  }
0xce: {  	s0 =	rddreg [dreg:$0x0];
	s2 =	stileid.u32  }
0xcf: {  	s1 =	rddreg [dreg:$0x1];
	p0 =	sne.s32 s2, $0x0  }
0xd0: {  	s3 =	rddreg [dreg:$0x2];
	[bflag:$0x3] =	sbarrier.arrive $0xFFFF;
	s2 =	simm.s32 @!p0 $0x1C11  }
0xd1: {  	[timem:s3], [sflag:s2] =	dma.local @!p0 [hbm:s0], s1  }
0xd2: {  	s0 =	simm.s32 @!p0 $0x11  }
0xd3: {  	_ =	swait.ge @!p0 [sflag:s0], s1  }
0xd4: {  	s1 =	ssub.s32 @!p0 $0x0, s1;
	[sflag:s0] =	ssyncset.done @!p0 $0x0  }
0xd5: {  	[sflag:s0] =	ssyncadd.s32 @!p0 s1  }
0xd6: {  	[bflag:$0x3] =	sbarrier.arrive $0xFFFF  }
0xd7: {  	_ =	shalt  }

</sc_bundles>
